<compile_context>
chip_gen: v7x
topology: tpu7x:2x2x1
jax: 0.10.2.dev20260603
libtpu: 0.0.44.dev20260713+nightly
codegen_flags: <defaults>
</compile_context>

<pallas_src>
import jax
import jax.numpy as jnp
from jax import lax
from jax.experimental import pallas as pl
from jax.experimental.pallas import tpu as pltpu
from jax.experimental.pallas import tpu_sc as plsc

N = 10000
E = 160000
D_IN = 256
D_EDGE = 16
D_OUT = 256
DH = D_OUT // 2

NS = 16
CHUNK = 80
NSLOT = 4
NCHUNK = E // CHUNK
CPT = NCHUNK // NS
NLEFT = NCHUNK - CPT * NS
NITER = CPT // NSLOT
TPT = CPT - NITER * NSLOT
RCH = CHUNK
NRFULL = N // RCH
RTAIL = N - NRFULL * RCH



def _node_body(x_ref, w_ref, r_ref, b_ref, p0_ref, p1_ref, base_ref):
    x = x_ref[...]
    pot = jnp.dot(x, w_ref[...], preferred_element_type=jnp.float32)
    p0_ref[...] = pot[:, :DH]
    p1_ref[...] = pot[:, DH:]
    base_ref[...] = (
        jnp.dot(x, r_ref[...], preferred_element_type=jnp.float32) + b_ref[...]
    )


def _node_transform(node_mat, node_weight, root, bias2d):
    bm = 2000
    grid = (N // bm,)
    return pl.pallas_call(
        _node_body,
        grid=grid,
        in_specs=[
            pl.BlockSpec((bm, D_IN), lambda i: (i, 0)),
            pl.BlockSpec((D_IN, D_OUT), lambda i: (0, 0)),
            pl.BlockSpec((D_IN, D_OUT), lambda i: (0, 0)),
            pl.BlockSpec((1, D_OUT), lambda i: (0, 0)),
        ],
        out_specs=[
            pl.BlockSpec((bm, DH), lambda i: (i, 0)),
            pl.BlockSpec((bm, DH), lambda i: (i, 0)),
            pl.BlockSpec((bm, D_OUT), lambda i: (i, 0)),
        ],
        out_shape=[
            jax.ShapeDtypeStruct((N, DH), jnp.float32),
            jax.ShapeDtypeStruct((N, DH), jnp.float32),
            jax.ShapeDtypeStruct((N, D_OUT), jnp.float32),
        ],
    )(node_mat, node_weight, root, bias2d)


def _edge_body(et_ref, w_ref, o_ref):
    o_ref[...] = jnp.maximum(
        lax.dot_general(
            et_ref[...], w_ref[...], (((0,), (0,)), ((), ())),
            preferred_element_type=jnp.float32,
        ),
        0.0,
    )


def _edge_mlp(edge_mat_t, edge_lay_1):
    bm = 3200
    grid = (E // bm,)
    return pl.pallas_call(
        _edge_body,
        grid=grid,
        in_specs=[
            pl.BlockSpec((D_EDGE, bm), lambda i: (0, i)),
            pl.BlockSpec((D_EDGE, D_OUT), lambda i: (0, 0)),
        ],
        out_specs=pl.BlockSpec((bm, D_OUT), lambda i: (i, 0)),
        out_shape=jax.ShapeDtypeStruct((E, D_OUT), jnp.float32),
    )(edge_mat_t, edge_lay_1)



NRITER = (NRFULL + NS - 1) // NS
NRFR = NRFULL // NS
assert NRITER >= 2 and NRITER - 1 >= NRFR >= NRITER - 2


def _accum_init(c, s, src, accum, stages, sl, st):
    def load(i, b):
        pltpu.async_copy(
            src.at[pl.ds((i * NS + s) * RCH, RCH), pl.ds(c * DH, DH)],
            stages[b], sl[b])

    def wait_load(i, b):
        pltpu.make_async_copy(
            src.at[pl.ds((i * NS + s) * RCH, RCH), pl.ds(c * DH, DH)],
            stages[b], sl[b]).wait()

    def store(i, b):
        pltpu.async_copy(
            stages[b], accum.at[pl.ds((i * NS + s) * RCH, RCH)], st[b])

    def wait_store(i, b):
        pltpu.make_async_copy(
            stages[b], accum.at[pl.ds((i * NS + s) * RCH, RCH)], st[b]).wait()

    for i in range(NRITER):
        b = i % 2
        if i >= 2:
            wait_store(i - 2, b)
        if i < NRFR:
            load(i, b)
        else:
            @pl.when(i * NS + s < NRFULL)
            def _(i=i, b=b):
                load(i, b)
        if i >= 1:
            wait_load(i - 1, 1 - b)
            store(i - 1, 1 - b)
    last, bl = NRITER - 1, (NRITER - 1) % 2
    if last < NRFR:
        wait_load(last, bl)
        store(last, bl)
        wait_store(last, bl)
    else:
        @pl.when(last * NS + s < NRFULL)
        def _():
            wait_load(last, bl)
            store(last, bl)
            wait_store(last, bl)
    wait_store(last - 1, 1 - bl)


def _accum_writeout(c, s, accum, dst, stages, sl, st):
    def load(i, b):
        pltpu.async_copy(
            accum.at[pl.ds((i * NS + s) * RCH, RCH)], stages[b], sl[b])

    def wait_load(i, b):
        pltpu.make_async_copy(
            accum.at[pl.ds((i * NS + s) * RCH, RCH)], stages[b], sl[b]).wait()

    def store(i, b):
        pltpu.async_copy(
            stages[b], dst.at[pl.ds((i * NS + s) * RCH, RCH), pl.ds(c * DH, DH)],
            st[b])

    def wait_store(i, b):
        pltpu.make_async_copy(
            stages[b], dst.at[pl.ds((i * NS + s) * RCH, RCH), pl.ds(c * DH, DH)],
            st[b]).wait()

    for i in range(NRITER):
        b = i % 2
        if i >= 2:
            wait_store(i - 2, b)
        if i < NRFR:
            load(i, b)
        else:
            @pl.when(i * NS + s < NRFULL)
            def _(i=i, b=b):
                load(i, b)
        if i >= 1:
            wait_load(i - 1, 1 - b)
            store(i - 1, 1 - b)
    last, bl = NRITER - 1, (NRITER - 1) % 2
    if last < NRFR:
        wait_load(last, bl)
        store(last, bl)
        wait_store(last, bl)
    else:
        @pl.when(last * NS + s < NRFULL)
        def _():
            wait_load(last, bl)
            store(last, bl)
            wait_store(last, bl)
    wait_store(last - 1, 1 - bl)


def _sc_pot_body(pot0, pot1, base, row_hbm, col_hbm, out,
                 ib, gbuf, accum,
                 si0, si1, si2, si3, sg0, sg1, sg2, sg3,
                 ss0, ss1, ss2, ss3):
    c = lax.axis_index("c")
    s = lax.axis_index("s")
    si = (si0, si1, si2, si3)
    sg = (sg0, sg1, sg2, sg3)
    ss = (ss0, ss1, ss2, ss3)

    _accum_init(c, s, base, accum, (gbuf.at[0], gbuf.at[1]),
                (si[0], si[1]), (ss[0], ss[1]))
    plsc.subcore_barrier()

    def edge_it(t, carry):
        e0s = [((t * NSLOT + u) * NS + s) * CHUNK for u in range(NSLOT)]
        for u in range(NSLOT):
            @pl.when(t > 0)
            def _(u=u):
                pltpu.make_async_copy(
                    gbuf.at[u], accum.at[ib.at[u, 0]], ss[u]).wait()

            pltpu.async_copy(row_hbm.at[pl.ds(e0s[u], CHUNK)], ib.at[u, 0], si[u])
            pltpu.async_copy(col_hbm.at[pl.ds(e0s[u], CHUNK)], ib.at[u, 1], si[u])
        for u in range(NSLOT):
            pltpu.make_async_copy(
                row_hbm.at[pl.ds(e0s[u], CHUNK)], ib.at[u, 0], si[u]).wait()
            pltpu.make_async_copy(
                col_hbm.at[pl.ds(e0s[u], CHUNK)], ib.at[u, 1], si[u]).wait()

            @pl.when(c == 0)
            def _(u=u):
                pltpu.async_copy(pot0.at[ib.at[u, 1]], gbuf.at[u], sg[u])

            @pl.when(c == 1)
            def _(u=u):
                pltpu.async_copy(pot1.at[ib.at[u, 1]], gbuf.at[u], sg[u])

        for u in range(NSLOT):
            pltpu.make_async_copy(pot0.at[ib.at[u, 1]], gbuf.at[u], sg[u]).wait()
            pltpu.async_copy(gbuf.at[u], accum.at[ib.at[u, 0]], ss[u], add=True)
        return carry

    lax.fori_loop(0, NITER, edge_it, 0)
    for u in range(NSLOT):
        pltpu.make_async_copy(gbuf.at[u], accum.at[ib.at[u, 0]], ss[u]).wait()

    def _pot_one(e0):
        pltpu.sync_copy(row_hbm.at[pl.ds(e0, CHUNK)], ib.at[0, 0])
        pltpu.sync_copy(col_hbm.at[pl.ds(e0, CHUNK)], ib.at[0, 1])

        @pl.when(c == 0)
        def _():
            pltpu.async_copy(pot0.at[ib.at[0, 1]], gbuf.at[0], si[0]).wait()

        @pl.when(c == 1)
        def _():
            pltpu.async_copy(pot1.at[ib.at[0, 1]], gbuf.at[0], si[0]).wait()

        pltpu.sync_copy(gbuf.at[0], accum.at[ib.at[0, 0]], add=True)

    for w in range(TPT):
        _pot_one(((NITER * NSLOT + w) * NS + s) * CHUNK)
    if NLEFT:
        @pl.when(s < NLEFT)
        def _():
            _pot_one((CPT * NS + s) * CHUNK)

    plsc.subcore_barrier()
    _accum_writeout(c, s, accum, out, (gbuf.at[0], gbuf.at[1]),
                    (si[0], si[1]), (ss[0], ss[1]))


def _sc_emlp_body(partial, emlp, col_hbm, out,
                  idxc, ebuf, accum,
                  si0, si1, si2, si3, se0, se1, se2, se3,
                  ss0, ss1, ss2, ss3):
    c = lax.axis_index("c")
    s = lax.axis_index("s")
    si = (si0, si1, si2, si3)
    se = (se0, se1, se2, se3)
    ss = (ss0, ss1, ss2, ss3)

    _accum_init(c, s, partial, accum, (ebuf.at[0], ebuf.at[1]),
                (si[0], si[1]), (ss[0], ss[1]))
    plsc.subcore_barrier()

    def edge_it(t, carry):
        e0s = [((t * NSLOT + u) * NS + s) * CHUNK for u in range(NSLOT)]
        for u in range(NSLOT):
            @pl.when(t > 0)
            def _(u=u):
                pltpu.make_async_copy(
                    ebuf.at[u], accum.at[idxc.at[u]], ss[u]).wait()

            pltpu.async_copy(col_hbm.at[pl.ds(e0s[u], CHUNK)], idxc.at[u], si[u])
            pltpu.async_copy(
                emlp.at[pl.ds(e0s[u], CHUNK), pl.ds(c * DH, DH)], ebuf.at[u],
                se[u])
        for u in range(NSLOT):
            pltpu.make_async_copy(
                col_hbm.at[pl.ds(e0s[u], CHUNK)], idxc.at[u], si[u]).wait()
            pltpu.make_async_copy(
                emlp.at[pl.ds(e0s[u], CHUNK), pl.ds(c * DH, DH)], ebuf.at[u],
                se[u]).wait()
            pltpu.async_copy(ebuf.at[u], accum.at[idxc.at[u]], ss[u], add=True)
        return carry

    lax.fori_loop(0, NITER, edge_it, 0)
    for u in range(NSLOT):
        pltpu.make_async_copy(ebuf.at[u], accum.at[idxc.at[u]], ss[u]).wait()

    def _emlp_one(e0):
        pltpu.sync_copy(col_hbm.at[pl.ds(e0, CHUNK)], idxc.at[0])
        pltpu.sync_copy(emlp.at[pl.ds(e0, CHUNK), pl.ds(c * DH, DH)], ebuf.at[0])
        pltpu.sync_copy(ebuf.at[0], accum.at[idxc.at[0]], add=True)

    for w in range(TPT):
        _emlp_one(((NITER * NSLOT + w) * NS + s) * CHUNK)
    if NLEFT:
        @pl.when(s < NLEFT)
        def _():
            _emlp_one((CPT * NS + s) * CHUNK)

    plsc.subcore_barrier()
    _accum_writeout(c, s, accum, out, (ebuf.at[0], ebuf.at[1]),
                    (si[0], si[1]), (ss[0], ss[1]))


def _sc_pot_scatter(pot0, pot1, base, row, col):
    mesh = plsc.VectorSubcoreMesh(core_axis_name="c", subcore_axis_name="s")
    k = pl.kernel(
        _sc_pot_body,
        mesh=mesh,
        out_type=jax.ShapeDtypeStruct((N, D_OUT), jnp.float32),
        scratch_types=[
            pltpu.VMEM((NSLOT, 2, CHUNK), jnp.int32),
            pltpu.VMEM((NSLOT, CHUNK, DH), jnp.float32),
            pltpu.VMEM_SHARED((N, DH), jnp.float32),
        ] + [pltpu.SemaphoreType.DMA] * 12,
    )
    return k(pot0, pot1, base, row, col)


def _sc_emlp_scatter(partial, emlp, col):
    mesh = plsc.VectorSubcoreMesh(core_axis_name="c", subcore_axis_name="s")
    k = pl.kernel(
        _sc_emlp_body,
        mesh=mesh,
        out_type=jax.ShapeDtypeStruct((N, D_OUT), jnp.float32),
        scratch_types=[
            pltpu.VMEM((NSLOT, CHUNK), jnp.int32),
            pltpu.VMEM((NSLOT, CHUNK, DH), jnp.float32),
            pltpu.VMEM_SHARED((N, DH), jnp.float32),
        ] + [pltpu.SemaphoreType.DMA] * 12,
    )
    return k(partial, emlp, col)



@jax.jit
def kernel(node_mat, edge_mat, e_list, node_weight, edge_lay_1, root, bias):
    pot0, pot1, base = _node_transform(
        node_mat, node_weight, root, bias.reshape(1, D_OUT)
    )
    emlp = _edge_mlp(edge_mat.T, edge_lay_1)
    row = e_list[0]
    col = e_list[1]
    partial = _sc_pot_scatter(pot0, pot1, base, row, col)
    return _sc_emlp_scatter(partial, emlp, col)

# --- scband reference (transcript-rebuilt; emitter-appended) ---
"""Pipeline reference for scband-elist-nnconv-89275190215167 (READ-ONLY COPY).

The authoritative reference and input builder live on the scoring server;
editing this copy changes nothing except your own understanding.
"""

import jax, jax.numpy as jnp
import numpy as np
import math

N = 10000
E = 160000
D_IN = 256
D_EDGE = 16
D_OUT = 256


def setup_inputs(seed: int = 0) -> dict:
    key = jax.random.key(seed)
    ks = jax.random.split(key, 8)
    node_mat = jax.random.normal(ks[0], (N, D_IN), dtype=jnp.float32)
    edge_mat = jax.random.normal(ks[1], (E, D_EDGE), dtype=jnp.float32)
    e_list = jax.random.randint(ks[2], (2, E), 0, N, dtype=jnp.int32)
    node_stdv = 1.0 / math.sqrt(D_OUT)
    e1_stdv = 1.0 / math.sqrt(D_OUT)
    node_weight = jax.random.uniform(ks[3], (D_IN, D_OUT), minval=-node_stdv, maxval=node_stdv, dtype=jnp.float32)
    edge_lay_1 = jax.random.uniform(ks[4], (D_EDGE, D_OUT), minval=-e1_stdv, maxval=e1_stdv, dtype=jnp.float32)
    root = jax.random.uniform(ks[5], (D_IN, D_OUT), minval=-node_stdv, maxval=node_stdv, dtype=jnp.float32)
    bias = jax.random.uniform(ks[6], (D_OUT,), minval=-node_stdv, maxval=node_stdv, dtype=jnp.float32)
    return {"node_mat": node_mat, "edge_mat": edge_mat, "e_list": e_list,
            "node_weight": node_weight, "edge_lay_1": edge_lay_1, "root": root, "bias": bias}


def reference(node_mat, edge_mat, e_list, node_weight, edge_lay_1, root, bias):
    n_nodes = node_mat.shape[0]
    # potential messages for every node
    potential_node_msgs = node_mat @ node_weight
    # spmm(e_list, ones, N, potential): out[row] += potential[col]
    # i.e. gather by e_list[1] (col), scatter-add by e_list[0] (row)
    gathered = jnp.take(potential_node_msgs, e_list[1], axis=0)
    sum_filter_node_msgs = jax.ops.segment_sum(gathered, e_list[0], num_segments=n_nodes)
    # edge MLP layer 1 with ReLU (clamp min=0)
    e_mlp_lay_1_out = jnp.maximum(edge_mat @ edge_lay_1, 0.0)
    # spmm(stack([e_list[1], arange(E)]), ones, N, e_mlp_out): out[e_list[1][k]] += e_mlp_out[k]
    e_compress = jax.ops.segment_sum(e_mlp_lay_1_out, e_list[1], num_segments=n_nodes)
    root_info = node_mat @ root
    output = sum_filter_node_msgs + e_compress + root_info
    output = output + bias
    return output

if __name__ == "__main__":
    import jax
    _d = setup_inputs()
    print(jax.jit(kernel)(*tuple(_d.values())))

</pallas_src>

<mosaic_0001>
#map = affine_map<(d0, d1) -> (0, 0)>
#map1 = affine_map<(d0, d1) -> (0)>
module attributes {stable_mosaic.version = 14 : i64} {
  func.func @_sc_emlp_body(%arg0: i32, %arg1: i32, %arg2: memref<10000x256xf32, #tpu.memory_space<hbm>>, %arg3: memref<160000x256xf32, #tpu.memory_space<hbm>>, %arg4: memref<160000xi32, #tpu.memory_space<hbm>>, %arg5: memref<10000x256xf32, #tpu.memory_space<hbm>>, %arg6: memref<4x80xi32, #tpu.memory_space<vmem>>, %arg7: memref<4x80x128xf32, #tpu.memory_space<vmem>>, %arg8: memref<10000x128xf32, #tpu.memory_space<vmem_shared>>, %arg9: memref<!tpu.dma_semaphore, #tpu.memory_space<semaphore_mem>>, %arg10: memref<!tpu.dma_semaphore, #tpu.memory_space<semaphore_mem>>, %arg11: memref<!tpu.dma_semaphore, #tpu.memory_space<semaphore_mem>>, %arg12: memref<!tpu.dma_semaphore, #tpu.memory_space<semaphore_mem>>, %arg13: memref<!tpu.dma_semaphore, #tpu.memory_space<semaphore_mem>>, %arg14: memref<!tpu.dma_semaphore, #tpu.memory_space<semaphore_mem>>, %arg15: memref<!tpu.dma_semaphore, #tpu.memory_space<semaphore_mem>>, %arg16: memref<!tpu.dma_semaphore, #tpu.memory_space<semaphore_mem>>, %arg17: memref<!tpu.dma_semaphore, #tpu.memory_space<semaphore_mem>>, %arg18: memref<!tpu.dma_semaphore, #tpu.memory_space<semaphore_mem>>, %arg19: memref<!tpu.dma_semaphore, #tpu.memory_space<semaphore_mem>>, %arg20: memref<!tpu.dma_semaphore, #tpu.memory_space<semaphore_mem>>) attributes {dimension_semantics = [#tpu.dimension_semantics<core_parallel>, #tpu.dimension_semantics<subcore_parallel>], iteration_bounds = array<i64: 2, 16>, scalar_prefetch = 0 : i64, scratch_operands = 15 : i64, tpu.core_type = #tpu.core_type<sc_vector_subcore>, window_params = [{transform_indices = #map}, {transform_indices = #map}, {transform_indices = #map1}, {transform_indices = #map}]} {
    %add3A = arith.constant 0 : i32
    %add3A_0 = arith.addi %add3A, %arg1 : i32
    %mul3A = arith.constant 80 : i32
    %mul3A_1 = arith.muli %add3A_0, %mul3A : i32
    %mul3A_2 = arith.constant 128 : i32
    %mul3A_3 = arith.muli %arg0, %mul3A_2 : i32
    %dma_start3A = arith.constant 0 : i32
    %dma_start3A_4 = arith.constant 0 : i32
    %dma_start3A_5 = arith.constant 0 : i32
    %dma_start3A_6 = tpu.memref_slice %arg7[%dma_start3A, %dma_start3A_4, %dma_start3A_5] : memref<4x80x128xf32, #tpu.memory_space<vmem>> -> memref<1x80x128xf32, #tpu.memory_space<vmem>>
    %dma_start3A_7 = tpu.memref_squeeze %dma_start3A_6 : memref<1x80x128xf32, #tpu.memory_space<vmem>> -> memref<80x128xf32, #tpu.memory_space<vmem>>
    %dma_start3A_8 = tpu.memref_slice %arg2[%mul3A_1, %mul3A_3] : memref<10000x256xf32, #tpu.memory_space<hbm>> -> memref<80x128xf32, #tpu.memory_space<hbm>>
    %dma_start3A_9 = arith.constant 0 : i32
    %dma_start3A_10 = arith.constant 0 : i32
    %dma_start3A_11 = tpu.memref_slice %arg7[%dma_start3A, %dma_start3A_9, %dma_start3A_10] : memref<4x80x128xf32, #tpu.memory_space<vmem>> -> memref<1x80x128xf32, #tpu.memory_space<vmem>>
    %dma_start3A_12 = tpu.memref_squeeze %dma_start3A_11 : memref<1x80x128xf32, #tpu.memory_space<vmem>> -> memref<80x128xf32, #tpu.memory_space<vmem>>
    %dma_start3A_13 = tpu.memref_slice %arg2[%mul3A_1, %mul3A_3] : memref<10000x256xf32, #tpu.memory_space<hbm>> -> memref<80x128xf32, #tpu.memory_space<hbm>>
    tpu.enqueue_dma source(%dma_start3A_13 : memref<80x128xf32, #tpu.memory_space<hbm>>) target(%dma_start3A_12 : memref<80x128xf32, #tpu.memory_space<vmem>>) target_semaphore(%arg9 : memref<!tpu.dma_semaphore, #tpu.memory_space<semaphore_mem>>)
    %add3A_14 = arith.constant 16 : i32
    %add3A_15 = arith.addi %add3A_14, %arg1 : i32
    %mul3A_16 = arith.constant 80 : i32
    %mul3A_17 = arith.muli %add3A_15, %mul3A_16 : i32
    %mul3A_18 = arith.constant 128 : i32
    %mul3A_19 = arith.muli %arg0, %mul3A_18 : i32
    %dma_start3A_20 = arith.constant 1 : i32
    %dma_start3A_21 = arith.constant 0 : i32
    %dma_start3A_22 = arith.constant 0 : i32
    %dma_start3A_23 = tpu.memref_slice %arg7[%dma_start3A_20, %dma_start3A_21, %dma_start3A_22] : memref<4x80x128xf32, #tpu.memory_space<vmem>> -> memref<1x80x128xf32, #tpu.memory_space<vmem>>
    %dma_start3A_24 = tpu.memref_squeeze %dma_start3A_23 : memref<1x80x128xf32, #tpu.memory_space<vmem>> -> memref<80x128xf32, #tpu.memory_space<vmem>>
    %dma_start3A_25 = tpu.memref_slice %arg2[%mul3A_17, %mul3A_19] : memref<10000x256xf32, #tpu.memory_space<hbm>> -> memref<80x128xf32, #tpu.memory_space<hbm>>
    %dma_start3A_26 = arith.constant 0 : i32
    %dma_start3A_27 = arith.constant 0 : i32
    %dma_start3A_28 = tpu.memref_slice %arg7[%dma_start3A_20, %dma_start3A_26, %dma_start3A_27] : memref<4x80x128xf32, #tpu.memory_space<vmem>> -> memref<1x80x128xf32, #tpu.memory_space<vmem>>
    %dma_start3A_29 = tpu.memref_squeeze %dma_start3A_28 : memref<1x80x128xf32, #tpu.memory_space<vmem>> -> memref<80x128xf32, #tpu.memory_space<vmem>>
    %dma_start3A_30 = tpu.memref_slice %arg2[%mul3A_17, %mul3A_19] : memref<10000x256xf32, #tpu.memory_space<hbm>> -> memref<80x128xf32, #tpu.memory_space<hbm>>
    tpu.enqueue_dma source(%dma_start3A_30 : memref<80x128xf32, #tpu.memory_space<hbm>>) target(%dma_start3A_29 : memref<80x128xf32, #tpu.memory_space<vmem>>) target_semaphore(%arg10 : memref<!tpu.dma_semaphore, #tpu.memory_space<semaphore_mem>>)
    %add3A_31 = arith.constant 0 : i32
    %add3A_32 = arith.addi %add3A_31, %arg1 : i32
    %mul3A_33 = arith.constant 80 : i32
    %mul3A_34 = arith.muli %add3A_32, %mul3A_33 : i32
    %mul3A_35 = arith.constant 128 : i32
    %mul3A_36 = arith.muli %arg0, %mul3A_35 : i32
    %dma_wait3A = arith.constant 0 : i32
    %dma_wait3A_37 = arith.constant 0 : i32
    %dma_wait3A_38 = arith.constant 0 : i32
    %dma_wait3A_39 = tpu.memref_slice %arg7[%dma_wait3A, %dma_wait3A_37, %dma_wait3A_38] : memref<4x80x128xf32, #tpu.memory_space<vmem>> -> memref<1x80x128xf32, #tpu.memory_space<vmem>>
    %dma_wait3A_40 = tpu.memref_squeeze %dma_wait3A_39 : memref<1x80x128xf32, #tpu.memory_space<vmem>> -> memref<80x128xf32, #tpu.memory_space<vmem>>
    %dma_wait3A_41 = tpu.memref_slice %arg2[%mul3A_34, %mul3A_36] : memref<10000x256xf32, #tpu.memory_space<hbm>> -> memref<80x128xf32, #tpu.memory_space<hbm>>
    %dma_wait3A_42 = arith.constant 0 : i32
    %dma_wait3A_43 = arith.constant 0 : i32
    %dma_wait3A_44 = tpu.memref_slice %arg7[%dma_wait3A, %dma_wait3A_42, %dma_wait3A_43] : memref<4x80x128xf32, #tpu.memory_space<vmem>> -> memref<1x80x128xf32, #tpu.memory_space<vmem>>
    %dma_wait3A_45 = tpu.memref_squeeze %dma_wait3A_44 : memref<1x80x128xf32, #tpu.memory_space<vmem>> -> memref<80x128xf32, #tpu.memory_space<vmem>>
    %dma_wait3A_46 = tpu.memref_slice %arg2[%mul3A_34, %mul3A_36] : memref<10000x256xf32, #tpu.memory_space<hbm>> -> memref<80x128xf32, #tpu.memory_space<hbm>>
    tpu.wait_dma2 semaphore(%arg9 : memref<!tpu.dma_semaphore, #tpu.memory_space<semaphore_mem>>) src(%dma_wait3A_46 : memref<80x128xf32, #tpu.memory_space<hbm>>) dst(%dma_wait3A_45 : memref<80x128xf32, #tpu.memory_space<vmem>>)
    %add3A_47 = arith.constant 0 : i32
    %add3A_48 = arith.addi %add3A_47, %arg1 : i32
    %mul3A_49 = arith.constant 80 : i32
    %mul3A_50 = arith.muli %add3A_48, %mul3A_49 : i32
    %dma_start3A_51 = arith.constant 0 : i32
    %dma_start3A_52 = arith.constant 0 : i32
    %dma_start3A_53 = arith.constant 0 : i32
    %dma_start3A_54 = tpu.memref_slice %arg7[%dma_start3A_51, %dma_start3A_52, %dma_start3A_53] : memref<4x80x128xf32, #tpu.memory_space<vmem>> -> memref<1x80x128xf32, #tpu.memory_space<vmem>>
    %dma_start3A_55 = tpu.memref_squeeze %dma_start3A_54 : memref<1x80x128xf32, #tpu.memory_space<vmem>> -> memref<80x128xf32, #tpu.memory_space<vmem>>
    %dma_start3A_56 = arith.constant 0 : i32
    %dma_start3A_57 = tpu.memref_slice %arg8[%mul3A_50, %dma_start3A_56] : memref<10000x128xf32, #tpu.memory_space<vmem_shared>> -> memref<80x128xf32, #tpu.memory_space<vmem_shared>>
    %dma_start3A_58 = arith.constant 0 : i32
    %dma_start3A_59 = tpu.memref_slice %arg8[%mul3A_50, %dma_start3A_58] : memref<10000x128xf32, #tpu.memory_space<vmem_shared>> -> memref<80x128xf32, #tpu.memory_space<vmem_shared>>
    %dma_start3A_60 = arith.constant 0 : i32
    %dma_start3A_61 = arith.constant 0 : i32
    %dma_start3A_62 = tpu.memref_slice %arg7[%dma_start3A_51, %dma_start3A_60, %dma_start3A_61] : memref<4x80x128xf32, #tpu.memory_space<vmem>> -> memref<1x80x128xf32, #tpu.memory_space<vmem>>
    %dma_start3A_63 = tpu.memref_squeeze %dma_start3A_62 : memref<1x80x128xf32, #tpu.memory_space<vmem>> -> memref<80x128xf32, #tpu.memory_space<vmem>>
    tpu.enqueue_dma source(%dma_start3A_63 : memref<80x128xf32, #tpu.memory_space<vmem>>) target(%dma_start3A_59 : memref<80x128xf32, #tpu.memory_space<vmem_shared>>) target_semaphore(%arg17 : memref<!tpu.dma_semaphore, #tpu.memory_space<semaphore_mem>>)
    %add3A_64 = arith.constant 0 : i32
    %add3A_65 = arith.addi %add3A_64, %arg1 : i32
    %mul3A_66 = arith.constant 80 : i32
    %mul3A_67 = arith.muli %add3A_65, %mul3A_66 : i32
    %dma_wait3A_68 = arith.constant 0 : i32
    %dma_wait3A_69 = arith.constant 0 : i32
    %dma_wait3A_70 = arith.constant 0 : i32
    %dma_wait3A_71 = tpu.memref_slice %arg7[%dma_wait3A_68, %dma_wait3A_69, %dma_wait3A_70] : memref<4x80x128xf32, #tpu.memory_space<vmem>> -> memref<1x80x128xf32, #tpu.memory_space<vmem>>
    %dma_wait3A_72 = tpu.memref_squeeze %dma_wait3A_71 : memref<1x80x128xf32, #tpu.memory_space<vmem>> -> memref<80x128xf32, #tpu.memory_space<vmem>>
    %dma_wait3A_73 = arith.constant 0 : i32
    %dma_wait3A_74 = tpu.memref_slice %arg8[%mul3A_67, %dma_wait3A_73] : memref<10000x128xf32, #tpu.memory_space<vmem_shared>> -> memref<80x128xf32, #tpu.memory_space<vmem_shared>>
    %dma_wait3A_75 = arith.constant 0 : i32
    %dma_wait3A_76 = tpu.memref_slice %arg8[%mul3A_67, %dma_wait3A_75] : memref<10000x128xf32, #tpu.memory_space<vmem_shared>> -> memref<80x128xf32, #tpu.memory_space<vmem_shared>>
    %dma_wait3A_77 = arith.constant 0 : i32
    %dma_wait3A_78 = arith.constant 0 : i32
    %dma_wait3A_79 = tpu.memref_slice %arg7[%dma_wait3A_68, %dma_wait3A_77, %dma_wait3A_78] : memref<4x80x128xf32, #tpu.memory_space<vmem>> -> memref<1x80x128xf32, #tpu.memory_space<vmem>>
    %dma_wait3A_80 = tpu.memref_squeeze %dma_wait3A_79 : memref<1x80x128xf32, #tpu.memory_space<vmem>> -> memref<80x128xf32, #tpu.memory_space<vmem>>
    tpu.wait_dma2 semaphore(%arg17 : memref<!tpu.dma_semaphore, #tpu.memory_space<semaphore_mem>>) src(%dma_wait3A_80 : memref<80x128xf32, #tpu.memory_space<vmem>>) dst(%dma_wait3A_76 : memref<80x128xf32, #tpu.memory_space<vmem_shared>>)
    %add3A_81 = arith.constant 32 : i32
    %add3A_82 = arith.addi %add3A_81, %arg1 : i32
    %mul3A_83 = arith.constant 80 : i32
    %mul3A_84 = arith.muli %add3A_82, %mul3A_83 : i32
    %mul3A_85 = arith.constant 128 : i32
    %mul3A_86 = arith.muli %arg0, %mul3A_85 : i32
    %dma_start3A_87 = arith.constant 0 : i32
    %dma_start3A_88 = arith.constant 0 : i32
    %dma_start3A_89 = arith.constant 0 : i32
    %dma_start3A_90 = tpu.memref_slice %arg7[%dma_start3A_87, %dma_start3A_88, %dma_start3A_89] : memref<4x80x128xf32, #tpu.memory_space<vmem>> -> memref<1x80x128xf32, #tpu.memory_space<vmem>>
    %dma_start3A_91 = tpu.memref_squeeze %dma_start3A_90 : memref<1x80x128xf32, #tpu.memory_space<vmem>> -> memref<80x128xf32, #tpu.memory_space<vmem>>
    %dma_start3A_92 = tpu.memref_slice %arg2[%mul3A_84, %mul3A_86] : memref<10000x256xf32, #tpu.memory_space<hbm>> -> memref<80x128xf32, #tpu.memory_space<hbm>>
    %dma_start3A_93 = arith.constant 0 : i32
    %dma_start3A_94 = arith.constant 0 : i32
    %dma_start3A_95 = tpu.memref_slice %arg7[%dma_start3A_87, %dma_start3A_93, %dma_start3A_94] : memref<4x80x128xf32, #tpu.memory_space<vmem>> -> memref<1x80x128xf32, #tpu.memory_space<vmem>>
    %dma_start3A_96 = tpu.memref_squeeze %dma_start3A_95 : memref<1x80x128xf32, #tpu.memory_space<vmem>> -> memref<80x128xf32, #tpu.memory_space<vmem>>
    %dma_start3A_97 = tpu.memref_slice %arg2[%mul3A_84, %mul3A_86] : memref<10000x256xf32, #tpu.memory_space<hbm>> -> memref<80x128xf32, #tpu.memory_space<hbm>>
    tpu.enqueue_dma source(%dma_start3A_97 : memref<80x128xf32, #tpu.memory_space<hbm>>) target(%dma_start3A_96 : memref<80x128xf32, #tpu.memory_space<vmem>>) target_semaphore(%arg9 : memref<!tpu.dma_semaphore, #tpu.memory_space<semaphore_mem>>)
    %add3A_98 = arith.constant 16 : i32
    %add3A_99 = arith.addi %add3A_98, %arg1 : i32
    %mul3A_100 = arith.constant 80 : i32
    %mul3A_101 = arith.muli %add3A_99, %mul3A_100 : i32
    %mul3A_102 = arith.constant 128 : i32
    %mul3A_103 = arith.muli %arg0, %mul3A_102 : i32
    %dma_wait3A_104 = arith.constant 1 : i32
    %dma_wait3A_105 = arith.constant 0 : i32
    %dma_wait3A_106 = arith.constant 0 : i32
    %dma_wait3A_107 = tpu.memref_slice %arg7[%dma_wait3A_104, %dma_wait3A_105, %dma_wait3A_106] : memref<4x80x128xf32, #tpu.memory_space<vmem>> -> memref<1x80x128xf32, #tpu.memory_space<vmem>>
    %dma_wait3A_108 = tpu.memref_squeeze %dma_wait3A_107 : memref<1x80x128xf32, #tpu.memory_space<vmem>> -> memref<80x128xf32, #tpu.memory_space<vmem>>
    %dma_wait3A_109 = tpu.memref_slice %arg2[%mul3A_101, %mul3A_103] : memref<10000x256xf32, #tpu.memory_space<hbm>> -> memref<80x128xf32, #tpu.memory_space<hbm>>
    %dma_wait3A_110 = arith.constant 0 : i32
    %dma_wait3A_111 = arith.constant 0 : i32
    %dma_wait3A_112 = tpu.memref_slice %arg7[%dma_wait3A_104, %dma_wait3A_110, %dma_wait3A_111] : memref<4x80x128xf32, #tpu.memory_space<vmem>> -> memref<1x80x128xf32, #tpu.memory_space<vmem>>
    %dma_wait3A_113 = tpu.memref_squeeze %dma_wait3A_112 : memref<1x80x128xf32, #tpu.memory_space<vmem>> -> memref<80x128xf32, #tpu.memory_space<vmem>>
    %dma_wait3A_114 = tpu.memref_slice %arg2[%mul3A_101, %mul3A_103] : memref<10000x256xf32, #tpu.memory_space<hbm>> -> memref<80x128xf32, #tpu.memory_space<hbm>>
    tpu.wait_dma2 semaphore(%arg10 : memref<!tpu.dma_semaphore, #tpu.memory_space<semaphore_mem>>) src(%dma_wait3A_114 : memref<80x128xf32, #tpu.memory_space<hbm>>) dst(%dma_wait3A_113 : memref<80x128xf32, #tpu.memory_space<vmem>>)
    %add3A_115 = arith.constant 16 : i32
    %add3A_116 = arith.addi %add3A_115, %arg1 : i32
    %mul3A_117 = arith.constant 80 : i32
    %mul3A_118 = arith.muli %add3A_116, %mul3A_117 : i32
    %dma_start3A_119 = arith.constant 1 : i32
    %dma_start3A_120 = arith.constant 0 : i32
    %dma_start3A_121 = arith.constant 0 : i32
    %dma_start3A_122 = tpu.memref_slice %arg7[%dma_start3A_119, %dma_start3A_120, %dma_start3A_121] : memref<4x80x128xf32, #tpu.memory_space<vmem>> -> memref<1x80x128xf32, #tpu.memory_space<vmem>>
    %dma_start3A_123 = tpu.memref_squeeze %dma_start3A_122 : memref<1x80x128xf32, #tpu.memory_space<vmem>> -> memref<80x128xf32, #tpu.memory_space<vmem>>
    %dma_start3A_124 = arith.constant 0 : i32
    %dma_start3A_125 = tpu.memref_slice %arg8[%mul3A_118, %dma_start3A_124] : memref<10000x128xf32, #tpu.memory_space<vmem_shared>> -> memref<80x128xf32, #tpu.memory_space<vmem_shared>>
    %dma_start3A_126 = arith.constant 0 : i32
    %dma_start3A_127 = tpu.memref_slice %arg8[%mul3A_118, %dma_start3A_126] : memref<10000x128xf32, #tpu.memory_space<vmem_shared>> -> memref<80x128xf32, #tpu.memory_space<vmem_shared>>
    %dma_start3A_128 = arith.constant 0 : i32
    %dma_start3A_129 = arith.constant 0 : i32
    %dma_start3A_130 = tpu.memref_slice %arg7[%dma_start3A_119, %dma_start3A_128, %dma_start3A_129] : memref<4x80x128xf32, #tpu.memory_space<vmem>> -> memref<1x80x128xf32, #tpu.memory_space<vmem>>
    %dma_start3A_131 = tpu.memref_squeeze %dma_start3A_130 : memref<1x80x128xf32, #tpu.memory_space<vmem>> -> memref<80x128xf32, #tpu.memory_space<vmem>>
    tpu.enqueue_dma source(%dma_start3A_131 : memref<80x128xf32, #tpu.memory_space<vmem>>) target(%dma_start3A_127 : memref<80x128xf32, #tpu.memory_space<vmem_shared>>) target_semaphore(%arg18 : memref<!tpu.dma_semaphore, #tpu.memory_space<semaphore_mem>>)
    %add3A_132 = arith.constant 16 : i32
    %add3A_133 = arith.addi %add3A_132, %arg1 : i32
    %mul3A_134 = arith.constant 80 : i32
    %mul3A_135 = arith.muli %add3A_133, %mul3A_134 : i32
    %dma_wait3A_136 = arith.constant 1 : i32
    %dma_wait3A_137 = arith.constant 0 : i32
    %dma_wait3A_138 = arith.constant 0 : i32
    %dma_wait3A_139 = tpu.memref_slice %arg7[%dma_wait3A_136, %dma_wait3A_137, %dma_wait3A_138] : memref<4x80x128xf32, #tpu.memory_space<vmem>> -> memref<1x80x128xf32, #tpu.memory_space<vmem>>
    %dma_wait3A_140 = tpu.memref_squeeze %dma_wait3A_139 : memref<1x80x128xf32, #tpu.memory_space<vmem>> -> memref<80x128xf32, #tpu.memory_space<vmem>>
    %dma_wait3A_141 = arith.constant 0 : i32
    %dma_wait3A_142 = tpu.memref_slice %arg8[%mul3A_135, %dma_wait3A_141] : memref<10000x128xf32, #tpu.memory_space<vmem_shared>> -> memref<80x128xf32, #tpu.memory_space<vmem_shared>>
    %dma_wait3A_143 = arith.constant 0 : i32
    %dma_wait3A_144 = tpu.memref_slice %arg8[%mul3A_135, %dma_wait3A_143] : memref<10000x128xf32, #tpu.memory_space<vmem_shared>> -> memref<80x128xf32, #tpu.memory_space<vmem_shared>>
    %dma_wait3A_145 = arith.constant 0 : i32
    %dma_wait3A_146 = arith.constant 0 : i32
    %dma_wait3A_147 = tpu.memref_slice %arg7[%dma_wait3A_136, %dma_wait3A_145, %dma_wait3A_146] : memref<4x80x128xf32, #tpu.memory_space<vmem>> -> memref<1x80x128xf32, #tpu.memory_space<vmem>>
    %dma_wait3A_148 = tpu.memref_squeeze %dma_wait3A_147 : memref<1x80x128xf32, #tpu.memory_space<vmem>> -> memref<80x128xf32, #tpu.memory_space<vmem>>
    tpu.wait_dma2 semaphore(%arg18 : memref<!tpu.dma_semaphore, #tpu.memory_space<semaphore_mem>>) src(%dma_wait3A_148 : memref<80x128xf32, #tpu.memory_space<vmem>>) dst(%dma_wait3A_144 : memref<80x128xf32, #tpu.memory_space<vmem_shared>>)
    %add3A_149 = arith.constant 48 : i32
    %add3A_150 = arith.addi %add3A_149, %arg1 : i32
    %mul3A_151 = arith.constant 80 : i32
    %mul3A_152 = arith.muli %add3A_150, %mul3A_151 : i32
    %mul3A_153 = arith.constant 128 : i32
    %mul3A_154 = arith.muli %arg0, %mul3A_153 : i32
    %dma_start3A_155 = arith.constant 1 : i32
    %dma_start3A_156 = arith.constant 0 : i32
    %dma_start3A_157 = arith.constant 0 : i32
    %dma_start3A_158 = tpu.memref_slice %arg7[%dma_start3A_155, %dma_start3A_156, %dma_start3A_157] : memref<4x80x128xf32, #tpu.memory_space<vmem>> -> memref<1x80x128xf32, #tpu.memory_space<vmem>>
    %dma_start3A_159 = tpu.memref_squeeze %dma_start3A_158 : memref<1x80x128xf32, #tpu.memory_space<vmem>> -> memref<80x128xf32, #tpu.memory_space<vmem>>
    %dma_start3A_160 = tpu.memref_slice %arg2[%mul3A_152, %mul3A_154] : memref<10000x256xf32, #tpu.memory_space<hbm>> -> memref<80x128xf32, #tpu.memory_space<hbm>>
    %dma_start3A_161 = arith.constant 0 : i32
    %dma_start3A_162 = arith.constant 0 : i32
    %dma_start3A_163 = tpu.memref_slice %arg7[%dma_start3A_155, %dma_start3A_161, %dma_start3A_162] : memref<4x80x128xf32, #tpu.memory_space<vmem>> -> memref<1x80x128xf32, #tpu.memory_space<vmem>>
    %dma_start3A_164 = tpu.memref_squeeze %dma_start3A_163 : memref<1x80x128xf32, #tpu.memory_space<vmem>> -> memref<80x128xf32, #tpu.memory_space<vmem>>
    %dma_start3A_165 = tpu.memref_slice %arg2[%mul3A_152, %mul3A_154] : memref<10000x256xf32, #tpu.memory_space<hbm>> -> memref<80x128xf32, #tpu.memory_space<hbm>>
    tpu.enqueue_dma source(%dma_start3A_165 : memref<80x128xf32, #tpu.memory_space<hbm>>) target(%dma_start3A_164 : memref<80x128xf32, #tpu.memory_space<vmem>>) target_semaphore(%arg10 : memref<!tpu.dma_semaphore, #tpu.memory_space<semaphore_mem>>)
    %add3A_166 = arith.constant 32 : i32
    %add3A_167 = arith.addi %add3A_166, %arg1 : i32
    %mul3A_168 = arith.constant 80 : i32
    %mul3A_169 = arith.muli %add3A_167, %mul3A_168 : i32
    %mul3A_170 = arith.constant 128 : i32
    %mul3A_171 = arith.muli %arg0, %mul3A_170 : i32
    %dma_wait3A_172 = arith.constant 0 : i32
    %dma_wait3A_173 = arith.constant 0 : i32
    %dma_wait3A_174 = arith.constant 0 : i32
    %dma_wait3A_175 = tpu.memref_slice %arg7[%dma_wait3A_172, %dma_wait3A_173, %dma_wait3A_174] : memref<4x80x128xf32, #tpu.memory_space<vmem>> -> memref<1x80x128xf32, #tpu.memory_space<vmem>>
    %dma_wait3A_176 = tpu.memref_squeeze %dma_wait3A_175 : memref<1x80x128xf32, #tpu.memory_space<vmem>> -> memref<80x128xf32, #tpu.memory_space<vmem>>
    %dma_wait3A_177 = tpu.memref_slice %arg2[%mul3A_169, %mul3A_171] : memref<10000x256xf32, #tpu.memory_space<hbm>> -> memref<80x128xf32, #tpu.memory_space<hbm>>
    %dma_wait3A_178 = arith.constant 0 : i32
    %dma_wait3A_179 = arith.constant 0 : i32
    %dma_wait3A_180 = tpu.memref_slice %arg7[%dma_wait3A_172, %dma_wait3A_178, %dma_wait3A_179] : memref<4x80x128xf32, #tpu.memory_space<vmem>> -> memref<1x80x128xf32, #tpu.memory_space<vmem>>
    %dma_wait3A_181 = tpu.memref_squeeze %dma_wait3A_180 : memref<1x80x128xf32, #tpu.memory_space<vmem>> -> memref<80x128xf32, #tpu.memory_space<vmem>>
    %dma_wait3A_182 = tpu.memref_slice %arg2[%mul3A_169, %mul3A_171] : memref<10000x256xf32, #tpu.memory_space<hbm>> -> memref<80x128xf32, #tpu.memory_space<hbm>>
    tpu.wait_dma2 semaphore(%arg9 : memref<!tpu.dma_semaphore, #tpu.memory_space<semaphore_mem>>) src(%dma_wait3A_182 : memref<80x128xf32, #tpu.memory_space<hbm>>) dst(%dma_wait3A_181 : memref<80x128xf32, #tpu.memory_space<vmem>>)
    %add3A_183 = arith.constant 32 : i32
    %add3A_184 = arith.addi %add3A_183, %arg1 : i32
    %mul3A_185 = arith.constant 80 : i32
    %mul3A_186 = arith.muli %add3A_184, %mul3A_185 : i32
    %dma_start3A_187 = arith.constant 0 : i32
    %dma_start3A_188 = arith.constant 0 : i32
    %dma_start3A_189 = arith.constant 0 : i32
    %dma_start3A_190 = tpu.memref_slice %arg7[%dma_start3A_187, %dma_start3A_188, %dma_start3A_189] : memref<4x80x128xf32, #tpu.memory_space<vmem>> -> memref<1x80x128xf32, #tpu.memory_space<vmem>>
    %dma_start3A_191 = tpu.memref_squeeze %dma_start3A_190 : memref<1x80x128xf32, #tpu.memory_space<vmem>> -> memref<80x128xf32, #tpu.memory_space<vmem>>
    %dma_start3A_192 = arith.constant 0 : i32
    %dma_start3A_193 = tpu.memref_slice %arg8[%mul3A_186, %dma_start3A_192] : memref<10000x128xf32, #tpu.memory_space<vmem_shared>> -> memref<80x128xf32, #tpu.memory_space<vmem_shared>>
    %dma_start3A_194 = arith.constant 0 : i32
    %dma_start3A_195 = tpu.memref_slice %arg8[%mul3A_186, %dma_start3A_194] : memref<10000x128xf32, #tpu.memory_space<vmem_shared>> -> memref<80x128xf32, #tpu.memory_space<vmem_shared>>
    %dma_start3A_196 = arith.constant 0 : i32
    %dma_start3A_197 = arith.constant 0 : i32
    %dma_start3A_198 = tpu.memref_slice %arg7[%dma_start3A_187, %dma_start3A_196, %dma_start3A_197] : memref<4x80x128xf32, #tpu.memory_space<vmem>> -> memref<1x80x128xf32, #tpu.memory_space<vmem>>
    %dma_start3A_199 = tpu.memref_squeeze %dma_start3A_198 : memref<1x80x128xf32, #tpu.memory_space<vmem>> -> memref<80x128xf32, #tpu.memory_space<vmem>>
    tpu.enqueue_dma source(%dma_start3A_199 : memref<80x128xf32, #tpu.memory_space<vmem>>) target(%dma_start3A_195 : memref<80x128xf32, #tpu.memory_space<vmem_shared>>) target_semaphore(%arg17 : memref<!tpu.dma_semaphore, #tpu.memory_space<semaphore_mem>>)
    %add3A_200 = arith.constant 32 : i32
    %add3A_201 = arith.addi %add3A_200, %arg1 : i32
    %mul3A_202 = arith.constant 80 : i32
    %mul3A_203 = arith.muli %add3A_201, %mul3A_202 : i32
    %dma_wait3A_204 = arith.constant 0 : i32
    %dma_wait3A_205 = arith.constant 0 : i32
    %dma_wait3A_206 = arith.constant 0 : i32
    %dma_wait3A_207 = tpu.memref_slice %arg7[%dma_wait3A_204, %dma_wait3A_205, %dma_wait3A_206] : memref<4x80x128xf32, #tpu.memory_space<vmem>> -> memref<1x80x128xf32, #tpu.memory_space<vmem>>
    %dma_wait3A_208 = tpu.memref_squeeze %dma_wait3A_207 : memref<1x80x128xf32, #tpu.memory_space<vmem>> -> memref<80x128xf32, #tpu.memory_space<vmem>>
    %dma_wait3A_209 = arith.constant 0 : i32
    %dma_wait3A_210 = tpu.memref_slice %arg8[%mul3A_203, %dma_wait3A_209] : memref<10000x128xf32, #tpu.memory_space<vmem_shared>> -> memref<80x128xf32, #tpu.memory_space<vmem_shared>>
    %dma_wait3A_211 = arith.constant 0 : i32
    %dma_wait3A_212 = tpu.memref_slice %arg8[%mul3A_203, %dma_wait3A_211] : memref<10000x128xf32, #tpu.memory_space<vmem_shared>> -> memref<80x128xf32, #tpu.memory_space<vmem_shared>>
    %dma_wait3A_213 = arith.constant 0 : i32
    %dma_wait3A_214 = arith.constant 0 : i32
    %dma_wait3A_215 = tpu.memref_slice %arg7[%dma_wait3A_204, %dma_wait3A_213, %dma_wait3A_214] : memref<4x80x128xf32, #tpu.memory_space<vmem>> -> memref<1x80x128xf32, #tpu.memory_space<vmem>>
    %dma_wait3A_216 = tpu.memref_squeeze %dma_wait3A_215 : memref<1x80x128xf32, #tpu.memory_space<vmem>> -> memref<80x128xf32, #tpu.memory_space<vmem>>
    tpu.wait_dma2 semaphore(%arg17 : memref<!tpu.dma_semaphore, #tpu.memory_space<semaphore_mem>>) src(%dma_wait3A_216 : memref<80x128xf32, #tpu.memory_space<vmem>>) dst(%dma_wait3A_212 : memref<80x128xf32, #tpu.memory_space<vmem_shared>>)
    %add3A_217 = arith.constant 64 : i32
    %add3A_218 = arith.addi %add3A_217, %arg1 : i32
    %mul3A_219 = arith.constant 80 : i32
    %mul3A_220 = arith.muli %add3A_218, %mul3A_219 : i32
    %mul3A_221 = arith.constant 128 : i32
    %mul3A_222 = arith.muli %arg0, %mul3A_221 : i32
    %dma_start3A_223 = arith.constant 0 : i32
    %dma_start3A_224 = arith.constant 0 : i32
    %dma_start3A_225 = arith.constant 0 : i32
    %dma_start3A_226 = tpu.memref_slice %arg7[%dma_start3A_223, %dma_start3A_224, %dma_start3A_225] : memref<4x80x128xf32, #tpu.memory_space<vmem>> -> memref<1x80x128xf32, #tpu.memory_space<vmem>>
    %dma_start3A_227 = tpu.memref_squeeze %dma_start3A_226 : memref<1x80x128xf32, #tpu.memory_space<vmem>> -> memref<80x128xf32, #tpu.memory_space<vmem>>
    %dma_start3A_228 = tpu.memref_slice %arg2[%mul3A_220, %mul3A_222] : memref<10000x256xf32, #tpu.memory_space<hbm>> -> memref<80x128xf32, #tpu.memory_space<hbm>>
    %dma_start3A_229 = arith.constant 0 : i32
    %dma_start3A_230 = arith.constant 0 : i32
    %dma_start3A_231 = tpu.memref_slice %arg7[%dma_start3A_223, %dma_start3A_229, %dma_start3A_230] : memref<4x80x128xf32, #tpu.memory_space<vmem>> -> memref<1x80x128xf32, #tpu.memory_space<vmem>>
    %dma_start3A_232 = tpu.memref_squeeze %dma_start3A_231 : memref<1x80x128xf32, #tpu.memory_space<vmem>> -> memref<80x128xf32, #tpu.memory_space<vmem>>
    %dma_start3A_233 = tpu.memref_slice %arg2[%mul3A_220, %mul3A_222] : memref<10000x256xf32, #tpu.memory_space<hbm>> -> memref<80x128xf32, #tpu.memory_space<hbm>>
    tpu.enqueue_dma source(%dma_start3A_233 : memref<80x128xf32, #tpu.memory_space<hbm>>) target(%dma_start3A_232 : memref<80x128xf32, #tpu.memory_space<vmem>>) target_semaphore(%arg9 : memref<!tpu.dma_semaphore, #tpu.memory_space<semaphore_mem>>)
    %add3A_234 = arith.constant 48 : i32
    %add3A_235 = arith.addi %add3A_234, %arg1 : i32
    %mul3A_236 = arith.constant 80 : i32
    %mul3A_237 = arith.muli %add3A_235, %mul3A_236 : i32
    %mul3A_238 = arith.constant 128 : i32
    %mul3A_239 = arith.muli %arg0, %mul3A_238 : i32
    %dma_wait3A_240 = arith.constant 1 : i32
    %dma_wait3A_241 = arith.constant 0 : i32
    %dma_wait3A_242 = arith.constant 0 : i32
    %dma_wait3A_243 = tpu.memref_slice %arg7[%dma_wait3A_240, %dma_wait3A_241, %dma_wait3A_242] : memref<4x80x128xf32, #tpu.memory_space<vmem>> -> memref<1x80x128xf32, #tpu.memory_space<vmem>>
    %dma_wait3A_244 = tpu.memref_squeeze %dma_wait3A_243 : memref<1x80x128xf32, #tpu.memory_space<vmem>> -> memref<80x128xf32, #tpu.memory_space<vmem>>
    %dma_wait3A_245 = tpu.memref_slice %arg2[%mul3A_237, %mul3A_239] : memref<10000x256xf32, #tpu.memory_space<hbm>> -> memref<80x128xf32, #tpu.memory_space<hbm>>
    %dma_wait3A_246 = arith.constant 0 : i32
    %dma_wait3A_247 = arith.constant 0 : i32
    %dma_wait3A_248 = tpu.memref_slice %arg7[%dma_wait3A_240, %dma_wait3A_246, %dma_wait3A_247] : memref<4x80x128xf32, #tpu.memory_space<vmem>> -> memref<1x80x128xf32, #tpu.memory_space<vmem>>
    %dma_wait3A_249 = tpu.memref_squeeze %dma_wait3A_248 : memref<1x80x128xf32, #tpu.memory_space<vmem>> -> memref<80x128xf32, #tpu.memory_space<vmem>>
    %dma_wait3A_250 = tpu.memref_slice %arg2[%mul3A_237, %mul3A_239] : memref<10000x256xf32, #tpu.memory_space<hbm>> -> memref<80x128xf32, #tpu.memory_space<hbm>>
    tpu.wait_dma2 semaphore(%arg10 : memref<!tpu.dma_semaphore, #tpu.memory_space<semaphore_mem>>) src(%dma_wait3A_250 : memref<80x128xf32, #tpu.memory_space<hbm>>) dst(%dma_wait3A_249 : memref<80x128xf32, #tpu.memory_space<vmem>>)
    %add3A_251 = arith.constant 48 : i32
    %add3A_252 = arith.addi %add3A_251, %arg1 : i32
    %mul3A_253 = arith.constant 80 : i32
    %mul3A_254 = arith.muli %add3A_252, %mul3A_253 : i32
    %dma_start3A_255 = arith.constant 1 : i32
    %dma_start3A_256 = arith.constant 0 : i32
    %dma_start3A_257 = arith.constant 0 : i32
    %dma_start3A_258 = tpu.memref_slice %arg7[%dma_start3A_255, %dma_start3A_256, %dma_start3A_257] : memref<4x80x128xf32, #tpu.memory_space<vmem>> -> memref<1x80x128xf32, #tpu.memory_space<vmem>>
    %dma_start3A_259 = tpu.memref_squeeze %dma_start3A_258 : memref<1x80x128xf32, #tpu.memory_space<vmem>> -> memref<80x128xf32, #tpu.memory_space<vmem>>
    %dma_start3A_260 = arith.constant 0 : i32
    %dma_start3A_261 = tpu.memref_slice %arg8[%mul3A_254, %dma_start3A_260] : memref<10000x128xf32, #tpu.memory_space<vmem_shared>> -> memref<80x128xf32, #tpu.memory_space<vmem_shared>>
    %dma_start3A_262 = arith.constant 0 : i32
    %dma_start3A_263 = tpu.memref_slice %arg8[%mul3A_254, %dma_start3A_262] : memref<10000x128xf32, #tpu.memory_space<vmem_shared>> -> memref<80x128xf32, #tpu.memory_space<vmem_shared>>
    %dma_start3A_264 = arith.constant 0 : i32
    %dma_start3A_265 = arith.constant 0 : i32
    %dma_start3A_266 = tpu.memref_slice %arg7[%dma_start3A_255, %dma_start3A_264, %dma_start3A_265] : memref<4x80x128xf32, #tpu.memory_space<vmem>> -> memref<1x80x128xf32, #tpu.memory_space<vmem>>
    %dma_start3A_267 = tpu.memref_squeeze %dma_start3A_266 : memref<1x80x128xf32, #tpu.memory_space<vmem>> -> memref<80x128xf32, #tpu.memory_space<vmem>>
    tpu.enqueue_dma source(%dma_start3A_267 : memref<80x128xf32, #tpu.memory_space<vmem>>) target(%dma_start3A_263 : memref<80x128xf32, #tpu.memory_space<vmem_shared>>) target_semaphore(%arg18 : memref<!tpu.dma_semaphore, #tpu.memory_space<semaphore_mem>>)
    %add3A_268 = arith.constant 48 : i32
    %add3A_269 = arith.addi %add3A_268, %arg1 : i32
    %mul3A_270 = arith.constant 80 : i32
    %mul3A_271 = arith.muli %add3A_269, %mul3A_270 : i32
    %dma_wait3A_272 = arith.constant 1 : i32
    %dma_wait3A_273 = arith.constant 0 : i32
    %dma_wait3A_274 = arith.constant 0 : i32
    %dma_wait3A_275 = tpu.memref_slice %arg7[%dma_wait3A_272, %dma_wait3A_273, %dma_wait3A_274] : memref<4x80x128xf32, #tpu.memory_space<vmem>> -> memref<1x80x128xf32, #tpu.memory_space<vmem>>
    %dma_wait3A_276 = tpu.memref_squeeze %dma_wait3A_275 : memref<1x80x128xf32, #tpu.memory_space<vmem>> -> memref<80x128xf32, #tpu.memory_space<vmem>>
    %dma_wait3A_277 = arith.constant 0 : i32
    %dma_wait3A_278 = tpu.memref_slice %arg8[%mul3A_271, %dma_wait3A_277] : memref<10000x128xf32, #tpu.memory_space<vmem_shared>> -> memref<80x128xf32, #tpu.memory_space<vmem_shared>>
    %dma_wait3A_279 = arith.constant 0 : i32
    %dma_wait3A_280 = tpu.memref_slice %arg8[%mul3A_271, %dma_wait3A_279] : memref<10000x128xf32, #tpu.memory_space<vmem_shared>> -> memref<80x128xf32, #tpu.memory_space<vmem_shared>>
    %dma_wait3A_281 = arith.constant 0 : i32
    %dma_wait3A_282 = arith.constant 0 : i32
    %dma_wait3A_283 = tpu.memref_slice %arg7[%dma_wait3A_272, %dma_wait3A_281, %dma_wait3A_282] : memref<4x80x128xf32, #tpu.memory_space<vmem>> -> memref<1x80x128xf32, #tpu.memory_space<vmem>>
    %dma_wait3A_284 = tpu.memref_squeeze %dma_wait3A_283 : memref<1x80x128xf32, #tpu.memory_space<vmem>> -> memref<80x128xf32, #tpu.memory_space<vmem>>
    tpu.wait_dma2 semaphore(%arg18 : memref<!tpu.dma_semaphore, #tpu.memory_space<semaphore_mem>>) src(%dma_wait3A_284 : memref<80x128xf32, #tpu.memory_space<vmem>>) dst(%dma_wait3A_280 : memref<80x128xf32, #tpu.memory_space<vmem_shared>>)
    %add3A_285 = arith.constant 80 : i32
    %add3A_286 = arith.addi %add3A_285, %arg1 : i32
    %mul3A_287 = arith.constant 80 : i32
    %mul3A_288 = arith.muli %add3A_286, %mul3A_287 : i32
    %mul3A_289 = arith.constant 128 : i32
    %mul3A_290 = arith.muli %arg0, %mul3A_289 : i32
    %dma_start3A_291 = arith.constant 1 : i32
    %dma_start3A_292 = arith.constant 0 : i32
    %dma_start3A_293 = arith.constant 0 : i32
    %dma_start3A_294 = tpu.memref_slice %arg7[%dma_start3A_291, %dma_start3A_292, %dma_start3A_293] : memref<4x80x128xf32, #tpu.memory_space<vmem>> -> memref<1x80x128xf32, #tpu.memory_space<vmem>>
    %dma_start3A_295 = tpu.memref_squeeze %dma_start3A_294 : memref<1x80x128xf32, #tpu.memory_space<vmem>> -> memref<80x128xf32, #tpu.memory_space<vmem>>
    %dma_start3A_296 = tpu.memref_slice %arg2[%mul3A_288, %mul3A_290] : memref<10000x256xf32, #tpu.memory_space<hbm>> -> memref<80x128xf32, #tpu.memory_space<hbm>>
    %dma_start3A_297 = arith.constant 0 : i32
    %dma_start3A_298 = arith.constant 0 : i32
    %dma_start3A_299 = tpu.memref_slice %arg7[%dma_start3A_291, %dma_start3A_297, %dma_start3A_298] : memref<4x80x128xf32, #tpu.memory_space<vmem>> -> memref<1x80x128xf32, #tpu.memory_space<vmem>>
    %dma_start3A_300 = tpu.memref_squeeze %dma_start3A_299 : memref<1x80x128xf32, #tpu.memory_space<vmem>> -> memref<80x128xf32, #tpu.memory_space<vmem>>
    %dma_start3A_301 = tpu.memref_slice %arg2[%mul3A_288, %mul3A_290] : memref<10000x256xf32, #tpu.memory_space<hbm>> -> memref<80x128xf32, #tpu.memory_space<hbm>>
    tpu.enqueue_dma source(%dma_start3A_301 : memref<80x128xf32, #tpu.memory_space<hbm>>) target(%dma_start3A_300 : memref<80x128xf32, #tpu.memory_space<vmem>>) target_semaphore(%arg10 : memref<!tpu.dma_semaphore, #tpu.memory_space<semaphore_mem>>)
    %add3A_302 = arith.constant 64 : i32
    %add3A_303 = arith.addi %add3A_302, %arg1 : i32
    %mul3A_304 = arith.constant 80 : i32
    %mul3A_305 = arith.muli %add3A_303, %mul3A_304 : i32
    %mul3A_306 = arith.constant 128 : i32
    %mul3A_307 = arith.muli %arg0, %mul3A_306 : i32
    %dma_wait3A_308 = arith.constant 0 : i32
    %dma_wait3A_309 = arith.constant 0 : i32
    %dma_wait3A_310 = arith.constant 0 : i32
    %dma_wait3A_311 = tpu.memref_slice %arg7[%dma_wait3A_308, %dma_wait3A_309, %dma_wait3A_310] : memref<4x80x128xf32, #tpu.memory_space<vmem>> -> memref<1x80x128xf32, #tpu.memory_space<vmem>>
    %dma_wait3A_312 = tpu.memref_squeeze %dma_wait3A_311 : memref<1x80x128xf32, #tpu.memory_space<vmem>> -> memref<80x128xf32, #tpu.memory_space<vmem>>
    %dma_wait3A_313 = tpu.memref_slice %arg2[%mul3A_305, %mul3A_307] : memref<10000x256xf32, #tpu.memory_space<hbm>> -> memref<80x128xf32, #tpu.memory_space<hbm>>
    %dma_wait3A_314 = arith.constant 0 : i32
    %dma_wait3A_315 = arith.constant 0 : i32
    %dma_wait3A_316 = tpu.memref_slice %arg7[%dma_wait3A_308, %dma_wait3A_314, %dma_wait3A_315] : memref<4x80x128xf32, #tpu.memory_space<vmem>> -> memref<1x80x128xf32, #tpu.memory_space<vmem>>
    %dma_wait3A_317 = tpu.memref_squeeze %dma_wait3A_316 : memref<1x80x128xf32, #tpu.memory_space<vmem>> -> memref<80x128xf32, #tpu.memory_space<vmem>>
    %dma_wait3A_318 = tpu.memref_slice %arg2[%mul3A_305, %mul3A_307] : memref<10000x256xf32, #tpu.memory_space<hbm>> -> memref<80x128xf32, #tpu.memory_space<hbm>>
    tpu.wait_dma2 semaphore(%arg9 : memref<!tpu.dma_semaphore, #tpu.memory_space<semaphore_mem>>) src(%dma_wait3A_318 : memref<80x128xf32, #tpu.memory_space<hbm>>) dst(%dma_wait3A_317 : memref<80x128xf32, #tpu.memory_space<vmem>>)
    %add3A_319 = arith.constant 64 : i32
    %add3A_320 = arith.addi %add3A_319, %arg1 : i32
    %mul3A_321 = arith.constant 80 : i32
    %mul3A_322 = arith.muli %add3A_320, %mul3A_321 : i32
    %dma_start3A_323 = arith.constant 0 : i32
    %dma_start3A_324 = arith.constant 0 : i32
    %dma_start3A_325 = arith.constant 0 : i32
    %dma_start3A_326 = tpu.memref_slice %arg7[%dma_start3A_323, %dma_start3A_324, %dma_start3A_325] : memref<4x80x128xf32, #tpu.memory_space<vmem>> -> memref<1x80x128xf32, #tpu.memory_space<vmem>>
    %dma_start3A_327 = tpu.memref_squeeze %dma_start3A_326 : memref<1x80x128xf32, #tpu.memory_space<vmem>> -> memref<80x128xf32, #tpu.memory_space<vmem>>
    %dma_start3A_328 = arith.constant 0 : i32
    %dma_start3A_329 = tpu.memref_slice %arg8[%mul3A_322, %dma_start3A_328] : memref<10000x128xf32, #tpu.memory_space<vmem_shared>> -> memref<80x128xf32, #tpu.memory_space<vmem_shared>>
    %dma_start3A_330 = arith.constant 0 : i32
    %dma_start3A_331 = tpu.memref_slice %arg8[%mul3A_322, %dma_start3A_330] : memref<10000x128xf32, #tpu.memory_space<vmem_shared>> -> memref<80x128xf32, #tpu.memory_space<vmem_shared>>
    %dma_start3A_332 = arith.constant 0 : i32
    %dma_start3A_333 = arith.constant 0 : i32
    %dma_start3A_334 = tpu.memref_slice %arg7[%dma_start3A_323, %dma_start3A_332, %dma_start3A_333] : memref<4x80x128xf32, #tpu.memory_space<vmem>> -> memref<1x80x128xf32, #tpu.memory_space<vmem>>
    %dma_start3A_335 = tpu.memref_squeeze %dma_start3A_334 : memref<1x80x128xf32, #tpu.memory_space<vmem>> -> memref<80x128xf32, #tpu.memory_space<vmem>>
    tpu.enqueue_dma source(%dma_start3A_335 : memref<80x128xf32, #tpu.memory_space<vmem>>) target(%dma_start3A_331 : memref<80x128xf32, #tpu.memory_space<vmem_shared>>) target_semaphore(%arg17 : memref<!tpu.dma_semaphore, #tpu.memory_space<semaphore_mem>>)
    %add3A_336 = arith.constant 64 : i32
    %add3A_337 = arith.addi %add3A_336, %arg1 : i32
    %mul3A_338 = arith.constant 80 : i32
    %mul3A_339 = arith.muli %add3A_337, %mul3A_338 : i32
    %dma_wait3A_340 = arith.constant 0 : i32
    %dma_wait3A_341 = arith.constant 0 : i32
    %dma_wait3A_342 = arith.constant 0 : i32
    %dma_wait3A_343 = tpu.memref_slice %arg7[%dma_wait3A_340, %dma_wait3A_341, %dma_wait3A_342] : memref<4x80x128xf32, #tpu.memory_space<vmem>> -> memref<1x80x128xf32, #tpu.memory_space<vmem>>
    %dma_wait3A_344 = tpu.memref_squeeze %dma_wait3A_343 : memref<1x80x128xf32, #tpu.memory_space<vmem>> -> memref<80x128xf32, #tpu.memory_space<vmem>>
    %dma_wait3A_345 = arith.constant 0 : i32
    %dma_wait3A_346 = tpu.memref_slice %arg8[%mul3A_339, %dma_wait3A_345] : memref<10000x128xf32, #tpu.memory_space<vmem_shared>> -> memref<80x128xf32, #tpu.memory_space<vmem_shared>>
    %dma_wait3A_347 = arith.constant 0 : i32
    %dma_wait3A_348 = tpu.memref_slice %arg8[%mul3A_339, %dma_wait3A_347] : memref<10000x128xf32, #tpu.memory_space<vmem_shared>> -> memref<80x128xf32, #tpu.memory_space<vmem_shared>>
    %dma_wait3A_349 = arith.constant 0 : i32
    %dma_wait3A_350 = arith.constant 0 : i32
    %dma_wait3A_351 = tpu.memref_slice %arg7[%dma_wait3A_340, %dma_wait3A_349, %dma_wait3A_350] : memref<4x80x128xf32, #tpu.memory_space<vmem>> -> memref<1x80x128xf32, #tpu.memory_space<vmem>>
    %dma_wait3A_352 = tpu.memref_squeeze %dma_wait3A_351 : memref<1x80x128xf32, #tpu.memory_space<vmem>> -> memref<80x128xf32, #tpu.memory_space<vmem>>
    tpu.wait_dma2 semaphore(%arg17 : memref<!tpu.dma_semaphore, #tpu.memory_space<semaphore_mem>>) src(%dma_wait3A_352 : memref<80x128xf32, #tpu.memory_space<vmem>>) dst(%dma_wait3A_348 : memref<80x128xf32, #tpu.memory_space<vmem_shared>>)
    %add3A_353 = arith.constant 96 : i32
    %add3A_354 = arith.addi %add3A_353, %arg1 : i32
    %mul3A_355 = arith.constant 80 : i32
    %mul3A_356 = arith.muli %add3A_354, %mul3A_355 : i32
    %mul3A_357 = arith.constant 128 : i32
    %mul3A_358 = arith.muli %arg0, %mul3A_357 : i32
    %dma_start3A_359 = arith.constant 0 : i32
    %dma_start3A_360 = arith.constant 0 : i32
    %dma_start3A_361 = arith.constant 0 : i32
    %dma_start3A_362 = tpu.memref_slice %arg7[%dma_start3A_359, %dma_start3A_360, %dma_start3A_361] : memref<4x80x128xf32, #tpu.memory_space<vmem>> -> memref<1x80x128xf32, #tpu.memory_space<vmem>>
    %dma_start3A_363 = tpu.memref_squeeze %dma_start3A_362 : memref<1x80x128xf32, #tpu.memory_space<vmem>> -> memref<80x128xf32, #tpu.memory_space<vmem>>
    %dma_start3A_364 = tpu.memref_slice %arg2[%mul3A_356, %mul3A_358] : memref<10000x256xf32, #tpu.memory_space<hbm>> -> memref<80x128xf32, #tpu.memory_space<hbm>>
    %dma_start3A_365 = arith.constant 0 : i32
    %dma_start3A_366 = arith.constant 0 : i32
    %dma_start3A_367 = tpu.memref_slice %arg7[%dma_start3A_359, %dma_start3A_365, %dma_start3A_366] : memref<4x80x128xf32, #tpu.memory_space<vmem>> -> memref<1x80x128xf32, #tpu.memory_space<vmem>>
    %dma_start3A_368 = tpu.memref_squeeze %dma_start3A_367 : memref<1x80x128xf32, #tpu.memory_space<vmem>> -> memref<80x128xf32, #tpu.memory_space<vmem>>
    %dma_start3A_369 = tpu.memref_slice %arg2[%mul3A_356, %mul3A_358] : memref<10000x256xf32, #tpu.memory_space<hbm>> -> memref<80x128xf32, #tpu.memory_space<hbm>>
    tpu.enqueue_dma source(%dma_start3A_369 : memref<80x128xf32, #tpu.memory_space<hbm>>) target(%dma_start3A_368 : memref<80x128xf32, #tpu.memory_space<vmem>>) target_semaphore(%arg9 : memref<!tpu.dma_semaphore, #tpu.memory_space<semaphore_mem>>)
    %add3A_370 = arith.constant 80 : i32
    %add3A_371 = arith.addi %add3A_370, %arg1 : i32
    %mul3A_372 = arith.constant 80 : i32
    %mul3A_373 = arith.muli %add3A_371, %mul3A_372 : i32
    %mul3A_374 = arith.constant 128 : i32
    %mul3A_375 = arith.muli %arg0, %mul3A_374 : i32
    %dma_wait3A_376 = arith.constant 1 : i32
    %dma_wait3A_377 = arith.constant 0 : i32
    %dma_wait3A_378 = arith.constant 0 : i32
    %dma_wait3A_379 = tpu.memref_slice %arg7[%dma_wait3A_376, %dma_wait3A_377, %dma_wait3A_378] : memref<4x80x128xf32, #tpu.memory_space<vmem>> -> memref<1x80x128xf32, #tpu.memory_space<vmem>>
    %dma_wait3A_380 = tpu.memref_squeeze %dma_wait3A_379 : memref<1x80x128xf32, #tpu.memory_space<vmem>> -> memref<80x128xf32, #tpu.memory_space<vmem>>
    %dma_wait3A_381 = tpu.memref_slice %arg2[%mul3A_373, %mul3A_375] : memref<10000x256xf32, #tpu.memory_space<hbm>> -> memref<80x128xf32, #tpu.memory_space<hbm>>
    %dma_wait3A_382 = arith.constant 0 : i32
    %dma_wait3A_383 = arith.constant 0 : i32
    %dma_wait3A_384 = tpu.memref_slice %arg7[%dma_wait3A_376, %dma_wait3A_382, %dma_wait3A_383] : memref<4x80x128xf32, #tpu.memory_space<vmem>> -> memref<1x80x128xf32, #tpu.memory_space<vmem>>
    %dma_wait3A_385 = tpu.memref_squeeze %dma_wait3A_384 : memref<1x80x128xf32, #tpu.memory_space<vmem>> -> memref<80x128xf32, #tpu.memory_space<vmem>>
    %dma_wait3A_386 = tpu.memref_slice %arg2[%mul3A_373, %mul3A_375] : memref<10000x256xf32, #tpu.memory_space<hbm>> -> memref<80x128xf32, #tpu.memory_space<hbm>>
    tpu.wait_dma2 semaphore(%arg10 : memref<!tpu.dma_semaphore, #tpu.memory_space<semaphore_mem>>) src(%dma_wait3A_386 : memref<80x128xf32, #tpu.memory_space<hbm>>) dst(%dma_wait3A_385 : memref<80x128xf32, #tpu.memory_space<vmem>>)
    %add3A_387 = arith.constant 80 : i32
    %add3A_388 = arith.addi %add3A_387, %arg1 : i32
    %mul3A_389 = arith.constant 80 : i32
    %mul3A_390 = arith.muli %add3A_388, %mul3A_389 : i32
    %dma_start3A_391 = arith.constant 1 : i32
    %dma_start3A_392 = arith.constant 0 : i32
    %dma_start3A_393 = arith.constant 0 : i32
    %dma_start3A_394 = tpu.memref_slice %arg7[%dma_start3A_391, %dma_start3A_392, %dma_start3A_393] : memref<4x80x128xf32, #tpu.memory_space<vmem>> -> memref<1x80x128xf32, #tpu.memory_space<vmem>>
    %dma_start3A_395 = tpu.memref_squeeze %dma_start3A_394 : memref<1x80x128xf32, #tpu.memory_space<vmem>> -> memref<80x128xf32, #tpu.memory_space<vmem>>
    %dma_start3A_396 = arith.constant 0 : i32
    %dma_start3A_397 = tpu.memref_slice %arg8[%mul3A_390, %dma_start3A_396] : memref<10000x128xf32, #tpu.memory_space<vmem_shared>> -> memref<80x128xf32, #tpu.memory_space<vmem_shared>>
    %dma_start3A_398 = arith.constant 0 : i32
    %dma_start3A_399 = tpu.memref_slice %arg8[%mul3A_390, %dma_start3A_398] : memref<10000x128xf32, #tpu.memory_space<vmem_shared>> -> memref<80x128xf32, #tpu.memory_space<vmem_shared>>
    %dma_start3A_400 = arith.constant 0 : i32
    %dma_start3A_401 = arith.constant 0 : i32
    %dma_start3A_402 = tpu.memref_slice %arg7[%dma_start3A_391, %dma_start3A_400, %dma_start3A_401] : memref<4x80x128xf32, #tpu.memory_space<vmem>> -> memref<1x80x128xf32, #tpu.memory_space<vmem>>
    %dma_start3A_403 = tpu.memref_squeeze %dma_start3A_402 : memref<1x80x128xf32, #tpu.memory_space<vmem>> -> memref<80x128xf32, #tpu.memory_space<vmem>>
    tpu.enqueue_dma source(%dma_start3A_403 : memref<80x128xf32, #tpu.memory_space<vmem>>) target(%dma_start3A_399 : memref<80x128xf32, #tpu.memory_space<vmem_shared>>) target_semaphore(%arg18 : memref<!tpu.dma_semaphore, #tpu.memory_space<semaphore_mem>>)
    %add3A_404 = arith.constant 80 : i32
    %add3A_405 = arith.addi %add3A_404, %arg1 : i32
    %mul3A_406 = arith.constant 80 : i32
    %mul3A_407 = arith.muli %add3A_405, %mul3A_406 : i32
    %dma_wait3A_408 = arith.constant 1 : i32
    %dma_wait3A_409 = arith.constant 0 : i32
    %dma_wait3A_410 = arith.constant 0 : i32
    %dma_wait3A_411 = tpu.memref_slice %arg7[%dma_wait3A_408, %dma_wait3A_409, %dma_wait3A_410] : memref<4x80x128xf32, #tpu.memory_space<vmem>> -> memref<1x80x128xf32, #tpu.memory_space<vmem>>
    %dma_wait3A_412 = tpu.memref_squeeze %dma_wait3A_411 : memref<1x80x128xf32, #tpu.memory_space<vmem>> -> memref<80x128xf32, #tpu.memory_space<vmem>>
    %dma_wait3A_413 = arith.constant 0 : i32
    %dma_wait3A_414 = tpu.memref_slice %arg8[%mul3A_407, %dma_wait3A_413] : memref<10000x128xf32, #tpu.memory_space<vmem_shared>> -> memref<80x128xf32, #tpu.memory_space<vmem_shared>>
    %dma_wait3A_415 = arith.constant 0 : i32
    %dma_wait3A_416 = tpu.memref_slice %arg8[%mul3A_407, %dma_wait3A_415] : memref<10000x128xf32, #tpu.memory_space<vmem_shared>> -> memref<80x128xf32, #tpu.memory_space<vmem_shared>>
    %dma_wait3A_417 = arith.constant 0 : i32
    %dma_wait3A_418 = arith.constant 0 : i32
    %dma_wait3A_419 = tpu.memref_slice %arg7[%dma_wait3A_408, %dma_wait3A_417, %dma_wait3A_418] : memref<4x80x128xf32, #tpu.memory_space<vmem>> -> memref<1x80x128xf32, #tpu.memory_space<vmem>>
    %dma_wait3A_420 = tpu.memref_squeeze %dma_wait3A_419 : memref<1x80x128xf32, #tpu.memory_space<vmem>> -> memref<80x128xf32, #tpu.memory_space<vmem>>
    tpu.wait_dma2 semaphore(%arg18 : memref<!tpu.dma_semaphore, #tpu.memory_space<semaphore_mem>>) src(%dma_wait3A_420 : memref<80x128xf32, #tpu.memory_space<vmem>>) dst(%dma_wait3A_416 : memref<80x128xf32, #tpu.memory_space<vmem_shared>>)
    %add3A_421 = arith.constant 112 : i32
    %add3A_422 = arith.addi %add3A_421, %arg1 : i32
    %lt3A = arith.constant 125 : i32
    %lt3A_423 = arith.cmpi slt, %add3A_422, %lt3A : i32
    %convert_element_type3A = arith.extui %lt3A_423 : i1 to i32
    %cond3A = arith.constant 1 : i32
    %cond3A_424 = arith.constant 0 : i32
    %cond3A_425 = arith.cmpi ne, %convert_element_type3A, %cond3A_424 : i32
    scf.if %cond3A_425 {
      %add3A_1040 = arith.constant 112 : i32
      %add3A_1041 = arith.addi %add3A_1040, %arg1 : i32
      %mul3A_1042 = arith.constant 80 : i32
      %mul3A_1043 = arith.muli %add3A_1041, %mul3A_1042 : i32
      %mul3A_1044 = arith.constant 128 : i32
      %mul3A_1045 = arith.muli %arg0, %mul3A_1044 : i32
      %dma_start3A_1046 = arith.constant 0 : i32
      %dma_start3A_1047 = arith.constant 0 : i32
      %dma_start3A_1048 = tpu.memref_slice %arg7[%cond3A, %dma_start3A_1046, %dma_start3A_1047] : memref<4x80x128xf32, #tpu.memory_space<vmem>> -> memref<1x80x128xf32, #tpu.memory_space<vmem>>
      %dma_start3A_1049 = tpu.memref_squeeze %dma_start3A_1048 : memref<1x80x128xf32, #tpu.memory_space<vmem>> -> memref<80x128xf32, #tpu.memory_space<vmem>>
      %dma_start3A_1050 = tpu.memref_slice %arg2[%mul3A_1043, %mul3A_1045] : memref<10000x256xf32, #tpu.memory_space<hbm>> -> memref<80x128xf32, #tpu.memory_space<hbm>>
      %dma_start3A_1051 = arith.constant 0 : i32
      %dma_start3A_1052 = arith.constant 0 : i32
      %dma_start3A_1053 = tpu.memref_slice %arg7[%cond3A, %dma_start3A_1051, %dma_start3A_1052] : memref<4x80x128xf32, #tpu.memory_space<vmem>> -> memref<1x80x128xf32, #tpu.memory_space<vmem>>
      %dma_start3A_1054 = tpu.memref_squeeze %dma_start3A_1053 : memref<1x80x128xf32, #tpu.memory_space<vmem>> -> memref<80x128xf32, #tpu.memory_space<vmem>>
      %dma_start3A_1055 = tpu.memref_slice %arg2[%mul3A_1043, %mul3A_1045] : memref<10000x256xf32, #tpu.memory_space<hbm>> -> memref<80x128xf32, #tpu.memory_space<hbm>>
      tpu.enqueue_dma source(%dma_start3A_1055 : memref<80x128xf32, #tpu.memory_space<hbm>>) target(%dma_start3A_1054 : memref<80x128xf32, #tpu.memory_space<vmem>>) target_semaphore(%arg10 : memref<!tpu.dma_semaphore, #tpu.memory_space<semaphore_mem>>)
    } else {
    }
    %add3A_426 = arith.constant 96 : i32
    %add3A_427 = arith.addi %add3A_426, %arg1 : i32
    %mul3A_428 = arith.constant 80 : i32
    %mul3A_429 = arith.muli %add3A_427, %mul3A_428 : i32
    %mul3A_430 = arith.constant 128 : i32
    %mul3A_431 = arith.muli %arg0, %mul3A_430 : i32
    %dma_wait3A_432 = arith.constant 0 : i32
    %dma_wait3A_433 = arith.constant 0 : i32
    %dma_wait3A_434 = arith.constant 0 : i32
    %dma_wait3A_435 = tpu.memref_slice %arg7[%dma_wait3A_432, %dma_wait3A_433, %dma_wait3A_434] : memref<4x80x128xf32, #tpu.memory_space<vmem>> -> memref<1x80x128xf32, #tpu.memory_space<vmem>>
    %dma_wait3A_436 = tpu.memref_squeeze %dma_wait3A_435 : memref<1x80x128xf32, #tpu.memory_space<vmem>> -> memref<80x128xf32, #tpu.memory_space<vmem>>
    %dma_wait3A_437 = tpu.memref_slice %arg2[%mul3A_429, %mul3A_431] : memref<10000x256xf32, #tpu.memory_space<hbm>> -> memref<80x128xf32, #tpu.memory_space<hbm>>
    %dma_wait3A_438 = arith.constant 0 : i32
    %dma_wait3A_439 = arith.constant 0 : i32
    %dma_wait3A_440 = tpu.memref_slice %arg7[%dma_wait3A_432, %dma_wait3A_438, %dma_wait3A_439] : memref<4x80x128xf32, #tpu.memory_space<vmem>> -> memref<1x80x128xf32, #tpu.memory_space<vmem>>
    %dma_wait3A_441 = tpu.memref_squeeze %dma_wait3A_440 : memref<1x80x128xf32, #tpu.memory_space<vmem>> -> memref<80x128xf32, #tpu.memory_space<vmem>>
    %dma_wait3A_442 = tpu.memref_slice %arg2[%mul3A_429, %mul3A_431] : memref<10000x256xf32, #tpu.memory_space<hbm>> -> memref<80x128xf32, #tpu.memory_space<hbm>>
    tpu.wait_dma2 semaphore(%arg9 : memref<!tpu.dma_semaphore, #tpu.memory_space<semaphore_mem>>) src(%dma_wait3A_442 : memref<80x128xf32, #tpu.memory_space<hbm>>) dst(%dma_wait3A_441 : memref<80x128xf32, #tpu.memory_space<vmem>>)
    %add3A_443 = arith.constant 96 : i32
    %add3A_444 = arith.addi %add3A_443, %arg1 : i32
    %mul3A_445 = arith.constant 80 : i32
    %mul3A_446 = arith.muli %add3A_444, %mul3A_445 : i32
    %dma_start3A_447 = arith.constant 0 : i32
    %dma_start3A_448 = arith.constant 0 : i32
    %dma_start3A_449 = arith.constant 0 : i32
    %dma_start3A_450 = tpu.memref_slice %arg7[%dma_start3A_447, %dma_start3A_448, %dma_start3A_449] : memref<4x80x128xf32, #tpu.memory_space<vmem>> -> memref<1x80x128xf32, #tpu.memory_space<vmem>>
    %dma_start3A_451 = tpu.memref_squeeze %dma_start3A_450 : memref<1x80x128xf32, #tpu.memory_space<vmem>> -> memref<80x128xf32, #tpu.memory_space<vmem>>
    %dma_start3A_452 = arith.constant 0 : i32
    %dma_start3A_453 = tpu.memref_slice %arg8[%mul3A_446, %dma_start3A_452] : memref<10000x128xf32, #tpu.memory_space<vmem_shared>> -> memref<80x128xf32, #tpu.memory_space<vmem_shared>>
    %dma_start3A_454 = arith.constant 0 : i32
    %dma_start3A_455 = tpu.memref_slice %arg8[%mul3A_446, %dma_start3A_454] : memref<10000x128xf32, #tpu.memory_space<vmem_shared>> -> memref<80x128xf32, #tpu.memory_space<vmem_shared>>
    %dma_start3A_456 = arith.constant 0 : i32
    %dma_start3A_457 = arith.constant 0 : i32
    %dma_start3A_458 = tpu.memref_slice %arg7[%dma_start3A_447, %dma_start3A_456, %dma_start3A_457] : memref<4x80x128xf32, #tpu.memory_space<vmem>> -> memref<1x80x128xf32, #tpu.memory_space<vmem>>
    %dma_start3A_459 = tpu.memref_squeeze %dma_start3A_458 : memref<1x80x128xf32, #tpu.memory_space<vmem>> -> memref<80x128xf32, #tpu.memory_space<vmem>>
    tpu.enqueue_dma source(%dma_start3A_459 : memref<80x128xf32, #tpu.memory_space<vmem>>) target(%dma_start3A_455 : memref<80x128xf32, #tpu.memory_space<vmem_shared>>) target_semaphore(%arg17 : memref<!tpu.dma_semaphore, #tpu.memory_space<semaphore_mem>>)
    %add3A_460 = arith.constant 112 : i32
    %add3A_461 = arith.addi %add3A_460, %arg1 : i32
    %lt3A_462 = arith.constant 125 : i32
    %lt3A_463 = arith.cmpi slt, %add3A_461, %lt3A_462 : i32
    %convert_element_type3A_464 = arith.extui %lt3A_463 : i1 to i32
    %cond3A_465 = arith.constant 1 : i32
    %cond3A_466 = arith.constant 0 : i32
    %cond3A_467 = arith.cmpi ne, %convert_element_type3A_464, %cond3A_466 : i32
    scf.if %cond3A_467 {
      %add3A_1040 = arith.constant 112 : i32
      %add3A_1041 = arith.addi %add3A_1040, %arg1 : i32
      %mul3A_1042 = arith.constant 80 : i32
      %mul3A_1043 = arith.muli %add3A_1041, %mul3A_1042 : i32
      %mul3A_1044 = arith.constant 128 : i32
      %mul3A_1045 = arith.muli %arg0, %mul3A_1044 : i32
      %dma_wait3A_1046 = arith.constant 0 : i32
      %dma_wait3A_1047 = arith.constant 0 : i32
      %dma_wait3A_1048 = tpu.memref_slice %arg7[%cond3A_465, %dma_wait3A_1046, %dma_wait3A_1047] : memref<4x80x128xf32, #tpu.memory_space<vmem>> -> memref<1x80x128xf32, #tpu.memory_space<vmem>>
      %dma_wait3A_1049 = tpu.memref_squeeze %dma_wait3A_1048 : memref<1x80x128xf32, #tpu.memory_space<vmem>> -> memref<80x128xf32, #tpu.memory_space<vmem>>
      %dma_wait3A_1050 = tpu.memref_slice %arg2[%mul3A_1043, %mul3A_1045] : memref<10000x256xf32, #tpu.memory_space<hbm>> -> memref<80x128xf32, #tpu.memory_space<hbm>>
      %dma_wait3A_1051 = arith.constant 0 : i32
      %dma_wait3A_1052 = arith.constant 0 : i32
      %dma_wait3A_1053 = tpu.memref_slice %arg7[%cond3A_465, %dma_wait3A_1051, %dma_wait3A_1052] : memref<4x80x128xf32, #tpu.memory_space<vmem>> -> memref<1x80x128xf32, #tpu.memory_space<vmem>>
      %dma_wait3A_1054 = tpu.memref_squeeze %dma_wait3A_1053 : memref<1x80x128xf32, #tpu.memory_space<vmem>> -> memref<80x128xf32, #tpu.memory_space<vmem>>
      %dma_wait3A_1055 = tpu.memref_slice %arg2[%mul3A_1043, %mul3A_1045] : memref<10000x256xf32, #tpu.memory_space<hbm>> -> memref<80x128xf32, #tpu.memory_space<hbm>>
      tpu.wait_dma2 semaphore(%arg10 : memref<!tpu.dma_semaphore, #tpu.memory_space<semaphore_mem>>) src(%dma_wait3A_1055 : memref<80x128xf32, #tpu.memory_space<hbm>>) dst(%dma_wait3A_1054 : memref<80x128xf32, #tpu.memory_space<vmem>>)
      %add3A_1056 = arith.constant 112 : i32
      %add3A_1057 = arith.addi %add3A_1056, %arg1 : i32
      %mul3A_1058 = arith.constant 80 : i32
      %mul3A_1059 = arith.muli %add3A_1057, %mul3A_1058 : i32
      %dma_start3A_1060 = arith.constant 0 : i32
      %dma_start3A_1061 = arith.constant 0 : i32
      %dma_start3A_1062 = tpu.memref_slice %arg7[%cond3A_465, %dma_start3A_1060, %dma_start3A_1061] : memref<4x80x128xf32, #tpu.memory_space<vmem>> -> memref<1x80x128xf32, #tpu.memory_space<vmem>>
      %dma_start3A_1063 = tpu.memref_squeeze %dma_start3A_1062 : memref<1x80x128xf32, #tpu.memory_space<vmem>> -> memref<80x128xf32, #tpu.memory_space<vmem>>
      %dma_start3A_1064 = arith.constant 0 : i32
      %dma_start3A_1065 = tpu.memref_slice %arg8[%mul3A_1059, %dma_start3A_1064] : memref<10000x128xf32, #tpu.memory_space<vmem_shared>> -> memref<80x128xf32, #tpu.memory_space<vmem_shared>>
      %dma_start3A_1066 = arith.constant 0 : i32
      %dma_start3A_1067 = tpu.memref_slice %arg8[%mul3A_1059, %dma_start3A_1066] : memref<10000x128xf32, #tpu.memory_space<vmem_shared>> -> memref<80x128xf32, #tpu.memory_space<vmem_shared>>
      %dma_start3A_1068 = arith.constant 0 : i32
      %dma_start3A_1069 = arith.constant 0 : i32
      %dma_start3A_1070 = tpu.memref_slice %arg7[%cond3A_465, %dma_start3A_1068, %dma_start3A_1069] : memref<4x80x128xf32, #tpu.memory_space<vmem>> -> memref<1x80x128xf32, #tpu.memory_space<vmem>>
      %dma_start3A_1071 = tpu.memref_squeeze %dma_start3A_1070 : memref<1x80x128xf32, #tpu.memory_space<vmem>> -> memref<80x128xf32, #tpu.memory_space<vmem>>
      tpu.enqueue_dma source(%dma_start3A_1071 : memref<80x128xf32, #tpu.memory_space<vmem>>) target(%dma_start3A_1067 : memref<80x128xf32, #tpu.memory_space<vmem_shared>>) target_semaphore(%arg18 : memref<!tpu.dma_semaphore, #tpu.memory_space<semaphore_mem>>)
      %add3A_1072 = arith.constant 112 : i32
      %add3A_1073 = arith.addi %add3A_1072, %arg1 : i32
      %mul3A_1074 = arith.constant 80 : i32
      %mul3A_1075 = arith.muli %add3A_1073, %mul3A_1074 : i32
      %dma_wait3A_1076 = arith.constant 0 : i32
      %dma_wait3A_1077 = arith.constant 0 : i32
      %dma_wait3A_1078 = tpu.memref_slice %arg7[%cond3A_465, %dma_wait3A_1076, %dma_wait3A_1077] : memref<4x80x128xf32, #tpu.memory_space<vmem>> -> memref<1x80x128xf32, #tpu.memory_space<vmem>>
      %dma_wait3A_1079 = tpu.memref_squeeze %dma_wait3A_1078 : memref<1x80x128xf32, #tpu.memory_space<vmem>> -> memref<80x128xf32, #tpu.memory_space<vmem>>
      %dma_wait3A_1080 = arith.constant 0 : i32
      %dma_wait3A_1081 = tpu.memref_slice %arg8[%mul3A_1075, %dma_wait3A_1080] : memref<10000x128xf32, #tpu.memory_space<vmem_shared>> -> memref<80x128xf32, #tpu.memory_space<vmem_shared>>
      %dma_wait3A_1082 = arith.constant 0 : i32
      %dma_wait3A_1083 = tpu.memref_slice %arg8[%mul3A_1075, %dma_wait3A_1082] : memref<10000x128xf32, #tpu.memory_space<vmem_shared>> -> memref<80x128xf32, #tpu.memory_space<vmem_shared>>
      %dma_wait3A_1084 = arith.constant 0 : i32
      %dma_wait3A_1085 = arith.constant 0 : i32
      %dma_wait3A_1086 = tpu.memref_slice %arg7[%cond3A_465, %dma_wait3A_1084, %dma_wait3A_1085] : memref<4x80x128xf32, #tpu.memory_space<vmem>> -> memref<1x80x128xf32, #tpu.memory_space<vmem>>
      %dma_wait3A_1087 = tpu.memref_squeeze %dma_wait3A_1086 : memref<1x80x128xf32, #tpu.memory_space<vmem>> -> memref<80x128xf32, #tpu.memory_space<vmem>>
      tpu.wait_dma2 semaphore(%arg18 : memref<!tpu.dma_semaphore, #tpu.memory_space<semaphore_mem>>) src(%dma_wait3A_1087 : memref<80x128xf32, #tpu.memory_space<vmem>>) dst(%dma_wait3A_1083 : memref<80x128xf32, #tpu.memory_space<vmem_shared>>)
    } else {
    }
    %add3A_468 = arith.constant 96 : i32
    %add3A_469 = arith.addi %add3A_468, %arg1 : i32
    %mul3A_470 = arith.constant 80 : i32
    %mul3A_471 = arith.muli %add3A_469, %mul3A_470 : i32
    %dma_wait3A_472 = arith.constant 0 : i32
    %dma_wait3A_473 = arith.constant 0 : i32
    %dma_wait3A_474 = arith.constant 0 : i32
    %dma_wait3A_475 = tpu.memref_slice %arg7[%dma_wait3A_472, %dma_wait3A_473, %dma_wait3A_474] : memref<4x80x128xf32, #tpu.memory_space<vmem>> -> memref<1x80x128xf32, #tpu.memory_space<vmem>>
    %dma_wait3A_476 = tpu.memref_squeeze %dma_wait3A_475 : memref<1x80x128xf32, #tpu.memory_space<vmem>> -> memref<80x128xf32, #tpu.memory_space<vmem>>
    %dma_wait3A_477 = arith.constant 0 : i32
    %dma_wait3A_478 = tpu.memref_slice %arg8[%mul3A_471, %dma_wait3A_477] : memref<10000x128xf32, #tpu.memory_space<vmem_shared>> -> memref<80x128xf32, #tpu.memory_space<vmem_shared>>
    %dma_wait3A_479 = arith.constant 0 : i32
    %dma_wait3A_480 = tpu.memref_slice %arg8[%mul3A_471, %dma_wait3A_479] : memref<10000x128xf32, #tpu.memory_space<vmem_shared>> -> memref<80x128xf32, #tpu.memory_space<vmem_shared>>
    %dma_wait3A_481 = arith.constant 0 : i32
    %dma_wait3A_482 = arith.constant 0 : i32
    %dma_wait3A_483 = tpu.memref_slice %arg7[%dma_wait3A_472, %dma_wait3A_481, %dma_wait3A_482] : memref<4x80x128xf32, #tpu.memory_space<vmem>> -> memref<1x80x128xf32, #tpu.memory_space<vmem>>
    %dma_wait3A_484 = tpu.memref_squeeze %dma_wait3A_483 : memref<1x80x128xf32, #tpu.memory_space<vmem>> -> memref<80x128xf32, #tpu.memory_space<vmem>>
    tpu.wait_dma2 semaphore(%arg17 : memref<!tpu.dma_semaphore, #tpu.memory_space<semaphore_mem>>) src(%dma_wait3A_484 : memref<80x128xf32, #tpu.memory_space<vmem>>) dst(%dma_wait3A_480 : memref<80x128xf32, #tpu.memory_space<vmem_shared>>)
    %barrier3A = arith.constant 0 : index
    tpu.barrier barrier_id(%barrier3A)
    %scan3A = arith.constant 0 : i32
    %scan3A_485 = arith.constant 0 : i32
    %scan3A_486 = arith.constant 31 : i32
    %scan3A_487 = arith.addi %scan3A_485, %scan3A_486 : i32
    %scan3A_488 = arith.constant 1 : i32
    scf.for %scan3A_1040 = %scan3A_485 to %scan3A_487 step %scan3A_488  : i32 {
      %mul3A_1041 = arith.constant 4 : i32
      %mul3A_1042 = arith.muli %scan3A_1040, %mul3A_1041 : i32
      %add3A_1043 = arith.constant 0 : i32
      %add3A_1044 = arith.addi %mul3A_1042, %add3A_1043 : i32
      %mul3A_1045 = arith.constant 16 : i32
      %mul3A_1046 = arith.muli %add3A_1044, %mul3A_1045 : i32
      %add3A_1047 = arith.addi %mul3A_1046, %arg1 : i32
      %mul3A_1048 = arith.constant 80 : i32
      %mul3A_1049 = arith.muli %add3A_1047, %mul3A_1048 : i32
      %mul3A_1050 = arith.constant 4 : i32
      %mul3A_1051 = arith.muli %scan3A_1040, %mul3A_1050 : i32
      %add3A_1052 = arith.constant 1 : i32
      %add3A_1053 = arith.addi %mul3A_1051, %add3A_1052 : i32
      %mul3A_1054 = arith.constant 16 : i32
      %mul3A_1055 = arith.muli %add3A_1053, %mul3A_1054 : i32
      %add3A_1056 = arith.addi %mul3A_1055, %arg1 : i32
      %mul3A_1057 = arith.constant 80 : i32
      %mul3A_1058 = arith.muli %add3A_1056, %mul3A_1057 : i32
      %mul3A_1059 = arith.constant 4 : i32
      %mul3A_1060 = arith.muli %scan3A_1040, %mul3A_1059 : i32
      %add3A_1061 = arith.constant 2 : i32
      %add3A_1062 = arith.addi %mul3A_1060, %add3A_1061 : i32
      %mul3A_1063 = arith.constant 16 : i32
      %mul3A_1064 = arith.muli %add3A_1062, %mul3A_1063 : i32
      %add3A_1065 = arith.addi %mul3A_1064, %arg1 : i32
      %mul3A_1066 = arith.constant 80 : i32
      %mul3A_1067 = arith.muli %add3A_1065, %mul3A_1066 : i32
      %mul3A_1068 = arith.constant 4 : i32
      %mul3A_1069 = arith.muli %scan3A_1040, %mul3A_1068 : i32
      %add3A_1070 = arith.constant 3 : i32
      %add3A_1071 = arith.addi %mul3A_1069, %add3A_1070 : i32
      %mul3A_1072 = arith.constant 16 : i32
      %mul3A_1073 = arith.muli %add3A_1071, %mul3A_1072 : i32
      %add3A_1074 = arith.addi %mul3A_1073, %arg1 : i32
      %mul3A_1075 = arith.constant 80 : i32
      %mul3A_1076 = arith.muli %add3A_1074, %mul3A_1075 : i32
      %gt3A = arith.constant 0 : i32
      %gt3A_1077 = arith.cmpi sgt, %scan3A_1040, %gt3A : i32
      %convert_element_type3A_1078 = arith.extui %gt3A_1077 : i1 to i32
      %cond3A_1079 = arith.constant 0 : i32
      %cond3A_1080 = arith.cmpi ne, %convert_element_type3A_1078, %cond3A_1079 : i32
      scf.if %cond3A_1080 {
        %dma_wait3A_1320 = arith.constant 0 : i32
        %dma_wait3A_1321 = arith.constant 0 : i32
        %dma_wait3A_1322 = arith.constant 0 : i32
        %dma_wait3A_1323 = arith.constant 0 : i32
        %dma_wait3A_1324 = tpu.memref_slice %arg7[%dma_wait3A_1320, %dma_wait3A_1322, %dma_wait3A_1323] : memref<4x80x128xf32, #tpu.memory_space<vmem>> -> memref<1x80x128xf32, #tpu.memory_space<vmem>>
        %dma_wait3A_1325 = tpu.memref_squeeze %dma_wait3A_1324 : memref<1x80x128xf32, #tpu.memory_space<vmem>> -> memref<80x128xf32, #tpu.memory_space<vmem>>
        %dma_wait3A_1326 = arith.constant 0 : i32
        %dma_wait3A_1327 = tpu.memref_slice %arg6[%dma_wait3A_1321, %dma_wait3A_1326] : memref<4x80xi32, #tpu.memory_space<vmem>> -> memref<1x80xi32, #tpu.memory_space<vmem>>
        %dma_wait3A_1328 = tpu.memref_squeeze %dma_wait3A_1327 : memref<1x80xi32, #tpu.memory_space<vmem>> -> memref<80xi32, #tpu.memory_space<vmem>>
        %dma_wait3A_1329 = arith.constant 0 : i32
        %dma_wait3A_1330 = arith.constant 0 : i32
        %dma_wait3A_1331 = tpu.memref_slice %arg8[%dma_wait3A_1329, %dma_wait3A_1330] : memref<10000x128xf32, #tpu.memory_space<vmem_shared>> -> memref<10000x128xf32, #tpu.memory_space<vmem_shared>>
        tpu.wait_indirect_dma semaphore(%arg17 : memref<!tpu.dma_semaphore, #tpu.memory_space<semaphore_mem>>) src(%dma_wait3A_1325 : memref<80x128xf32, #tpu.memory_space<vmem>>) dst(%dma_wait3A_1331 : memref<10000x128xf32, #tpu.memory_space<vmem_shared>>)
      } else {
      }
      %dma_start3A_1081 = arith.constant 0 : i32
      %dma_start3A_1082 = arith.constant 0 : i32
      %dma_start3A_1083 = tpu.memref_slice %arg6[%dma_start3A_1081, %dma_start3A_1082] : memref<4x80xi32, #tpu.memory_space<vmem>> -> memref<1x80xi32, #tpu.memory_space<vmem>>
      %dma_start3A_1084 = tpu.memref_squeeze %dma_start3A_1083 : memref<1x80xi32, #tpu.memory_space<vmem>> -> memref<80xi32, #tpu.memory_space<vmem>>
      %dma_start3A_1085 = tpu.memref_slice %arg4[%mul3A_1049] : memref<160000xi32, #tpu.memory_space<hbm>> -> memref<80xi32, #tpu.memory_space<hbm>>
      %dma_start3A_1086 = arith.constant 0 : i32
      %dma_start3A_1087 = tpu.memref_slice %arg6[%dma_start3A_1081, %dma_start3A_1086] : memref<4x80xi32, #tpu.memory_space<vmem>> -> memref<1x80xi32, #tpu.memory_space<vmem>>
      %dma_start3A_1088 = tpu.memref_squeeze %dma_start3A_1087 : memref<1x80xi32, #tpu.memory_space<vmem>> -> memref<80xi32, #tpu.memory_space<vmem>>
      %dma_start3A_1089 = tpu.memref_slice %arg4[%mul3A_1049] : memref<160000xi32, #tpu.memory_space<hbm>> -> memref<80xi32, #tpu.memory_space<hbm>>
      tpu.enqueue_dma source(%dma_start3A_1089 : memref<80xi32, #tpu.memory_space<hbm>>) target(%dma_start3A_1088 : memref<80xi32, #tpu.memory_space<vmem>>) target_semaphore(%arg9 : memref<!tpu.dma_semaphore, #tpu.memory_space<semaphore_mem>>)
      %mul3A_1090 = arith.constant 128 : i32
      %mul3A_1091 = arith.muli %arg0, %mul3A_1090 : i32
      %dma_start3A_1092 = arith.constant 0 : i32
      %dma_start3A_1093 = arith.constant 0 : i32
      %dma_start3A_1094 = arith.constant 0 : i32
      %dma_start3A_1095 = tpu.memref_slice %arg7[%dma_start3A_1092, %dma_start3A_1093, %dma_start3A_1094] : memref<4x80x128xf32, #tpu.memory_space<vmem>> -> memref<1x80x128xf32, #tpu.memory_space<vmem>>
      %dma_start3A_1096 = tpu.memref_squeeze %dma_start3A_1095 : memref<1x80x128xf32, #tpu.memory_space<vmem>> -> memref<80x128xf32, #tpu.memory_space<vmem>>
      %dma_start3A_1097 = tpu.memref_slice %arg3[%mul3A_1049, %mul3A_1091] : memref<160000x256xf32, #tpu.memory_space<hbm>> -> memref<80x128xf32, #tpu.memory_space<hbm>>
      %dma_start3A_1098 = arith.constant 0 : i32
      %dma_start3A_1099 = arith.constant 0 : i32
      %dma_start3A_1100 = tpu.memref_slice %arg7[%dma_start3A_1092, %dma_start3A_1098, %dma_start3A_1099] : memref<4x80x128xf32, #tpu.memory_space<vmem>> -> memref<1x80x128xf32, #tpu.memory_space<vmem>>
      %dma_start3A_1101 = tpu.memref_squeeze %dma_start3A_1100 : memref<1x80x128xf32, #tpu.memory_space<vmem>> -> memref<80x128xf32, #tpu.memory_space<vmem>>
      %dma_start3A_1102 = tpu.memref_slice %arg3[%mul3A_1049, %mul3A_1091] : memref<160000x256xf32, #tpu.memory_space<hbm>> -> memref<80x128xf32, #tpu.memory_space<hbm>>
      tpu.enqueue_dma source(%dma_start3A_1102 : memref<80x128xf32, #tpu.memory_space<hbm>>) target(%dma_start3A_1101 : memref<80x128xf32, #tpu.memory_space<vmem>>) target_semaphore(%arg13 : memref<!tpu.dma_semaphore, #tpu.memory_space<semaphore_mem>>)
      %gt3A_1103 = arith.constant 0 : i32
      %gt3A_1104 = arith.cmpi sgt, %scan3A_1040, %gt3A_1103 : i32
      %convert_element_type3A_1105 = arith.extui %gt3A_1104 : i1 to i32
      %cond3A_1106 = arith.constant 0 : i32
      %cond3A_1107 = arith.cmpi ne, %convert_element_type3A_1105, %cond3A_1106 : i32
      scf.if %cond3A_1107 {
        %dma_wait3A_1320 = arith.constant 1 : i32
        %dma_wait3A_1321 = arith.constant 1 : i32
        %dma_wait3A_1322 = arith.constant 0 : i32
        %dma_wait3A_1323 = arith.constant 0 : i32
        %dma_wait3A_1324 = tpu.memref_slice %arg7[%dma_wait3A_1320, %dma_wait3A_1322, %dma_wait3A_1323] : memref<4x80x128xf32, #tpu.memory_space<vmem>> -> memref<1x80x128xf32, #tpu.memory_space<vmem>>
        %dma_wait3A_1325 = tpu.memref_squeeze %dma_wait3A_1324 : memref<1x80x128xf32, #tpu.memory_space<vmem>> -> memref<80x128xf32, #tpu.memory_space<vmem>>
        %dma_wait3A_1326 = arith.constant 0 : i32
        %dma_wait3A_1327 = tpu.memref_slice %arg6[%dma_wait3A_1321, %dma_wait3A_1326] : memref<4x80xi32, #tpu.memory_space<vmem>> -> memref<1x80xi32, #tpu.memory_space<vmem>>
        %dma_wait3A_1328 = tpu.memref_squeeze %dma_wait3A_1327 : memref<1x80xi32, #tpu.memory_space<vmem>> -> memref<80xi32, #tpu.memory_space<vmem>>
        %dma_wait3A_1329 = arith.constant 0 : i32
        %dma_wait3A_1330 = arith.constant 0 : i32
        %dma_wait3A_1331 = tpu.memref_slice %arg8[%dma_wait3A_1329, %dma_wait3A_1330] : memref<10000x128xf32, #tpu.memory_space<vmem_shared>> -> memref<10000x128xf32, #tpu.memory_space<vmem_shared>>
        tpu.wait_indirect_dma semaphore(%arg18 : memref<!tpu.dma_semaphore, #tpu.memory_space<semaphore_mem>>) src(%dma_wait3A_1325 : memref<80x128xf32, #tpu.memory_space<vmem>>) dst(%dma_wait3A_1331 : memref<10000x128xf32, #tpu.memory_space<vmem_shared>>)
      } else {
      }
      %dma_start3A_1108 = arith.constant 1 : i32
      %dma_start3A_1109 = arith.constant 0 : i32
      %dma_start3A_1110 = tpu.memref_slice %arg6[%dma_start3A_1108, %dma_start3A_1109] : memref<4x80xi32, #tpu.memory_space<vmem>> -> memref<1x80xi32, #tpu.memory_space<vmem>>
      %dma_start3A_1111 = tpu.memref_squeeze %dma_start3A_1110 : memref<1x80xi32, #tpu.memory_space<vmem>> -> memref<80xi32, #tpu.memory_space<vmem>>
      %dma_start3A_1112 = tpu.memref_slice %arg4[%mul3A_1058] : memref<160000xi32, #tpu.memory_space<hbm>> -> memref<80xi32, #tpu.memory_space<hbm>>
      %dma_start3A_1113 = arith.constant 0 : i32
      %dma_start3A_1114 = tpu.memref_slice %arg6[%dma_start3A_1108, %dma_start3A_1113] : memref<4x80xi32, #tpu.memory_space<vmem>> -> memref<1x80xi32, #tpu.memory_space<vmem>>
      %dma_start3A_1115 = tpu.memref_squeeze %dma_start3A_1114 : memref<1x80xi32, #tpu.memory_space<vmem>> -> memref<80xi32, #tpu.memory_space<vmem>>
      %dma_start3A_1116 = tpu.memref_slice %arg4[%mul3A_1058] : memref<160000xi32, #tpu.memory_space<hbm>> -> memref<80xi32, #tpu.memory_space<hbm>>
      tpu.enqueue_dma source(%dma_start3A_1116 : memref<80xi32, #tpu.memory_space<hbm>>) target(%dma_start3A_1115 : memref<80xi32, #tpu.memory_space<vmem>>) target_semaphore(%arg10 : memref<!tpu.dma_semaphore, #tpu.memory_space<semaphore_mem>>)
      %mul3A_1117 = arith.constant 128 : i32
      %mul3A_1118 = arith.muli %arg0, %mul3A_1117 : i32
      %dma_start3A_1119 = arith.constant 1 : i32
      %dma_start3A_1120 = arith.constant 0 : i32
      %dma_start3A_1121 = arith.constant 0 : i32
      %dma_start3A_1122 = tpu.memref_slice %arg7[%dma_start3A_1119, %dma_start3A_1120, %dma_start3A_1121] : memref<4x80x128xf32, #tpu.memory_space<vmem>> -> memref<1x80x128xf32, #tpu.memory_space<vmem>>
      %dma_start3A_1123 = tpu.memref_squeeze %dma_start3A_1122 : memref<1x80x128xf32, #tpu.memory_space<vmem>> -> memref<80x128xf32, #tpu.memory_space<vmem>>
      %dma_start3A_1124 = tpu.memref_slice %arg3[%mul3A_1058, %mul3A_1118] : memref<160000x256xf32, #tpu.memory_space<hbm>> -> memref<80x128xf32, #tpu.memory_space<hbm>>
      %dma_start3A_1125 = arith.constant 0 : i32
      %dma_start3A_1126 = arith.constant 0 : i32
      %dma_start3A_1127 = tpu.memref_slice %arg7[%dma_start3A_1119, %dma_start3A_1125, %dma_start3A_1126] : memref<4x80x128xf32, #tpu.memory_space<vmem>> -> memref<1x80x128xf32, #tpu.memory_space<vmem>>
      %dma_start3A_1128 = tpu.memref_squeeze %dma_start3A_1127 : memref<1x80x128xf32, #tpu.memory_space<vmem>> -> memref<80x128xf32, #tpu.memory_space<vmem>>
      %dma_start3A_1129 = tpu.memref_slice %arg3[%mul3A_1058, %mul3A_1118] : memref<160000x256xf32, #tpu.memory_space<hbm>> -> memref<80x128xf32, #tpu.memory_space<hbm>>
      tpu.enqueue_dma source(%dma_start3A_1129 : memref<80x128xf32, #tpu.memory_space<hbm>>) target(%dma_start3A_1128 : memref<80x128xf32, #tpu.memory_space<vmem>>) target_semaphore(%arg14 : memref<!tpu.dma_semaphore, #tpu.memory_space<semaphore_mem>>)
      %gt3A_1130 = arith.constant 0 : i32
      %gt3A_1131 = arith.cmpi sgt, %scan3A_1040, %gt3A_1130 : i32
      %convert_element_type3A_1132 = arith.extui %gt3A_1131 : i1 to i32
      %cond3A_1133 = arith.constant 0 : i32
      %cond3A_1134 = arith.cmpi ne, %convert_element_type3A_1132, %cond3A_1133 : i32
      scf.if %cond3A_1134 {
        %dma_wait3A_1320 = arith.constant 2 : i32
        %dma_wait3A_1321 = arith.constant 2 : i32
        %dma_wait3A_1322 = arith.constant 0 : i32
        %dma_wait3A_1323 = arith.constant 0 : i32
        %dma_wait3A_1324 = tpu.memref_slice %arg7[%dma_wait3A_1320, %dma_wait3A_1322, %dma_wait3A_1323] : memref<4x80x128xf32, #tpu.memory_space<vmem>> -> memref<1x80x128xf32, #tpu.memory_space<vmem>>
        %dma_wait3A_1325 = tpu.memref_squeeze %dma_wait3A_1324 : memref<1x80x128xf32, #tpu.memory_space<vmem>> -> memref<80x128xf32, #tpu.memory_space<vmem>>
        %dma_wait3A_1326 = arith.constant 0 : i32
        %dma_wait3A_1327 = tpu.memref_slice %arg6[%dma_wait3A_1321, %dma_wait3A_1326] : memref<4x80xi32, #tpu.memory_space<vmem>> -> memref<1x80xi32, #tpu.memory_space<vmem>>
        %dma_wait3A_1328 = tpu.memref_squeeze %dma_wait3A_1327 : memref<1x80xi32, #tpu.memory_space<vmem>> -> memref<80xi32, #tpu.memory_space<vmem>>
        %dma_wait3A_1329 = arith.constant 0 : i32
        %dma_wait3A_1330 = arith.constant 0 : i32
        %dma_wait3A_1331 = tpu.memref_slice %arg8[%dma_wait3A_1329, %dma_wait3A_1330] : memref<10000x128xf32, #tpu.memory_space<vmem_shared>> -> memref<10000x128xf32, #tpu.memory_space<vmem_shared>>
        tpu.wait_indirect_dma semaphore(%arg19 : memref<!tpu.dma_semaphore, #tpu.memory_space<semaphore_mem>>) src(%dma_wait3A_1325 : memref<80x128xf32, #tpu.memory_space<vmem>>) dst(%dma_wait3A_1331 : memref<10000x128xf32, #tpu.memory_space<vmem_shared>>)
      } else {
      }
      %dma_start3A_1135 = arith.constant 2 : i32
      %dma_start3A_1136 = arith.constant 0 : i32
      %dma_start3A_1137 = tpu.memref_slice %arg6[%dma_start3A_1135, %dma_start3A_1136] : memref<4x80xi32, #tpu.memory_space<vmem>> -> memref<1x80xi32, #tpu.memory_space<vmem>>
      %dma_start3A_1138 = tpu.memref_squeeze %dma_start3A_1137 : memref<1x80xi32, #tpu.memory_space<vmem>> -> memref<80xi32, #tpu.memory_space<vmem>>
      %dma_start3A_1139 = tpu.memref_slice %arg4[%mul3A_1067] : memref<160000xi32, #tpu.memory_space<hbm>> -> memref<80xi32, #tpu.memory_space<hbm>>
      %dma_start3A_1140 = arith.constant 0 : i32
      %dma_start3A_1141 = tpu.memref_slice %arg6[%dma_start3A_1135, %dma_start3A_1140] : memref<4x80xi32, #tpu.memory_space<vmem>> -> memref<1x80xi32, #tpu.memory_space<vmem>>
      %dma_start3A_1142 = tpu.memref_squeeze %dma_start3A_1141 : memref<1x80xi32, #tpu.memory_space<vmem>> -> memref<80xi32, #tpu.memory_space<vmem>>
      %dma_start3A_1143 = tpu.memref_slice %arg4[%mul3A_1067] : memref<160000xi32, #tpu.memory_space<hbm>> -> memref<80xi32, #tpu.memory_space<hbm>>
      tpu.enqueue_dma source(%dma_start3A_1143 : memref<80xi32, #tpu.memory_space<hbm>>) target(%dma_start3A_1142 : memref<80xi32, #tpu.memory_space<vmem>>) target_semaphore(%arg11 : memref<!tpu.dma_semaphore, #tpu.memory_space<semaphore_mem>>)
      %mul3A_1144 = arith.constant 128 : i32
      %mul3A_1145 = arith.muli %arg0, %mul3A_1144 : i32
      %dma_start3A_1146 = arith.constant 2 : i32
      %dma_start3A_1147 = arith.constant 0 : i32
      %dma_start3A_1148 = arith.constant 0 : i32
      %dma_start3A_1149 = tpu.memref_slice %arg7[%dma_start3A_1146, %dma_start3A_1147, %dma_start3A_1148] : memref<4x80x128xf32, #tpu.memory_space<vmem>> -> memref<1x80x128xf32, #tpu.memory_space<vmem>>
      %dma_start3A_1150 = tpu.memref_squeeze %dma_start3A_1149 : memref<1x80x128xf32, #tpu.memory_space<vmem>> -> memref<80x128xf32, #tpu.memory_space<vmem>>
      %dma_start3A_1151 = tpu.memref_slice %arg3[%mul3A_1067, %mul3A_1145] : memref<160000x256xf32, #tpu.memory_space<hbm>> -> memref<80x128xf32, #tpu.memory_space<hbm>>
      %dma_start3A_1152 = arith.constant 0 : i32
      %dma_start3A_1153 = arith.constant 0 : i32
      %dma_start3A_1154 = tpu.memref_slice %arg7[%dma_start3A_1146, %dma_start3A_1152, %dma_start3A_1153] : memref<4x80x128xf32, #tpu.memory_space<vmem>> -> memref<1x80x128xf32, #tpu.memory_space<vmem>>
      %dma_start3A_1155 = tpu.memref_squeeze %dma_start3A_1154 : memref<1x80x128xf32, #tpu.memory_space<vmem>> -> memref<80x128xf32, #tpu.memory_space<vmem>>
      %dma_start3A_1156 = tpu.memref_slice %arg3[%mul3A_1067, %mul3A_1145] : memref<160000x256xf32, #tpu.memory_space<hbm>> -> memref<80x128xf32, #tpu.memory_space<hbm>>
      tpu.enqueue_dma source(%dma_start3A_1156 : memref<80x128xf32, #tpu.memory_space<hbm>>) target(%dma_start3A_1155 : memref<80x128xf32, #tpu.memory_space<vmem>>) target_semaphore(%arg15 : memref<!tpu.dma_semaphore, #tpu.memory_space<semaphore_mem>>)
      %gt3A_1157 = arith.constant 0 : i32
      %gt3A_1158 = arith.cmpi sgt, %scan3A_1040, %gt3A_1157 : i32
      %convert_element_type3A_1159 = arith.extui %gt3A_1158 : i1 to i32
      %cond3A_1160 = arith.constant 0 : i32
      %cond3A_1161 = arith.cmpi ne, %convert_element_type3A_1159, %cond3A_1160 : i32
      scf.if %cond3A_1161 {
        %dma_wait3A_1320 = arith.constant 3 : i32
        %dma_wait3A_1321 = arith.constant 3 : i32
        %dma_wait3A_1322 = arith.constant 0 : i32
        %dma_wait3A_1323 = arith.constant 0 : i32
        %dma_wait3A_1324 = tpu.memref_slice %arg7[%dma_wait3A_1320, %dma_wait3A_1322, %dma_wait3A_1323] : memref<4x80x128xf32, #tpu.memory_space<vmem>> -> memref<1x80x128xf32, #tpu.memory_space<vmem>>
        %dma_wait3A_1325 = tpu.memref_squeeze %dma_wait3A_1324 : memref<1x80x128xf32, #tpu.memory_space<vmem>> -> memref<80x128xf32, #tpu.memory_space<vmem>>
        %dma_wait3A_1326 = arith.constant 0 : i32
        %dma_wait3A_1327 = tpu.memref_slice %arg6[%dma_wait3A_1321, %dma_wait3A_1326] : memref<4x80xi32, #tpu.memory_space<vmem>> -> memref<1x80xi32, #tpu.memory_space<vmem>>
        %dma_wait3A_1328 = tpu.memref_squeeze %dma_wait3A_1327 : memref<1x80xi32, #tpu.memory_space<vmem>> -> memref<80xi32, #tpu.memory_space<vmem>>
        %dma_wait3A_1329 = arith.constant 0 : i32
        %dma_wait3A_1330 = arith.constant 0 : i32
        %dma_wait3A_1331 = tpu.memref_slice %arg8[%dma_wait3A_1329, %dma_wait3A_1330] : memref<10000x128xf32, #tpu.memory_space<vmem_shared>> -> memref<10000x128xf32, #tpu.memory_space<vmem_shared>>
        tpu.wait_indirect_dma semaphore(%arg20 : memref<!tpu.dma_semaphore, #tpu.memory_space<semaphore_mem>>) src(%dma_wait3A_1325 : memref<80x128xf32, #tpu.memory_space<vmem>>) dst(%dma_wait3A_1331 : memref<10000x128xf32, #tpu.memory_space<vmem_shared>>)
      } else {
      }
      %dma_start3A_1162 = arith.constant 3 : i32
      %dma_start3A_1163 = arith.constant 0 : i32
      %dma_start3A_1164 = tpu.memref_slice %arg6[%dma_start3A_1162, %dma_start3A_1163] : memref<4x80xi32, #tpu.memory_space<vmem>> -> memref<1x80xi32, #tpu.memory_space<vmem>>
      %dma_start3A_1165 = tpu.memref_squeeze %dma_start3A_1164 : memref<1x80xi32, #tpu.memory_space<vmem>> -> memref<80xi32, #tpu.memory_space<vmem>>
      %dma_start3A_1166 = tpu.memref_slice %arg4[%mul3A_1076] : memref<160000xi32, #tpu.memory_space<hbm>> -> memref<80xi32, #tpu.memory_space<hbm>>
      %dma_start3A_1167 = arith.constant 0 : i32
      %dma_start3A_1168 = tpu.memref_slice %arg6[%dma_start3A_1162, %dma_start3A_1167] : memref<4x80xi32, #tpu.memory_space<vmem>> -> memref<1x80xi32, #tpu.memory_space<vmem>>
      %dma_start3A_1169 = tpu.memref_squeeze %dma_start3A_1168 : memref<1x80xi32, #tpu.memory_space<vmem>> -> memref<80xi32, #tpu.memory_space<vmem>>
      %dma_start3A_1170 = tpu.memref_slice %arg4[%mul3A_1076] : memref<160000xi32, #tpu.memory_space<hbm>> -> memref<80xi32, #tpu.memory_space<hbm>>
      tpu.enqueue_dma source(%dma_start3A_1170 : memref<80xi32, #tpu.memory_space<hbm>>) target(%dma_start3A_1169 : memref<80xi32, #tpu.memory_space<vmem>>) target_semaphore(%arg12 : memref<!tpu.dma_semaphore, #tpu.memory_space<semaphore_mem>>)
      %mul3A_1171 = arith.constant 128 : i32
      %mul3A_1172 = arith.muli %arg0, %mul3A_1171 : i32
      %dma_start3A_1173 = arith.constant 3 : i32
      %dma_start3A_1174 = arith.constant 0 : i32
      %dma_start3A_1175 = arith.constant 0 : i32
      %dma_start3A_1176 = tpu.memref_slice %arg7[%dma_start3A_1173, %dma_start3A_1174, %dma_start3A_1175] : memref<4x80x128xf32, #tpu.memory_space<vmem>> -> memref<1x80x128xf32, #tpu.memory_space<vmem>>
      %dma_start3A_1177 = tpu.memref_squeeze %dma_start3A_1176 : memref<1x80x128xf32, #tpu.memory_space<vmem>> -> memref<80x128xf32, #tpu.memory_space<vmem>>
      %dma_start3A_1178 = tpu.memref_slice %arg3[%mul3A_1076, %mul3A_1172] : memref<160000x256xf32, #tpu.memory_space<hbm>> -> memref<80x128xf32, #tpu.memory_space<hbm>>
      %dma_start3A_1179 = arith.constant 0 : i32
      %dma_start3A_1180 = arith.constant 0 : i32
      %dma_start3A_1181 = tpu.memref_slice %arg7[%dma_start3A_1173, %dma_start3A_1179, %dma_start3A_1180] : memref<4x80x128xf32, #tpu.memory_space<vmem>> -> memref<1x80x128xf32, #tpu.memory_space<vmem>>
      %dma_start3A_1182 = tpu.memref_squeeze %dma_start3A_1181 : memref<1x80x128xf32, #tpu.memory_space<vmem>> -> memref<80x128xf32, #tpu.memory_space<vmem>>
      %dma_start3A_1183 = tpu.memref_slice %arg3[%mul3A_1076, %mul3A_1172] : memref<160000x256xf32, #tpu.memory_space<hbm>> -> memref<80x128xf32, #tpu.memory_space<hbm>>
      tpu.enqueue_dma source(%dma_start3A_1183 : memref<80x128xf32, #tpu.memory_space<hbm>>) target(%dma_start3A_1182 : memref<80x128xf32, #tpu.memory_space<vmem>>) target_semaphore(%arg16 : memref<!tpu.dma_semaphore, #tpu.memory_space<semaphore_mem>>)
      %dma_wait3A_1184 = arith.constant 0 : i32
      %dma_wait3A_1185 = arith.constant 0 : i32
      %dma_wait3A_1186 = tpu.memref_slice %arg6[%dma_wait3A_1184, %dma_wait3A_1185] : memref<4x80xi32, #tpu.memory_space<vmem>> -> memref<1x80xi32, #tpu.memory_space<vmem>>
      %dma_wait3A_1187 = tpu.memref_squeeze %dma_wait3A_1186 : memref<1x80xi32, #tpu.memory_space<vmem>> -> memref<80xi32, #tpu.memory_space<vmem>>
      %dma_wait3A_1188 = tpu.memref_slice %arg4[%mul3A_1049] : memref<160000xi32, #tpu.memory_space<hbm>> -> memref<80xi32, #tpu.memory_space<hbm>>
      %dma_wait3A_1189 = arith.constant 0 : i32
      %dma_wait3A_1190 = tpu.memref_slice %arg6[%dma_wait3A_1184, %dma_wait3A_1189] : memref<4x80xi32, #tpu.memory_space<vmem>> -> memref<1x80xi32, #tpu.memory_space<vmem>>
      %dma_wait3A_1191 = tpu.memref_squeeze %dma_wait3A_1190 : memref<1x80xi32, #tpu.memory_space<vmem>> -> memref<80xi32, #tpu.memory_space<vmem>>
      %dma_wait3A_1192 = tpu.memref_slice %arg4[%mul3A_1049] : memref<160000xi32, #tpu.memory_space<hbm>> -> memref<80xi32, #tpu.memory_space<hbm>>
      tpu.wait_dma2 semaphore(%arg9 : memref<!tpu.dma_semaphore, #tpu.memory_space<semaphore_mem>>) src(%dma_wait3A_1192 : memref<80xi32, #tpu.memory_space<hbm>>) dst(%dma_wait3A_1191 : memref<80xi32, #tpu.memory_space<vmem>>)
      %mul3A_1193 = arith.constant 128 : i32
      %mul3A_1194 = arith.muli %arg0, %mul3A_1193 : i32
      %dma_wait3A_1195 = arith.constant 0 : i32
      %dma_wait3A_1196 = arith.constant 0 : i32
      %dma_wait3A_1197 = arith.constant 0 : i32
      %dma_wait3A_1198 = tpu.memref_slice %arg7[%dma_wait3A_1195, %dma_wait3A_1196, %dma_wait3A_1197] : memref<4x80x128xf32, #tpu.memory_space<vmem>> -> memref<1x80x128xf32, #tpu.memory_space<vmem>>
      %dma_wait3A_1199 = tpu.memref_squeeze %dma_wait3A_1198 : memref<1x80x128xf32, #tpu.memory_space<vmem>> -> memref<80x128xf32, #tpu.memory_space<vmem>>
      %dma_wait3A_1200 = tpu.memref_slice %arg3[%mul3A_1049, %mul3A_1194] : memref<160000x256xf32, #tpu.memory_space<hbm>> -> memref<80x128xf32, #tpu.memory_space<hbm>>
      %dma_wait3A_1201 = arith.constant 0 : i32
      %dma_wait3A_1202 = arith.constant 0 : i32
      %dma_wait3A_1203 = tpu.memref_slice %arg7[%dma_wait3A_1195, %dma_wait3A_1201, %dma_wait3A_1202] : memref<4x80x128xf32, #tpu.memory_space<vmem>> -> memref<1x80x128xf32, #tpu.memory_space<vmem>>
      %dma_wait3A_1204 = tpu.memref_squeeze %dma_wait3A_1203 : memref<1x80x128xf32, #tpu.memory_space<vmem>> -> memref<80x128xf32, #tpu.memory_space<vmem>>
      %dma_wait3A_1205 = tpu.memref_slice %arg3[%mul3A_1049, %mul3A_1194] : memref<160000x256xf32, #tpu.memory_space<hbm>> -> memref<80x128xf32, #tpu.memory_space<hbm>>
      tpu.wait_dma2 semaphore(%arg13 : memref<!tpu.dma_semaphore, #tpu.memory_space<semaphore_mem>>) src(%dma_wait3A_1205 : memref<80x128xf32, #tpu.memory_space<hbm>>) dst(%dma_wait3A_1204 : memref<80x128xf32, #tpu.memory_space<vmem>>)
      %dma_start3A_1206 = arith.constant 0 : i32
      %dma_start3A_1207 = arith.constant 0 : i32
      %dma_start3A_1208 = arith.constant 0 : i32
      %dma_start3A_1209 = arith.constant 0 : i32
      %dma_start3A_1210 = tpu.memref_slice %arg7[%dma_start3A_1206, %dma_start3A_1208, %dma_start3A_1209] : memref<4x80x128xf32, #tpu.memory_space<vmem>> -> memref<1x80x128xf32, #tpu.memory_space<vmem>>
      %dma_start3A_1211 = tpu.memref_squeeze %dma_start3A_1210 : memref<1x80x128xf32, #tpu.memory_space<vmem>> -> memref<80x128xf32, #tpu.memory_space<vmem>>
      %dma_start3A_1212 = arith.constant 0 : i32
      %dma_start3A_1213 = tpu.memref_slice %arg6[%dma_start3A_1207, %dma_start3A_1212] : memref<4x80xi32, #tpu.memory_space<vmem>> -> memref<1x80xi32, #tpu.memory_space<vmem>>
      %dma_start3A_1214 = tpu.memref_squeeze %dma_start3A_1213 : memref<1x80xi32, #tpu.memory_space<vmem>> -> memref<80xi32, #tpu.memory_space<vmem>>
      %dma_start3A_1215 = arith.constant 0 : i32
      %dma_start3A_1216 = arith.constant 0 : i32
      %dma_start3A_1217 = tpu.memref_slice %arg8[%dma_start3A_1215, %dma_start3A_1216] : memref<10000x128xf32, #tpu.memory_space<vmem_shared>> -> memref<10000x128xf32, #tpu.memory_space<vmem_shared>>
      tpu.enqueue_indirect_dma source(%dma_start3A_1211 : memref<80x128xf32, #tpu.memory_space<vmem>>) target(%dma_start3A_1217 : memref<10000x128xf32, #tpu.memory_space<vmem_shared>>) offsets(%dma_start3A_1214 : memref<80xi32, #tpu.memory_space<vmem>>) semaphore(%arg17 : memref<!tpu.dma_semaphore, #tpu.memory_space<semaphore_mem>>) {add = true}
      %dma_wait3A_1218 = arith.constant 1 : i32
      %dma_wait3A_1219 = arith.constant 0 : i32
      %dma_wait3A_1220 = tpu.memref_slice %arg6[%dma_wait3A_1218, %dma_wait3A_1219] : memref<4x80xi32, #tpu.memory_space<vmem>> -> memref<1x80xi32, #tpu.memory_space<vmem>>
      %dma_wait3A_1221 = tpu.memref_squeeze %dma_wait3A_1220 : memref<1x80xi32, #tpu.memory_space<vmem>> -> memref<80xi32, #tpu.memory_space<vmem>>
      %dma_wait3A_1222 = tpu.memref_slice %arg4[%mul3A_1058] : memref<160000xi32, #tpu.memory_space<hbm>> -> memref<80xi32, #tpu.memory_space<hbm>>
      %dma_wait3A_1223 = arith.constant 0 : i32
      %dma_wait3A_1224 = tpu.memref_slice %arg6[%dma_wait3A_1218, %dma_wait3A_1223] : memref<4x80xi32, #tpu.memory_space<vmem>> -> memref<1x80xi32, #tpu.memory_space<vmem>>
      %dma_wait3A_1225 = tpu.memref_squeeze %dma_wait3A_1224 : memref<1x80xi32, #tpu.memory_space<vmem>> -> memref<80xi32, #tpu.memory_space<vmem>>
      %dma_wait3A_1226 = tpu.memref_slice %arg4[%mul3A_1058] : memref<160000xi32, #tpu.memory_space<hbm>> -> memref<80xi32, #tpu.memory_space<hbm>>
      tpu.wait_dma2 semaphore(%arg10 : memref<!tpu.dma_semaphore, #tpu.memory_space<semaphore_mem>>) src(%dma_wait3A_1226 : memref<80xi32, #tpu.memory_space<hbm>>) dst(%dma_wait3A_1225 : memref<80xi32, #tpu.memory_space<vmem>>)
      %mul3A_1227 = arith.constant 128 : i32
      %mul3A_1228 = arith.muli %arg0, %mul3A_1227 : i32
      %dma_wait3A_1229 = arith.constant 1 : i32
      %dma_wait3A_1230 = arith.constant 0 : i32
      %dma_wait3A_1231 = arith.constant 0 : i32
      %dma_wait3A_1232 = tpu.memref_slice %arg7[%dma_wait3A_1229, %dma_wait3A_1230, %dma_wait3A_1231] : memref<4x80x128xf32, #tpu.memory_space<vmem>> -> memref<1x80x128xf32, #tpu.memory_space<vmem>>
      %dma_wait3A_1233 = tpu.memref_squeeze %dma_wait3A_1232 : memref<1x80x128xf32, #tpu.memory_space<vmem>> -> memref<80x128xf32, #tpu.memory_space<vmem>>
      %dma_wait3A_1234 = tpu.memref_slice %arg3[%mul3A_1058, %mul3A_1228] : memref<160000x256xf32, #tpu.memory_space<hbm>> -> memref<80x128xf32, #tpu.memory_space<hbm>>
      %dma_wait3A_1235 = arith.constant 0 : i32
      %dma_wait3A_1236 = arith.constant 0 : i32
      %dma_wait3A_1237 = tpu.memref_slice %arg7[%dma_wait3A_1229, %dma_wait3A_1235, %dma_wait3A_1236] : memref<4x80x128xf32, #tpu.memory_space<vmem>> -> memref<1x80x128xf32, #tpu.memory_space<vmem>>
      %dma_wait3A_1238 = tpu.memref_squeeze %dma_wait3A_1237 : memref<1x80x128xf32, #tpu.memory_space<vmem>> -> memref<80x128xf32, #tpu.memory_space<vmem>>
      %dma_wait3A_1239 = tpu.memref_slice %arg3[%mul3A_1058, %mul3A_1228] : memref<160000x256xf32, #tpu.memory_space<hbm>> -> memref<80x128xf32, #tpu.memory_space<hbm>>
      tpu.wait_dma2 semaphore(%arg14 : memref<!tpu.dma_semaphore, #tpu.memory_space<semaphore_mem>>) src(%dma_wait3A_1239 : memref<80x128xf32, #tpu.memory_space<hbm>>) dst(%dma_wait3A_1238 : memref<80x128xf32, #tpu.memory_space<vmem>>)
      %dma_start3A_1240 = arith.constant 1 : i32
      %dma_start3A_1241 = arith.constant 1 : i32
      %dma_start3A_1242 = arith.constant 0 : i32
      %dma_start3A_1243 = arith.constant 0 : i32
      %dma_start3A_1244 = tpu.memref_slice %arg7[%dma_start3A_1240, %dma_start3A_1242, %dma_start3A_1243] : memref<4x80x128xf32, #tpu.memory_space<vmem>> -> memref<1x80x128xf32, #tpu.memory_space<vmem>>
      %dma_start3A_1245 = tpu.memref_squeeze %dma_start3A_1244 : memref<1x80x128xf32, #tpu.memory_space<vmem>> -> memref<80x128xf32, #tpu.memory_space<vmem>>
      %dma_start3A_1246 = arith.constant 0 : i32
      %dma_start3A_1247 = tpu.memref_slice %arg6[%dma_start3A_1241, %dma_start3A_1246] : memref<4x80xi32, #tpu.memory_space<vmem>> -> memref<1x80xi32, #tpu.memory_space<vmem>>
      %dma_start3A_1248 = tpu.memref_squeeze %dma_start3A_1247 : memref<1x80xi32, #tpu.memory_space<vmem>> -> memref<80xi32, #tpu.memory_space<vmem>>
      %dma_start3A_1249 = arith.constant 0 : i32
      %dma_start3A_1250 = arith.constant 0 : i32
      %dma_start3A_1251 = tpu.memref_slice %arg8[%dma_start3A_1249, %dma_start3A_1250] : memref<10000x128xf32, #tpu.memory_space<vmem_shared>> -> memref<10000x128xf32, #tpu.memory_space<vmem_shared>>
      tpu.enqueue_indirect_dma source(%dma_start3A_1245 : memref<80x128xf32, #tpu.memory_space<vmem>>) target(%dma_start3A_1251 : memref<10000x128xf32, #tpu.memory_space<vmem_shared>>) offsets(%dma_start3A_1248 : memref<80xi32, #tpu.memory_space<vmem>>) semaphore(%arg18 : memref<!tpu.dma_semaphore, #tpu.memory_space<semaphore_mem>>) {add = true}
      %dma_wait3A_1252 = arith.constant 2 : i32
      %dma_wait3A_1253 = arith.constant 0 : i32
      %dma_wait3A_1254 = tpu.memref_slice %arg6[%dma_wait3A_1252, %dma_wait3A_1253] : memref<4x80xi32, #tpu.memory_space<vmem>> -> memref<1x80xi32, #tpu.memory_space<vmem>>
      %dma_wait3A_1255 = tpu.memref_squeeze %dma_wait3A_1254 : memref<1x80xi32, #tpu.memory_space<vmem>> -> memref<80xi32, #tpu.memory_space<vmem>>
      %dma_wait3A_1256 = tpu.memref_slice %arg4[%mul3A_1067] : memref<160000xi32, #tpu.memory_space<hbm>> -> memref<80xi32, #tpu.memory_space<hbm>>
      %dma_wait3A_1257 = arith.constant 0 : i32
      %dma_wait3A_1258 = tpu.memref_slice %arg6[%dma_wait3A_1252, %dma_wait3A_1257] : memref<4x80xi32, #tpu.memory_space<vmem>> -> memref<1x80xi32, #tpu.memory_space<vmem>>
      %dma_wait3A_1259 = tpu.memref_squeeze %dma_wait3A_1258 : memref<1x80xi32, #tpu.memory_space<vmem>> -> memref<80xi32, #tpu.memory_space<vmem>>
      %dma_wait3A_1260 = tpu.memref_slice %arg4[%mul3A_1067] : memref<160000xi32, #tpu.memory_space<hbm>> -> memref<80xi32, #tpu.memory_space<hbm>>
      tpu.wait_dma2 semaphore(%arg11 : memref<!tpu.dma_semaphore, #tpu.memory_space<semaphore_mem>>) src(%dma_wait3A_1260 : memref<80xi32, #tpu.memory_space<hbm>>) dst(%dma_wait3A_1259 : memref<80xi32, #tpu.memory_space<vmem>>)
      %mul3A_1261 = arith.constant 128 : i32
      %mul3A_1262 = arith.muli %arg0, %mul3A_1261 : i32
      %dma_wait3A_1263 = arith.constant 2 : i32
      %dma_wait3A_1264 = arith.constant 0 : i32
      %dma_wait3A_1265 = arith.constant 0 : i32
      %dma_wait3A_1266 = tpu.memref_slice %arg7[%dma_wait3A_1263, %dma_wait3A_1264, %dma_wait3A_1265] : memref<4x80x128xf32, #tpu.memory_space<vmem>> -> memref<1x80x128xf32, #tpu.memory_space<vmem>>
      %dma_wait3A_1267 = tpu.memref_squeeze %dma_wait3A_1266 : memref<1x80x128xf32, #tpu.memory_space<vmem>> -> memref<80x128xf32, #tpu.memory_space<vmem>>
      %dma_wait3A_1268 = tpu.memref_slice %arg3[%mul3A_1067, %mul3A_1262] : memref<160000x256xf32, #tpu.memory_space<hbm>> -> memref<80x128xf32, #tpu.memory_space<hbm>>
      %dma_wait3A_1269 = arith.constant 0 : i32
      %dma_wait3A_1270 = arith.constant 0 : i32
      %dma_wait3A_1271 = tpu.memref_slice %arg7[%dma_wait3A_1263, %dma_wait3A_1269, %dma_wait3A_1270] : memref<4x80x128xf32, #tpu.memory_space<vmem>> -> memref<1x80x128xf32, #tpu.memory_space<vmem>>
      %dma_wait3A_1272 = tpu.memref_squeeze %dma_wait3A_1271 : memref<1x80x128xf32, #tpu.memory_space<vmem>> -> memref<80x128xf32, #tpu.memory_space<vmem>>
      %dma_wait3A_1273 = tpu.memref_slice %arg3[%mul3A_1067, %mul3A_1262] : memref<160000x256xf32, #tpu.memory_space<hbm>> -> memref<80x128xf32, #tpu.memory_space<hbm>>
      tpu.wait_dma2 semaphore(%arg15 : memref<!tpu.dma_semaphore, #tpu.memory_space<semaphore_mem>>) src(%dma_wait3A_1273 : memref<80x128xf32, #tpu.memory_space<hbm>>) dst(%dma_wait3A_1272 : memref<80x128xf32, #tpu.memory_space<vmem>>)
      %dma_start3A_1274 = arith.constant 2 : i32
      %dma_start3A_1275 = arith.constant 2 : i32
      %dma_start3A_1276 = arith.constant 0 : i32
      %dma_start3A_1277 = arith.constant 0 : i32
      %dma_start3A_1278 = tpu.memref_slice %arg7[%dma_start3A_1274, %dma_start3A_1276, %dma_start3A_1277] : memref<4x80x128xf32, #tpu.memory_space<vmem>> -> memref<1x80x128xf32, #tpu.memory_space<vmem>>
      %dma_start3A_1279 = tpu.memref_squeeze %dma_start3A_1278 : memref<1x80x128xf32, #tpu.memory_space<vmem>> -> memref<80x128xf32, #tpu.memory_space<vmem>>
      %dma_start3A_1280 = arith.constant 0 : i32
      %dma_start3A_1281 = tpu.memref_slice %arg6[%dma_start3A_1275, %dma_start3A_1280] : memref<4x80xi32, #tpu.memory_space<vmem>> -> memref<1x80xi32, #tpu.memory_space<vmem>>
      %dma_start3A_1282 = tpu.memref_squeeze %dma_start3A_1281 : memref<1x80xi32, #tpu.memory_space<vmem>> -> memref<80xi32, #tpu.memory_space<vmem>>
      %dma_start3A_1283 = arith.constant 0 : i32
      %dma_start3A_1284 = arith.constant 0 : i32
      %dma_start3A_1285 = tpu.memref_slice %arg8[%dma_start3A_1283, %dma_start3A_1284] : memref<10000x128xf32, #tpu.memory_space<vmem_shared>> -> memref<10000x128xf32, #tpu.memory_space<vmem_shared>>
      tpu.enqueue_indirect_dma source(%dma_start3A_1279 : memref<80x128xf32, #tpu.memory_space<vmem>>) target(%dma_start3A_1285 : memref<10000x128xf32, #tpu.memory_space<vmem_shared>>) offsets(%dma_start3A_1282 : memref<80xi32, #tpu.memory_space<vmem>>) semaphore(%arg19 : memref<!tpu.dma_semaphore, #tpu.memory_space<semaphore_mem>>) {add = true}
      %dma_wait3A_1286 = arith.constant 3 : i32
      %dma_wait3A_1287 = arith.constant 0 : i32
      %dma_wait3A_1288 = tpu.memref_slice %arg6[%dma_wait3A_1286, %dma_wait3A_1287] : memref<4x80xi32, #tpu.memory_space<vmem>> -> memref<1x80xi32, #tpu.memory_space<vmem>>
      %dma_wait3A_1289 = tpu.memref_squeeze %dma_wait3A_1288 : memref<1x80xi32, #tpu.memory_space<vmem>> -> memref<80xi32, #tpu.memory_space<vmem>>
      %dma_wait3A_1290 = tpu.memref_slice %arg4[%mul3A_1076] : memref<160000xi32, #tpu.memory_space<hbm>> -> memref<80xi32, #tpu.memory_space<hbm>>
      %dma_wait3A_1291 = arith.constant 0 : i32
      %dma_wait3A_1292 = tpu.memref_slice %arg6[%dma_wait3A_1286, %dma_wait3A_1291] : memref<4x80xi32, #tpu.memory_space<vmem>> -> memref<1x80xi32, #tpu.memory_space<vmem>>
      %dma_wait3A_1293 = tpu.memref_squeeze %dma_wait3A_1292 : memref<1x80xi32, #tpu.memory_space<vmem>> -> memref<80xi32, #tpu.memory_space<vmem>>
      %dma_wait3A_1294 = tpu.memref_slice %arg4[%mul3A_1076] : memref<160000xi32, #tpu.memory_space<hbm>> -> memref<80xi32, #tpu.memory_space<hbm>>
      tpu.wait_dma2 semaphore(%arg12 : memref<!tpu.dma_semaphore, #tpu.memory_space<semaphore_mem>>) src(%dma_wait3A_1294 : memref<80xi32, #tpu.memory_space<hbm>>) dst(%dma_wait3A_1293 : memref<80xi32, #tpu.memory_space<vmem>>)
      %mul3A_1295 = arith.constant 128 : i32
      %mul3A_1296 = arith.muli %arg0, %mul3A_1295 : i32
      %dma_wait3A_1297 = arith.constant 3 : i32
      %dma_wait3A_1298 = arith.constant 0 : i32
      %dma_wait3A_1299 = arith.constant 0 : i32
      %dma_wait3A_1300 = tpu.memref_slice %arg7[%dma_wait3A_1297, %dma_wait3A_1298, %dma_wait3A_1299] : memref<4x80x128xf32, #tpu.memory_space<vmem>> -> memref<1x80x128xf32, #tpu.memory_space<vmem>>
      %dma_wait3A_1301 = tpu.memref_squeeze %dma_wait3A_1300 : memref<1x80x128xf32, #tpu.memory_space<vmem>> -> memref<80x128xf32, #tpu.memory_space<vmem>>
      %dma_wait3A_1302 = tpu.memref_slice %arg3[%mul3A_1076, %mul3A_1296] : memref<160000x256xf32, #tpu.memory_space<hbm>> -> memref<80x128xf32, #tpu.memory_space<hbm>>
      %dma_wait3A_1303 = arith.constant 0 : i32
      %dma_wait3A_1304 = arith.constant 0 : i32
      %dma_wait3A_1305 = tpu.memref_slice %arg7[%dma_wait3A_1297, %dma_wait3A_1303, %dma_wait3A_1304] : memref<4x80x128xf32, #tpu.memory_space<vmem>> -> memref<1x80x128xf32, #tpu.memory_space<vmem>>
      %dma_wait3A_1306 = tpu.memref_squeeze %dma_wait3A_1305 : memref<1x80x128xf32, #tpu.memory_space<vmem>> -> memref<80x128xf32, #tpu.memory_space<vmem>>
      %dma_wait3A_1307 = tpu.memref_slice %arg3[%mul3A_1076, %mul3A_1296] : memref<160000x256xf32, #tpu.memory_space<hbm>> -> memref<80x128xf32, #tpu.memory_space<hbm>>
      tpu.wait_dma2 semaphore(%arg16 : memref<!tpu.dma_semaphore, #tpu.memory_space<semaphore_mem>>) src(%dma_wait3A_1307 : memref<80x128xf32, #tpu.memory_space<hbm>>) dst(%dma_wait3A_1306 : memref<80x128xf32, #tpu.memory_space<vmem>>)
      %dma_start3A_1308 = arith.constant 3 : i32
      %dma_start3A_1309 = arith.constant 3 : i32
      %dma_start3A_1310 = arith.constant 0 : i32
      %dma_start3A_1311 = arith.constant 0 : i32
      %dma_start3A_1312 = tpu.memref_slice %arg7[%dma_start3A_1308, %dma_start3A_1310, %dma_start3A_1311] : memref<4x80x128xf32, #tpu.memory_space<vmem>> -> memref<1x80x128xf32, #tpu.memory_space<vmem>>
      %dma_start3A_1313 = tpu.memref_squeeze %dma_start3A_1312 : memref<1x80x128xf32, #tpu.memory_space<vmem>> -> memref<80x128xf32, #tpu.memory_space<vmem>>
      %dma_start3A_1314 = arith.constant 0 : i32
      %dma_start3A_1315 = tpu.memref_slice %arg6[%dma_start3A_1309, %dma_start3A_1314] : memref<4x80xi32, #tpu.memory_space<vmem>> -> memref<1x80xi32, #tpu.memory_space<vmem>>
      %dma_start3A_1316 = tpu.memref_squeeze %dma_start3A_1315 : memref<1x80xi32, #tpu.memory_space<vmem>> -> memref<80xi32, #tpu.memory_space<vmem>>
      %dma_start3A_1317 = arith.constant 0 : i32
      %dma_start3A_1318 = arith.constant 0 : i32
      %dma_start3A_1319 = tpu.memref_slice %arg8[%dma_start3A_1317, %dma_start3A_1318] : memref<10000x128xf32, #tpu.memory_space<vmem_shared>> -> memref<10000x128xf32, #tpu.memory_space<vmem_shared>>
      tpu.enqueue_indirect_dma source(%dma_start3A_1313 : memref<80x128xf32, #tpu.memory_space<vmem>>) target(%dma_start3A_1319 : memref<10000x128xf32, #tpu.memory_space<vmem_shared>>) offsets(%dma_start3A_1316 : memref<80xi32, #tpu.memory_space<vmem>>) semaphore(%arg20 : memref<!tpu.dma_semaphore, #tpu.memory_space<semaphore_mem>>) {add = true}
    }
    %scan3A_489 = arith.constant 31 : i32
    %dma_wait3A_490 = arith.constant 0 : i32
    %dma_wait3A_491 = arith.constant 0 : i32
    %dma_wait3A_492 = arith.constant 0 : i32
    %dma_wait3A_493 = arith.constant 0 : i32
    %dma_wait3A_494 = tpu.memref_slice %arg7[%dma_wait3A_490, %dma_wait3A_492, %dma_wait3A_493] : memref<4x80x128xf32, #tpu.memory_space<vmem>> -> memref<1x80x128xf32, #tpu.memory_space<vmem>>
    %dma_wait3A_495 = tpu.memref_squeeze %dma_wait3A_494 : memref<1x80x128xf32, #tpu.memory_space<vmem>> -> memref<80x128xf32, #tpu.memory_space<vmem>>
    %dma_wait3A_496 = arith.constant 0 : i32
    %dma_wait3A_497 = tpu.memref_slice %arg6[%dma_wait3A_491, %dma_wait3A_496] : memref<4x80xi32, #tpu.memory_space<vmem>> -> memref<1x80xi32, #tpu.memory_space<vmem>>
    %dma_wait3A_498 = tpu.memref_squeeze %dma_wait3A_497 : memref<1x80xi32, #tpu.memory_space<vmem>> -> memref<80xi32, #tpu.memory_space<vmem>>
    %dma_wait3A_499 = arith.constant 0 : i32
    %dma_wait3A_500 = arith.constant 0 : i32
    %dma_wait3A_501 = tpu.memref_slice %arg8[%dma_wait3A_499, %dma_wait3A_500] : memref<10000x128xf32, #tpu.memory_space<vmem_shared>> -> memref<10000x128xf32, #tpu.memory_space<vmem_shared>>
    tpu.wait_indirect_dma semaphore(%arg17 : memref<!tpu.dma_semaphore, #tpu.memory_space<semaphore_mem>>) src(%dma_wait3A_495 : memref<80x128xf32, #tpu.memory_space<vmem>>) dst(%dma_wait3A_501 : memref<10000x128xf32, #tpu.memory_space<vmem_shared>>)
    %dma_wait3A_502 = arith.constant 1 : i32
    %dma_wait3A_503 = arith.constant 1 : i32
    %dma_wait3A_504 = arith.constant 0 : i32
    %dma_wait3A_505 = arith.constant 0 : i32
    %dma_wait3A_506 = tpu.memref_slice %arg7[%dma_wait3A_502, %dma_wait3A_504, %dma_wait3A_505] : memref<4x80x128xf32, #tpu.memory_space<vmem>> -> memref<1x80x128xf32, #tpu.memory_space<vmem>>
    %dma_wait3A_507 = tpu.memref_squeeze %dma_wait3A_506 : memref<1x80x128xf32, #tpu.memory_space<vmem>> -> memref<80x128xf32, #tpu.memory_space<vmem>>
    %dma_wait3A_508 = arith.constant 0 : i32
    %dma_wait3A_509 = tpu.memref_slice %arg6[%dma_wait3A_503, %dma_wait3A_508] : memref<4x80xi32, #tpu.memory_space<vmem>> -> memref<1x80xi32, #tpu.memory_space<vmem>>
    %dma_wait3A_510 = tpu.memref_squeeze %dma_wait3A_509 : memref<1x80xi32, #tpu.memory_space<vmem>> -> memref<80xi32, #tpu.memory_space<vmem>>
    %dma_wait3A_511 = arith.constant 0 : i32
    %dma_wait3A_512 = arith.constant 0 : i32
    %dma_wait3A_513 = tpu.memref_slice %arg8[%dma_wait3A_511, %dma_wait3A_512] : memref<10000x128xf32, #tpu.memory_space<vmem_shared>> -> memref<10000x128xf32, #tpu.memory_space<vmem_shared>>
    tpu.wait_indirect_dma semaphore(%arg18 : memref<!tpu.dma_semaphore, #tpu.memory_space<semaphore_mem>>) src(%dma_wait3A_507 : memref<80x128xf32, #tpu.memory_space<vmem>>) dst(%dma_wait3A_513 : memref<10000x128xf32, #tpu.memory_space<vmem_shared>>)
    %dma_wait3A_514 = arith.constant 2 : i32
    %dma_wait3A_515 = arith.constant 2 : i32
    %dma_wait3A_516 = arith.constant 0 : i32
    %dma_wait3A_517 = arith.constant 0 : i32
    %dma_wait3A_518 = tpu.memref_slice %arg7[%dma_wait3A_514, %dma_wait3A_516, %dma_wait3A_517] : memref<4x80x128xf32, #tpu.memory_space<vmem>> -> memref<1x80x128xf32, #tpu.memory_space<vmem>>
    %dma_wait3A_519 = tpu.memref_squeeze %dma_wait3A_518 : memref<1x80x128xf32, #tpu.memory_space<vmem>> -> memref<80x128xf32, #tpu.memory_space<vmem>>
    %dma_wait3A_520 = arith.constant 0 : i32
    %dma_wait3A_521 = tpu.memref_slice %arg6[%dma_wait3A_515, %dma_wait3A_520] : memref<4x80xi32, #tpu.memory_space<vmem>> -> memref<1x80xi32, #tpu.memory_space<vmem>>
    %dma_wait3A_522 = tpu.memref_squeeze %dma_wait3A_521 : memref<1x80xi32, #tpu.memory_space<vmem>> -> memref<80xi32, #tpu.memory_space<vmem>>
    %dma_wait3A_523 = arith.constant 0 : i32
    %dma_wait3A_524 = arith.constant 0 : i32
    %dma_wait3A_525 = tpu.memref_slice %arg8[%dma_wait3A_523, %dma_wait3A_524] : memref<10000x128xf32, #tpu.memory_space<vmem_shared>> -> memref<10000x128xf32, #tpu.memory_space<vmem_shared>>
    tpu.wait_indirect_dma semaphore(%arg19 : memref<!tpu.dma_semaphore, #tpu.memory_space<semaphore_mem>>) src(%dma_wait3A_519 : memref<80x128xf32, #tpu.memory_space<vmem>>) dst(%dma_wait3A_525 : memref<10000x128xf32, #tpu.memory_space<vmem_shared>>)
    %dma_wait3A_526 = arith.constant 3 : i32
    %dma_wait3A_527 = arith.constant 3 : i32
    %dma_wait3A_528 = arith.constant 0 : i32
    %dma_wait3A_529 = arith.constant 0 : i32
    %dma_wait3A_530 = tpu.memref_slice %arg7[%dma_wait3A_526, %dma_wait3A_528, %dma_wait3A_529] : memref<4x80x128xf32, #tpu.memory_space<vmem>> -> memref<1x80x128xf32, #tpu.memory_space<vmem>>
    %dma_wait3A_531 = tpu.memref_squeeze %dma_wait3A_530 : memref<1x80x128xf32, #tpu.memory_space<vmem>> -> memref<80x128xf32, #tpu.memory_space<vmem>>
    %dma_wait3A_532 = arith.constant 0 : i32
    %dma_wait3A_533 = tpu.memref_slice %arg6[%dma_wait3A_527, %dma_wait3A_532] : memref<4x80xi32, #tpu.memory_space<vmem>> -> memref<1x80xi32, #tpu.memory_space<vmem>>
    %dma_wait3A_534 = tpu.memref_squeeze %dma_wait3A_533 : memref<1x80xi32, #tpu.memory_space<vmem>> -> memref<80xi32, #tpu.memory_space<vmem>>
    %dma_wait3A_535 = arith.constant 0 : i32
    %dma_wait3A_536 = arith.constant 0 : i32
    %dma_wait3A_537 = tpu.memref_slice %arg8[%dma_wait3A_535, %dma_wait3A_536] : memref<10000x128xf32, #tpu.memory_space<vmem_shared>> -> memref<10000x128xf32, #tpu.memory_space<vmem_shared>>
    tpu.wait_indirect_dma semaphore(%arg20 : memref<!tpu.dma_semaphore, #tpu.memory_space<semaphore_mem>>) src(%dma_wait3A_531 : memref<80x128xf32, #tpu.memory_space<vmem>>) dst(%dma_wait3A_537 : memref<10000x128xf32, #tpu.memory_space<vmem_shared>>)
    %add3A_538 = arith.constant 1984 : i32
    %add3A_539 = arith.addi %add3A_538, %arg1 : i32
    %mul3A_540 = arith.constant 80 : i32
    %mul3A_541 = arith.muli %add3A_539, %mul3A_540 : i32
    %run_scoped3A = arith.constant 0 : i32
    "tpu.region"() ({
      %run_scoped3A_1040 = tpu.sem_alloc : memref<!tpu.dma_semaphore, #tpu.memory_space<semaphore_mem>>
      %dma_start3A_1041 = arith.constant 0 : i32
      %dma_start3A_1042 = tpu.memref_slice %arg6[%run_scoped3A, %dma_start3A_1041] : memref<4x80xi32, #tpu.memory_space<vmem>> -> memref<1x80xi32, #tpu.memory_space<vmem>>
      %dma_start3A_1043 = tpu.memref_squeeze %dma_start3A_1042 : memref<1x80xi32, #tpu.memory_space<vmem>> -> memref<80xi32, #tpu.memory_space<vmem>>
      %dma_start3A_1044 = tpu.memref_slice %arg4[%mul3A_541] : memref<160000xi32, #tpu.memory_space<hbm>> -> memref<80xi32, #tpu.memory_space<hbm>>
      %dma_start3A_1045 = arith.constant 0 : i32
      %dma_start3A_1046 = tpu.memref_slice %arg6[%run_scoped3A, %dma_start3A_1045] : memref<4x80xi32, #tpu.memory_space<vmem>> -> memref<1x80xi32, #tpu.memory_space<vmem>>
      %dma_start3A_1047 = tpu.memref_squeeze %dma_start3A_1046 : memref<1x80xi32, #tpu.memory_space<vmem>> -> memref<80xi32, #tpu.memory_space<vmem>>
      %dma_start3A_1048 = tpu.memref_slice %arg4[%mul3A_541] : memref<160000xi32, #tpu.memory_space<hbm>> -> memref<80xi32, #tpu.memory_space<hbm>>
      tpu.enqueue_dma source(%dma_start3A_1048 : memref<80xi32, #tpu.memory_space<hbm>>) target(%dma_start3A_1047 : memref<80xi32, #tpu.memory_space<vmem>>) target_semaphore(%run_scoped3A_1040 : memref<!tpu.dma_semaphore, #tpu.memory_space<semaphore_mem>>)
      %dma_wait3A_1049 = arith.constant 0 : i32
      %dma_wait3A_1050 = tpu.memref_slice %arg6[%run_scoped3A, %dma_wait3A_1049] : memref<4x80xi32, #tpu.memory_space<vmem>> -> memref<1x80xi32, #tpu.memory_space<vmem>>
      %dma_wait3A_1051 = tpu.memref_squeeze %dma_wait3A_1050 : memref<1x80xi32, #tpu.memory_space<vmem>> -> memref<80xi32, #tpu.memory_space<vmem>>
      %dma_wait3A_1052 = tpu.memref_slice %arg4[%mul3A_541] : memref<160000xi32, #tpu.memory_space<hbm>> -> memref<80xi32, #tpu.memory_space<hbm>>
      %dma_wait3A_1053 = arith.constant 0 : i32
      %dma_wait3A_1054 = tpu.memref_slice %arg6[%run_scoped3A, %dma_wait3A_1053] : memref<4x80xi32, #tpu.memory_space<vmem>> -> memref<1x80xi32, #tpu.memory_space<vmem>>
      %dma_wait3A_1055 = tpu.memref_squeeze %dma_wait3A_1054 : memref<1x80xi32, #tpu.memory_space<vmem>> -> memref<80xi32, #tpu.memory_space<vmem>>
      %dma_wait3A_1056 = tpu.memref_slice %arg4[%mul3A_541] : memref<160000xi32, #tpu.memory_space<hbm>> -> memref<80xi32, #tpu.memory_space<hbm>>
      tpu.wait_dma2 semaphore(%run_scoped3A_1040 : memref<!tpu.dma_semaphore, #tpu.memory_space<semaphore_mem>>) src(%dma_wait3A_1056 : memref<80xi32, #tpu.memory_space<hbm>>) dst(%dma_wait3A_1055 : memref<80xi32, #tpu.memory_space<vmem>>)
      tpu.yield
    }) : () -> ()
    %mul3A_542 = arith.constant 128 : i32
    %mul3A_543 = arith.muli %arg0, %mul3A_542 : i32
    %run_scoped3A_544 = arith.constant 0 : i32
    "tpu.region"() ({
      %run_scoped3A_1040 = tpu.sem_alloc : memref<!tpu.dma_semaphore, #tpu.memory_space<semaphore_mem>>
      %dma_start3A_1041 = arith.constant 0 : i32
      %dma_start3A_1042 = arith.constant 0 : i32
      %dma_start3A_1043 = tpu.memref_slice %arg7[%run_scoped3A_544, %dma_start3A_1041, %dma_start3A_1042] : memref<4x80x128xf32, #tpu.memory_space<vmem>> -> memref<1x80x128xf32, #tpu.memory_space<vmem>>
      %dma_start3A_1044 = tpu.memref_squeeze %dma_start3A_1043 : memref<1x80x128xf32, #tpu.memory_space<vmem>> -> memref<80x128xf32, #tpu.memory_space<vmem>>
      %dma_start3A_1045 = tpu.memref_slice %arg3[%mul3A_541, %mul3A_543] : memref<160000x256xf32, #tpu.memory_space<hbm>> -> memref<80x128xf32, #tpu.memory_space<hbm>>
      %dma_start3A_1046 = arith.constant 0 : i32
      %dma_start3A_1047 = arith.constant 0 : i32
      %dma_start3A_1048 = tpu.memref_slice %arg7[%run_scoped3A_544, %dma_start3A_1046, %dma_start3A_1047] : memref<4x80x128xf32, #tpu.memory_space<vmem>> -> memref<1x80x128xf32, #tpu.memory_space<vmem>>
      %dma_start3A_1049 = tpu.memref_squeeze %dma_start3A_1048 : memref<1x80x128xf32, #tpu.memory_space<vmem>> -> memref<80x128xf32, #tpu.memory_space<vmem>>
      %dma_start3A_1050 = tpu.memref_slice %arg3[%mul3A_541, %mul3A_543] : memref<160000x256xf32, #tpu.memory_space<hbm>> -> memref<80x128xf32, #tpu.memory_space<hbm>>
      tpu.enqueue_dma source(%dma_start3A_1050 : memref<80x128xf32, #tpu.memory_space<hbm>>) target(%dma_start3A_1049 : memref<80x128xf32, #tpu.memory_space<vmem>>) target_semaphore(%run_scoped3A_1040 : memref<!tpu.dma_semaphore, #tpu.memory_space<semaphore_mem>>)
      %dma_wait3A_1051 = arith.constant 0 : i32
      %dma_wait3A_1052 = arith.constant 0 : i32
      %dma_wait3A_1053 = tpu.memref_slice %arg7[%run_scoped3A_544, %dma_wait3A_1051, %dma_wait3A_1052] : memref<4x80x128xf32, #tpu.memory_space<vmem>> -> memref<1x80x128xf32, #tpu.memory_space<vmem>>
      %dma_wait3A_1054 = tpu.memref_squeeze %dma_wait3A_1053 : memref<1x80x128xf32, #tpu.memory_space<vmem>> -> memref<80x128xf32, #tpu.memory_space<vmem>>
      %dma_wait3A_1055 = tpu.memref_slice %arg3[%mul3A_541, %mul3A_543] : memref<160000x256xf32, #tpu.memory_space<hbm>> -> memref<80x128xf32, #tpu.memory_space<hbm>>
      %dma_wait3A_1056 = arith.constant 0 : i32
      %dma_wait3A_1057 = arith.constant 0 : i32
      %dma_wait3A_1058 = tpu.memref_slice %arg7[%run_scoped3A_544, %dma_wait3A_1056, %dma_wait3A_1057] : memref<4x80x128xf32, #tpu.memory_space<vmem>> -> memref<1x80x128xf32, #tpu.memory_space<vmem>>
      %dma_wait3A_1059 = tpu.memref_squeeze %dma_wait3A_1058 : memref<1x80x128xf32, #tpu.memory_space<vmem>> -> memref<80x128xf32, #tpu.memory_space<vmem>>
      %dma_wait3A_1060 = tpu.memref_slice %arg3[%mul3A_541, %mul3A_543] : memref<160000x256xf32, #tpu.memory_space<hbm>> -> memref<80x128xf32, #tpu.memory_space<hbm>>
      tpu.wait_dma2 semaphore(%run_scoped3A_1040 : memref<!tpu.dma_semaphore, #tpu.memory_space<semaphore_mem>>) src(%dma_wait3A_1060 : memref<80x128xf32, #tpu.memory_space<hbm>>) dst(%dma_wait3A_1059 : memref<80x128xf32, #tpu.memory_space<vmem>>)
      tpu.yield
    }) : () -> ()
    %run_scoped3A_545 = arith.constant 0 : i32
    %run_scoped3A_546 = arith.constant 0 : i32
    "tpu.region"() ({
      %run_scoped3A_1040 = tpu.sem_alloc : memref<!tpu.dma_semaphore, #tpu.memory_space<semaphore_mem>>
      %dma_start3A_1041 = arith.constant 0 : i32
      %dma_start3A_1042 = arith.constant 0 : i32
      %dma_start3A_1043 = tpu.memref_slice %arg7[%run_scoped3A_545, %dma_start3A_1041, %dma_start3A_1042] : memref<4x80x128xf32, #tpu.memory_space<vmem>> -> memref<1x80x128xf32, #tpu.memory_space<vmem>>
      %dma_start3A_1044 = tpu.memref_squeeze %dma_start3A_1043 : memref<1x80x128xf32, #tpu.memory_space<vmem>> -> memref<80x128xf32, #tpu.memory_space<vmem>>
      %dma_start3A_1045 = arith.constant 0 : i32
      %dma_start3A_1046 = tpu.memref_slice %arg6[%run_scoped3A_546, %dma_start3A_1045] : memref<4x80xi32, #tpu.memory_space<vmem>> -> memref<1x80xi32, #tpu.memory_space<vmem>>
      %dma_start3A_1047 = tpu.memref_squeeze %dma_start3A_1046 : memref<1x80xi32, #tpu.memory_space<vmem>> -> memref<80xi32, #tpu.memory_space<vmem>>
      %dma_start3A_1048 = arith.constant 0 : i32
      %dma_start3A_1049 = arith.constant 0 : i32
      %dma_start3A_1050 = tpu.memref_slice %arg8[%dma_start3A_1048, %dma_start3A_1049] : memref<10000x128xf32, #tpu.memory_space<vmem_shared>> -> memref<10000x128xf32, #tpu.memory_space<vmem_shared>>
      tpu.enqueue_indirect_dma source(%dma_start3A_1044 : memref<80x128xf32, #tpu.memory_space<vmem>>) target(%dma_start3A_1050 : memref<10000x128xf32, #tpu.memory_space<vmem_shared>>) offsets(%dma_start3A_1047 : memref<80xi32, #tpu.memory_space<vmem>>) semaphore(%run_scoped3A_1040 : memref<!tpu.dma_semaphore, #tpu.memory_space<semaphore_mem>>) {add = true}
      %dma_wait3A_1051 = arith.constant 0 : i32
      %dma_wait3A_1052 = arith.constant 0 : i32
      %dma_wait3A_1053 = tpu.memref_slice %arg7[%run_scoped3A_545, %dma_wait3A_1051, %dma_wait3A_1052] : memref<4x80x128xf32, #tpu.memory_space<vmem>> -> memref<1x80x128xf32, #tpu.memory_space<vmem>>
      %dma_wait3A_1054 = tpu.memref_squeeze %dma_wait3A_1053 : memref<1x80x128xf32, #tpu.memory_space<vmem>> -> memref<80x128xf32, #tpu.memory_space<vmem>>
      %dma_wait3A_1055 = arith.constant 0 : i32
      %dma_wait3A_1056 = tpu.memref_slice %arg6[%run_scoped3A_546, %dma_wait3A_1055] : memref<4x80xi32, #tpu.memory_space<vmem>> -> memref<1x80xi32, #tpu.memory_space<vmem>>
      %dma_wait3A_1057 = tpu.memref_squeeze %dma_wait3A_1056 : memref<1x80xi32, #tpu.memory_space<vmem>> -> memref<80xi32, #tpu.memory_space<vmem>>
      %dma_wait3A_1058 = arith.constant 0 : i32
      %dma_wait3A_1059 = arith.constant 0 : i32
      %dma_wait3A_1060 = tpu.memref_slice %arg8[%dma_wait3A_1058, %dma_wait3A_1059] : memref<10000x128xf32, #tpu.memory_space<vmem_shared>> -> memref<10000x128xf32, #tpu.memory_space<vmem_shared>>
      tpu.wait_indirect_dma semaphore(%run_scoped3A_1040 : memref<!tpu.dma_semaphore, #tpu.memory_space<semaphore_mem>>) src(%dma_wait3A_1054 : memref<80x128xf32, #tpu.memory_space<vmem>>) dst(%dma_wait3A_1060 : memref<10000x128xf32, #tpu.memory_space<vmem_shared>>)
      tpu.yield
    }) : () -> ()
    %barrier3A_547 = arith.constant 0 : index
    tpu.barrier barrier_id(%barrier3A_547)
    %add3A_548 = arith.constant 0 : i32
    %add3A_549 = arith.addi %add3A_548, %arg1 : i32
    %mul3A_550 = arith.constant 80 : i32
    %mul3A_551 = arith.muli %add3A_549, %mul3A_550 : i32
    %dma_start3A_552 = arith.constant 0 : i32
    %dma_start3A_553 = arith.constant 0 : i32
    %dma_start3A_554 = arith.constant 0 : i32
    %dma_start3A_555 = tpu.memref_slice %arg7[%dma_start3A_552, %dma_start3A_553, %dma_start3A_554] : memref<4x80x128xf32, #tpu.memory_space<vmem>> -> memref<1x80x128xf32, #tpu.memory_space<vmem>>
    %dma_start3A_556 = tpu.memref_squeeze %dma_start3A_555 : memref<1x80x128xf32, #tpu.memory_space<vmem>> -> memref<80x128xf32, #tpu.memory_space<vmem>>
    %dma_start3A_557 = arith.constant 0 : i32
    %dma_start3A_558 = tpu.memref_slice %arg8[%mul3A_551, %dma_start3A_557] : memref<10000x128xf32, #tpu.memory_space<vmem_shared>> -> memref<80x128xf32, #tpu.memory_space<vmem_shared>>
    %dma_start3A_559 = arith.constant 0 : i32
    %dma_start3A_560 = arith.constant 0 : i32
    %dma_start3A_561 = tpu.memref_slice %arg7[%dma_start3A_552, %dma_start3A_559, %dma_start3A_560] : memref<4x80x128xf32, #tpu.memory_space<vmem>> -> memref<1x80x128xf32, #tpu.memory_space<vmem>>
    %dma_start3A_562 = tpu.memref_squeeze %dma_start3A_561 : memref<1x80x128xf32, #tpu.memory_space<vmem>> -> memref<80x128xf32, #tpu.memory_space<vmem>>
    %dma_start3A_563 = arith.constant 0 : i32
    %dma_start3A_564 = tpu.memref_slice %arg8[%mul3A_551, %dma_start3A_563] : memref<10000x128xf32, #tpu.memory_space<vmem_shared>> -> memref<80x128xf32, #tpu.memory_space<vmem_shared>>
    tpu.enqueue_dma source(%dma_start3A_564 : memref<80x128xf32, #tpu.memory_space<vmem_shared>>) target(%dma_start3A_562 : memref<80x128xf32, #tpu.memory_space<vmem>>) target_semaphore(%arg9 : memref<!tpu.dma_semaphore, #tpu.memory_space<semaphore_mem>>)
    %add3A_565 = arith.constant 16 : i32
    %add3A_566 = arith.addi %add3A_565, %arg1 : i32
    %mul3A_567 = arith.constant 80 : i32
    %mul3A_568 = arith.muli %add3A_566, %mul3A_567 : i32
    %dma_start3A_569 = arith.constant 1 : i32
    %dma_start3A_570 = arith.constant 0 : i32
    %dma_start3A_571 = arith.constant 0 : i32
    %dma_start3A_572 = tpu.memref_slice %arg7[%dma_start3A_569, %dma_start3A_570, %dma_start3A_571] : memref<4x80x128xf32, #tpu.memory_space<vmem>> -> memref<1x80x128xf32, #tpu.memory_space<vmem>>
    %dma_start3A_573 = tpu.memref_squeeze %dma_start3A_572 : memref<1x80x128xf32, #tpu.memory_space<vmem>> -> memref<80x128xf32, #tpu.memory_space<vmem>>
    %dma_start3A_574 = arith.constant 0 : i32
    %dma_start3A_575 = tpu.memref_slice %arg8[%mul3A_568, %dma_start3A_574] : memref<10000x128xf32, #tpu.memory_space<vmem_shared>> -> memref<80x128xf32, #tpu.memory_space<vmem_shared>>
    %dma_start3A_576 = arith.constant 0 : i32
    %dma_start3A_577 = arith.constant 0 : i32
    %dma_start3A_578 = tpu.memref_slice %arg7[%dma_start3A_569, %dma_start3A_576, %dma_start3A_577] : memref<4x80x128xf32, #tpu.memory_space<vmem>> -> memref<1x80x128xf32, #tpu.memory_space<vmem>>
    %dma_start3A_579 = tpu.memref_squeeze %dma_start3A_578 : memref<1x80x128xf32, #tpu.memory_space<vmem>> -> memref<80x128xf32, #tpu.memory_space<vmem>>
    %dma_start3A_580 = arith.constant 0 : i32
    %dma_start3A_581 = tpu.memref_slice %arg8[%mul3A_568, %dma_start3A_580] : memref<10000x128xf32, #tpu.memory_space<vmem_shared>> -> memref<80x128xf32, #tpu.memory_space<vmem_shared>>
    tpu.enqueue_dma source(%dma_start3A_581 : memref<80x128xf32, #tpu.memory_space<vmem_shared>>) target(%dma_start3A_579 : memref<80x128xf32, #tpu.memory_space<vmem>>) target_semaphore(%arg10 : memref<!tpu.dma_semaphore, #tpu.memory_space<semaphore_mem>>)
    %add3A_582 = arith.constant 0 : i32
    %add3A_583 = arith.addi %add3A_582, %arg1 : i32
    %mul3A_584 = arith.constant 80 : i32
    %mul3A_585 = arith.muli %add3A_583, %mul3A_584 : i32
    %dma_wait3A_586 = arith.constant 0 : i32
    %dma_wait3A_587 = arith.constant 0 : i32
    %dma_wait3A_588 = arith.constant 0 : i32
    %dma_wait3A_589 = tpu.memref_slice %arg7[%dma_wait3A_586, %dma_wait3A_587, %dma_wait3A_588] : memref<4x80x128xf32, #tpu.memory_space<vmem>> -> memref<1x80x128xf32, #tpu.memory_space<vmem>>
    %dma_wait3A_590 = tpu.memref_squeeze %dma_wait3A_589 : memref<1x80x128xf32, #tpu.memory_space<vmem>> -> memref<80x128xf32, #tpu.memory_space<vmem>>
    %dma_wait3A_591 = arith.constant 0 : i32
    %dma_wait3A_592 = tpu.memref_slice %arg8[%mul3A_585, %dma_wait3A_591] : memref<10000x128xf32, #tpu.memory_space<vmem_shared>> -> memref<80x128xf32, #tpu.memory_space<vmem_shared>>
    %dma_wait3A_593 = arith.constant 0 : i32
    %dma_wait3A_594 = arith.constant 0 : i32
    %dma_wait3A_595 = tpu.memref_slice %arg7[%dma_wait3A_586, %dma_wait3A_593, %dma_wait3A_594] : memref<4x80x128xf32, #tpu.memory_space<vmem>> -> memref<1x80x128xf32, #tpu.memory_space<vmem>>
    %dma_wait3A_596 = tpu.memref_squeeze %dma_wait3A_595 : memref<1x80x128xf32, #tpu.memory_space<vmem>> -> memref<80x128xf32, #tpu.memory_space<vmem>>
    %dma_wait3A_597 = arith.constant 0 : i32
    %dma_wait3A_598 = tpu.memref_slice %arg8[%mul3A_585, %dma_wait3A_597] : memref<10000x128xf32, #tpu.memory_space<vmem_shared>> -> memref<80x128xf32, #tpu.memory_space<vmem_shared>>
    tpu.wait_dma2 semaphore(%arg9 : memref<!tpu.dma_semaphore, #tpu.memory_space<semaphore_mem>>) src(%dma_wait3A_598 : memref<80x128xf32, #tpu.memory_space<vmem_shared>>) dst(%dma_wait3A_596 : memref<80x128xf32, #tpu.memory_space<vmem>>)
    %add3A_599 = arith.constant 0 : i32
    %add3A_600 = arith.addi %add3A_599, %arg1 : i32
    %mul3A_601 = arith.constant 80 : i32
    %mul3A_602 = arith.muli %add3A_600, %mul3A_601 : i32
    %mul3A_603 = arith.constant 128 : i32
    %mul3A_604 = arith.muli %arg0, %mul3A_603 : i32
    %dma_start3A_605 = arith.constant 0 : i32
    %dma_start3A_606 = arith.constant 0 : i32
    %dma_start3A_607 = arith.constant 0 : i32
    %dma_start3A_608 = tpu.memref_slice %arg7[%dma_start3A_605, %dma_start3A_606, %dma_start3A_607] : memref<4x80x128xf32, #tpu.memory_space<vmem>> -> memref<1x80x128xf32, #tpu.memory_space<vmem>>
    %dma_start3A_609 = tpu.memref_squeeze %dma_start3A_608 : memref<1x80x128xf32, #tpu.memory_space<vmem>> -> memref<80x128xf32, #tpu.memory_space<vmem>>
    %dma_start3A_610 = tpu.memref_slice %arg5[%mul3A_602, %mul3A_604] : memref<10000x256xf32, #tpu.memory_space<hbm>> -> memref<80x128xf32, #tpu.memory_space<hbm>>
    %dma_start3A_611 = tpu.memref_slice %arg5[%mul3A_602, %mul3A_604] : memref<10000x256xf32, #tpu.memory_space<hbm>> -> memref<80x128xf32, #tpu.memory_space<hbm>>
    %dma_start3A_612 = arith.constant 0 : i32
    %dma_start3A_613 = arith.constant 0 : i32
    %dma_start3A_614 = tpu.memref_slice %arg7[%dma_start3A_605, %dma_start3A_612, %dma_start3A_613] : memref<4x80x128xf32, #tpu.memory_space<vmem>> -> memref<1x80x128xf32, #tpu.memory_space<vmem>>
    %dma_start3A_615 = tpu.memref_squeeze %dma_start3A_614 : memref<1x80x128xf32, #tpu.memory_space<vmem>> -> memref<80x128xf32, #tpu.memory_space<vmem>>
    tpu.enqueue_dma source(%dma_start3A_615 : memref<80x128xf32, #tpu.memory_space<vmem>>) target(%dma_start3A_611 : memref<80x128xf32, #tpu.memory_space<hbm>>) target_semaphore(%arg17 : memref<!tpu.dma_semaphore, #tpu.memory_space<semaphore_mem>>)
    %add3A_616 = arith.constant 0 : i32
    %add3A_617 = arith.addi %add3A_616, %arg1 : i32
    %mul3A_618 = arith.constant 80 : i32
    %mul3A_619 = arith.muli %add3A_617, %mul3A_618 : i32
    %mul3A_620 = arith.constant 128 : i32
    %mul3A_621 = arith.muli %arg0, %mul3A_620 : i32
    %dma_wait3A_622 = arith.constant 0 : i32
    %dma_wait3A_623 = arith.constant 0 : i32
    %dma_wait3A_624 = arith.constant 0 : i32
    %dma_wait3A_625 = tpu.memref_slice %arg7[%dma_wait3A_622, %dma_wait3A_623, %dma_wait3A_624] : memref<4x80x128xf32, #tpu.memory_space<vmem>> -> memref<1x80x128xf32, #tpu.memory_space<vmem>>
    %dma_wait3A_626 = tpu.memref_squeeze %dma_wait3A_625 : memref<1x80x128xf32, #tpu.memory_space<vmem>> -> memref<80x128xf32, #tpu.memory_space<vmem>>
    %dma_wait3A_627 = tpu.memref_slice %arg5[%mul3A_619, %mul3A_621] : memref<10000x256xf32, #tpu.memory_space<hbm>> -> memref<80x128xf32, #tpu.memory_space<hbm>>
    %dma_wait3A_628 = tpu.memref_slice %arg5[%mul3A_619, %mul3A_621] : memref<10000x256xf32, #tpu.memory_space<hbm>> -> memref<80x128xf32, #tpu.memory_space<hbm>>
    %dma_wait3A_629 = arith.constant 0 : i32
    %dma_wait3A_630 = arith.constant 0 : i32
    %dma_wait3A_631 = tpu.memref_slice %arg7[%dma_wait3A_622, %dma_wait3A_629, %dma_wait3A_630] : memref<4x80x128xf32, #tpu.memory_space<vmem>> -> memref<1x80x128xf32, #tpu.memory_space<vmem>>
    %dma_wait3A_632 = tpu.memref_squeeze %dma_wait3A_631 : memref<1x80x128xf32, #tpu.memory_space<vmem>> -> memref<80x128xf32, #tpu.memory_space<vmem>>
    tpu.wait_dma2 semaphore(%arg17 : memref<!tpu.dma_semaphore, #tpu.memory_space<semaphore_mem>>) src(%dma_wait3A_632 : memref<80x128xf32, #tpu.memory_space<vmem>>) dst(%dma_wait3A_628 : memref<80x128xf32, #tpu.memory_space<hbm>>)
    %add3A_633 = arith.constant 32 : i32
    %add3A_634 = arith.addi %add3A_633, %arg1 : i32
    %mul3A_635 = arith.constant 80 : i32
    %mul3A_636 = arith.muli %add3A_634, %mul3A_635 : i32
    %dma_start3A_637 = arith.constant 0 : i32
    %dma_start3A_638 = arith.constant 0 : i32
    %dma_start3A_639 = arith.constant 0 : i32
    %dma_start3A_640 = tpu.memref_slice %arg7[%dma_start3A_637, %dma_start3A_638, %dma_start3A_639] : memref<4x80x128xf32, #tpu.memory_space<vmem>> -> memref<1x80x128xf32, #tpu.memory_space<vmem>>
    %dma_start3A_641 = tpu.memref_squeeze %dma_start3A_640 : memref<1x80x128xf32, #tpu.memory_space<vmem>> -> memref<80x128xf32, #tpu.memory_space<vmem>>
    %dma_start3A_642 = arith.constant 0 : i32
    %dma_start3A_643 = tpu.memref_slice %arg8[%mul3A_636, %dma_start3A_642] : memref<10000x128xf32, #tpu.memory_space<vmem_shared>> -> memref<80x128xf32, #tpu.memory_space<vmem_shared>>
    %dma_start3A_644 = arith.constant 0 : i32
    %dma_start3A_645 = arith.constant 0 : i32
    %dma_start3A_646 = tpu.memref_slice %arg7[%dma_start3A_637, %dma_start3A_644, %dma_start3A_645] : memref<4x80x128xf32, #tpu.memory_space<vmem>> -> memref<1x80x128xf32, #tpu.memory_space<vmem>>
    %dma_start3A_647 = tpu.memref_squeeze %dma_start3A_646 : memref<1x80x128xf32, #tpu.memory_space<vmem>> -> memref<80x128xf32, #tpu.memory_space<vmem>>
    %dma_start3A_648 = arith.constant 0 : i32
    %dma_start3A_649 = tpu.memref_slice %arg8[%mul3A_636, %dma_start3A_648] : memref<10000x128xf32, #tpu.memory_space<vmem_shared>> -> memref<80x128xf32, #tpu.memory_space<vmem_shared>>
    tpu.enqueue_dma source(%dma_start3A_649 : memref<80x128xf32, #tpu.memory_space<vmem_shared>>) target(%dma_start3A_647 : memref<80x128xf32, #tpu.memory_space<vmem>>) target_semaphore(%arg9 : memref<!tpu.dma_semaphore, #tpu.memory_space<semaphore_mem>>)
    %add3A_650 = arith.constant 16 : i32
    %add3A_651 = arith.addi %add3A_650, %arg1 : i32
    %mul3A_652 = arith.constant 80 : i32
    %mul3A_653 = arith.muli %add3A_651, %mul3A_652 : i32
    %dma_wait3A_654 = arith.constant 1 : i32
    %dma_wait3A_655 = arith.constant 0 : i32
    %dma_wait3A_656 = arith.constant 0 : i32
    %dma_wait3A_657 = tpu.memref_slice %arg7[%dma_wait3A_654, %dma_wait3A_655, %dma_wait3A_656] : memref<4x80x128xf32, #tpu.memory_space<vmem>> -> memref<1x80x128xf32, #tpu.memory_space<vmem>>
    %dma_wait3A_658 = tpu.memref_squeeze %dma_wait3A_657 : memref<1x80x128xf32, #tpu.memory_space<vmem>> -> memref<80x128xf32, #tpu.memory_space<vmem>>
    %dma_wait3A_659 = arith.constant 0 : i32
    %dma_wait3A_660 = tpu.memref_slice %arg8[%mul3A_653, %dma_wait3A_659] : memref<10000x128xf32, #tpu.memory_space<vmem_shared>> -> memref<80x128xf32, #tpu.memory_space<vmem_shared>>
    %dma_wait3A_661 = arith.constant 0 : i32
    %dma_wait3A_662 = arith.constant 0 : i32
    %dma_wait3A_663 = tpu.memref_slice %arg7[%dma_wait3A_654, %dma_wait3A_661, %dma_wait3A_662] : memref<4x80x128xf32, #tpu.memory_space<vmem>> -> memref<1x80x128xf32, #tpu.memory_space<vmem>>
    %dma_wait3A_664 = tpu.memref_squeeze %dma_wait3A_663 : memref<1x80x128xf32, #tpu.memory_space<vmem>> -> memref<80x128xf32, #tpu.memory_space<vmem>>
    %dma_wait3A_665 = arith.constant 0 : i32
    %dma_wait3A_666 = tpu.memref_slice %arg8[%mul3A_653, %dma_wait3A_665] : memref<10000x128xf32, #tpu.memory_space<vmem_shared>> -> memref<80x128xf32, #tpu.memory_space<vmem_shared>>
    tpu.wait_dma2 semaphore(%arg10 : memref<!tpu.dma_semaphore, #tpu.memory_space<semaphore_mem>>) src(%dma_wait3A_666 : memref<80x128xf32, #tpu.memory_space<vmem_shared>>) dst(%dma_wait3A_664 : memref<80x128xf32, #tpu.memory_space<vmem>>)
    %add3A_667 = arith.constant 16 : i32
    %add3A_668 = arith.addi %add3A_667, %arg1 : i32
    %mul3A_669 = arith.constant 80 : i32
    %mul3A_670 = arith.muli %add3A_668, %mul3A_669 : i32
    %mul3A_671 = arith.constant 128 : i32
    %mul3A_672 = arith.muli %arg0, %mul3A_671 : i32
    %dma_start3A_673 = arith.constant 1 : i32
    %dma_start3A_674 = arith.constant 0 : i32
    %dma_start3A_675 = arith.constant 0 : i32
    %dma_start3A_676 = tpu.memref_slice %arg7[%dma_start3A_673, %dma_start3A_674, %dma_start3A_675] : memref<4x80x128xf32, #tpu.memory_space<vmem>> -> memref<1x80x128xf32, #tpu.memory_space<vmem>>
    %dma_start3A_677 = tpu.memref_squeeze %dma_start3A_676 : memref<1x80x128xf32, #tpu.memory_space<vmem>> -> memref<80x128xf32, #tpu.memory_space<vmem>>
    %dma_start3A_678 = tpu.memref_slice %arg5[%mul3A_670, %mul3A_672] : memref<10000x256xf32, #tpu.memory_space<hbm>> -> memref<80x128xf32, #tpu.memory_space<hbm>>
    %dma_start3A_679 = tpu.memref_slice %arg5[%mul3A_670, %mul3A_672] : memref<10000x256xf32, #tpu.memory_space<hbm>> -> memref<80x128xf32, #tpu.memory_space<hbm>>
    %dma_start3A_680 = arith.constant 0 : i32
    %dma_start3A_681 = arith.constant 0 : i32
    %dma_start3A_682 = tpu.memref_slice %arg7[%dma_start3A_673, %dma_start3A_680, %dma_start3A_681] : memref<4x80x128xf32, #tpu.memory_space<vmem>> -> memref<1x80x128xf32, #tpu.memory_space<vmem>>
    %dma_start3A_683 = tpu.memref_squeeze %dma_start3A_682 : memref<1x80x128xf32, #tpu.memory_space<vmem>> -> memref<80x128xf32, #tpu.memory_space<vmem>>
    tpu.enqueue_dma source(%dma_start3A_683 : memref<80x128xf32, #tpu.memory_space<vmem>>) target(%dma_start3A_679 : memref<80x128xf32, #tpu.memory_space<hbm>>) target_semaphore(%arg18 : memref<!tpu.dma_semaphore, #tpu.memory_space<semaphore_mem>>)
    %add3A_684 = arith.constant 16 : i32
    %add3A_685 = arith.addi %add3A_684, %arg1 : i32
    %mul3A_686 = arith.constant 80 : i32
    %mul3A_687 = arith.muli %add3A_685, %mul3A_686 : i32
    %mul3A_688 = arith.constant 128 : i32
    %mul3A_689 = arith.muli %arg0, %mul3A_688 : i32
    %dma_wait3A_690 = arith.constant 1 : i32
    %dma_wait3A_691 = arith.constant 0 : i32
    %dma_wait3A_692 = arith.constant 0 : i32
    %dma_wait3A_693 = tpu.memref_slice %arg7[%dma_wait3A_690, %dma_wait3A_691, %dma_wait3A_692] : memref<4x80x128xf32, #tpu.memory_space<vmem>> -> memref<1x80x128xf32, #tpu.memory_space<vmem>>
    %dma_wait3A_694 = tpu.memref_squeeze %dma_wait3A_693 : memref<1x80x128xf32, #tpu.memory_space<vmem>> -> memref<80x128xf32, #tpu.memory_space<vmem>>
    %dma_wait3A_695 = tpu.memref_slice %arg5[%mul3A_687, %mul3A_689] : memref<10000x256xf32, #tpu.memory_space<hbm>> -> memref<80x128xf32, #tpu.memory_space<hbm>>
    %dma_wait3A_696 = tpu.memref_slice %arg5[%mul3A_687, %mul3A_689] : memref<10000x256xf32, #tpu.memory_space<hbm>> -> memref<80x128xf32, #tpu.memory_space<hbm>>
    %dma_wait3A_697 = arith.constant 0 : i32
    %dma_wait3A_698 = arith.constant 0 : i32
    %dma_wait3A_699 = tpu.memref_slice %arg7[%dma_wait3A_690, %dma_wait3A_697, %dma_wait3A_698] : memref<4x80x128xf32, #tpu.memory_space<vmem>> -> memref<1x80x128xf32, #tpu.memory_space<vmem>>
    %dma_wait3A_700 = tpu.memref_squeeze %dma_wait3A_699 : memref<1x80x128xf32, #tpu.memory_space<vmem>> -> memref<80x128xf32, #tpu.memory_space<vmem>>
    tpu.wait_dma2 semaphore(%arg18 : memref<!tpu.dma_semaphore, #tpu.memory_space<semaphore_mem>>) src(%dma_wait3A_700 : memref<80x128xf32, #tpu.memory_space<vmem>>) dst(%dma_wait3A_696 : memref<80x128xf32, #tpu.memory_space<hbm>>)
    %add3A_701 = arith.constant 48 : i32
    %add3A_702 = arith.addi %add3A_701, %arg1 : i32
    %mul3A_703 = arith.constant 80 : i32
    %mul3A_704 = arith.muli %add3A_702, %mul3A_703 : i32
    %dma_start3A_705 = arith.constant 1 : i32
    %dma_start3A_706 = arith.constant 0 : i32
    %dma_start3A_707 = arith.constant 0 : i32
    %dma_start3A_708 = tpu.memref_slice %arg7[%dma_start3A_705, %dma_start3A_706, %dma_start3A_707] : memref<4x80x128xf32, #tpu.memory_space<vmem>> -> memref<1x80x128xf32, #tpu.memory_space<vmem>>
    %dma_start3A_709 = tpu.memref_squeeze %dma_start3A_708 : memref<1x80x128xf32, #tpu.memory_space<vmem>> -> memref<80x128xf32, #tpu.memory_space<vmem>>
    %dma_start3A_710 = arith.constant 0 : i32
    %dma_start3A_711 = tpu.memref_slice %arg8[%mul3A_704, %dma_start3A_710] : memref<10000x128xf32, #tpu.memory_space<vmem_shared>> -> memref<80x128xf32, #tpu.memory_space<vmem_shared>>
    %dma_start3A_712 = arith.constant 0 : i32
    %dma_start3A_713 = arith.constant 0 : i32
    %dma_start3A_714 = tpu.memref_slice %arg7[%dma_start3A_705, %dma_start3A_712, %dma_start3A_713] : memref<4x80x128xf32, #tpu.memory_space<vmem>> -> memref<1x80x128xf32, #tpu.memory_space<vmem>>
    %dma_start3A_715 = tpu.memref_squeeze %dma_start3A_714 : memref<1x80x128xf32, #tpu.memory_space<vmem>> -> memref<80x128xf32, #tpu.memory_space<vmem>>
    %dma_start3A_716 = arith.constant 0 : i32
    %dma_start3A_717 = tpu.memref_slice %arg8[%mul3A_704, %dma_start3A_716] : memref<10000x128xf32, #tpu.memory_space<vmem_shared>> -> memref<80x128xf32, #tpu.memory_space<vmem_shared>>
    tpu.enqueue_dma source(%dma_start3A_717 : memref<80x128xf32, #tpu.memory_space<vmem_shared>>) target(%dma_start3A_715 : memref<80x128xf32, #tpu.memory_space<vmem>>) target_semaphore(%arg10 : memref<!tpu.dma_semaphore, #tpu.memory_space<semaphore_mem>>)
    %add3A_718 = arith.constant 32 : i32
    %add3A_719 = arith.addi %add3A_718, %arg1 : i32
    %mul3A_720 = arith.constant 80 : i32
    %mul3A_721 = arith.muli %add3A_719, %mul3A_720 : i32
    %dma_wait3A_722 = arith.constant 0 : i32
    %dma_wait3A_723 = arith.constant 0 : i32
    %dma_wait3A_724 = arith.constant 0 : i32
    %dma_wait3A_725 = tpu.memref_slice %arg7[%dma_wait3A_722, %dma_wait3A_723, %dma_wait3A_724] : memref<4x80x128xf32, #tpu.memory_space<vmem>> -> memref<1x80x128xf32, #tpu.memory_space<vmem>>
    %dma_wait3A_726 = tpu.memref_squeeze %dma_wait3A_725 : memref<1x80x128xf32, #tpu.memory_space<vmem>> -> memref<80x128xf32, #tpu.memory_space<vmem>>
    %dma_wait3A_727 = arith.constant 0 : i32
    %dma_wait3A_728 = tpu.memref_slice %arg8[%mul3A_721, %dma_wait3A_727] : memref<10000x128xf32, #tpu.memory_space<vmem_shared>> -> memref<80x128xf32, #tpu.memory_space<vmem_shared>>
    %dma_wait3A_729 = arith.constant 0 : i32
    %dma_wait3A_730 = arith.constant 0 : i32
    %dma_wait3A_731 = tpu.memref_slice %arg7[%dma_wait3A_722, %dma_wait3A_729, %dma_wait3A_730] : memref<4x80x128xf32, #tpu.memory_space<vmem>> -> memref<1x80x128xf32, #tpu.memory_space<vmem>>
    %dma_wait3A_732 = tpu.memref_squeeze %dma_wait3A_731 : memref<1x80x128xf32, #tpu.memory_space<vmem>> -> memref<80x128xf32, #tpu.memory_space<vmem>>
    %dma_wait3A_733 = arith.constant 0 : i32
    %dma_wait3A_734 = tpu.memref_slice %arg8[%mul3A_721, %dma_wait3A_733] : memref<10000x128xf32, #tpu.memory_space<vmem_shared>> -> memref<80x128xf32, #tpu.memory_space<vmem_shared>>
    tpu.wait_dma2 semaphore(%arg9 : memref<!tpu.dma_semaphore, #tpu.memory_space<semaphore_mem>>) src(%dma_wait3A_734 : memref<80x128xf32, #tpu.memory_space<vmem_shared>>) dst(%dma_wait3A_732 : memref<80x128xf32, #tpu.memory_space<vmem>>)
    %add3A_735 = arith.constant 32 : i32
    %add3A_736 = arith.addi %add3A_735, %arg1 : i32
    %mul3A_737 = arith.constant 80 : i32
    %mul3A_738 = arith.muli %add3A_736, %mul3A_737 : i32
    %mul3A_739 = arith.constant 128 : i32
    %mul3A_740 = arith.muli %arg0, %mul3A_739 : i32
    %dma_start3A_741 = arith.constant 0 : i32
    %dma_start3A_742 = arith.constant 0 : i32
    %dma_start3A_743 = arith.constant 0 : i32
    %dma_start3A_744 = tpu.memref_slice %arg7[%dma_start3A_741, %dma_start3A_742, %dma_start3A_743] : memref<4x80x128xf32, #tpu.memory_space<vmem>> -> memref<1x80x128xf32, #tpu.memory_space<vmem>>
    %dma_start3A_745 = tpu.memref_squeeze %dma_start3A_744 : memref<1x80x128xf32, #tpu.memory_space<vmem>> -> memref<80x128xf32, #tpu.memory_space<vmem>>
    %dma_start3A_746 = tpu.memref_slice %arg5[%mul3A_738, %mul3A_740] : memref<10000x256xf32, #tpu.memory_space<hbm>> -> memref<80x128xf32, #tpu.memory_space<hbm>>
    %dma_start3A_747 = tpu.memref_slice %arg5[%mul3A_738, %mul3A_740] : memref<10000x256xf32, #tpu.memory_space<hbm>> -> memref<80x128xf32, #tpu.memory_space<hbm>>
    %dma_start3A_748 = arith.constant 0 : i32
    %dma_start3A_749 = arith.constant 0 : i32
    %dma_start3A_750 = tpu.memref_slice %arg7[%dma_start3A_741, %dma_start3A_748, %dma_start3A_749] : memref<4x80x128xf32, #tpu.memory_space<vmem>> -> memref<1x80x128xf32, #tpu.memory_space<vmem>>
    %dma_start3A_751 = tpu.memref_squeeze %dma_start3A_750 : memref<1x80x128xf32, #tpu.memory_space<vmem>> -> memref<80x128xf32, #tpu.memory_space<vmem>>
    tpu.enqueue_dma source(%dma_start3A_751 : memref<80x128xf32, #tpu.memory_space<vmem>>) target(%dma_start3A_747 : memref<80x128xf32, #tpu.memory_space<hbm>>) target_semaphore(%arg17 : memref<!tpu.dma_semaphore, #tpu.memory_space<semaphore_mem>>)
    %add3A_752 = arith.constant 32 : i32
    %add3A_753 = arith.addi %add3A_752, %arg1 : i32
    %mul3A_754 = arith.constant 80 : i32
    %mul3A_755 = arith.muli %add3A_753, %mul3A_754 : i32
    %mul3A_756 = arith.constant 128 : i32
    %mul3A_757 = arith.muli %arg0, %mul3A_756 : i32
    %dma_wait3A_758 = arith.constant 0 : i32
    %dma_wait3A_759 = arith.constant 0 : i32
    %dma_wait3A_760 = arith.constant 0 : i32
    %dma_wait3A_761 = tpu.memref_slice %arg7[%dma_wait3A_758, %dma_wait3A_759, %dma_wait3A_760] : memref<4x80x128xf32, #tpu.memory_space<vmem>> -> memref<1x80x128xf32, #tpu.memory_space<vmem>>
    %dma_wait3A_762 = tpu.memref_squeeze %dma_wait3A_761 : memref<1x80x128xf32, #tpu.memory_space<vmem>> -> memref<80x128xf32, #tpu.memory_space<vmem>>
    %dma_wait3A_763 = tpu.memref_slice %arg5[%mul3A_755, %mul3A_757] : memref<10000x256xf32, #tpu.memory_space<hbm>> -> memref<80x128xf32, #tpu.memory_space<hbm>>
    %dma_wait3A_764 = tpu.memref_slice %arg5[%mul3A_755, %mul3A_757] : memref<10000x256xf32, #tpu.memory_space<hbm>> -> memref<80x128xf32, #tpu.memory_space<hbm>>
    %dma_wait3A_765 = arith.constant 0 : i32
    %dma_wait3A_766 = arith.constant 0 : i32
    %dma_wait3A_767 = tpu.memref_slice %arg7[%dma_wait3A_758, %dma_wait3A_765, %dma_wait3A_766] : memref<4x80x128xf32, #tpu.memory_space<vmem>> -> memref<1x80x128xf32, #tpu.memory_space<vmem>>
    %dma_wait3A_768 = tpu.memref_squeeze %dma_wait3A_767 : memref<1x80x128xf32, #tpu.memory_space<vmem>> -> memref<80x128xf32, #tpu.memory_space<vmem>>
    tpu.wait_dma2 semaphore(%arg17 : memref<!tpu.dma_semaphore, #tpu.memory_space<semaphore_mem>>) src(%dma_wait3A_768 : memref<80x128xf32, #tpu.memory_space<vmem>>) dst(%dma_wait3A_764 : memref<80x128xf32, #tpu.memory_space<hbm>>)
    %add3A_769 = arith.constant 64 : i32
    %add3A_770 = arith.addi %add3A_769, %arg1 : i32
    %mul3A_771 = arith.constant 80 : i32
    %mul3A_772 = arith.muli %add3A_770, %mul3A_771 : i32
    %dma_start3A_773 = arith.constant 0 : i32
    %dma_start3A_774 = arith.constant 0 : i32
    %dma_start3A_775 = arith.constant 0 : i32
    %dma_start3A_776 = tpu.memref_slice %arg7[%dma_start3A_773, %dma_start3A_774, %dma_start3A_775] : memref<4x80x128xf32, #tpu.memory_space<vmem>> -> memref<1x80x128xf32, #tpu.memory_space<vmem>>
    %dma_start3A_777 = tpu.memref_squeeze %dma_start3A_776 : memref<1x80x128xf32, #tpu.memory_space<vmem>> -> memref<80x128xf32, #tpu.memory_space<vmem>>
    %dma_start3A_778 = arith.constant 0 : i32
    %dma_start3A_779 = tpu.memref_slice %arg8[%mul3A_772, %dma_start3A_778] : memref<10000x128xf32, #tpu.memory_space<vmem_shared>> -> memref<80x128xf32, #tpu.memory_space<vmem_shared>>
    %dma_start3A_780 = arith.constant 0 : i32
    %dma_start3A_781 = arith.constant 0 : i32
    %dma_start3A_782 = tpu.memref_slice %arg7[%dma_start3A_773, %dma_start3A_780, %dma_start3A_781] : memref<4x80x128xf32, #tpu.memory_space<vmem>> -> memref<1x80x128xf32, #tpu.memory_space<vmem>>
    %dma_start3A_783 = tpu.memref_squeeze %dma_start3A_782 : memref<1x80x128xf32, #tpu.memory_space<vmem>> -> memref<80x128xf32, #tpu.memory_space<vmem>>
    %dma_start3A_784 = arith.constant 0 : i32
    %dma_start3A_785 = tpu.memref_slice %arg8[%mul3A_772, %dma_start3A_784] : memref<10000x128xf32, #tpu.memory_space<vmem_shared>> -> memref<80x128xf32, #tpu.memory_space<vmem_shared>>
    tpu.enqueue_dma source(%dma_start3A_785 : memref<80x128xf32, #tpu.memory_space<vmem_shared>>) target(%dma_start3A_783 : memref<80x128xf32, #tpu.memory_space<vmem>>) target_semaphore(%arg9 : memref<!tpu.dma_semaphore, #tpu.memory_space<semaphore_mem>>)
    %add3A_786 = arith.constant 48 : i32
    %add3A_787 = arith.addi %add3A_786, %arg1 : i32
    %mul3A_788 = arith.constant 80 : i32
    %mul3A_789 = arith.muli %add3A_787, %mul3A_788 : i32
    %dma_wait3A_790 = arith.constant 1 : i32
    %dma_wait3A_791 = arith.constant 0 : i32
    %dma_wait3A_792 = arith.constant 0 : i32
    %dma_wait3A_793 = tpu.memref_slice %arg7[%dma_wait3A_790, %dma_wait3A_791, %dma_wait3A_792] : memref<4x80x128xf32, #tpu.memory_space<vmem>> -> memref<1x80x128xf32, #tpu.memory_space<vmem>>
    %dma_wait3A_794 = tpu.memref_squeeze %dma_wait3A_793 : memref<1x80x128xf32, #tpu.memory_space<vmem>> -> memref<80x128xf32, #tpu.memory_space<vmem>>
    %dma_wait3A_795 = arith.constant 0 : i32
    %dma_wait3A_796 = tpu.memref_slice %arg8[%mul3A_789, %dma_wait3A_795] : memref<10000x128xf32, #tpu.memory_space<vmem_shared>> -> memref<80x128xf32, #tpu.memory_space<vmem_shared>>
    %dma_wait3A_797 = arith.constant 0 : i32
    %dma_wait3A_798 = arith.constant 0 : i32
    %dma_wait3A_799 = tpu.memref_slice %arg7[%dma_wait3A_790, %dma_wait3A_797, %dma_wait3A_798] : memref<4x80x128xf32, #tpu.memory_space<vmem>> -> memref<1x80x128xf32, #tpu.memory_space<vmem>>
    %dma_wait3A_800 = tpu.memref_squeeze %dma_wait3A_799 : memref<1x80x128xf32, #tpu.memory_space<vmem>> -> memref<80x128xf32, #tpu.memory_space<vmem>>
    %dma_wait3A_801 = arith.constant 0 : i32
    %dma_wait3A_802 = tpu.memref_slice %arg8[%mul3A_789, %dma_wait3A_801] : memref<10000x128xf32, #tpu.memory_space<vmem_shared>> -> memref<80x128xf32, #tpu.memory_space<vmem_shared>>
    tpu.wait_dma2 semaphore(%arg10 : memref<!tpu.dma_semaphore, #tpu.memory_space<semaphore_mem>>) src(%dma_wait3A_802 : memref<80x128xf32, #tpu.memory_space<vmem_shared>>) dst(%dma_wait3A_800 : memref<80x128xf32, #tpu.memory_space<vmem>>)
    %add3A_803 = arith.constant 48 : i32
    %add3A_804 = arith.addi %add3A_803, %arg1 : i32
    %mul3A_805 = arith.constant 80 : i32
    %mul3A_806 = arith.muli %add3A_804, %mul3A_805 : i32
    %mul3A_807 = arith.constant 128 : i32
    %mul3A_808 = arith.muli %arg0, %mul3A_807 : i32
    %dma_start3A_809 = arith.constant 1 : i32
    %dma_start3A_810 = arith.constant 0 : i32
    %dma_start3A_811 = arith.constant 0 : i32
    %dma_start3A_812 = tpu.memref_slice %arg7[%dma_start3A_809, %dma_start3A_810, %dma_start3A_811] : memref<4x80x128xf32, #tpu.memory_space<vmem>> -> memref<1x80x128xf32, #tpu.memory_space<vmem>>
    %dma_start3A_813 = tpu.memref_squeeze %dma_start3A_812 : memref<1x80x128xf32, #tpu.memory_space<vmem>> -> memref<80x128xf32, #tpu.memory_space<vmem>>
    %dma_start3A_814 = tpu.memref_slice %arg5[%mul3A_806, %mul3A_808] : memref<10000x256xf32, #tpu.memory_space<hbm>> -> memref<80x128xf32, #tpu.memory_space<hbm>>
    %dma_start3A_815 = tpu.memref_slice %arg5[%mul3A_806, %mul3A_808] : memref<10000x256xf32, #tpu.memory_space<hbm>> -> memref<80x128xf32, #tpu.memory_space<hbm>>
    %dma_start3A_816 = arith.constant 0 : i32
    %dma_start3A_817 = arith.constant 0 : i32
    %dma_start3A_818 = tpu.memref_slice %arg7[%dma_start3A_809, %dma_start3A_816, %dma_start3A_817] : memref<4x80x128xf32, #tpu.memory_space<vmem>> -> memref<1x80x128xf32, #tpu.memory_space<vmem>>
    %dma_start3A_819 = tpu.memref_squeeze %dma_start3A_818 : memref<1x80x128xf32, #tpu.memory_space<vmem>> -> memref<80x128xf32, #tpu.memory_space<vmem>>
    tpu.enqueue_dma source(%dma_start3A_819 : memref<80x128xf32, #tpu.memory_space<vmem>>) target(%dma_start3A_815 : memref<80x128xf32, #tpu.memory_space<hbm>>) target_semaphore(%arg18 : memref<!tpu.dma_semaphore, #tpu.memory_space<semaphore_mem>>)
    %add3A_820 = arith.constant 48 : i32
    %add3A_821 = arith.addi %add3A_820, %arg1 : i32
    %mul3A_822 = arith.constant 80 : i32
    %mul3A_823 = arith.muli %add3A_821, %mul3A_822 : i32
    %mul3A_824 = arith.constant 128 : i32
    %mul3A_825 = arith.muli %arg0, %mul3A_824 : i32
    %dma_wait3A_826 = arith.constant 1 : i32
    %dma_wait3A_827 = arith.constant 0 : i32
    %dma_wait3A_828 = arith.constant 0 : i32
    %dma_wait3A_829 = tpu.memref_slice %arg7[%dma_wait3A_826, %dma_wait3A_827, %dma_wait3A_828] : memref<4x80x128xf32, #tpu.memory_space<vmem>> -> memref<1x80x128xf32, #tpu.memory_space<vmem>>
    %dma_wait3A_830 = tpu.memref_squeeze %dma_wait3A_829 : memref<1x80x128xf32, #tpu.memory_space<vmem>> -> memref<80x128xf32, #tpu.memory_space<vmem>>
    %dma_wait3A_831 = tpu.memref_slice %arg5[%mul3A_823, %mul3A_825] : memref<10000x256xf32, #tpu.memory_space<hbm>> -> memref<80x128xf32, #tpu.memory_space<hbm>>
    %dma_wait3A_832 = tpu.memref_slice %arg5[%mul3A_823, %mul3A_825] : memref<10000x256xf32, #tpu.memory_space<hbm>> -> memref<80x128xf32, #tpu.memory_space<hbm>>
    %dma_wait3A_833 = arith.constant 0 : i32
    %dma_wait3A_834 = arith.constant 0 : i32
    %dma_wait3A_835 = tpu.memref_slice %arg7[%dma_wait3A_826, %dma_wait3A_833, %dma_wait3A_834] : memref<4x80x128xf32, #tpu.memory_space<vmem>> -> memref<1x80x128xf32, #tpu.memory_space<vmem>>
    %dma_wait3A_836 = tpu.memref_squeeze %dma_wait3A_835 : memref<1x80x128xf32, #tpu.memory_space<vmem>> -> memref<80x128xf32, #tpu.memory_space<vmem>>
    tpu.wait_dma2 semaphore(%arg18 : memref<!tpu.dma_semaphore, #tpu.memory_space<semaphore_mem>>) src(%dma_wait3A_836 : memref<80x128xf32, #tpu.memory_space<vmem>>) dst(%dma_wait3A_832 : memref<80x128xf32, #tpu.memory_space<hbm>>)
    %add3A_837 = arith.constant 80 : i32
    %add3A_838 = arith.addi %add3A_837, %arg1 : i32
    %mul3A_839 = arith.constant 80 : i32
    %mul3A_840 = arith.muli %add3A_838, %mul3A_839 : i32
    %dma_start3A_841 = arith.constant 1 : i32
    %dma_start3A_842 = arith.constant 0 : i32
    %dma_start3A_843 = arith.constant 0 : i32
    %dma_start3A_844 = tpu.memref_slice %arg7[%dma_start3A_841, %dma_start3A_842, %dma_start3A_843] : memref<4x80x128xf32, #tpu.memory_space<vmem>> -> memref<1x80x128xf32, #tpu.memory_space<vmem>>
    %dma_start3A_845 = tpu.memref_squeeze %dma_start3A_844 : memref<1x80x128xf32, #tpu.memory_space<vmem>> -> memref<80x128xf32, #tpu.memory_space<vmem>>
    %dma_start3A_846 = arith.constant 0 : i32
    %dma_start3A_847 = tpu.memref_slice %arg8[%mul3A_840, %dma_start3A_846] : memref<10000x128xf32, #tpu.memory_space<vmem_shared>> -> memref<80x128xf32, #tpu.memory_space<vmem_shared>>
    %dma_start3A_848 = arith.constant 0 : i32
    %dma_start3A_849 = arith.constant 0 : i32
    %dma_start3A_850 = tpu.memref_slice %arg7[%dma_start3A_841, %dma_start3A_848, %dma_start3A_849] : memref<4x80x128xf32, #tpu.memory_space<vmem>> -> memref<1x80x128xf32, #tpu.memory_space<vmem>>
    %dma_start3A_851 = tpu.memref_squeeze %dma_start3A_850 : memref<1x80x128xf32, #tpu.memory_space<vmem>> -> memref<80x128xf32, #tpu.memory_space<vmem>>
    %dma_start3A_852 = arith.constant 0 : i32
    %dma_start3A_853 = tpu.memref_slice %arg8[%mul3A_840, %dma_start3A_852] : memref<10000x128xf32, #tpu.memory_space<vmem_shared>> -> memref<80x128xf32, #tpu.memory_space<vmem_shared>>
    tpu.enqueue_dma source(%dma_start3A_853 : memref<80x128xf32, #tpu.memory_space<vmem_shared>>) target(%dma_start3A_851 : memref<80x128xf32, #tpu.memory_space<vmem>>) target_semaphore(%arg10 : memref<!tpu.dma_semaphore, #tpu.memory_space<semaphore_mem>>)
    %add3A_854 = arith.constant 64 : i32
    %add3A_855 = arith.addi %add3A_854, %arg1 : i32
    %mul3A_856 = arith.constant 80 : i32
    %mul3A_857 = arith.muli %add3A_855, %mul3A_856 : i32
    %dma_wait3A_858 = arith.constant 0 : i32
    %dma_wait3A_859 = arith.constant 0 : i32
    %dma_wait3A_860 = arith.constant 0 : i32
    %dma_wait3A_861 = tpu.memref_slice %arg7[%dma_wait3A_858, %dma_wait3A_859, %dma_wait3A_860] : memref<4x80x128xf32, #tpu.memory_space<vmem>> -> memref<1x80x128xf32, #tpu.memory_space<vmem>>
    %dma_wait3A_862 = tpu.memref_squeeze %dma_wait3A_861 : memref<1x80x128xf32, #tpu.memory_space<vmem>> -> memref<80x128xf32, #tpu.memory_space<vmem>>
    %dma_wait3A_863 = arith.constant 0 : i32
    %dma_wait3A_864 = tpu.memref_slice %arg8[%mul3A_857, %dma_wait3A_863] : memref<10000x128xf32, #tpu.memory_space<vmem_shared>> -> memref<80x128xf32, #tpu.memory_space<vmem_shared>>
    %dma_wait3A_865 = arith.constant 0 : i32
    %dma_wait3A_866 = arith.constant 0 : i32
    %dma_wait3A_867 = tpu.memref_slice %arg7[%dma_wait3A_858, %dma_wait3A_865, %dma_wait3A_866] : memref<4x80x128xf32, #tpu.memory_space<vmem>> -> memref<1x80x128xf32, #tpu.memory_space<vmem>>
    %dma_wait3A_868 = tpu.memref_squeeze %dma_wait3A_867 : memref<1x80x128xf32, #tpu.memory_space<vmem>> -> memref<80x128xf32, #tpu.memory_space<vmem>>
    %dma_wait3A_869 = arith.constant 0 : i32
    %dma_wait3A_870 = tpu.memref_slice %arg8[%mul3A_857, %dma_wait3A_869] : memref<10000x128xf32, #tpu.memory_space<vmem_shared>> -> memref<80x128xf32, #tpu.memory_space<vmem_shared>>
    tpu.wait_dma2 semaphore(%arg9 : memref<!tpu.dma_semaphore, #tpu.memory_space<semaphore_mem>>) src(%dma_wait3A_870 : memref<80x128xf32, #tpu.memory_space<vmem_shared>>) dst(%dma_wait3A_868 : memref<80x128xf32, #tpu.memory_space<vmem>>)
    %add3A_871 = arith.constant 64 : i32
    %add3A_872 = arith.addi %add3A_871, %arg1 : i32
    %mul3A_873 = arith.constant 80 : i32
    %mul3A_874 = arith.muli %add3A_872, %mul3A_873 : i32
    %mul3A_875 = arith.constant 128 : i32
    %mul3A_876 = arith.muli %arg0, %mul3A_875 : i32
    %dma_start3A_877 = arith.constant 0 : i32
    %dma_start3A_878 = arith.constant 0 : i32
    %dma_start3A_879 = arith.constant 0 : i32
    %dma_start3A_880 = tpu.memref_slice %arg7[%dma_start3A_877, %dma_start3A_878, %dma_start3A_879] : memref<4x80x128xf32, #tpu.memory_space<vmem>> -> memref<1x80x128xf32, #tpu.memory_space<vmem>>
    %dma_start3A_881 = tpu.memref_squeeze %dma_start3A_880 : memref<1x80x128xf32, #tpu.memory_space<vmem>> -> memref<80x128xf32, #tpu.memory_space<vmem>>
    %dma_start3A_882 = tpu.memref_slice %arg5[%mul3A_874, %mul3A_876] : memref<10000x256xf32, #tpu.memory_space<hbm>> -> memref<80x128xf32, #tpu.memory_space<hbm>>
    %dma_start3A_883 = tpu.memref_slice %arg5[%mul3A_874, %mul3A_876] : memref<10000x256xf32, #tpu.memory_space<hbm>> -> memref<80x128xf32, #tpu.memory_space<hbm>>
    %dma_start3A_884 = arith.constant 0 : i32
    %dma_start3A_885 = arith.constant 0 : i32
    %dma_start3A_886 = tpu.memref_slice %arg7[%dma_start3A_877, %dma_start3A_884, %dma_start3A_885] : memref<4x80x128xf32, #tpu.memory_space<vmem>> -> memref<1x80x128xf32, #tpu.memory_space<vmem>>
    %dma_start3A_887 = tpu.memref_squeeze %dma_start3A_886 : memref<1x80x128xf32, #tpu.memory_space<vmem>> -> memref<80x128xf32, #tpu.memory_space<vmem>>
    tpu.enqueue_dma source(%dma_start3A_887 : memref<80x128xf32, #tpu.memory_space<vmem>>) target(%dma_start3A_883 : memref<80x128xf32, #tpu.memory_space<hbm>>) target_semaphore(%arg17 : memref<!tpu.dma_semaphore, #tpu.memory_space<semaphore_mem>>)
    %add3A_888 = arith.constant 64 : i32
    %add3A_889 = arith.addi %add3A_888, %arg1 : i32
    %mul3A_890 = arith.constant 80 : i32
    %mul3A_891 = arith.muli %add3A_889, %mul3A_890 : i32
    %mul3A_892 = arith.constant 128 : i32
    %mul3A_893 = arith.muli %arg0, %mul3A_892 : i32
    %dma_wait3A_894 = arith.constant 0 : i32
    %dma_wait3A_895 = arith.constant 0 : i32
    %dma_wait3A_896 = arith.constant 0 : i32
    %dma_wait3A_897 = tpu.memref_slice %arg7[%dma_wait3A_894, %dma_wait3A_895, %dma_wait3A_896] : memref<4x80x128xf32, #tpu.memory_space<vmem>> -> memref<1x80x128xf32, #tpu.memory_space<vmem>>
    %dma_wait3A_898 = tpu.memref_squeeze %dma_wait3A_897 : memref<1x80x128xf32, #tpu.memory_space<vmem>> -> memref<80x128xf32, #tpu.memory_space<vmem>>
    %dma_wait3A_899 = tpu.memref_slice %arg5[%mul3A_891, %mul3A_893] : memref<10000x256xf32, #tpu.memory_space<hbm>> -> memref<80x128xf32, #tpu.memory_space<hbm>>
    %dma_wait3A_900 = tpu.memref_slice %arg5[%mul3A_891, %mul3A_893] : memref<10000x256xf32, #tpu.memory_space<hbm>> -> memref<80x128xf32, #tpu.memory_space<hbm>>
    %dma_wait3A_901 = arith.constant 0 : i32
    %dma_wait3A_902 = arith.constant 0 : i32
    %dma_wait3A_903 = tpu.memref_slice %arg7[%dma_wait3A_894, %dma_wait3A_901, %dma_wait3A_902] : memref<4x80x128xf32, #tpu.memory_space<vmem>> -> memref<1x80x128xf32, #tpu.memory_space<vmem>>
    %dma_wait3A_904 = tpu.memref_squeeze %dma_wait3A_903 : memref<1x80x128xf32, #tpu.memory_space<vmem>> -> memref<80x128xf32, #tpu.memory_space<vmem>>
    tpu.wait_dma2 semaphore(%arg17 : memref<!tpu.dma_semaphore, #tpu.memory_space<semaphore_mem>>) src(%dma_wait3A_904 : memref<80x128xf32, #tpu.memory_space<vmem>>) dst(%dma_wait3A_900 : memref<80x128xf32, #tpu.memory_space<hbm>>)
    %add3A_905 = arith.constant 96 : i32
    %add3A_906 = arith.addi %add3A_905, %arg1 : i32
    %mul3A_907 = arith.constant 80 : i32
    %mul3A_908 = arith.muli %add3A_906, %mul3A_907 : i32
    %dma_start3A_909 = arith.constant 0 : i32
    %dma_start3A_910 = arith.constant 0 : i32
    %dma_start3A_911 = arith.constant 0 : i32
    %dma_start3A_912 = tpu.memref_slice %arg7[%dma_start3A_909, %dma_start3A_910, %dma_start3A_911] : memref<4x80x128xf32, #tpu.memory_space<vmem>> -> memref<1x80x128xf32, #tpu.memory_space<vmem>>
    %dma_start3A_913 = tpu.memref_squeeze %dma_start3A_912 : memref<1x80x128xf32, #tpu.memory_space<vmem>> -> memref<80x128xf32, #tpu.memory_space<vmem>>
    %dma_start3A_914 = arith.constant 0 : i32
    %dma_start3A_915 = tpu.memref_slice %arg8[%mul3A_908, %dma_start3A_914] : memref<10000x128xf32, #tpu.memory_space<vmem_shared>> -> memref<80x128xf32, #tpu.memory_space<vmem_shared>>
    %dma_start3A_916 = arith.constant 0 : i32
    %dma_start3A_917 = arith.constant 0 : i32
    %dma_start3A_918 = tpu.memref_slice %arg7[%dma_start3A_909, %dma_start3A_916, %dma_start3A_917] : memref<4x80x128xf32, #tpu.memory_space<vmem>> -> memref<1x80x128xf32, #tpu.memory_space<vmem>>
    %dma_start3A_919 = tpu.memref_squeeze %dma_start3A_918 : memref<1x80x128xf32, #tpu.memory_space<vmem>> -> memref<80x128xf32, #tpu.memory_space<vmem>>
    %dma_start3A_920 = arith.constant 0 : i32
    %dma_start3A_921 = tpu.memref_slice %arg8[%mul3A_908, %dma_start3A_920] : memref<10000x128xf32, #tpu.memory_space<vmem_shared>> -> memref<80x128xf32, #tpu.memory_space<vmem_shared>>
    tpu.enqueue_dma source(%dma_start3A_921 : memref<80x128xf32, #tpu.memory_space<vmem_shared>>) target(%dma_start3A_919 : memref<80x128xf32, #tpu.memory_space<vmem>>) target_semaphore(%arg9 : memref<!tpu.dma_semaphore, #tpu.memory_space<semaphore_mem>>)
    %add3A_922 = arith.constant 80 : i32
    %add3A_923 = arith.addi %add3A_922, %arg1 : i32
    %mul3A_924 = arith.constant 80 : i32
    %mul3A_925 = arith.muli %add3A_923, %mul3A_924 : i32
    %dma_wait3A_926 = arith.constant 1 : i32
    %dma_wait3A_927 = arith.constant 0 : i32
    %dma_wait3A_928 = arith.constant 0 : i32
    %dma_wait3A_929 = tpu.memref_slice %arg7[%dma_wait3A_926, %dma_wait3A_927, %dma_wait3A_928] : memref<4x80x128xf32, #tpu.memory_space<vmem>> -> memref<1x80x128xf32, #tpu.memory_space<vmem>>
    %dma_wait3A_930 = tpu.memref_squeeze %dma_wait3A_929 : memref<1x80x128xf32, #tpu.memory_space<vmem>> -> memref<80x128xf32, #tpu.memory_space<vmem>>
    %dma_wait3A_931 = arith.constant 0 : i32
    %dma_wait3A_932 = tpu.memref_slice %arg8[%mul3A_925, %dma_wait3A_931] : memref<10000x128xf32, #tpu.memory_space<vmem_shared>> -> memref<80x128xf32, #tpu.memory_space<vmem_shared>>
    %dma_wait3A_933 = arith.constant 0 : i32
    %dma_wait3A_934 = arith.constant 0 : i32
    %dma_wait3A_935 = tpu.memref_slice %arg7[%dma_wait3A_926, %dma_wait3A_933, %dma_wait3A_934] : memref<4x80x128xf32, #tpu.memory_space<vmem>> -> memref<1x80x128xf32, #tpu.memory_space<vmem>>
    %dma_wait3A_936 = tpu.memref_squeeze %dma_wait3A_935 : memref<1x80x128xf32, #tpu.memory_space<vmem>> -> memref<80x128xf32, #tpu.memory_space<vmem>>
    %dma_wait3A_937 = arith.constant 0 : i32
    %dma_wait3A_938 = tpu.memref_slice %arg8[%mul3A_925, %dma_wait3A_937] : memref<10000x128xf32, #tpu.memory_space<vmem_shared>> -> memref<80x128xf32, #tpu.memory_space<vmem_shared>>
    tpu.wait_dma2 semaphore(%arg10 : memref<!tpu.dma_semaphore, #tpu.memory_space<semaphore_mem>>) src(%dma_wait3A_938 : memref<80x128xf32, #tpu.memory_space<vmem_shared>>) dst(%dma_wait3A_936 : memref<80x128xf32, #tpu.memory_space<vmem>>)
    %add3A_939 = arith.constant 80 : i32
    %add3A_940 = arith.addi %add3A_939, %arg1 : i32
    %mul3A_941 = arith.constant 80 : i32
    %mul3A_942 = arith.muli %add3A_940, %mul3A_941 : i32
    %mul3A_943 = arith.constant 128 : i32
    %mul3A_944 = arith.muli %arg0, %mul3A_943 : i32
    %dma_start3A_945 = arith.constant 1 : i32
    %dma_start3A_946 = arith.constant 0 : i32
    %dma_start3A_947 = arith.constant 0 : i32
    %dma_start3A_948 = tpu.memref_slice %arg7[%dma_start3A_945, %dma_start3A_946, %dma_start3A_947] : memref<4x80x128xf32, #tpu.memory_space<vmem>> -> memref<1x80x128xf32, #tpu.memory_space<vmem>>
    %dma_start3A_949 = tpu.memref_squeeze %dma_start3A_948 : memref<1x80x128xf32, #tpu.memory_space<vmem>> -> memref<80x128xf32, #tpu.memory_space<vmem>>
    %dma_start3A_950 = tpu.memref_slice %arg5[%mul3A_942, %mul3A_944] : memref<10000x256xf32, #tpu.memory_space<hbm>> -> memref<80x128xf32, #tpu.memory_space<hbm>>
    %dma_start3A_951 = tpu.memref_slice %arg5[%mul3A_942, %mul3A_944] : memref<10000x256xf32, #tpu.memory_space<hbm>> -> memref<80x128xf32, #tpu.memory_space<hbm>>
    %dma_start3A_952 = arith.constant 0 : i32
    %dma_start3A_953 = arith.constant 0 : i32
    %dma_start3A_954 = tpu.memref_slice %arg7[%dma_start3A_945, %dma_start3A_952, %dma_start3A_953] : memref<4x80x128xf32, #tpu.memory_space<vmem>> -> memref<1x80x128xf32, #tpu.memory_space<vmem>>
    %dma_start3A_955 = tpu.memref_squeeze %dma_start3A_954 : memref<1x80x128xf32, #tpu.memory_space<vmem>> -> memref<80x128xf32, #tpu.memory_space<vmem>>
    tpu.enqueue_dma source(%dma_start3A_955 : memref<80x128xf32, #tpu.memory_space<vmem>>) target(%dma_start3A_951 : memref<80x128xf32, #tpu.memory_space<hbm>>) target_semaphore(%arg18 : memref<!tpu.dma_semaphore, #tpu.memory_space<semaphore_mem>>)
    %add3A_956 = arith.constant 80 : i32
    %add3A_957 = arith.addi %add3A_956, %arg1 : i32
    %mul3A_958 = arith.constant 80 : i32
    %mul3A_959 = arith.muli %add3A_957, %mul3A_958 : i32
    %mul3A_960 = arith.constant 128 : i32
    %mul3A_961 = arith.muli %arg0, %mul3A_960 : i32
    %dma_wait3A_962 = arith.constant 1 : i32
    %dma_wait3A_963 = arith.constant 0 : i32
    %dma_wait3A_964 = arith.constant 0 : i32
    %dma_wait3A_965 = tpu.memref_slice %arg7[%dma_wait3A_962, %dma_wait3A_963, %dma_wait3A_964] : memref<4x80x128xf32, #tpu.memory_space<vmem>> -> memref<1x80x128xf32, #tpu.memory_space<vmem>>
    %dma_wait3A_966 = tpu.memref_squeeze %dma_wait3A_965 : memref<1x80x128xf32, #tpu.memory_space<vmem>> -> memref<80x128xf32, #tpu.memory_space<vmem>>
    %dma_wait3A_967 = tpu.memref_slice %arg5[%mul3A_959, %mul3A_961] : memref<10000x256xf32, #tpu.memory_space<hbm>> -> memref<80x128xf32, #tpu.memory_space<hbm>>
    %dma_wait3A_968 = tpu.memref_slice %arg5[%mul3A_959, %mul3A_961] : memref<10000x256xf32, #tpu.memory_space<hbm>> -> memref<80x128xf32, #tpu.memory_space<hbm>>
    %dma_wait3A_969 = arith.constant 0 : i32
    %dma_wait3A_970 = arith.constant 0 : i32
    %dma_wait3A_971 = tpu.memref_slice %arg7[%dma_wait3A_962, %dma_wait3A_969, %dma_wait3A_970] : memref<4x80x128xf32, #tpu.memory_space<vmem>> -> memref<1x80x128xf32, #tpu.memory_space<vmem>>
    %dma_wait3A_972 = tpu.memref_squeeze %dma_wait3A_971 : memref<1x80x128xf32, #tpu.memory_space<vmem>> -> memref<80x128xf32, #tpu.memory_space<vmem>>
    tpu.wait_dma2 semaphore(%arg18 : memref<!tpu.dma_semaphore, #tpu.memory_space<semaphore_mem>>) src(%dma_wait3A_972 : memref<80x128xf32, #tpu.memory_space<vmem>>) dst(%dma_wait3A_968 : memref<80x128xf32, #tpu.memory_space<hbm>>)
    %add3A_973 = arith.constant 112 : i32
    %add3A_974 = arith.addi %add3A_973, %arg1 : i32
    %lt3A_975 = arith.constant 125 : i32
    %lt3A_976 = arith.cmpi slt, %add3A_974, %lt3A_975 : i32
    %convert_element_type3A_977 = arith.extui %lt3A_976 : i1 to i32
    %cond3A_978 = arith.constant 1 : i32
    %cond3A_979 = arith.constant 0 : i32
    %cond3A_980 = arith.cmpi ne, %convert_element_type3A_977, %cond3A_979 : i32
    scf.if %cond3A_980 {
      %add3A_1040 = arith.constant 112 : i32
      %add3A_1041 = arith.addi %add3A_1040, %arg1 : i32
      %mul3A_1042 = arith.constant 80 : i32
      %mul3A_1043 = arith.muli %add3A_1041, %mul3A_1042 : i32
      %dma_start3A_1044 = arith.constant 0 : i32
      %dma_start3A_1045 = arith.constant 0 : i32
      %dma_start3A_1046 = tpu.memref_slice %arg7[%cond3A_978, %dma_start3A_1044, %dma_start3A_1045] : memref<4x80x128xf32, #tpu.memory_space<vmem>> -> memref<1x80x128xf32, #tpu.memory_space<vmem>>
      %dma_start3A_1047 = tpu.memref_squeeze %dma_start3A_1046 : memref<1x80x128xf32, #tpu.memory_space<vmem>> -> memref<80x128xf32, #tpu.memory_space<vmem>>
      %dma_start3A_1048 = arith.constant 0 : i32
      %dma_start3A_1049 = tpu.memref_slice %arg8[%mul3A_1043, %dma_start3A_1048] : memref<10000x128xf32, #tpu.memory_space<vmem_shared>> -> memref<80x128xf32, #tpu.memory_space<vmem_shared>>
      %dma_start3A_1050 = arith.constant 0 : i32
      %dma_start3A_1051 = arith.constant 0 : i32
      %dma_start3A_1052 = tpu.memref_slice %arg7[%cond3A_978, %dma_start3A_1050, %dma_start3A_1051] : memref<4x80x128xf32, #tpu.memory_space<vmem>> -> memref<1x80x128xf32, #tpu.memory_space<vmem>>
      %dma_start3A_1053 = tpu.memref_squeeze %dma_start3A_1052 : memref<1x80x128xf32, #tpu.memory_space<vmem>> -> memref<80x128xf32, #tpu.memory_space<vmem>>
      %dma_start3A_1054 = arith.constant 0 : i32
      %dma_start3A_1055 = tpu.memref_slice %arg8[%mul3A_1043, %dma_start3A_1054] : memref<10000x128xf32, #tpu.memory_space<vmem_shared>> -> memref<80x128xf32, #tpu.memory_space<vmem_shared>>
      tpu.enqueue_dma source(%dma_start3A_1055 : memref<80x128xf32, #tpu.memory_space<vmem_shared>>) target(%dma_start3A_1053 : memref<80x128xf32, #tpu.memory_space<vmem>>) target_semaphore(%arg10 : memref<!tpu.dma_semaphore, #tpu.memory_space<semaphore_mem>>)
    } else {
    }
    %add3A_981 = arith.constant 96 : i32
    %add3A_982 = arith.addi %add3A_981, %arg1 : i32
    %mul3A_983 = arith.constant 80 : i32
    %mul3A_984 = arith.muli %add3A_982, %mul3A_983 : i32
    %dma_wait3A_985 = arith.constant 0 : i32
    %dma_wait3A_986 = arith.constant 0 : i32
    %dma_wait3A_987 = arith.constant 0 : i32
    %dma_wait3A_988 = tpu.memref_slice %arg7[%dma_wait3A_985, %dma_wait3A_986, %dma_wait3A_987] : memref<4x80x128xf32, #tpu.memory_space<vmem>> -> memref<1x80x128xf32, #tpu.memory_space<vmem>>
    %dma_wait3A_989 = tpu.memref_squeeze %dma_wait3A_988 : memref<1x80x128xf32, #tpu.memory_space<vmem>> -> memref<80x128xf32, #tpu.memory_space<vmem>>
    %dma_wait3A_990 = arith.constant 0 : i32
    %dma_wait3A_991 = tpu.memref_slice %arg8[%mul3A_984, %dma_wait3A_990] : memref<10000x128xf32, #tpu.memory_space<vmem_shared>> -> memref<80x128xf32, #tpu.memory_space<vmem_shared>>
    %dma_wait3A_992 = arith.constant 0 : i32
    %dma_wait3A_993 = arith.constant 0 : i32
    %dma_wait3A_994 = tpu.memref_slice %arg7[%dma_wait3A_985, %dma_wait3A_992, %dma_wait3A_993] : memref<4x80x128xf32, #tpu.memory_space<vmem>> -> memref<1x80x128xf32, #tpu.memory_space<vmem>>
    %dma_wait3A_995 = tpu.memref_squeeze %dma_wait3A_994 : memref<1x80x128xf32, #tpu.memory_space<vmem>> -> memref<80x128xf32, #tpu.memory_space<vmem>>
    %dma_wait3A_996 = arith.constant 0 : i32
    %dma_wait3A_997 = tpu.memref_slice %arg8[%mul3A_984, %dma_wait3A_996] : memref<10000x128xf32, #tpu.memory_space<vmem_shared>> -> memref<80x128xf32, #tpu.memory_space<vmem_shared>>
    tpu.wait_dma2 semaphore(%arg9 : memref<!tpu.dma_semaphore, #tpu.memory_space<semaphore_mem>>) src(%dma_wait3A_997 : memref<80x128xf32, #tpu.memory_space<vmem_shared>>) dst(%dma_wait3A_995 : memref<80x128xf32, #tpu.memory_space<vmem>>)
    %add3A_998 = arith.constant 96 : i32
    %add3A_999 = arith.addi %add3A_998, %arg1 : i32
    %mul3A_1000 = arith.constant 80 : i32
    %mul3A_1001 = arith.muli %add3A_999, %mul3A_1000 : i32
    %mul3A_1002 = arith.constant 128 : i32
    %mul3A_1003 = arith.muli %arg0, %mul3A_1002 : i32
    %dma_start3A_1004 = arith.constant 0 : i32
    %dma_start3A_1005 = arith.constant 0 : i32
    %dma_start3A_1006 = arith.constant 0 : i32
    %dma_start3A_1007 = tpu.memref_slice %arg7[%dma_start3A_1004, %dma_start3A_1005, %dma_start3A_1006] : memref<4x80x128xf32, #tpu.memory_space<vmem>> -> memref<1x80x128xf32, #tpu.memory_space<vmem>>
    %dma_start3A_1008 = tpu.memref_squeeze %dma_start3A_1007 : memref<1x80x128xf32, #tpu.memory_space<vmem>> -> memref<80x128xf32, #tpu.memory_space<vmem>>
    %dma_start3A_1009 = tpu.memref_slice %arg5[%mul3A_1001, %mul3A_1003] : memref<10000x256xf32, #tpu.memory_space<hbm>> -> memref<80x128xf32, #tpu.memory_space<hbm>>
    %dma_start3A_1010 = tpu.memref_slice %arg5[%mul3A_1001, %mul3A_1003] : memref<10000x256xf32, #tpu.memory_space<hbm>> -> memref<80x128xf32, #tpu.memory_space<hbm>>
    %dma_start3A_1011 = arith.constant 0 : i32
    %dma_start3A_1012 = arith.constant 0 : i32
    %dma_start3A_1013 = tpu.memref_slice %arg7[%dma_start3A_1004, %dma_start3A_1011, %dma_start3A_1012] : memref<4x80x128xf32, #tpu.memory_space<vmem>> -> memref<1x80x128xf32, #tpu.memory_space<vmem>>
    %dma_start3A_1014 = tpu.memref_squeeze %dma_start3A_1013 : memref<1x80x128xf32, #tpu.memory_space<vmem>> -> memref<80x128xf32, #tpu.memory_space<vmem>>
    tpu.enqueue_dma source(%dma_start3A_1014 : memref<80x128xf32, #tpu.memory_space<vmem>>) target(%dma_start3A_1010 : memref<80x128xf32, #tpu.memory_space<hbm>>) target_semaphore(%arg17 : memref<!tpu.dma_semaphore, #tpu.memory_space<semaphore_mem>>)
    %add3A_1015 = arith.constant 112 : i32
    %add3A_1016 = arith.addi %add3A_1015, %arg1 : i32
    %lt3A_1017 = arith.constant 125 : i32
    %lt3A_1018 = arith.cmpi slt, %add3A_1016, %lt3A_1017 : i32
    %convert_element_type3A_1019 = arith.extui %lt3A_1018 : i1 to i32
    %cond3A_1020 = arith.constant 1 : i32
    %cond3A_1021 = arith.constant 0 : i32
    %cond3A_1022 = arith.cmpi ne, %convert_element_type3A_1019, %cond3A_1021 : i32
    scf.if %cond3A_1022 {
      %add3A_1040 = arith.constant 112 : i32
      %add3A_1041 = arith.addi %add3A_1040, %arg1 : i32
      %mul3A_1042 = arith.constant 80 : i32
      %mul3A_1043 = arith.muli %add3A_1041, %mul3A_1042 : i32
      %dma_wait3A_1044 = arith.constant 0 : i32
      %dma_wait3A_1045 = arith.constant 0 : i32
      %dma_wait3A_1046 = tpu.memref_slice %arg7[%cond3A_1020, %dma_wait3A_1044, %dma_wait3A_1045] : memref<4x80x128xf32, #tpu.memory_space<vmem>> -> memref<1x80x128xf32, #tpu.memory_space<vmem>>
      %dma_wait3A_1047 = tpu.memref_squeeze %dma_wait3A_1046 : memref<1x80x128xf32, #tpu.memory_space<vmem>> -> memref<80x128xf32, #tpu.memory_space<vmem>>
      %dma_wait3A_1048 = arith.constant 0 : i32
      %dma_wait3A_1049 = tpu.memref_slice %arg8[%mul3A_1043, %dma_wait3A_1048] : memref<10000x128xf32, #tpu.memory_space<vmem_shared>> -> memref<80x128xf32, #tpu.memory_space<vmem_shared>>
      %dma_wait3A_1050 = arith.constant 0 : i32
      %dma_wait3A_1051 = arith.constant 0 : i32
      %dma_wait3A_1052 = tpu.memref_slice %arg7[%cond3A_1020, %dma_wait3A_1050, %dma_wait3A_1051] : memref<4x80x128xf32, #tpu.memory_space<vmem>> -> memref<1x80x128xf32, #tpu.memory_space<vmem>>
      %dma_wait3A_1053 = tpu.memref_squeeze %dma_wait3A_1052 : memref<1x80x128xf32, #tpu.memory_space<vmem>> -> memref<80x128xf32, #tpu.memory_space<vmem>>
      %dma_wait3A_1054 = arith.constant 0 : i32
      %dma_wait3A_1055 = tpu.memref_slice %arg8[%mul3A_1043, %dma_wait3A_1054] : memref<10000x128xf32, #tpu.memory_space<vmem_shared>> -> memref<80x128xf32, #tpu.memory_space<vmem_shared>>
      tpu.wait_dma2 semaphore(%arg10 : memref<!tpu.dma_semaphore, #tpu.memory_space<semaphore_mem>>) src(%dma_wait3A_1055 : memref<80x128xf32, #tpu.memory_space<vmem_shared>>) dst(%dma_wait3A_1053 : memref<80x128xf32, #tpu.memory_space<vmem>>)
      %add3A_1056 = arith.constant 112 : i32
      %add3A_1057 = arith.addi %add3A_1056, %arg1 : i32
      %mul3A_1058 = arith.constant 80 : i32
      %mul3A_1059 = arith.muli %add3A_1057, %mul3A_1058 : i32
      %mul3A_1060 = arith.constant 128 : i32
      %mul3A_1061 = arith.muli %arg0, %mul3A_1060 : i32
      %dma_start3A_1062 = arith.constant 0 : i32
      %dma_start3A_1063 = arith.constant 0 : i32
      %dma_start3A_1064 = tpu.memref_slice %arg7[%cond3A_1020, %dma_start3A_1062, %dma_start3A_1063] : memref<4x80x128xf32, #tpu.memory_space<vmem>> -> memref<1x80x128xf32, #tpu.memory_space<vmem>>
      %dma_start3A_1065 = tpu.memref_squeeze %dma_start3A_1064 : memref<1x80x128xf32, #tpu.memory_space<vmem>> -> memref<80x128xf32, #tpu.memory_space<vmem>>
      %dma_start3A_1066 = tpu.memref_slice %arg5[%mul3A_1059, %mul3A_1061] : memref<10000x256xf32, #tpu.memory_space<hbm>> -> memref<80x128xf32, #tpu.memory_space<hbm>>
      %dma_start3A_1067 = tpu.memref_slice %arg5[%mul3A_1059, %mul3A_1061] : memref<10000x256xf32, #tpu.memory_space<hbm>> -> memref<80x128xf32, #tpu.memory_space<hbm>>
      %dma_start3A_1068 = arith.constant 0 : i32
      %dma_start3A_1069 = arith.constant 0 : i32
      %dma_start3A_1070 = tpu.memref_slice %arg7[%cond3A_1020, %dma_start3A_1068, %dma_start3A_1069] : memref<4x80x128xf32, #tpu.memory_space<vmem>> -> memref<1x80x128xf32, #tpu.memory_space<vmem>>
      %dma_start3A_1071 = tpu.memref_squeeze %dma_start3A_1070 : memref<1x80x128xf32, #tpu.memory_space<vmem>> -> memref<80x128xf32, #tpu.memory_space<vmem>>
      tpu.enqueue_dma source(%dma_start3A_1071 : memref<80x128xf32, #tpu.memory_space<vmem>>) target(%dma_start3A_1067 : memref<80x128xf32, #tpu.memory_space<hbm>>) target_semaphore(%arg18 : memref<!tpu.dma_semaphore, #tpu.memory_space<semaphore_mem>>)
      %add3A_1072 = arith.constant 112 : i32
      %add3A_1073 = arith.addi %add3A_1072, %arg1 : i32
      %mul3A_1074 = arith.constant 80 : i32
      %mul3A_1075 = arith.muli %add3A_1073, %mul3A_1074 : i32
      %mul3A_1076 = arith.constant 128 : i32
      %mul3A_1077 = arith.muli %arg0, %mul3A_1076 : i32
      %dma_wait3A_1078 = arith.constant 0 : i32
      %dma_wait3A_1079 = arith.constant 0 : i32
      %dma_wait3A_1080 = tpu.memref_slice %arg7[%cond3A_1020, %dma_wait3A_1078, %dma_wait3A_1079] : memref<4x80x128xf32, #tpu.memory_space<vmem>> -> memref<1x80x128xf32, #tpu.memory_space<vmem>>
      %dma_wait3A_1081 = tpu.memref_squeeze %dma_wait3A_1080 : memref<1x80x128xf32, #tpu.memory_space<vmem>> -> memref<80x128xf32, #tpu.memory_space<vmem>>
      %dma_wait3A_1082 = tpu.memref_slice %arg5[%mul3A_1075, %mul3A_1077] : memref<10000x256xf32, #tpu.memory_space<hbm>> -> memref<80x128xf32, #tpu.memory_space<hbm>>
      %dma_wait3A_1083 = tpu.memref_slice %arg5[%mul3A_1075, %mul3A_1077] : memref<10000x256xf32, #tpu.memory_space<hbm>> -> memref<80x128xf32, #tpu.memory_space<hbm>>
      %dma_wait3A_1084 = arith.constant 0 : i32
      %dma_wait3A_1085 = arith.constant 0 : i32
      %dma_wait3A_1086 = tpu.memref_slice %arg7[%cond3A_1020, %dma_wait3A_1084, %dma_wait3A_1085] : memref<4x80x128xf32, #tpu.memory_space<vmem>> -> memref<1x80x128xf32, #tpu.memory_space<vmem>>
      %dma_wait3A_1087 = tpu.memref_squeeze %dma_wait3A_1086 : memref<1x80x128xf32, #tpu.memory_space<vmem>> -> memref<80x128xf32, #tpu.memory_space<vmem>>
      tpu.wait_dma2 semaphore(%arg18 : memref<!tpu.dma_semaphore, #tpu.memory_space<semaphore_mem>>) src(%dma_wait3A_1087 : memref<80x128xf32, #tpu.memory_space<vmem>>) dst(%dma_wait3A_1083 : memref<80x128xf32, #tpu.memory_space<hbm>>)
    } else {
    }
    %add3A_1023 = arith.constant 96 : i32
    %add3A_1024 = arith.addi %add3A_1023, %arg1 : i32
    %mul3A_1025 = arith.constant 80 : i32
    %mul3A_1026 = arith.muli %add3A_1024, %mul3A_1025 : i32
    %mul3A_1027 = arith.constant 128 : i32
    %mul3A_1028 = arith.muli %arg0, %mul3A_1027 : i32
    %dma_wait3A_1029 = arith.constant 0 : i32
    %dma_wait3A_1030 = arith.constant 0 : i32
    %dma_wait3A_1031 = arith.constant 0 : i32
    %dma_wait3A_1032 = tpu.memref_slice %arg7[%dma_wait3A_1029, %dma_wait3A_1030, %dma_wait3A_1031] : memref<4x80x128xf32, #tpu.memory_space<vmem>> -> memref<1x80x128xf32, #tpu.memory_space<vmem>>
    %dma_wait3A_1033 = tpu.memref_squeeze %dma_wait3A_1032 : memref<1x80x128xf32, #tpu.memory_space<vmem>> -> memref<80x128xf32, #tpu.memory_space<vmem>>
    %dma_wait3A_1034 = tpu.memref_slice %arg5[%mul3A_1026, %mul3A_1028] : memref<10000x256xf32, #tpu.memory_space<hbm>> -> memref<80x128xf32, #tpu.memory_space<hbm>>
    %dma_wait3A_1035 = tpu.memref_slice %arg5[%mul3A_1026, %mul3A_1028] : memref<10000x256xf32, #tpu.memory_space<hbm>> -> memref<80x128xf32, #tpu.memory_space<hbm>>
    %dma_wait3A_1036 = arith.constant 0 : i32
    %dma_wait3A_1037 = arith.constant 0 : i32
    %dma_wait3A_1038 = tpu.memref_slice %arg7[%dma_wait3A_1029, %dma_wait3A_1036, %dma_wait3A_1037] : memref<4x80x128xf32, #tpu.memory_space<vmem>> -> memref<1x80x128xf32, #tpu.memory_space<vmem>>
    %dma_wait3A_1039 = tpu.memref_squeeze %dma_wait3A_1038 : memref<1x80x128xf32, #tpu.memory_space<vmem>> -> memref<80x128xf32, #tpu.memory_space<vmem>>
    tpu.wait_dma2 semaphore(%arg17 : memref<!tpu.dma_semaphore, #tpu.memory_space<semaphore_mem>>) src(%dma_wait3A_1039 : memref<80x128xf32, #tpu.memory_space<vmem>>) dst(%dma_wait3A_1035 : memref<80x128xf32, #tpu.memory_space<hbm>>)
    return
  }
}

#map = affine_map<(d0, d1) -> (0, 0)>
#map1 = affine_map<(d0, d1) -> (0)>
module attributes {stable_mosaic.version = 14 : i64} {
  func.func @_sc_pot_body(%arg0: i32, %arg1: i32, %arg2: memref<10000x128xf32, #tpu.memory_space<hbm>>, %arg3: memref<10000x128xf32, #tpu.memory_space<hbm>>, %arg4: memref<10000x256xf32, #tpu.memory_space<hbm>>, %arg5: memref<160000xi32, #tpu.memory_space<hbm>>, %arg6: memref<160000xi32, #tpu.memory_space<hbm>>, %arg7: memref<10000x256xf32, #tpu.memory_space<hbm>>, %arg8: memref<4x2x80xi32, #tpu.memory_space<vmem>>, %arg9: memref<4x80x128xf32, #tpu.memory_space<vmem>>, %arg10: memref<10000x128xf32, #tpu.memory_space<vmem_shared>>, %arg11: memref<!tpu.dma_semaphore, #tpu.memory_space<semaphore_mem>>, %arg12: memref<!tpu.dma_semaphore, #tpu.memory_space<semaphore_mem>>, %arg13: memref<!tpu.dma_semaphore, #tpu.memory_space<semaphore_mem>>, %arg14: memref<!tpu.dma_semaphore, #tpu.memory_space<semaphore_mem>>, %arg15: memref<!tpu.dma_semaphore, #tpu.memory_space<semaphore_mem>>, %arg16: memref<!tpu.dma_semaphore, #tpu.memory_space<semaphore_mem>>, %arg17: memref<!tpu.dma_semaphore, #tpu.memory_space<semaphore_mem>>, %arg18: memref<!tpu.dma_semaphore, #tpu.memory_space<semaphore_mem>>, %arg19: memref<!tpu.dma_semaphore, #tpu.memory_space<semaphore_mem>>, %arg20: memref<!tpu.dma_semaphore, #tpu.memory_space<semaphore_mem>>, %arg21: memref<!tpu.dma_semaphore, #tpu.memory_space<semaphore_mem>>, %arg22: memref<!tpu.dma_semaphore, #tpu.memory_space<semaphore_mem>>) attributes {dimension_semantics = [#tpu.dimension_semantics<core_parallel>, #tpu.dimension_semantics<subcore_parallel>], iteration_bounds = array<i64: 2, 16>, scalar_prefetch = 0 : i64, scratch_operands = 15 : i64, tpu.core_type = #tpu.core_type<sc_vector_subcore>, window_params = [{transform_indices = #map}, {transform_indices = #map}, {transform_indices = #map}, {transform_indices = #map1}, {transform_indices = #map1}, {transform_indices = #map}]} {
    %add3A = arith.constant 0 : i32
    %add3A_0 = arith.addi %add3A, %arg1 : i32
    %mul3A = arith.constant 80 : i32
    %mul3A_1 = arith.muli %add3A_0, %mul3A : i32
    %mul3A_2 = arith.constant 128 : i32
    %mul3A_3 = arith.muli %arg0, %mul3A_2 : i32
    %dma_start3A = arith.constant 0 : i32
    %dma_start3A_4 = arith.constant 0 : i32
    %dma_start3A_5 = arith.constant 0 : i32
    %dma_start3A_6 = tpu.memref_slice %arg9[%dma_start3A, %dma_start3A_4, %dma_start3A_5] : memref<4x80x128xf32, #tpu.memory_space<vmem>> -> memref<1x80x128xf32, #tpu.memory_space<vmem>>
    %dma_start3A_7 = tpu.memref_squeeze %dma_start3A_6 : memref<1x80x128xf32, #tpu.memory_space<vmem>> -> memref<80x128xf32, #tpu.memory_space<vmem>>
    %dma_start3A_8 = tpu.memref_slice %arg4[%mul3A_1, %mul3A_3] : memref<10000x256xf32, #tpu.memory_space<hbm>> -> memref<80x128xf32, #tpu.memory_space<hbm>>
    %dma_start3A_9 = arith.constant 0 : i32
    %dma_start3A_10 = arith.constant 0 : i32
    %dma_start3A_11 = tpu.memref_slice %arg9[%dma_start3A, %dma_start3A_9, %dma_start3A_10] : memref<4x80x128xf32, #tpu.memory_space<vmem>> -> memref<1x80x128xf32, #tpu.memory_space<vmem>>
    %dma_start3A_12 = tpu.memref_squeeze %dma_start3A_11 : memref<1x80x128xf32, #tpu.memory_space<vmem>> -> memref<80x128xf32, #tpu.memory_space<vmem>>
    %dma_start3A_13 = tpu.memref_slice %arg4[%mul3A_1, %mul3A_3] : memref<10000x256xf32, #tpu.memory_space<hbm>> -> memref<80x128xf32, #tpu.memory_space<hbm>>
    tpu.enqueue_dma source(%dma_start3A_13 : memref<80x128xf32, #tpu.memory_space<hbm>>) target(%dma_start3A_12 : memref<80x128xf32, #tpu.memory_space<vmem>>) target_semaphore(%arg11 : memref<!tpu.dma_semaphore, #tpu.memory_space<semaphore_mem>>)
    %add3A_14 = arith.constant 16 : i32
    %add3A_15 = arith.addi %add3A_14, %arg1 : i32
    %mul3A_16 = arith.constant 80 : i32
    %mul3A_17 = arith.muli %add3A_15, %mul3A_16 : i32
    %mul3A_18 = arith.constant 128 : i32
    %mul3A_19 = arith.muli %arg0, %mul3A_18 : i32
    %dma_start3A_20 = arith.constant 1 : i32
    %dma_start3A_21 = arith.constant 0 : i32
    %dma_start3A_22 = arith.constant 0 : i32
    %dma_start3A_23 = tpu.memref_slice %arg9[%dma_start3A_20, %dma_start3A_21, %dma_start3A_22] : memref<4x80x128xf32, #tpu.memory_space<vmem>> -> memref<1x80x128xf32, #tpu.memory_space<vmem>>
    %dma_start3A_24 = tpu.memref_squeeze %dma_start3A_23 : memref<1x80x128xf32, #tpu.memory_space<vmem>> -> memref<80x128xf32, #tpu.memory_space<vmem>>
    %dma_start3A_25 = tpu.memref_slice %arg4[%mul3A_17, %mul3A_19] : memref<10000x256xf32, #tpu.memory_space<hbm>> -> memref<80x128xf32, #tpu.memory_space<hbm>>
    %dma_start3A_26 = arith.constant 0 : i32
    %dma_start3A_27 = arith.constant 0 : i32
    %dma_start3A_28 = tpu.memref_slice %arg9[%dma_start3A_20, %dma_start3A_26, %dma_start3A_27] : memref<4x80x128xf32, #tpu.memory_space<vmem>> -> memref<1x80x128xf32, #tpu.memory_space<vmem>>
    %dma_start3A_29 = tpu.memref_squeeze %dma_start3A_28 : memref<1x80x128xf32, #tpu.memory_space<vmem>> -> memref<80x128xf32, #tpu.memory_space<vmem>>
    %dma_start3A_30 = tpu.memref_slice %arg4[%mul3A_17, %mul3A_19] : memref<10000x256xf32, #tpu.memory_space<hbm>> -> memref<80x128xf32, #tpu.memory_space<hbm>>
    tpu.enqueue_dma source(%dma_start3A_30 : memref<80x128xf32, #tpu.memory_space<hbm>>) target(%dma_start3A_29 : memref<80x128xf32, #tpu.memory_space<vmem>>) target_semaphore(%arg12 : memref<!tpu.dma_semaphore, #tpu.memory_space<semaphore_mem>>)
    %add3A_31 = arith.constant 0 : i32
    %add3A_32 = arith.addi %add3A_31, %arg1 : i32
    %mul3A_33 = arith.constant 80 : i32
    %mul3A_34 = arith.muli %add3A_32, %mul3A_33 : i32
    %mul3A_35 = arith.constant 128 : i32
    %mul3A_36 = arith.muli %arg0, %mul3A_35 : i32
    %dma_wait3A = arith.constant 0 : i32
    %dma_wait3A_37 = arith.constant 0 : i32
    %dma_wait3A_38 = arith.constant 0 : i32
    %dma_wait3A_39 = tpu.memref_slice %arg9[%dma_wait3A, %dma_wait3A_37, %dma_wait3A_38] : memref<4x80x128xf32, #tpu.memory_space<vmem>> -> memref<1x80x128xf32, #tpu.memory_space<vmem>>
    %dma_wait3A_40 = tpu.memref_squeeze %dma_wait3A_39 : memref<1x80x128xf32, #tpu.memory_space<vmem>> -> memref<80x128xf32, #tpu.memory_space<vmem>>
    %dma_wait3A_41 = tpu.memref_slice %arg4[%mul3A_34, %mul3A_36] : memref<10000x256xf32, #tpu.memory_space<hbm>> -> memref<80x128xf32, #tpu.memory_space<hbm>>
    %dma_wait3A_42 = arith.constant 0 : i32
    %dma_wait3A_43 = arith.constant 0 : i32
    %dma_wait3A_44 = tpu.memref_slice %arg9[%dma_wait3A, %dma_wait3A_42, %dma_wait3A_43] : memref<4x80x128xf32, #tpu.memory_space<vmem>> -> memref<1x80x128xf32, #tpu.memory_space<vmem>>
    %dma_wait3A_45 = tpu.memref_squeeze %dma_wait3A_44 : memref<1x80x128xf32, #tpu.memory_space<vmem>> -> memref<80x128xf32, #tpu.memory_space<vmem>>
    %dma_wait3A_46 = tpu.memref_slice %arg4[%mul3A_34, %mul3A_36] : memref<10000x256xf32, #tpu.memory_space<hbm>> -> memref<80x128xf32, #tpu.memory_space<hbm>>
    tpu.wait_dma2 semaphore(%arg11 : memref<!tpu.dma_semaphore, #tpu.memory_space<semaphore_mem>>) src(%dma_wait3A_46 : memref<80x128xf32, #tpu.memory_space<hbm>>) dst(%dma_wait3A_45 : memref<80x128xf32, #tpu.memory_space<vmem>>)
    %add3A_47 = arith.constant 0 : i32
    %add3A_48 = arith.addi %add3A_47, %arg1 : i32
    %mul3A_49 = arith.constant 80 : i32
    %mul3A_50 = arith.muli %add3A_48, %mul3A_49 : i32
    %dma_start3A_51 = arith.constant 0 : i32
    %dma_start3A_52 = arith.constant 0 : i32
    %dma_start3A_53 = arith.constant 0 : i32
    %dma_start3A_54 = tpu.memref_slice %arg9[%dma_start3A_51, %dma_start3A_52, %dma_start3A_53] : memref<4x80x128xf32, #tpu.memory_space<vmem>> -> memref<1x80x128xf32, #tpu.memory_space<vmem>>
    %dma_start3A_55 = tpu.memref_squeeze %dma_start3A_54 : memref<1x80x128xf32, #tpu.memory_space<vmem>> -> memref<80x128xf32, #tpu.memory_space<vmem>>
    %dma_start3A_56 = arith.constant 0 : i32
    %dma_start3A_57 = tpu.memref_slice %arg10[%mul3A_50, %dma_start3A_56] : memref<10000x128xf32, #tpu.memory_space<vmem_shared>> -> memref<80x128xf32, #tpu.memory_space<vmem_shared>>
    %dma_start3A_58 = arith.constant 0 : i32
    %dma_start3A_59 = tpu.memref_slice %arg10[%mul3A_50, %dma_start3A_58] : memref<10000x128xf32, #tpu.memory_space<vmem_shared>> -> memref<80x128xf32, #tpu.memory_space<vmem_shared>>
    %dma_start3A_60 = arith.constant 0 : i32
    %dma_start3A_61 = arith.constant 0 : i32
    %dma_start3A_62 = tpu.memref_slice %arg9[%dma_start3A_51, %dma_start3A_60, %dma_start3A_61] : memref<4x80x128xf32, #tpu.memory_space<vmem>> -> memref<1x80x128xf32, #tpu.memory_space<vmem>>
    %dma_start3A_63 = tpu.memref_squeeze %dma_start3A_62 : memref<1x80x128xf32, #tpu.memory_space<vmem>> -> memref<80x128xf32, #tpu.memory_space<vmem>>
    tpu.enqueue_dma source(%dma_start3A_63 : memref<80x128xf32, #tpu.memory_space<vmem>>) target(%dma_start3A_59 : memref<80x128xf32, #tpu.memory_space<vmem_shared>>) target_semaphore(%arg19 : memref<!tpu.dma_semaphore, #tpu.memory_space<semaphore_mem>>)
    %add3A_64 = arith.constant 0 : i32
    %add3A_65 = arith.addi %add3A_64, %arg1 : i32
    %mul3A_66 = arith.constant 80 : i32
    %mul3A_67 = arith.muli %add3A_65, %mul3A_66 : i32
    %dma_wait3A_68 = arith.constant 0 : i32
    %dma_wait3A_69 = arith.constant 0 : i32
    %dma_wait3A_70 = arith.constant 0 : i32
    %dma_wait3A_71 = tpu.memref_slice %arg9[%dma_wait3A_68, %dma_wait3A_69, %dma_wait3A_70] : memref<4x80x128xf32, #tpu.memory_space<vmem>> -> memref<1x80x128xf32, #tpu.memory_space<vmem>>
    %dma_wait3A_72 = tpu.memref_squeeze %dma_wait3A_71 : memref<1x80x128xf32, #tpu.memory_space<vmem>> -> memref<80x128xf32, #tpu.memory_space<vmem>>
    %dma_wait3A_73 = arith.constant 0 : i32
    %dma_wait3A_74 = tpu.memref_slice %arg10[%mul3A_67, %dma_wait3A_73] : memref<10000x128xf32, #tpu.memory_space<vmem_shared>> -> memref<80x128xf32, #tpu.memory_space<vmem_shared>>
    %dma_wait3A_75 = arith.constant 0 : i32
    %dma_wait3A_76 = tpu.memref_slice %arg10[%mul3A_67, %dma_wait3A_75] : memref<10000x128xf32, #tpu.memory_space<vmem_shared>> -> memref<80x128xf32, #tpu.memory_space<vmem_shared>>
    %dma_wait3A_77 = arith.constant 0 : i32
    %dma_wait3A_78 = arith.constant 0 : i32
    %dma_wait3A_79 = tpu.memref_slice %arg9[%dma_wait3A_68, %dma_wait3A_77, %dma_wait3A_78] : memref<4x80x128xf32, #tpu.memory_space<vmem>> -> memref<1x80x128xf32, #tpu.memory_space<vmem>>
    %dma_wait3A_80 = tpu.memref_squeeze %dma_wait3A_79 : memref<1x80x128xf32, #tpu.memory_space<vmem>> -> memref<80x128xf32, #tpu.memory_space<vmem>>
    tpu.wait_dma2 semaphore(%arg19 : memref<!tpu.dma_semaphore, #tpu.memory_space<semaphore_mem>>) src(%dma_wait3A_80 : memref<80x128xf32, #tpu.memory_space<vmem>>) dst(%dma_wait3A_76 : memref<80x128xf32, #tpu.memory_space<vmem_shared>>)
    %add3A_81 = arith.constant 32 : i32
    %add3A_82 = arith.addi %add3A_81, %arg1 : i32
    %mul3A_83 = arith.constant 80 : i32
    %mul3A_84 = arith.muli %add3A_82, %mul3A_83 : i32
    %mul3A_85 = arith.constant 128 : i32
    %mul3A_86 = arith.muli %arg0, %mul3A_85 : i32
    %dma_start3A_87 = arith.constant 0 : i32
    %dma_start3A_88 = arith.constant 0 : i32
    %dma_start3A_89 = arith.constant 0 : i32
    %dma_start3A_90 = tpu.memref_slice %arg9[%dma_start3A_87, %dma_start3A_88, %dma_start3A_89] : memref<4x80x128xf32, #tpu.memory_space<vmem>> -> memref<1x80x128xf32, #tpu.memory_space<vmem>>
    %dma_start3A_91 = tpu.memref_squeeze %dma_start3A_90 : memref<1x80x128xf32, #tpu.memory_space<vmem>> -> memref<80x128xf32, #tpu.memory_space<vmem>>
    %dma_start3A_92 = tpu.memref_slice %arg4[%mul3A_84, %mul3A_86] : memref<10000x256xf32, #tpu.memory_space<hbm>> -> memref<80x128xf32, #tpu.memory_space<hbm>>
    %dma_start3A_93 = arith.constant 0 : i32
    %dma_start3A_94 = arith.constant 0 : i32
    %dma_start3A_95 = tpu.memref_slice %arg9[%dma_start3A_87, %dma_start3A_93, %dma_start3A_94] : memref<4x80x128xf32, #tpu.memory_space<vmem>> -> memref<1x80x128xf32, #tpu.memory_space<vmem>>
    %dma_start3A_96 = tpu.memref_squeeze %dma_start3A_95 : memref<1x80x128xf32, #tpu.memory_space<vmem>> -> memref<80x128xf32, #tpu.memory_space<vmem>>
    %dma_start3A_97 = tpu.memref_slice %arg4[%mul3A_84, %mul3A_86] : memref<10000x256xf32, #tpu.memory_space<hbm>> -> memref<80x128xf32, #tpu.memory_space<hbm>>
    tpu.enqueue_dma source(%dma_start3A_97 : memref<80x128xf32, #tpu.memory_space<hbm>>) target(%dma_start3A_96 : memref<80x128xf32, #tpu.memory_space<vmem>>) target_semaphore(%arg11 : memref<!tpu.dma_semaphore, #tpu.memory_space<semaphore_mem>>)
    %add3A_98 = arith.constant 16 : i32
    %add3A_99 = arith.addi %add3A_98, %arg1 : i32
    %mul3A_100 = arith.constant 80 : i32
    %mul3A_101 = arith.muli %add3A_99, %mul3A_100 : i32
    %mul3A_102 = arith.constant 128 : i32
    %mul3A_103 = arith.muli %arg0, %mul3A_102 : i32
    %dma_wait3A_104 = arith.constant 1 : i32
    %dma_wait3A_105 = arith.constant 0 : i32
    %dma_wait3A_106 = arith.constant 0 : i32
    %dma_wait3A_107 = tpu.memref_slice %arg9[%dma_wait3A_104, %dma_wait3A_105, %dma_wait3A_106] : memref<4x80x128xf32, #tpu.memory_space<vmem>> -> memref<1x80x128xf32, #tpu.memory_space<vmem>>
    %dma_wait3A_108 = tpu.memref_squeeze %dma_wait3A_107 : memref<1x80x128xf32, #tpu.memory_space<vmem>> -> memref<80x128xf32, #tpu.memory_space<vmem>>
    %dma_wait3A_109 = tpu.memref_slice %arg4[%mul3A_101, %mul3A_103] : memref<10000x256xf32, #tpu.memory_space<hbm>> -> memref<80x128xf32, #tpu.memory_space<hbm>>
    %dma_wait3A_110 = arith.constant 0 : i32
    %dma_wait3A_111 = arith.constant 0 : i32
    %dma_wait3A_112 = tpu.memref_slice %arg9[%dma_wait3A_104, %dma_wait3A_110, %dma_wait3A_111] : memref<4x80x128xf32, #tpu.memory_space<vmem>> -> memref<1x80x128xf32, #tpu.memory_space<vmem>>
    %dma_wait3A_113 = tpu.memref_squeeze %dma_wait3A_112 : memref<1x80x128xf32, #tpu.memory_space<vmem>> -> memref<80x128xf32, #tpu.memory_space<vmem>>
    %dma_wait3A_114 = tpu.memref_slice %arg4[%mul3A_101, %mul3A_103] : memref<10000x256xf32, #tpu.memory_space<hbm>> -> memref<80x128xf32, #tpu.memory_space<hbm>>
    tpu.wait_dma2 semaphore(%arg12 : memref<!tpu.dma_semaphore, #tpu.memory_space<semaphore_mem>>) src(%dma_wait3A_114 : memref<80x128xf32, #tpu.memory_space<hbm>>) dst(%dma_wait3A_113 : memref<80x128xf32, #tpu.memory_space<vmem>>)
    %add3A_115 = arith.constant 16 : i32
    %add3A_116 = arith.addi %add3A_115, %arg1 : i32
    %mul3A_117 = arith.constant 80 : i32
    %mul3A_118 = arith.muli %add3A_116, %mul3A_117 : i32
    %dma_start3A_119 = arith.constant 1 : i32
    %dma_start3A_120 = arith.constant 0 : i32
    %dma_start3A_121 = arith.constant 0 : i32
    %dma_start3A_122 = tpu.memref_slice %arg9[%dma_start3A_119, %dma_start3A_120, %dma_start3A_121] : memref<4x80x128xf32, #tpu.memory_space<vmem>> -> memref<1x80x128xf32, #tpu.memory_space<vmem>>
    %dma_start3A_123 = tpu.memref_squeeze %dma_start3A_122 : memref<1x80x128xf32, #tpu.memory_space<vmem>> -> memref<80x128xf32, #tpu.memory_space<vmem>>
    %dma_start3A_124 = arith.constant 0 : i32
    %dma_start3A_125 = tpu.memref_slice %arg10[%mul3A_118, %dma_start3A_124] : memref<10000x128xf32, #tpu.memory_space<vmem_shared>> -> memref<80x128xf32, #tpu.memory_space<vmem_shared>>
    %dma_start3A_126 = arith.constant 0 : i32
    %dma_start3A_127 = tpu.memref_slice %arg10[%mul3A_118, %dma_start3A_126] : memref<10000x128xf32, #tpu.memory_space<vmem_shared>> -> memref<80x128xf32, #tpu.memory_space<vmem_shared>>
    %dma_start3A_128 = arith.constant 0 : i32
    %dma_start3A_129 = arith.constant 0 : i32
    %dma_start3A_130 = tpu.memref_slice %arg9[%dma_start3A_119, %dma_start3A_128, %dma_start3A_129] : memref<4x80x128xf32, #tpu.memory_space<vmem>> -> memref<1x80x128xf32, #tpu.memory_space<vmem>>
    %dma_start3A_131 = tpu.memref_squeeze %dma_start3A_130 : memref<1x80x128xf32, #tpu.memory_space<vmem>> -> memref<80x128xf32, #tpu.memory_space<vmem>>
    tpu.enqueue_dma source(%dma_start3A_131 : memref<80x128xf32, #tpu.memory_space<vmem>>) target(%dma_start3A_127 : memref<80x128xf32, #tpu.memory_space<vmem_shared>>) target_semaphore(%arg20 : memref<!tpu.dma_semaphore, #tpu.memory_space<semaphore_mem>>)
    %add3A_132 = arith.constant 16 : i32
    %add3A_133 = arith.addi %add3A_132, %arg1 : i32
    %mul3A_134 = arith.constant 80 : i32
    %mul3A_135 = arith.muli %add3A_133, %mul3A_134 : i32
    %dma_wait3A_136 = arith.constant 1 : i32
    %dma_wait3A_137 = arith.constant 0 : i32
    %dma_wait3A_138 = arith.constant 0 : i32
    %dma_wait3A_139 = tpu.memref_slice %arg9[%dma_wait3A_136, %dma_wait3A_137, %dma_wait3A_138] : memref<4x80x128xf32, #tpu.memory_space<vmem>> -> memref<1x80x128xf32, #tpu.memory_space<vmem>>
    %dma_wait3A_140 = tpu.memref_squeeze %dma_wait3A_139 : memref<1x80x128xf32, #tpu.memory_space<vmem>> -> memref<80x128xf32, #tpu.memory_space<vmem>>
    %dma_wait3A_141 = arith.constant 0 : i32
    %dma_wait3A_142 = tpu.memref_slice %arg10[%mul3A_135, %dma_wait3A_141] : memref<10000x128xf32, #tpu.memory_space<vmem_shared>> -> memref<80x128xf32, #tpu.memory_space<vmem_shared>>
    %dma_wait3A_143 = arith.constant 0 : i32
    %dma_wait3A_144 = tpu.memref_slice %arg10[%mul3A_135, %dma_wait3A_143] : memref<10000x128xf32, #tpu.memory_space<vmem_shared>> -> memref<80x128xf32, #tpu.memory_space<vmem_shared>>
    %dma_wait3A_145 = arith.constant 0 : i32
    %dma_wait3A_146 = arith.constant 0 : i32
    %dma_wait3A_147 = tpu.memref_slice %arg9[%dma_wait3A_136, %dma_wait3A_145, %dma_wait3A_146] : memref<4x80x128xf32, #tpu.memory_space<vmem>> -> memref<1x80x128xf32, #tpu.memory_space<vmem>>
    %dma_wait3A_148 = tpu.memref_squeeze %dma_wait3A_147 : memref<1x80x128xf32, #tpu.memory_space<vmem>> -> memref<80x128xf32, #tpu.memory_space<vmem>>
    tpu.wait_dma2 semaphore(%arg20 : memref<!tpu.dma_semaphore, #tpu.memory_space<semaphore_mem>>) src(%dma_wait3A_148 : memref<80x128xf32, #tpu.memory_space<vmem>>) dst(%dma_wait3A_144 : memref<80x128xf32, #tpu.memory_space<vmem_shared>>)
    %add3A_149 = arith.constant 48 : i32
    %add3A_150 = arith.addi %add3A_149, %arg1 : i32
    %mul3A_151 = arith.constant 80 : i32
    %mul3A_152 = arith.muli %add3A_150, %mul3A_151 : i32
    %mul3A_153 = arith.constant 128 : i32
    %mul3A_154 = arith.muli %arg0, %mul3A_153 : i32
    %dma_start3A_155 = arith.constant 1 : i32
    %dma_start3A_156 = arith.constant 0 : i32
    %dma_start3A_157 = arith.constant 0 : i32
    %dma_start3A_158 = tpu.memref_slice %arg9[%dma_start3A_155, %dma_start3A_156, %dma_start3A_157] : memref<4x80x128xf32, #tpu.memory_space<vmem>> -> memref<1x80x128xf32, #tpu.memory_space<vmem>>
    %dma_start3A_159 = tpu.memref_squeeze %dma_start3A_158 : memref<1x80x128xf32, #tpu.memory_space<vmem>> -> memref<80x128xf32, #tpu.memory_space<vmem>>
    %dma_start3A_160 = tpu.memref_slice %arg4[%mul3A_152, %mul3A_154] : memref<10000x256xf32, #tpu.memory_space<hbm>> -> memref<80x128xf32, #tpu.memory_space<hbm>>
    %dma_start3A_161 = arith.constant 0 : i32
    %dma_start3A_162 = arith.constant 0 : i32
    %dma_start3A_163 = tpu.memref_slice %arg9[%dma_start3A_155, %dma_start3A_161, %dma_start3A_162] : memref<4x80x128xf32, #tpu.memory_space<vmem>> -> memref<1x80x128xf32, #tpu.memory_space<vmem>>
    %dma_start3A_164 = tpu.memref_squeeze %dma_start3A_163 : memref<1x80x128xf32, #tpu.memory_space<vmem>> -> memref<80x128xf32, #tpu.memory_space<vmem>>
    %dma_start3A_165 = tpu.memref_slice %arg4[%mul3A_152, %mul3A_154] : memref<10000x256xf32, #tpu.memory_space<hbm>> -> memref<80x128xf32, #tpu.memory_space<hbm>>
    tpu.enqueue_dma source(%dma_start3A_165 : memref<80x128xf32, #tpu.memory_space<hbm>>) target(%dma_start3A_164 : memref<80x128xf32, #tpu.memory_space<vmem>>) target_semaphore(%arg12 : memref<!tpu.dma_semaphore, #tpu.memory_space<semaphore_mem>>)
    %add3A_166 = arith.constant 32 : i32
    %add3A_167 = arith.addi %add3A_166, %arg1 : i32
    %mul3A_168 = arith.constant 80 : i32
    %mul3A_169 = arith.muli %add3A_167, %mul3A_168 : i32
    %mul3A_170 = arith.constant 128 : i32
    %mul3A_171 = arith.muli %arg0, %mul3A_170 : i32
    %dma_wait3A_172 = arith.constant 0 : i32
    %dma_wait3A_173 = arith.constant 0 : i32
    %dma_wait3A_174 = arith.constant 0 : i32
    %dma_wait3A_175 = tpu.memref_slice %arg9[%dma_wait3A_172, %dma_wait3A_173, %dma_wait3A_174] : memref<4x80x128xf32, #tpu.memory_space<vmem>> -> memref<1x80x128xf32, #tpu.memory_space<vmem>>
    %dma_wait3A_176 = tpu.memref_squeeze %dma_wait3A_175 : memref<1x80x128xf32, #tpu.memory_space<vmem>> -> memref<80x128xf32, #tpu.memory_space<vmem>>
    %dma_wait3A_177 = tpu.memref_slice %arg4[%mul3A_169, %mul3A_171] : memref<10000x256xf32, #tpu.memory_space<hbm>> -> memref<80x128xf32, #tpu.memory_space<hbm>>
    %dma_wait3A_178 = arith.constant 0 : i32
    %dma_wait3A_179 = arith.constant 0 : i32
    %dma_wait3A_180 = tpu.memref_slice %arg9[%dma_wait3A_172, %dma_wait3A_178, %dma_wait3A_179] : memref<4x80x128xf32, #tpu.memory_space<vmem>> -> memref<1x80x128xf32, #tpu.memory_space<vmem>>
    %dma_wait3A_181 = tpu.memref_squeeze %dma_wait3A_180 : memref<1x80x128xf32, #tpu.memory_space<vmem>> -> memref<80x128xf32, #tpu.memory_space<vmem>>
    %dma_wait3A_182 = tpu.memref_slice %arg4[%mul3A_169, %mul3A_171] : memref<10000x256xf32, #tpu.memory_space<hbm>> -> memref<80x128xf32, #tpu.memory_space<hbm>>
    tpu.wait_dma2 semaphore(%arg11 : memref<!tpu.dma_semaphore, #tpu.memory_space<semaphore_mem>>) src(%dma_wait3A_182 : memref<80x128xf32, #tpu.memory_space<hbm>>) dst(%dma_wait3A_181 : memref<80x128xf32, #tpu.memory_space<vmem>>)
    %add3A_183 = arith.constant 32 : i32
    %add3A_184 = arith.addi %add3A_183, %arg1 : i32
    %mul3A_185 = arith.constant 80 : i32
    %mul3A_186 = arith.muli %add3A_184, %mul3A_185 : i32
    %dma_start3A_187 = arith.constant 0 : i32
    %dma_start3A_188 = arith.constant 0 : i32
    %dma_start3A_189 = arith.constant 0 : i32
    %dma_start3A_190 = tpu.memref_slice %arg9[%dma_start3A_187, %dma_start3A_188, %dma_start3A_189] : memref<4x80x128xf32, #tpu.memory_space<vmem>> -> memref<1x80x128xf32, #tpu.memory_space<vmem>>
    %dma_start3A_191 = tpu.memref_squeeze %dma_start3A_190 : memref<1x80x128xf32, #tpu.memory_space<vmem>> -> memref<80x128xf32, #tpu.memory_space<vmem>>
    %dma_start3A_192 = arith.constant 0 : i32
    %dma_start3A_193 = tpu.memref_slice %arg10[%mul3A_186, %dma_start3A_192] : memref<10000x128xf32, #tpu.memory_space<vmem_shared>> -> memref<80x128xf32, #tpu.memory_space<vmem_shared>>
    %dma_start3A_194 = arith.constant 0 : i32
    %dma_start3A_195 = tpu.memref_slice %arg10[%mul3A_186, %dma_start3A_194] : memref<10000x128xf32, #tpu.memory_space<vmem_shared>> -> memref<80x128xf32, #tpu.memory_space<vmem_shared>>
    %dma_start3A_196 = arith.constant 0 : i32
    %dma_start3A_197 = arith.constant 0 : i32
    %dma_start3A_198 = tpu.memref_slice %arg9[%dma_start3A_187, %dma_start3A_196, %dma_start3A_197] : memref<4x80x128xf32, #tpu.memory_space<vmem>> -> memref<1x80x128xf32, #tpu.memory_space<vmem>>
    %dma_start3A_199 = tpu.memref_squeeze %dma_start3A_198 : memref<1x80x128xf32, #tpu.memory_space<vmem>> -> memref<80x128xf32, #tpu.memory_space<vmem>>
    tpu.enqueue_dma source(%dma_start3A_199 : memref<80x128xf32, #tpu.memory_space<vmem>>) target(%dma_start3A_195 : memref<80x128xf32, #tpu.memory_space<vmem_shared>>) target_semaphore(%arg19 : memref<!tpu.dma_semaphore, #tpu.memory_space<semaphore_mem>>)
    %add3A_200 = arith.constant 32 : i32
    %add3A_201 = arith.addi %add3A_200, %arg1 : i32
    %mul3A_202 = arith.constant 80 : i32
    %mul3A_203 = arith.muli %add3A_201, %mul3A_202 : i32
    %dma_wait3A_204 = arith.constant 0 : i32
    %dma_wait3A_205 = arith.constant 0 : i32
    %dma_wait3A_206 = arith.constant 0 : i32
    %dma_wait3A_207 = tpu.memref_slice %arg9[%dma_wait3A_204, %dma_wait3A_205, %dma_wait3A_206] : memref<4x80x128xf32, #tpu.memory_space<vmem>> -> memref<1x80x128xf32, #tpu.memory_space<vmem>>
    %dma_wait3A_208 = tpu.memref_squeeze %dma_wait3A_207 : memref<1x80x128xf32, #tpu.memory_space<vmem>> -> memref<80x128xf32, #tpu.memory_space<vmem>>
    %dma_wait3A_209 = arith.constant 0 : i32
    %dma_wait3A_210 = tpu.memref_slice %arg10[%mul3A_203, %dma_wait3A_209] : memref<10000x128xf32, #tpu.memory_space<vmem_shared>> -> memref<80x128xf32, #tpu.memory_space<vmem_shared>>
    %dma_wait3A_211 = arith.constant 0 : i32
    %dma_wait3A_212 = tpu.memref_slice %arg10[%mul3A_203, %dma_wait3A_211] : memref<10000x128xf32, #tpu.memory_space<vmem_shared>> -> memref<80x128xf32, #tpu.memory_space<vmem_shared>>
    %dma_wait3A_213 = arith.constant 0 : i32
    %dma_wait3A_214 = arith.constant 0 : i32
    %dma_wait3A_215 = tpu.memref_slice %arg9[%dma_wait3A_204, %dma_wait3A_213, %dma_wait3A_214] : memref<4x80x128xf32, #tpu.memory_space<vmem>> -> memref<1x80x128xf32, #tpu.memory_space<vmem>>
    %dma_wait3A_216 = tpu.memref_squeeze %dma_wait3A_215 : memref<1x80x128xf32, #tpu.memory_space<vmem>> -> memref<80x128xf32, #tpu.memory_space<vmem>>
    tpu.wait_dma2 semaphore(%arg19 : memref<!tpu.dma_semaphore, #tpu.memory_space<semaphore_mem>>) src(%dma_wait3A_216 : memref<80x128xf32, #tpu.memory_space<vmem>>) dst(%dma_wait3A_212 : memref<80x128xf32, #tpu.memory_space<vmem_shared>>)
    %add3A_217 = arith.constant 64 : i32
    %add3A_218 = arith.addi %add3A_217, %arg1 : i32
    %mul3A_219 = arith.constant 80 : i32
    %mul3A_220 = arith.muli %add3A_218, %mul3A_219 : i32
    %mul3A_221 = arith.constant 128 : i32
    %mul3A_222 = arith.muli %arg0, %mul3A_221 : i32
    %dma_start3A_223 = arith.constant 0 : i32
    %dma_start3A_224 = arith.constant 0 : i32
    %dma_start3A_225 = arith.constant 0 : i32
    %dma_start3A_226 = tpu.memref_slice %arg9[%dma_start3A_223, %dma_start3A_224, %dma_start3A_225] : memref<4x80x128xf32, #tpu.memory_space<vmem>> -> memref<1x80x128xf32, #tpu.memory_space<vmem>>
    %dma_start3A_227 = tpu.memref_squeeze %dma_start3A_226 : memref<1x80x128xf32, #tpu.memory_space<vmem>> -> memref<80x128xf32, #tpu.memory_space<vmem>>
    %dma_start3A_228 = tpu.memref_slice %arg4[%mul3A_220, %mul3A_222] : memref<10000x256xf32, #tpu.memory_space<hbm>> -> memref<80x128xf32, #tpu.memory_space<hbm>>
    %dma_start3A_229 = arith.constant 0 : i32
    %dma_start3A_230 = arith.constant 0 : i32
    %dma_start3A_231 = tpu.memref_slice %arg9[%dma_start3A_223, %dma_start3A_229, %dma_start3A_230] : memref<4x80x128xf32, #tpu.memory_space<vmem>> -> memref<1x80x128xf32, #tpu.memory_space<vmem>>
    %dma_start3A_232 = tpu.memref_squeeze %dma_start3A_231 : memref<1x80x128xf32, #tpu.memory_space<vmem>> -> memref<80x128xf32, #tpu.memory_space<vmem>>
    %dma_start3A_233 = tpu.memref_slice %arg4[%mul3A_220, %mul3A_222] : memref<10000x256xf32, #tpu.memory_space<hbm>> -> memref<80x128xf32, #tpu.memory_space<hbm>>
    tpu.enqueue_dma source(%dma_start3A_233 : memref<80x128xf32, #tpu.memory_space<hbm>>) target(%dma_start3A_232 : memref<80x128xf32, #tpu.memory_space<vmem>>) target_semaphore(%arg11 : memref<!tpu.dma_semaphore, #tpu.memory_space<semaphore_mem>>)
    %add3A_234 = arith.constant 48 : i32
    %add3A_235 = arith.addi %add3A_234, %arg1 : i32
    %mul3A_236 = arith.constant 80 : i32
    %mul3A_237 = arith.muli %add3A_235, %mul3A_236 : i32
    %mul3A_238 = arith.constant 128 : i32
    %mul3A_239 = arith.muli %arg0, %mul3A_238 : i32
    %dma_wait3A_240 = arith.constant 1 : i32
    %dma_wait3A_241 = arith.constant 0 : i32
    %dma_wait3A_242 = arith.constant 0 : i32
    %dma_wait3A_243 = tpu.memref_slice %arg9[%dma_wait3A_240, %dma_wait3A_241, %dma_wait3A_242] : memref<4x80x128xf32, #tpu.memory_space<vmem>> -> memref<1x80x128xf32, #tpu.memory_space<vmem>>
    %dma_wait3A_244 = tpu.memref_squeeze %dma_wait3A_243 : memref<1x80x128xf32, #tpu.memory_space<vmem>> -> memref<80x128xf32, #tpu.memory_space<vmem>>
    %dma_wait3A_245 = tpu.memref_slice %arg4[%mul3A_237, %mul3A_239] : memref<10000x256xf32, #tpu.memory_space<hbm>> -> memref<80x128xf32, #tpu.memory_space<hbm>>
    %dma_wait3A_246 = arith.constant 0 : i32
    %dma_wait3A_247 = arith.constant 0 : i32
    %dma_wait3A_248 = tpu.memref_slice %arg9[%dma_wait3A_240, %dma_wait3A_246, %dma_wait3A_247] : memref<4x80x128xf32, #tpu.memory_space<vmem>> -> memref<1x80x128xf32, #tpu.memory_space<vmem>>
    %dma_wait3A_249 = tpu.memref_squeeze %dma_wait3A_248 : memref<1x80x128xf32, #tpu.memory_space<vmem>> -> memref<80x128xf32, #tpu.memory_space<vmem>>
    %dma_wait3A_250 = tpu.memref_slice %arg4[%mul3A_237, %mul3A_239] : memref<10000x256xf32, #tpu.memory_space<hbm>> -> memref<80x128xf32, #tpu.memory_space<hbm>>
    tpu.wait_dma2 semaphore(%arg12 : memref<!tpu.dma_semaphore, #tpu.memory_space<semaphore_mem>>) src(%dma_wait3A_250 : memref<80x128xf32, #tpu.memory_space<hbm>>) dst(%dma_wait3A_249 : memref<80x128xf32, #tpu.memory_space<vmem>>)
    %add3A_251 = arith.constant 48 : i32
    %add3A_252 = arith.addi %add3A_251, %arg1 : i32
    %mul3A_253 = arith.constant 80 : i32
    %mul3A_254 = arith.muli %add3A_252, %mul3A_253 : i32
    %dma_start3A_255 = arith.constant 1 : i32
    %dma_start3A_256 = arith.constant 0 : i32
    %dma_start3A_257 = arith.constant 0 : i32
    %dma_start3A_258 = tpu.memref_slice %arg9[%dma_start3A_255, %dma_start3A_256, %dma_start3A_257] : memref<4x80x128xf32, #tpu.memory_space<vmem>> -> memref<1x80x128xf32, #tpu.memory_space<vmem>>
    %dma_start3A_259 = tpu.memref_squeeze %dma_start3A_258 : memref<1x80x128xf32, #tpu.memory_space<vmem>> -> memref<80x128xf32, #tpu.memory_space<vmem>>
    %dma_start3A_260 = arith.constant 0 : i32
    %dma_start3A_261 = tpu.memref_slice %arg10[%mul3A_254, %dma_start3A_260] : memref<10000x128xf32, #tpu.memory_space<vmem_shared>> -> memref<80x128xf32, #tpu.memory_space<vmem_shared>>
    %dma_start3A_262 = arith.constant 0 : i32
    %dma_start3A_263 = tpu.memref_slice %arg10[%mul3A_254, %dma_start3A_262] : memref<10000x128xf32, #tpu.memory_space<vmem_shared>> -> memref<80x128xf32, #tpu.memory_space<vmem_shared>>
    %dma_start3A_264 = arith.constant 0 : i32
    %dma_start3A_265 = arith.constant 0 : i32
    %dma_start3A_266 = tpu.memref_slice %arg9[%dma_start3A_255, %dma_start3A_264, %dma_start3A_265] : memref<4x80x128xf32, #tpu.memory_space<vmem>> -> memref<1x80x128xf32, #tpu.memory_space<vmem>>
    %dma_start3A_267 = tpu.memref_squeeze %dma_start3A_266 : memref<1x80x128xf32, #tpu.memory_space<vmem>> -> memref<80x128xf32, #tpu.memory_space<vmem>>
    tpu.enqueue_dma source(%dma_start3A_267 : memref<80x128xf32, #tpu.memory_space<vmem>>) target(%dma_start3A_263 : memref<80x128xf32, #tpu.memory_space<vmem_shared>>) target_semaphore(%arg20 : memref<!tpu.dma_semaphore, #tpu.memory_space<semaphore_mem>>)
    %add3A_268 = arith.constant 48 : i32
    %add3A_269 = arith.addi %add3A_268, %arg1 : i32
    %mul3A_270 = arith.constant 80 : i32
    %mul3A_271 = arith.muli %add3A_269, %mul3A_270 : i32
    %dma_wait3A_272 = arith.constant 1 : i32
    %dma_wait3A_273 = arith.constant 0 : i32
    %dma_wait3A_274 = arith.constant 0 : i32
    %dma_wait3A_275 = tpu.memref_slice %arg9[%dma_wait3A_272, %dma_wait3A_273, %dma_wait3A_274] : memref<4x80x128xf32, #tpu.memory_space<vmem>> -> memref<1x80x128xf32, #tpu.memory_space<vmem>>
    %dma_wait3A_276 = tpu.memref_squeeze %dma_wait3A_275 : memref<1x80x128xf32, #tpu.memory_space<vmem>> -> memref<80x128xf32, #tpu.memory_space<vmem>>
    %dma_wait3A_277 = arith.constant 0 : i32
    %dma_wait3A_278 = tpu.memref_slice %arg10[%mul3A_271, %dma_wait3A_277] : memref<10000x128xf32, #tpu.memory_space<vmem_shared>> -> memref<80x128xf32, #tpu.memory_space<vmem_shared>>
    %dma_wait3A_279 = arith.constant 0 : i32
    %dma_wait3A_280 = tpu.memref_slice %arg10[%mul3A_271, %dma_wait3A_279] : memref<10000x128xf32, #tpu.memory_space<vmem_shared>> -> memref<80x128xf32, #tpu.memory_space<vmem_shared>>
    %dma_wait3A_281 = arith.constant 0 : i32
    %dma_wait3A_282 = arith.constant 0 : i32
    %dma_wait3A_283 = tpu.memref_slice %arg9[%dma_wait3A_272, %dma_wait3A_281, %dma_wait3A_282] : memref<4x80x128xf32, #tpu.memory_space<vmem>> -> memref<1x80x128xf32, #tpu.memory_space<vmem>>
    %dma_wait3A_284 = tpu.memref_squeeze %dma_wait3A_283 : memref<1x80x128xf32, #tpu.memory_space<vmem>> -> memref<80x128xf32, #tpu.memory_space<vmem>>
    tpu.wait_dma2 semaphore(%arg20 : memref<!tpu.dma_semaphore, #tpu.memory_space<semaphore_mem>>) src(%dma_wait3A_284 : memref<80x128xf32, #tpu.memory_space<vmem>>) dst(%dma_wait3A_280 : memref<80x128xf32, #tpu.memory_space<vmem_shared>>)
    %add3A_285 = arith.constant 80 : i32
    %add3A_286 = arith.addi %add3A_285, %arg1 : i32
    %mul3A_287 = arith.constant 80 : i32
    %mul3A_288 = arith.muli %add3A_286, %mul3A_287 : i32
    %mul3A_289 = arith.constant 128 : i32
    %mul3A_290 = arith.muli %arg0, %mul3A_289 : i32
    %dma_start3A_291 = arith.constant 1 : i32
    %dma_start3A_292 = arith.constant 0 : i32
    %dma_start3A_293 = arith.constant 0 : i32
    %dma_start3A_294 = tpu.memref_slice %arg9[%dma_start3A_291, %dma_start3A_292, %dma_start3A_293] : memref<4x80x128xf32, #tpu.memory_space<vmem>> -> memref<1x80x128xf32, #tpu.memory_space<vmem>>
    %dma_start3A_295 = tpu.memref_squeeze %dma_start3A_294 : memref<1x80x128xf32, #tpu.memory_space<vmem>> -> memref<80x128xf32, #tpu.memory_space<vmem>>
    %dma_start3A_296 = tpu.memref_slice %arg4[%mul3A_288, %mul3A_290] : memref<10000x256xf32, #tpu.memory_space<hbm>> -> memref<80x128xf32, #tpu.memory_space<hbm>>
    %dma_start3A_297 = arith.constant 0 : i32
    %dma_start3A_298 = arith.constant 0 : i32
    %dma_start3A_299 = tpu.memref_slice %arg9[%dma_start3A_291, %dma_start3A_297, %dma_start3A_298] : memref<4x80x128xf32, #tpu.memory_space<vmem>> -> memref<1x80x128xf32, #tpu.memory_space<vmem>>
    %dma_start3A_300 = tpu.memref_squeeze %dma_start3A_299 : memref<1x80x128xf32, #tpu.memory_space<vmem>> -> memref<80x128xf32, #tpu.memory_space<vmem>>
    %dma_start3A_301 = tpu.memref_slice %arg4[%mul3A_288, %mul3A_290] : memref<10000x256xf32, #tpu.memory_space<hbm>> -> memref<80x128xf32, #tpu.memory_space<hbm>>
    tpu.enqueue_dma source(%dma_start3A_301 : memref<80x128xf32, #tpu.memory_space<hbm>>) target(%dma_start3A_300 : memref<80x128xf32, #tpu.memory_space<vmem>>) target_semaphore(%arg12 : memref<!tpu.dma_semaphore, #tpu.memory_space<semaphore_mem>>)
    %add3A_302 = arith.constant 64 : i32
    %add3A_303 = arith.addi %add3A_302, %arg1 : i32
    %mul3A_304 = arith.constant 80 : i32
    %mul3A_305 = arith.muli %add3A_303, %mul3A_304 : i32
    %mul3A_306 = arith.constant 128 : i32
    %mul3A_307 = arith.muli %arg0, %mul3A_306 : i32
    %dma_wait3A_308 = arith.constant 0 : i32
    %dma_wait3A_309 = arith.constant 0 : i32
    %dma_wait3A_310 = arith.constant 0 : i32
    %dma_wait3A_311 = tpu.memref_slice %arg9[%dma_wait3A_308, %dma_wait3A_309, %dma_wait3A_310] : memref<4x80x128xf32, #tpu.memory_space<vmem>> -> memref<1x80x128xf32, #tpu.memory_space<vmem>>
    %dma_wait3A_312 = tpu.memref_squeeze %dma_wait3A_311 : memref<1x80x128xf32, #tpu.memory_space<vmem>> -> memref<80x128xf32, #tpu.memory_space<vmem>>
    %dma_wait3A_313 = tpu.memref_slice %arg4[%mul3A_305, %mul3A_307] : memref<10000x256xf32, #tpu.memory_space<hbm>> -> memref<80x128xf32, #tpu.memory_space<hbm>>
    %dma_wait3A_314 = arith.constant 0 : i32
    %dma_wait3A_315 = arith.constant 0 : i32
    %dma_wait3A_316 = tpu.memref_slice %arg9[%dma_wait3A_308, %dma_wait3A_314, %dma_wait3A_315] : memref<4x80x128xf32, #tpu.memory_space<vmem>> -> memref<1x80x128xf32, #tpu.memory_space<vmem>>
    %dma_wait3A_317 = tpu.memref_squeeze %dma_wait3A_316 : memref<1x80x128xf32, #tpu.memory_space<vmem>> -> memref<80x128xf32, #tpu.memory_space<vmem>>
    %dma_wait3A_318 = tpu.memref_slice %arg4[%mul3A_305, %mul3A_307] : memref<10000x256xf32, #tpu.memory_space<hbm>> -> memref<80x128xf32, #tpu.memory_space<hbm>>
    tpu.wait_dma2 semaphore(%arg11 : memref<!tpu.dma_semaphore, #tpu.memory_space<semaphore_mem>>) src(%dma_wait3A_318 : memref<80x128xf32, #tpu.memory_space<hbm>>) dst(%dma_wait3A_317 : memref<80x128xf32, #tpu.memory_space<vmem>>)
    %add3A_319 = arith.constant 64 : i32
    %add3A_320 = arith.addi %add3A_319, %arg1 : i32
    %mul3A_321 = arith.constant 80 : i32
    %mul3A_322 = arith.muli %add3A_320, %mul3A_321 : i32
    %dma_start3A_323 = arith.constant 0 : i32
    %dma_start3A_324 = arith.constant 0 : i32
    %dma_start3A_325 = arith.constant 0 : i32
    %dma_start3A_326 = tpu.memref_slice %arg9[%dma_start3A_323, %dma_start3A_324, %dma_start3A_325] : memref<4x80x128xf32, #tpu.memory_space<vmem>> -> memref<1x80x128xf32, #tpu.memory_space<vmem>>
    %dma_start3A_327 = tpu.memref_squeeze %dma_start3A_326 : memref<1x80x128xf32, #tpu.memory_space<vmem>> -> memref<80x128xf32, #tpu.memory_space<vmem>>
    %dma_start3A_328 = arith.constant 0 : i32
    %dma_start3A_329 = tpu.memref_slice %arg10[%mul3A_322, %dma_start3A_328] : memref<10000x128xf32, #tpu.memory_space<vmem_shared>> -> memref<80x128xf32, #tpu.memory_space<vmem_shared>>
    %dma_start3A_330 = arith.constant 0 : i32
    %dma_start3A_331 = tpu.memref_slice %arg10[%mul3A_322, %dma_start3A_330] : memref<10000x128xf32, #tpu.memory_space<vmem_shared>> -> memref<80x128xf32, #tpu.memory_space<vmem_shared>>
    %dma_start3A_332 = arith.constant 0 : i32
    %dma_start3A_333 = arith.constant 0 : i32
    %dma_start3A_334 = tpu.memref_slice %arg9[%dma_start3A_323, %dma_start3A_332, %dma_start3A_333] : memref<4x80x128xf32, #tpu.memory_space<vmem>> -> memref<1x80x128xf32, #tpu.memory_space<vmem>>
    %dma_start3A_335 = tpu.memref_squeeze %dma_start3A_334 : memref<1x80x128xf32, #tpu.memory_space<vmem>> -> memref<80x128xf32, #tpu.memory_space<vmem>>
    tpu.enqueue_dma source(%dma_start3A_335 : memref<80x128xf32, #tpu.memory_space<vmem>>) target(%dma_start3A_331 : memref<80x128xf32, #tpu.memory_space<vmem_shared>>) target_semaphore(%arg19 : memref<!tpu.dma_semaphore, #tpu.memory_space<semaphore_mem>>)
    %add3A_336 = arith.constant 64 : i32
    %add3A_337 = arith.addi %add3A_336, %arg1 : i32
    %mul3A_338 = arith.constant 80 : i32
    %mul3A_339 = arith.muli %add3A_337, %mul3A_338 : i32
    %dma_wait3A_340 = arith.constant 0 : i32
    %dma_wait3A_341 = arith.constant 0 : i32
    %dma_wait3A_342 = arith.constant 0 : i32
    %dma_wait3A_343 = tpu.memref_slice %arg9[%dma_wait3A_340, %dma_wait3A_341, %dma_wait3A_342] : memref<4x80x128xf32, #tpu.memory_space<vmem>> -> memref<1x80x128xf32, #tpu.memory_space<vmem>>
    %dma_wait3A_344 = tpu.memref_squeeze %dma_wait3A_343 : memref<1x80x128xf32, #tpu.memory_space<vmem>> -> memref<80x128xf32, #tpu.memory_space<vmem>>
    %dma_wait3A_345 = arith.constant 0 : i32
    %dma_wait3A_346 = tpu.memref_slice %arg10[%mul3A_339, %dma_wait3A_345] : memref<10000x128xf32, #tpu.memory_space<vmem_shared>> -> memref<80x128xf32, #tpu.memory_space<vmem_shared>>
    %dma_wait3A_347 = arith.constant 0 : i32
    %dma_wait3A_348 = tpu.memref_slice %arg10[%mul3A_339, %dma_wait3A_347] : memref<10000x128xf32, #tpu.memory_space<vmem_shared>> -> memref<80x128xf32, #tpu.memory_space<vmem_shared>>
    %dma_wait3A_349 = arith.constant 0 : i32
    %dma_wait3A_350 = arith.constant 0 : i32
    %dma_wait3A_351 = tpu.memref_slice %arg9[%dma_wait3A_340, %dma_wait3A_349, %dma_wait3A_350] : memref<4x80x128xf32, #tpu.memory_space<vmem>> -> memref<1x80x128xf32, #tpu.memory_space<vmem>>
    %dma_wait3A_352 = tpu.memref_squeeze %dma_wait3A_351 : memref<1x80x128xf32, #tpu.memory_space<vmem>> -> memref<80x128xf32, #tpu.memory_space<vmem>>
    tpu.wait_dma2 semaphore(%arg19 : memref<!tpu.dma_semaphore, #tpu.memory_space<semaphore_mem>>) src(%dma_wait3A_352 : memref<80x128xf32, #tpu.memory_space<vmem>>) dst(%dma_wait3A_348 : memref<80x128xf32, #tpu.memory_space<vmem_shared>>)
    %add3A_353 = arith.constant 96 : i32
    %add3A_354 = arith.addi %add3A_353, %arg1 : i32
    %mul3A_355 = arith.constant 80 : i32
    %mul3A_356 = arith.muli %add3A_354, %mul3A_355 : i32
    %mul3A_357 = arith.constant 128 : i32
    %mul3A_358 = arith.muli %arg0, %mul3A_357 : i32
    %dma_start3A_359 = arith.constant 0 : i32
    %dma_start3A_360 = arith.constant 0 : i32
    %dma_start3A_361 = arith.constant 0 : i32
    %dma_start3A_362 = tpu.memref_slice %arg9[%dma_start3A_359, %dma_start3A_360, %dma_start3A_361] : memref<4x80x128xf32, #tpu.memory_space<vmem>> -> memref<1x80x128xf32, #tpu.memory_space<vmem>>
    %dma_start3A_363 = tpu.memref_squeeze %dma_start3A_362 : memref<1x80x128xf32, #tpu.memory_space<vmem>> -> memref<80x128xf32, #tpu.memory_space<vmem>>
    %dma_start3A_364 = tpu.memref_slice %arg4[%mul3A_356, %mul3A_358] : memref<10000x256xf32, #tpu.memory_space<hbm>> -> memref<80x128xf32, #tpu.memory_space<hbm>>
    %dma_start3A_365 = arith.constant 0 : i32
    %dma_start3A_366 = arith.constant 0 : i32
    %dma_start3A_367 = tpu.memref_slice %arg9[%dma_start3A_359, %dma_start3A_365, %dma_start3A_366] : memref<4x80x128xf32, #tpu.memory_space<vmem>> -> memref<1x80x128xf32, #tpu.memory_space<vmem>>
    %dma_start3A_368 = tpu.memref_squeeze %dma_start3A_367 : memref<1x80x128xf32, #tpu.memory_space<vmem>> -> memref<80x128xf32, #tpu.memory_space<vmem>>
    %dma_start3A_369 = tpu.memref_slice %arg4[%mul3A_356, %mul3A_358] : memref<10000x256xf32, #tpu.memory_space<hbm>> -> memref<80x128xf32, #tpu.memory_space<hbm>>
    tpu.enqueue_dma source(%dma_start3A_369 : memref<80x128xf32, #tpu.memory_space<hbm>>) target(%dma_start3A_368 : memref<80x128xf32, #tpu.memory_space<vmem>>) target_semaphore(%arg11 : memref<!tpu.dma_semaphore, #tpu.memory_space<semaphore_mem>>)
    %add3A_370 = arith.constant 80 : i32
    %add3A_371 = arith.addi %add3A_370, %arg1 : i32
    %mul3A_372 = arith.constant 80 : i32
    %mul3A_373 = arith.muli %add3A_371, %mul3A_372 : i32
    %mul3A_374 = arith.constant 128 : i32
    %mul3A_375 = arith.muli %arg0, %mul3A_374 : i32
    %dma_wait3A_376 = arith.constant 1 : i32
    %dma_wait3A_377 = arith.constant 0 : i32
    %dma_wait3A_378 = arith.constant 0 : i32
    %dma_wait3A_379 = tpu.memref_slice %arg9[%dma_wait3A_376, %dma_wait3A_377, %dma_wait3A_378] : memref<4x80x128xf32, #tpu.memory_space<vmem>> -> memref<1x80x128xf32, #tpu.memory_space<vmem>>
    %dma_wait3A_380 = tpu.memref_squeeze %dma_wait3A_379 : memref<1x80x128xf32, #tpu.memory_space<vmem>> -> memref<80x128xf32, #tpu.memory_space<vmem>>
    %dma_wait3A_381 = tpu.memref_slice %arg4[%mul3A_373, %mul3A_375] : memref<10000x256xf32, #tpu.memory_space<hbm>> -> memref<80x128xf32, #tpu.memory_space<hbm>>
    %dma_wait3A_382 = arith.constant 0 : i32
    %dma_wait3A_383 = arith.constant 0 : i32
    %dma_wait3A_384 = tpu.memref_slice %arg9[%dma_wait3A_376, %dma_wait3A_382, %dma_wait3A_383] : memref<4x80x128xf32, #tpu.memory_space<vmem>> -> memref<1x80x128xf32, #tpu.memory_space<vmem>>
    %dma_wait3A_385 = tpu.memref_squeeze %dma_wait3A_384 : memref<1x80x128xf32, #tpu.memory_space<vmem>> -> memref<80x128xf32, #tpu.memory_space<vmem>>
    %dma_wait3A_386 = tpu.memref_slice %arg4[%mul3A_373, %mul3A_375] : memref<10000x256xf32, #tpu.memory_space<hbm>> -> memref<80x128xf32, #tpu.memory_space<hbm>>
    tpu.wait_dma2 semaphore(%arg12 : memref<!tpu.dma_semaphore, #tpu.memory_space<semaphore_mem>>) src(%dma_wait3A_386 : memref<80x128xf32, #tpu.memory_space<hbm>>) dst(%dma_wait3A_385 : memref<80x128xf32, #tpu.memory_space<vmem>>)
    %add3A_387 = arith.constant 80 : i32
    %add3A_388 = arith.addi %add3A_387, %arg1 : i32
    %mul3A_389 = arith.constant 80 : i32
    %mul3A_390 = arith.muli %add3A_388, %mul3A_389 : i32
    %dma_start3A_391 = arith.constant 1 : i32
    %dma_start3A_392 = arith.constant 0 : i32
    %dma_start3A_393 = arith.constant 0 : i32
    %dma_start3A_394 = tpu.memref_slice %arg9[%dma_start3A_391, %dma_start3A_392, %dma_start3A_393] : memref<4x80x128xf32, #tpu.memory_space<vmem>> -> memref<1x80x128xf32, #tpu.memory_space<vmem>>
    %dma_start3A_395 = tpu.memref_squeeze %dma_start3A_394 : memref<1x80x128xf32, #tpu.memory_space<vmem>> -> memref<80x128xf32, #tpu.memory_space<vmem>>
    %dma_start3A_396 = arith.constant 0 : i32
    %dma_start3A_397 = tpu.memref_slice %arg10[%mul3A_390, %dma_start3A_396] : memref<10000x128xf32, #tpu.memory_space<vmem_shared>> -> memref<80x128xf32, #tpu.memory_space<vmem_shared>>
    %dma_start3A_398 = arith.constant 0 : i32
    %dma_start3A_399 = tpu.memref_slice %arg10[%mul3A_390, %dma_start3A_398] : memref<10000x128xf32, #tpu.memory_space<vmem_shared>> -> memref<80x128xf32, #tpu.memory_space<vmem_shared>>
    %dma_start3A_400 = arith.constant 0 : i32
    %dma_start3A_401 = arith.constant 0 : i32
    %dma_start3A_402 = tpu.memref_slice %arg9[%dma_start3A_391, %dma_start3A_400, %dma_start3A_401] : memref<4x80x128xf32, #tpu.memory_space<vmem>> -> memref<1x80x128xf32, #tpu.memory_space<vmem>>
    %dma_start3A_403 = tpu.memref_squeeze %dma_start3A_402 : memref<1x80x128xf32, #tpu.memory_space<vmem>> -> memref<80x128xf32, #tpu.memory_space<vmem>>
    tpu.enqueue_dma source(%dma_start3A_403 : memref<80x128xf32, #tpu.memory_space<vmem>>) target(%dma_start3A_399 : memref<80x128xf32, #tpu.memory_space<vmem_shared>>) target_semaphore(%arg20 : memref<!tpu.dma_semaphore, #tpu.memory_space<semaphore_mem>>)
    %add3A_404 = arith.constant 80 : i32
    %add3A_405 = arith.addi %add3A_404, %arg1 : i32
    %mul3A_406 = arith.constant 80 : i32
    %mul3A_407 = arith.muli %add3A_405, %mul3A_406 : i32
    %dma_wait3A_408 = arith.constant 1 : i32
    %dma_wait3A_409 = arith.constant 0 : i32
    %dma_wait3A_410 = arith.constant 0 : i32
    %dma_wait3A_411 = tpu.memref_slice %arg9[%dma_wait3A_408, %dma_wait3A_409, %dma_wait3A_410] : memref<4x80x128xf32, #tpu.memory_space<vmem>> -> memref<1x80x128xf32, #tpu.memory_space<vmem>>
    %dma_wait3A_412 = tpu.memref_squeeze %dma_wait3A_411 : memref<1x80x128xf32, #tpu.memory_space<vmem>> -> memref<80x128xf32, #tpu.memory_space<vmem>>
    %dma_wait3A_413 = arith.constant 0 : i32
    %dma_wait3A_414 = tpu.memref_slice %arg10[%mul3A_407, %dma_wait3A_413] : memref<10000x128xf32, #tpu.memory_space<vmem_shared>> -> memref<80x128xf32, #tpu.memory_space<vmem_shared>>
    %dma_wait3A_415 = arith.constant 0 : i32
    %dma_wait3A_416 = tpu.memref_slice %arg10[%mul3A_407, %dma_wait3A_415] : memref<10000x128xf32, #tpu.memory_space<vmem_shared>> -> memref<80x128xf32, #tpu.memory_space<vmem_shared>>
    %dma_wait3A_417 = arith.constant 0 : i32
    %dma_wait3A_418 = arith.constant 0 : i32
    %dma_wait3A_419 = tpu.memref_slice %arg9[%dma_wait3A_408, %dma_wait3A_417, %dma_wait3A_418] : memref<4x80x128xf32, #tpu.memory_space<vmem>> -> memref<1x80x128xf32, #tpu.memory_space<vmem>>
    %dma_wait3A_420 = tpu.memref_squeeze %dma_wait3A_419 : memref<1x80x128xf32, #tpu.memory_space<vmem>> -> memref<80x128xf32, #tpu.memory_space<vmem>>
    tpu.wait_dma2 semaphore(%arg20 : memref<!tpu.dma_semaphore, #tpu.memory_space<semaphore_mem>>) src(%dma_wait3A_420 : memref<80x128xf32, #tpu.memory_space<vmem>>) dst(%dma_wait3A_416 : memref<80x128xf32, #tpu.memory_space<vmem_shared>>)
    %add3A_421 = arith.constant 112 : i32
    %add3A_422 = arith.addi %add3A_421, %arg1 : i32
    %lt3A = arith.constant 125 : i32
    %lt3A_423 = arith.cmpi slt, %add3A_422, %lt3A : i32
    %convert_element_type3A = arith.extui %lt3A_423 : i1 to i32
    %cond3A = arith.constant 1 : i32
    %cond3A_424 = arith.constant 0 : i32
    %cond3A_425 = arith.cmpi ne, %convert_element_type3A, %cond3A_424 : i32
    scf.if %cond3A_425 {
      %add3A_1054 = arith.constant 112 : i32
      %add3A_1055 = arith.addi %add3A_1054, %arg1 : i32
      %mul3A_1056 = arith.constant 80 : i32
      %mul3A_1057 = arith.muli %add3A_1055, %mul3A_1056 : i32
      %mul3A_1058 = arith.constant 128 : i32
      %mul3A_1059 = arith.muli %arg0, %mul3A_1058 : i32
      %dma_start3A_1060 = arith.constant 0 : i32
      %dma_start3A_1061 = arith.constant 0 : i32
      %dma_start3A_1062 = tpu.memref_slice %arg9[%cond3A, %dma_start3A_1060, %dma_start3A_1061] : memref<4x80x128xf32, #tpu.memory_space<vmem>> -> memref<1x80x128xf32, #tpu.memory_space<vmem>>
      %dma_start3A_1063 = tpu.memref_squeeze %dma_start3A_1062 : memref<1x80x128xf32, #tpu.memory_space<vmem>> -> memref<80x128xf32, #tpu.memory_space<vmem>>
      %dma_start3A_1064 = tpu.memref_slice %arg4[%mul3A_1057, %mul3A_1059] : memref<10000x256xf32, #tpu.memory_space<hbm>> -> memref<80x128xf32, #tpu.memory_space<hbm>>
      %dma_start3A_1065 = arith.constant 0 : i32
      %dma_start3A_1066 = arith.constant 0 : i32
      %dma_start3A_1067 = tpu.memref_slice %arg9[%cond3A, %dma_start3A_1065, %dma_start3A_1066] : memref<4x80x128xf32, #tpu.memory_space<vmem>> -> memref<1x80x128xf32, #tpu.memory_space<vmem>>
      %dma_start3A_1068 = tpu.memref_squeeze %dma_start3A_1067 : memref<1x80x128xf32, #tpu.memory_space<vmem>> -> memref<80x128xf32, #tpu.memory_space<vmem>>
      %dma_start3A_1069 = tpu.memref_slice %arg4[%mul3A_1057, %mul3A_1059] : memref<10000x256xf32, #tpu.memory_space<hbm>> -> memref<80x128xf32, #tpu.memory_space<hbm>>
      tpu.enqueue_dma source(%dma_start3A_1069 : memref<80x128xf32, #tpu.memory_space<hbm>>) target(%dma_start3A_1068 : memref<80x128xf32, #tpu.memory_space<vmem>>) target_semaphore(%arg12 : memref<!tpu.dma_semaphore, #tpu.memory_space<semaphore_mem>>)
    } else {
    }
    %add3A_426 = arith.constant 96 : i32
    %add3A_427 = arith.addi %add3A_426, %arg1 : i32
    %mul3A_428 = arith.constant 80 : i32
    %mul3A_429 = arith.muli %add3A_427, %mul3A_428 : i32
    %mul3A_430 = arith.constant 128 : i32
    %mul3A_431 = arith.muli %arg0, %mul3A_430 : i32
    %dma_wait3A_432 = arith.constant 0 : i32
    %dma_wait3A_433 = arith.constant 0 : i32
    %dma_wait3A_434 = arith.constant 0 : i32
    %dma_wait3A_435 = tpu.memref_slice %arg9[%dma_wait3A_432, %dma_wait3A_433, %dma_wait3A_434] : memref<4x80x128xf32, #tpu.memory_space<vmem>> -> memref<1x80x128xf32, #tpu.memory_space<vmem>>
    %dma_wait3A_436 = tpu.memref_squeeze %dma_wait3A_435 : memref<1x80x128xf32, #tpu.memory_space<vmem>> -> memref<80x128xf32, #tpu.memory_space<vmem>>
    %dma_wait3A_437 = tpu.memref_slice %arg4[%mul3A_429, %mul3A_431] : memref<10000x256xf32, #tpu.memory_space<hbm>> -> memref<80x128xf32, #tpu.memory_space<hbm>>
    %dma_wait3A_438 = arith.constant 0 : i32
    %dma_wait3A_439 = arith.constant 0 : i32
    %dma_wait3A_440 = tpu.memref_slice %arg9[%dma_wait3A_432, %dma_wait3A_438, %dma_wait3A_439] : memref<4x80x128xf32, #tpu.memory_space<vmem>> -> memref<1x80x128xf32, #tpu.memory_space<vmem>>
    %dma_wait3A_441 = tpu.memref_squeeze %dma_wait3A_440 : memref<1x80x128xf32, #tpu.memory_space<vmem>> -> memref<80x128xf32, #tpu.memory_space<vmem>>
    %dma_wait3A_442 = tpu.memref_slice %arg4[%mul3A_429, %mul3A_431] : memref<10000x256xf32, #tpu.memory_space<hbm>> -> memref<80x128xf32, #tpu.memory_space<hbm>>
    tpu.wait_dma2 semaphore(%arg11 : memref<!tpu.dma_semaphore, #tpu.memory_space<semaphore_mem>>) src(%dma_wait3A_442 : memref<80x128xf32, #tpu.memory_space<hbm>>) dst(%dma_wait3A_441 : memref<80x128xf32, #tpu.memory_space<vmem>>)
    %add3A_443 = arith.constant 96 : i32
    %add3A_444 = arith.addi %add3A_443, %arg1 : i32
    %mul3A_445 = arith.constant 80 : i32
    %mul3A_446 = arith.muli %add3A_444, %mul3A_445 : i32
    %dma_start3A_447 = arith.constant 0 : i32
    %dma_start3A_448 = arith.constant 0 : i32
    %dma_start3A_449 = arith.constant 0 : i32
    %dma_start3A_450 = tpu.memref_slice %arg9[%dma_start3A_447, %dma_start3A_448, %dma_start3A_449] : memref<4x80x128xf32, #tpu.memory_space<vmem>> -> memref<1x80x128xf32, #tpu.memory_space<vmem>>
    %dma_start3A_451 = tpu.memref_squeeze %dma_start3A_450 : memref<1x80x128xf32, #tpu.memory_space<vmem>> -> memref<80x128xf32, #tpu.memory_space<vmem>>
    %dma_start3A_452 = arith.constant 0 : i32
    %dma_start3A_453 = tpu.memref_slice %arg10[%mul3A_446, %dma_start3A_452] : memref<10000x128xf32, #tpu.memory_space<vmem_shared>> -> memref<80x128xf32, #tpu.memory_space<vmem_shared>>
    %dma_start3A_454 = arith.constant 0 : i32
    %dma_start3A_455 = tpu.memref_slice %arg10[%mul3A_446, %dma_start3A_454] : memref<10000x128xf32, #tpu.memory_space<vmem_shared>> -> memref<80x128xf32, #tpu.memory_space<vmem_shared>>
    %dma_start3A_456 = arith.constant 0 : i32
    %dma_start3A_457 = arith.constant 0 : i32
    %dma_start3A_458 = tpu.memref_slice %arg9[%dma_start3A_447, %dma_start3A_456, %dma_start3A_457] : memref<4x80x128xf32, #tpu.memory_space<vmem>> -> memref<1x80x128xf32, #tpu.memory_space<vmem>>
    %dma_start3A_459 = tpu.memref_squeeze %dma_start3A_458 : memref<1x80x128xf32, #tpu.memory_space<vmem>> -> memref<80x128xf32, #tpu.memory_space<vmem>>
    tpu.enqueue_dma source(%dma_start3A_459 : memref<80x128xf32, #tpu.memory_space<vmem>>) target(%dma_start3A_455 : memref<80x128xf32, #tpu.memory_space<vmem_shared>>) target_semaphore(%arg19 : memref<!tpu.dma_semaphore, #tpu.memory_space<semaphore_mem>>)
    %add3A_460 = arith.constant 112 : i32
    %add3A_461 = arith.addi %add3A_460, %arg1 : i32
    %lt3A_462 = arith.constant 125 : i32
    %lt3A_463 = arith.cmpi slt, %add3A_461, %lt3A_462 : i32
    %convert_element_type3A_464 = arith.extui %lt3A_463 : i1 to i32
    %cond3A_465 = arith.constant 1 : i32
    %cond3A_466 = arith.constant 0 : i32
    %cond3A_467 = arith.cmpi ne, %convert_element_type3A_464, %cond3A_466 : i32
    scf.if %cond3A_467 {
      %add3A_1054 = arith.constant 112 : i32
      %add3A_1055 = arith.addi %add3A_1054, %arg1 : i32
      %mul3A_1056 = arith.constant 80 : i32
      %mul3A_1057 = arith.muli %add3A_1055, %mul3A_1056 : i32
      %mul3A_1058 = arith.constant 128 : i32
      %mul3A_1059 = arith.muli %arg0, %mul3A_1058 : i32
      %dma_wait3A_1060 = arith.constant 0 : i32
      %dma_wait3A_1061 = arith.constant 0 : i32
      %dma_wait3A_1062 = tpu.memref_slice %arg9[%cond3A_465, %dma_wait3A_1060, %dma_wait3A_1061] : memref<4x80x128xf32, #tpu.memory_space<vmem>> -> memref<1x80x128xf32, #tpu.memory_space<vmem>>
      %dma_wait3A_1063 = tpu.memref_squeeze %dma_wait3A_1062 : memref<1x80x128xf32, #tpu.memory_space<vmem>> -> memref<80x128xf32, #tpu.memory_space<vmem>>
      %dma_wait3A_1064 = tpu.memref_slice %arg4[%mul3A_1057, %mul3A_1059] : memref<10000x256xf32, #tpu.memory_space<hbm>> -> memref<80x128xf32, #tpu.memory_space<hbm>>
      %dma_wait3A_1065 = arith.constant 0 : i32
      %dma_wait3A_1066 = arith.constant 0 : i32
      %dma_wait3A_1067 = tpu.memref_slice %arg9[%cond3A_465, %dma_wait3A_1065, %dma_wait3A_1066] : memref<4x80x128xf32, #tpu.memory_space<vmem>> -> memref<1x80x128xf32, #tpu.memory_space<vmem>>
      %dma_wait3A_1068 = tpu.memref_squeeze %dma_wait3A_1067 : memref<1x80x128xf32, #tpu.memory_space<vmem>> -> memref<80x128xf32, #tpu.memory_space<vmem>>
      %dma_wait3A_1069 = tpu.memref_slice %arg4[%mul3A_1057, %mul3A_1059] : memref<10000x256xf32, #tpu.memory_space<hbm>> -> memref<80x128xf32, #tpu.memory_space<hbm>>
      tpu.wait_dma2 semaphore(%arg12 : memref<!tpu.dma_semaphore, #tpu.memory_space<semaphore_mem>>) src(%dma_wait3A_1069 : memref<80x128xf32, #tpu.memory_space<hbm>>) dst(%dma_wait3A_1068 : memref<80x128xf32, #tpu.memory_space<vmem>>)
      %add3A_1070 = arith.constant 112 : i32
      %add3A_1071 = arith.addi %add3A_1070, %arg1 : i32
      %mul3A_1072 = arith.constant 80 : i32
      %mul3A_1073 = arith.muli %add3A_1071, %mul3A_1072 : i32
      %dma_start3A_1074 = arith.constant 0 : i32
      %dma_start3A_1075 = arith.constant 0 : i32
      %dma_start3A_1076 = tpu.memref_slice %arg9[%cond3A_465, %dma_start3A_1074, %dma_start3A_1075] : memref<4x80x128xf32, #tpu.memory_space<vmem>> -> memref<1x80x128xf32, #tpu.memory_space<vmem>>
      %dma_start3A_1077 = tpu.memref_squeeze %dma_start3A_1076 : memref<1x80x128xf32, #tpu.memory_space<vmem>> -> memref<80x128xf32, #tpu.memory_space<vmem>>
      %dma_start3A_1078 = arith.constant 0 : i32
      %dma_start3A_1079 = tpu.memref_slice %arg10[%mul3A_1073, %dma_start3A_1078] : memref<10000x128xf32, #tpu.memory_space<vmem_shared>> -> memref<80x128xf32, #tpu.memory_space<vmem_shared>>
      %dma_start3A_1080 = arith.constant 0 : i32
      %dma_start3A_1081 = tpu.memref_slice %arg10[%mul3A_1073, %dma_start3A_1080] : memref<10000x128xf32, #tpu.memory_space<vmem_shared>> -> memref<80x128xf32, #tpu.memory_space<vmem_shared>>
      %dma_start3A_1082 = arith.constant 0 : i32
      %dma_start3A_1083 = arith.constant 0 : i32
      %dma_start3A_1084 = tpu.memref_slice %arg9[%cond3A_465, %dma_start3A_1082, %dma_start3A_1083] : memref<4x80x128xf32, #tpu.memory_space<vmem>> -> memref<1x80x128xf32, #tpu.memory_space<vmem>>
      %dma_start3A_1085 = tpu.memref_squeeze %dma_start3A_1084 : memref<1x80x128xf32, #tpu.memory_space<vmem>> -> memref<80x128xf32, #tpu.memory_space<vmem>>
      tpu.enqueue_dma source(%dma_start3A_1085 : memref<80x128xf32, #tpu.memory_space<vmem>>) target(%dma_start3A_1081 : memref<80x128xf32, #tpu.memory_space<vmem_shared>>) target_semaphore(%arg20 : memref<!tpu.dma_semaphore, #tpu.memory_space<semaphore_mem>>)
      %add3A_1086 = arith.constant 112 : i32
      %add3A_1087 = arith.addi %add3A_1086, %arg1 : i32
      %mul3A_1088 = arith.constant 80 : i32
      %mul3A_1089 = arith.muli %add3A_1087, %mul3A_1088 : i32
      %dma_wait3A_1090 = arith.constant 0 : i32
      %dma_wait3A_1091 = arith.constant 0 : i32
      %dma_wait3A_1092 = tpu.memref_slice %arg9[%cond3A_465, %dma_wait3A_1090, %dma_wait3A_1091] : memref<4x80x128xf32, #tpu.memory_space<vmem>> -> memref<1x80x128xf32, #tpu.memory_space<vmem>>
      %dma_wait3A_1093 = tpu.memref_squeeze %dma_wait3A_1092 : memref<1x80x128xf32, #tpu.memory_space<vmem>> -> memref<80x128xf32, #tpu.memory_space<vmem>>
      %dma_wait3A_1094 = arith.constant 0 : i32
      %dma_wait3A_1095 = tpu.memref_slice %arg10[%mul3A_1089, %dma_wait3A_1094] : memref<10000x128xf32, #tpu.memory_space<vmem_shared>> -> memref<80x128xf32, #tpu.memory_space<vmem_shared>>
      %dma_wait3A_1096 = arith.constant 0 : i32
      %dma_wait3A_1097 = tpu.memref_slice %arg10[%mul3A_1089, %dma_wait3A_1096] : memref<10000x128xf32, #tpu.memory_space<vmem_shared>> -> memref<80x128xf32, #tpu.memory_space<vmem_shared>>
      %dma_wait3A_1098 = arith.constant 0 : i32
      %dma_wait3A_1099 = arith.constant 0 : i32
      %dma_wait3A_1100 = tpu.memref_slice %arg9[%cond3A_465, %dma_wait3A_1098, %dma_wait3A_1099] : memref<4x80x128xf32, #tpu.memory_space<vmem>> -> memref<1x80x128xf32, #tpu.memory_space<vmem>>
      %dma_wait3A_1101 = tpu.memref_squeeze %dma_wait3A_1100 : memref<1x80x128xf32, #tpu.memory_space<vmem>> -> memref<80x128xf32, #tpu.memory_space<vmem>>
      tpu.wait_dma2 semaphore(%arg20 : memref<!tpu.dma_semaphore, #tpu.memory_space<semaphore_mem>>) src(%dma_wait3A_1101 : memref<80x128xf32, #tpu.memory_space<vmem>>) dst(%dma_wait3A_1097 : memref<80x128xf32, #tpu.memory_space<vmem_shared>>)
    } else {
    }
    %add3A_468 = arith.constant 96 : i32
    %add3A_469 = arith.addi %add3A_468, %arg1 : i32
    %mul3A_470 = arith.constant 80 : i32
    %mul3A_471 = arith.muli %add3A_469, %mul3A_470 : i32
    %dma_wait3A_472 = arith.constant 0 : i32
    %dma_wait3A_473 = arith.constant 0 : i32
    %dma_wait3A_474 = arith.constant 0 : i32
    %dma_wait3A_475 = tpu.memref_slice %arg9[%dma_wait3A_472, %dma_wait3A_473, %dma_wait3A_474] : memref<4x80x128xf32, #tpu.memory_space<vmem>> -> memref<1x80x128xf32, #tpu.memory_space<vmem>>
    %dma_wait3A_476 = tpu.memref_squeeze %dma_wait3A_475 : memref<1x80x128xf32, #tpu.memory_space<vmem>> -> memref<80x128xf32, #tpu.memory_space<vmem>>
    %dma_wait3A_477 = arith.constant 0 : i32
    %dma_wait3A_478 = tpu.memref_slice %arg10[%mul3A_471, %dma_wait3A_477] : memref<10000x128xf32, #tpu.memory_space<vmem_shared>> -> memref<80x128xf32, #tpu.memory_space<vmem_shared>>
    %dma_wait3A_479 = arith.constant 0 : i32
    %dma_wait3A_480 = tpu.memref_slice %arg10[%mul3A_471, %dma_wait3A_479] : memref<10000x128xf32, #tpu.memory_space<vmem_shared>> -> memref<80x128xf32, #tpu.memory_space<vmem_shared>>
    %dma_wait3A_481 = arith.constant 0 : i32
    %dma_wait3A_482 = arith.constant 0 : i32
    %dma_wait3A_483 = tpu.memref_slice %arg9[%dma_wait3A_472, %dma_wait3A_481, %dma_wait3A_482] : memref<4x80x128xf32, #tpu.memory_space<vmem>> -> memref<1x80x128xf32, #tpu.memory_space<vmem>>
    %dma_wait3A_484 = tpu.memref_squeeze %dma_wait3A_483 : memref<1x80x128xf32, #tpu.memory_space<vmem>> -> memref<80x128xf32, #tpu.memory_space<vmem>>
    tpu.wait_dma2 semaphore(%arg19 : memref<!tpu.dma_semaphore, #tpu.memory_space<semaphore_mem>>) src(%dma_wait3A_484 : memref<80x128xf32, #tpu.memory_space<vmem>>) dst(%dma_wait3A_480 : memref<80x128xf32, #tpu.memory_space<vmem_shared>>)
    %barrier3A = arith.constant 0 : index
    tpu.barrier barrier_id(%barrier3A)
    %scan3A = arith.constant 0 : i32
    %scan3A_485 = arith.constant 0 : i32
    %scan3A_486 = arith.constant 31 : i32
    %scan3A_487 = arith.addi %scan3A_485, %scan3A_486 : i32
    %scan3A_488 = arith.constant 1 : i32
    scf.for %scan3A_1054 = %scan3A_485 to %scan3A_487 step %scan3A_488  : i32 {
      %mul3A_1055 = arith.constant 4 : i32
      %mul3A_1056 = arith.muli %scan3A_1054, %mul3A_1055 : i32
      %add3A_1057 = arith.constant 0 : i32
      %add3A_1058 = arith.addi %mul3A_1056, %add3A_1057 : i32
      %mul3A_1059 = arith.constant 16 : i32
      %mul3A_1060 = arith.muli %add3A_1058, %mul3A_1059 : i32
      %add3A_1061 = arith.addi %mul3A_1060, %arg1 : i32
      %mul3A_1062 = arith.constant 80 : i32
      %mul3A_1063 = arith.muli %add3A_1061, %mul3A_1062 : i32
      %mul3A_1064 = arith.constant 4 : i32
      %mul3A_1065 = arith.muli %scan3A_1054, %mul3A_1064 : i32
      %add3A_1066 = arith.constant 1 : i32
      %add3A_1067 = arith.addi %mul3A_1065, %add3A_1066 : i32
      %mul3A_1068 = arith.constant 16 : i32
      %mul3A_1069 = arith.muli %add3A_1067, %mul3A_1068 : i32
      %add3A_1070 = arith.addi %mul3A_1069, %arg1 : i32
      %mul3A_1071 = arith.constant 80 : i32
      %mul3A_1072 = arith.muli %add3A_1070, %mul3A_1071 : i32
      %mul3A_1073 = arith.constant 4 : i32
      %mul3A_1074 = arith.muli %scan3A_1054, %mul3A_1073 : i32
      %add3A_1075 = arith.constant 2 : i32
      %add3A_1076 = arith.addi %mul3A_1074, %add3A_1075 : i32
      %mul3A_1077 = arith.constant 16 : i32
      %mul3A_1078 = arith.muli %add3A_1076, %mul3A_1077 : i32
      %add3A_1079 = arith.addi %mul3A_1078, %arg1 : i32
      %mul3A_1080 = arith.constant 80 : i32
      %mul3A_1081 = arith.muli %add3A_1079, %mul3A_1080 : i32
      %mul3A_1082 = arith.constant 4 : i32
      %mul3A_1083 = arith.muli %scan3A_1054, %mul3A_1082 : i32
      %add3A_1084 = arith.constant 3 : i32
      %add3A_1085 = arith.addi %mul3A_1083, %add3A_1084 : i32
      %mul3A_1086 = arith.constant 16 : i32
      %mul3A_1087 = arith.muli %add3A_1085, %mul3A_1086 : i32
      %add3A_1088 = arith.addi %mul3A_1087, %arg1 : i32
      %mul3A_1089 = arith.constant 80 : i32
      %mul3A_1090 = arith.muli %add3A_1088, %mul3A_1089 : i32
      %gt3A = arith.constant 0 : i32
      %gt3A_1091 = arith.cmpi sgt, %scan3A_1054, %gt3A : i32
      %convert_element_type3A_1092 = arith.extui %gt3A_1091 : i1 to i32
      %cond3A_1093 = arith.constant 0 : i32
      %cond3A_1094 = arith.cmpi ne, %convert_element_type3A_1092, %cond3A_1093 : i32
      scf.if %cond3A_1094 {
        %dma_wait3A_1414 = arith.constant 0 : i32
        %dma_wait3A_1415 = arith.constant 0 : i32
        %dma_wait3A_1416 = arith.constant 0 : i32
        %dma_wait3A_1417 = arith.constant 0 : i32
        %dma_wait3A_1418 = arith.constant 0 : i32
        %dma_wait3A_1419 = tpu.memref_slice %arg9[%dma_wait3A_1414, %dma_wait3A_1417, %dma_wait3A_1418] : memref<4x80x128xf32, #tpu.memory_space<vmem>> -> memref<1x80x128xf32, #tpu.memory_space<vmem>>
        %dma_wait3A_1420 = tpu.memref_squeeze %dma_wait3A_1419 : memref<1x80x128xf32, #tpu.memory_space<vmem>> -> memref<80x128xf32, #tpu.memory_space<vmem>>
        %dma_wait3A_1421 = arith.constant 0 : i32
        %dma_wait3A_1422 = tpu.memref_slice %arg8[%dma_wait3A_1415, %dma_wait3A_1416, %dma_wait3A_1421] : memref<4x2x80xi32, #tpu.memory_space<vmem>> -> memref<1x1x80xi32, #tpu.memory_space<vmem>>
        %dma_wait3A_1423 = tpu.memref_squeeze %dma_wait3A_1422 : memref<1x1x80xi32, #tpu.memory_space<vmem>> -> memref<80xi32, #tpu.memory_space<vmem>>
        %dma_wait3A_1424 = arith.constant 0 : i32
        %dma_wait3A_1425 = arith.constant 0 : i32
        %dma_wait3A_1426 = tpu.memref_slice %arg10[%dma_wait3A_1424, %dma_wait3A_1425] : memref<10000x128xf32, #tpu.memory_space<vmem_shared>> -> memref<10000x128xf32, #tpu.memory_space<vmem_shared>>
        tpu.wait_indirect_dma semaphore(%arg19 : memref<!tpu.dma_semaphore, #tpu.memory_space<semaphore_mem>>) src(%dma_wait3A_1420 : memref<80x128xf32, #tpu.memory_space<vmem>>) dst(%dma_wait3A_1426 : memref<10000x128xf32, #tpu.memory_space<vmem_shared>>)
      } else {
      }
      %dma_start3A_1095 = arith.constant 0 : i32
      %dma_start3A_1096 = arith.constant 0 : i32
      %dma_start3A_1097 = arith.constant 0 : i32
      %dma_start3A_1098 = tpu.memref_slice %arg8[%dma_start3A_1095, %dma_start3A_1096, %dma_start3A_1097] : memref<4x2x80xi32, #tpu.memory_space<vmem>> -> memref<1x1x80xi32, #tpu.memory_space<vmem>>
      %dma_start3A_1099 = tpu.memref_squeeze %dma_start3A_1098 : memref<1x1x80xi32, #tpu.memory_space<vmem>> -> memref<80xi32, #tpu.memory_space<vmem>>
      %dma_start3A_1100 = tpu.memref_slice %arg5[%mul3A_1063] : memref<160000xi32, #tpu.memory_space<hbm>> -> memref<80xi32, #tpu.memory_space<hbm>>
      %dma_start3A_1101 = arith.constant 0 : i32
      %dma_start3A_1102 = tpu.memref_slice %arg8[%dma_start3A_1095, %dma_start3A_1096, %dma_start3A_1101] : memref<4x2x80xi32, #tpu.memory_space<vmem>> -> memref<1x1x80xi32, #tpu.memory_space<vmem>>
      %dma_start3A_1103 = tpu.memref_squeeze %dma_start3A_1102 : memref<1x1x80xi32, #tpu.memory_space<vmem>> -> memref<80xi32, #tpu.memory_space<vmem>>
      %dma_start3A_1104 = tpu.memref_slice %arg5[%mul3A_1063] : memref<160000xi32, #tpu.memory_space<hbm>> -> memref<80xi32, #tpu.memory_space<hbm>>
      tpu.enqueue_dma source(%dma_start3A_1104 : memref<80xi32, #tpu.memory_space<hbm>>) target(%dma_start3A_1103 : memref<80xi32, #tpu.memory_space<vmem>>) target_semaphore(%arg11 : memref<!tpu.dma_semaphore, #tpu.memory_space<semaphore_mem>>)
      %dma_start3A_1105 = arith.constant 0 : i32
      %dma_start3A_1106 = arith.constant 1 : i32
      %dma_start3A_1107 = arith.constant 0 : i32
      %dma_start3A_1108 = tpu.memref_slice %arg8[%dma_start3A_1105, %dma_start3A_1106, %dma_start3A_1107] : memref<4x2x80xi32, #tpu.memory_space<vmem>> -> memref<1x1x80xi32, #tpu.memory_space<vmem>>
      %dma_start3A_1109 = tpu.memref_squeeze %dma_start3A_1108 : memref<1x1x80xi32, #tpu.memory_space<vmem>> -> memref<80xi32, #tpu.memory_space<vmem>>
      %dma_start3A_1110 = tpu.memref_slice %arg6[%mul3A_1063] : memref<160000xi32, #tpu.memory_space<hbm>> -> memref<80xi32, #tpu.memory_space<hbm>>
      %dma_start3A_1111 = arith.constant 0 : i32
      %dma_start3A_1112 = tpu.memref_slice %arg8[%dma_start3A_1105, %dma_start3A_1106, %dma_start3A_1111] : memref<4x2x80xi32, #tpu.memory_space<vmem>> -> memref<1x1x80xi32, #tpu.memory_space<vmem>>
      %dma_start3A_1113 = tpu.memref_squeeze %dma_start3A_1112 : memref<1x1x80xi32, #tpu.memory_space<vmem>> -> memref<80xi32, #tpu.memory_space<vmem>>
      %dma_start3A_1114 = tpu.memref_slice %arg6[%mul3A_1063] : memref<160000xi32, #tpu.memory_space<hbm>> -> memref<80xi32, #tpu.memory_space<hbm>>
      tpu.enqueue_dma source(%dma_start3A_1114 : memref<80xi32, #tpu.memory_space<hbm>>) target(%dma_start3A_1113 : memref<80xi32, #tpu.memory_space<vmem>>) target_semaphore(%arg11 : memref<!tpu.dma_semaphore, #tpu.memory_space<semaphore_mem>>)
      %gt3A_1115 = arith.constant 0 : i32
      %gt3A_1116 = arith.cmpi sgt, %scan3A_1054, %gt3A_1115 : i32
      %convert_element_type3A_1117 = arith.extui %gt3A_1116 : i1 to i32
      %cond3A_1118 = arith.constant 0 : i32
      %cond3A_1119 = arith.cmpi ne, %convert_element_type3A_1117, %cond3A_1118 : i32
      scf.if %cond3A_1119 {
        %dma_wait3A_1414 = arith.constant 1 : i32
        %dma_wait3A_1415 = arith.constant 1 : i32
        %dma_wait3A_1416 = arith.constant 0 : i32
        %dma_wait3A_1417 = arith.constant 0 : i32
        %dma_wait3A_1418 = arith.constant 0 : i32
        %dma_wait3A_1419 = tpu.memref_slice %arg9[%dma_wait3A_1414, %dma_wait3A_1417, %dma_wait3A_1418] : memref<4x80x128xf32, #tpu.memory_space<vmem>> -> memref<1x80x128xf32, #tpu.memory_space<vmem>>
        %dma_wait3A_1420 = tpu.memref_squeeze %dma_wait3A_1419 : memref<1x80x128xf32, #tpu.memory_space<vmem>> -> memref<80x128xf32, #tpu.memory_space<vmem>>
        %dma_wait3A_1421 = arith.constant 0 : i32
        %dma_wait3A_1422 = tpu.memref_slice %arg8[%dma_wait3A_1415, %dma_wait3A_1416, %dma_wait3A_1421] : memref<4x2x80xi32, #tpu.memory_space<vmem>> -> memref<1x1x80xi32, #tpu.memory_space<vmem>>
        %dma_wait3A_1423 = tpu.memref_squeeze %dma_wait3A_1422 : memref<1x1x80xi32, #tpu.memory_space<vmem>> -> memref<80xi32, #tpu.memory_space<vmem>>
        %dma_wait3A_1424 = arith.constant 0 : i32
        %dma_wait3A_1425 = arith.constant 0 : i32
        %dma_wait3A_1426 = tpu.memref_slice %arg10[%dma_wait3A_1424, %dma_wait3A_1425] : memref<10000x128xf32, #tpu.memory_space<vmem_shared>> -> memref<10000x128xf32, #tpu.memory_space<vmem_shared>>
        tpu.wait_indirect_dma semaphore(%arg20 : memref<!tpu.dma_semaphore, #tpu.memory_space<semaphore_mem>>) src(%dma_wait3A_1420 : memref<80x128xf32, #tpu.memory_space<vmem>>) dst(%dma_wait3A_1426 : memref<10000x128xf32, #tpu.memory_space<vmem_shared>>)
      } else {
      }
      %dma_start3A_1120 = arith.constant 1 : i32
      %dma_start3A_1121 = arith.constant 0 : i32
      %dma_start3A_1122 = arith.constant 0 : i32
      %dma_start3A_1123 = tpu.memref_slice %arg8[%dma_start3A_1120, %dma_start3A_1121, %dma_start3A_1122] : memref<4x2x80xi32, #tpu.memory_space<vmem>> -> memref<1x1x80xi32, #tpu.memory_space<vmem>>
      %dma_start3A_1124 = tpu.memref_squeeze %dma_start3A_1123 : memref<1x1x80xi32, #tpu.memory_space<vmem>> -> memref<80xi32, #tpu.memory_space<vmem>>
      %dma_start3A_1125 = tpu.memref_slice %arg5[%mul3A_1072] : memref<160000xi32, #tpu.memory_space<hbm>> -> memref<80xi32, #tpu.memory_space<hbm>>
      %dma_start3A_1126 = arith.constant 0 : i32
      %dma_start3A_1127 = tpu.memref_slice %arg8[%dma_start3A_1120, %dma_start3A_1121, %dma_start3A_1126] : memref<4x2x80xi32, #tpu.memory_space<vmem>> -> memref<1x1x80xi32, #tpu.memory_space<vmem>>
      %dma_start3A_1128 = tpu.memref_squeeze %dma_start3A_1127 : memref<1x1x80xi32, #tpu.memory_space<vmem>> -> memref<80xi32, #tpu.memory_space<vmem>>
      %dma_start3A_1129 = tpu.memref_slice %arg5[%mul3A_1072] : memref<160000xi32, #tpu.memory_space<hbm>> -> memref<80xi32, #tpu.memory_space<hbm>>
      tpu.enqueue_dma source(%dma_start3A_1129 : memref<80xi32, #tpu.memory_space<hbm>>) target(%dma_start3A_1128 : memref<80xi32, #tpu.memory_space<vmem>>) target_semaphore(%arg12 : memref<!tpu.dma_semaphore, #tpu.memory_space<semaphore_mem>>)
      %dma_start3A_1130 = arith.constant 1 : i32
      %dma_start3A_1131 = arith.constant 1 : i32
      %dma_start3A_1132 = arith.constant 0 : i32
      %dma_start3A_1133 = tpu.memref_slice %arg8[%dma_start3A_1130, %dma_start3A_1131, %dma_start3A_1132] : memref<4x2x80xi32, #tpu.memory_space<vmem>> -> memref<1x1x80xi32, #tpu.memory_space<vmem>>
      %dma_start3A_1134 = tpu.memref_squeeze %dma_start3A_1133 : memref<1x1x80xi32, #tpu.memory_space<vmem>> -> memref<80xi32, #tpu.memory_space<vmem>>
      %dma_start3A_1135 = tpu.memref_slice %arg6[%mul3A_1072] : memref<160000xi32, #tpu.memory_space<hbm>> -> memref<80xi32, #tpu.memory_space<hbm>>
      %dma_start3A_1136 = arith.constant 0 : i32
      %dma_start3A_1137 = tpu.memref_slice %arg8[%dma_start3A_1130, %dma_start3A_1131, %dma_start3A_1136] : memref<4x2x80xi32, #tpu.memory_space<vmem>> -> memref<1x1x80xi32, #tpu.memory_space<vmem>>
      %dma_start3A_1138 = tpu.memref_squeeze %dma_start3A_1137 : memref<1x1x80xi32, #tpu.memory_space<vmem>> -> memref<80xi32, #tpu.memory_space<vmem>>
      %dma_start3A_1139 = tpu.memref_slice %arg6[%mul3A_1072] : memref<160000xi32, #tpu.memory_space<hbm>> -> memref<80xi32, #tpu.memory_space<hbm>>
      tpu.enqueue_dma source(%dma_start3A_1139 : memref<80xi32, #tpu.memory_space<hbm>>) target(%dma_start3A_1138 : memref<80xi32, #tpu.memory_space<vmem>>) target_semaphore(%arg12 : memref<!tpu.dma_semaphore, #tpu.memory_space<semaphore_mem>>)
      %gt3A_1140 = arith.constant 0 : i32
      %gt3A_1141 = arith.cmpi sgt, %scan3A_1054, %gt3A_1140 : i32
      %convert_element_type3A_1142 = arith.extui %gt3A_1141 : i1 to i32
      %cond3A_1143 = arith.constant 0 : i32
      %cond3A_1144 = arith.cmpi ne, %convert_element_type3A_1142, %cond3A_1143 : i32
      scf.if %cond3A_1144 {
        %dma_wait3A_1414 = arith.constant 2 : i32
        %dma_wait3A_1415 = arith.constant 2 : i32
        %dma_wait3A_1416 = arith.constant 0 : i32
        %dma_wait3A_1417 = arith.constant 0 : i32
        %dma_wait3A_1418 = arith.constant 0 : i32
        %dma_wait3A_1419 = tpu.memref_slice %arg9[%dma_wait3A_1414, %dma_wait3A_1417, %dma_wait3A_1418] : memref<4x80x128xf32, #tpu.memory_space<vmem>> -> memref<1x80x128xf32, #tpu.memory_space<vmem>>
        %dma_wait3A_1420 = tpu.memref_squeeze %dma_wait3A_1419 : memref<1x80x128xf32, #tpu.memory_space<vmem>> -> memref<80x128xf32, #tpu.memory_space<vmem>>
        %dma_wait3A_1421 = arith.constant 0 : i32
        %dma_wait3A_1422 = tpu.memref_slice %arg8[%dma_wait3A_1415, %dma_wait3A_1416, %dma_wait3A_1421] : memref<4x2x80xi32, #tpu.memory_space<vmem>> -> memref<1x1x80xi32, #tpu.memory_space<vmem>>
        %dma_wait3A_1423 = tpu.memref_squeeze %dma_wait3A_1422 : memref<1x1x80xi32, #tpu.memory_space<vmem>> -> memref<80xi32, #tpu.memory_space<vmem>>
        %dma_wait3A_1424 = arith.constant 0 : i32
        %dma_wait3A_1425 = arith.constant 0 : i32
        %dma_wait3A_1426 = tpu.memref_slice %arg10[%dma_wait3A_1424, %dma_wait3A_1425] : memref<10000x128xf32, #tpu.memory_space<vmem_shared>> -> memref<10000x128xf32, #tpu.memory_space<vmem_shared>>
        tpu.wait_indirect_dma semaphore(%arg21 : memref<!tpu.dma_semaphore, #tpu.memory_space<semaphore_mem>>) src(%dma_wait3A_1420 : memref<80x128xf32, #tpu.memory_space<vmem>>) dst(%dma_wait3A_1426 : memref<10000x128xf32, #tpu.memory_space<vmem_shared>>)
      } else {
      }
      %dma_start3A_1145 = arith.constant 2 : i32
      %dma_start3A_1146 = arith.constant 0 : i32
      %dma_start3A_1147 = arith.constant 0 : i32
      %dma_start3A_1148 = tpu.memref_slice %arg8[%dma_start3A_1145, %dma_start3A_1146, %dma_start3A_1147] : memref<4x2x80xi32, #tpu.memory_space<vmem>> -> memref<1x1x80xi32, #tpu.memory_space<vmem>>
      %dma_start3A_1149 = tpu.memref_squeeze %dma_start3A_1148 : memref<1x1x80xi32, #tpu.memory_space<vmem>> -> memref<80xi32, #tpu.memory_space<vmem>>
      %dma_start3A_1150 = tpu.memref_slice %arg5[%mul3A_1081] : memref<160000xi32, #tpu.memory_space<hbm>> -> memref<80xi32, #tpu.memory_space<hbm>>
      %dma_start3A_1151 = arith.constant 0 : i32
      %dma_start3A_1152 = tpu.memref_slice %arg8[%dma_start3A_1145, %dma_start3A_1146, %dma_start3A_1151] : memref<4x2x80xi32, #tpu.memory_space<vmem>> -> memref<1x1x80xi32, #tpu.memory_space<vmem>>
      %dma_start3A_1153 = tpu.memref_squeeze %dma_start3A_1152 : memref<1x1x80xi32, #tpu.memory_space<vmem>> -> memref<80xi32, #tpu.memory_space<vmem>>
      %dma_start3A_1154 = tpu.memref_slice %arg5[%mul3A_1081] : memref<160000xi32, #tpu.memory_space<hbm>> -> memref<80xi32, #tpu.memory_space<hbm>>
      tpu.enqueue_dma source(%dma_start3A_1154 : memref<80xi32, #tpu.memory_space<hbm>>) target(%dma_start3A_1153 : memref<80xi32, #tpu.memory_space<vmem>>) target_semaphore(%arg13 : memref<!tpu.dma_semaphore, #tpu.memory_space<semaphore_mem>>)
      %dma_start3A_1155 = arith.constant 2 : i32
      %dma_start3A_1156 = arith.constant 1 : i32
      %dma_start3A_1157 = arith.constant 0 : i32
      %dma_start3A_1158 = tpu.memref_slice %arg8[%dma_start3A_1155, %dma_start3A_1156, %dma_start3A_1157] : memref<4x2x80xi32, #tpu.memory_space<vmem>> -> memref<1x1x80xi32, #tpu.memory_space<vmem>>
      %dma_start3A_1159 = tpu.memref_squeeze %dma_start3A_1158 : memref<1x1x80xi32, #tpu.memory_space<vmem>> -> memref<80xi32, #tpu.memory_space<vmem>>
      %dma_start3A_1160 = tpu.memref_slice %arg6[%mul3A_1081] : memref<160000xi32, #tpu.memory_space<hbm>> -> memref<80xi32, #tpu.memory_space<hbm>>
      %dma_start3A_1161 = arith.constant 0 : i32
      %dma_start3A_1162 = tpu.memref_slice %arg8[%dma_start3A_1155, %dma_start3A_1156, %dma_start3A_1161] : memref<4x2x80xi32, #tpu.memory_space<vmem>> -> memref<1x1x80xi32, #tpu.memory_space<vmem>>
      %dma_start3A_1163 = tpu.memref_squeeze %dma_start3A_1162 : memref<1x1x80xi32, #tpu.memory_space<vmem>> -> memref<80xi32, #tpu.memory_space<vmem>>
      %dma_start3A_1164 = tpu.memref_slice %arg6[%mul3A_1081] : memref<160000xi32, #tpu.memory_space<hbm>> -> memref<80xi32, #tpu.memory_space<hbm>>
      tpu.enqueue_dma source(%dma_start3A_1164 : memref<80xi32, #tpu.memory_space<hbm>>) target(%dma_start3A_1163 : memref<80xi32, #tpu.memory_space<vmem>>) target_semaphore(%arg13 : memref<!tpu.dma_semaphore, #tpu.memory_space<semaphore_mem>>)
      %gt3A_1165 = arith.constant 0 : i32
      %gt3A_1166 = arith.cmpi sgt, %scan3A_1054, %gt3A_1165 : i32
      %convert_element_type3A_1167 = arith.extui %gt3A_1166 : i1 to i32
      %cond3A_1168 = arith.constant 0 : i32
      %cond3A_1169 = arith.cmpi ne, %convert_element_type3A_1167, %cond3A_1168 : i32
      scf.if %cond3A_1169 {
        %dma_wait3A_1414 = arith.constant 3 : i32
        %dma_wait3A_1415 = arith.constant 3 : i32
        %dma_wait3A_1416 = arith.constant 0 : i32
        %dma_wait3A_1417 = arith.constant 0 : i32
        %dma_wait3A_1418 = arith.constant 0 : i32
        %dma_wait3A_1419 = tpu.memref_slice %arg9[%dma_wait3A_1414, %dma_wait3A_1417, %dma_wait3A_1418] : memref<4x80x128xf32, #tpu.memory_space<vmem>> -> memref<1x80x128xf32, #tpu.memory_space<vmem>>
        %dma_wait3A_1420 = tpu.memref_squeeze %dma_wait3A_1419 : memref<1x80x128xf32, #tpu.memory_space<vmem>> -> memref<80x128xf32, #tpu.memory_space<vmem>>
        %dma_wait3A_1421 = arith.constant 0 : i32
        %dma_wait3A_1422 = tpu.memref_slice %arg8[%dma_wait3A_1415, %dma_wait3A_1416, %dma_wait3A_1421] : memref<4x2x80xi32, #tpu.memory_space<vmem>> -> memref<1x1x80xi32, #tpu.memory_space<vmem>>
        %dma_wait3A_1423 = tpu.memref_squeeze %dma_wait3A_1422 : memref<1x1x80xi32, #tpu.memory_space<vmem>> -> memref<80xi32, #tpu.memory_space<vmem>>
        %dma_wait3A_1424 = arith.constant 0 : i32
        %dma_wait3A_1425 = arith.constant 0 : i32
        %dma_wait3A_1426 = tpu.memref_slice %arg10[%dma_wait3A_1424, %dma_wait3A_1425] : memref<10000x128xf32, #tpu.memory_space<vmem_shared>> -> memref<10000x128xf32, #tpu.memory_space<vmem_shared>>
        tpu.wait_indirect_dma semaphore(%arg22 : memref<!tpu.dma_semaphore, #tpu.memory_space<semaphore_mem>>) src(%dma_wait3A_1420 : memref<80x128xf32, #tpu.memory_space<vmem>>) dst(%dma_wait3A_1426 : memref<10000x128xf32, #tpu.memory_space<vmem_shared>>)
      } else {
      }
      %dma_start3A_1170 = arith.constant 3 : i32
      %dma_start3A_1171 = arith.constant 0 : i32
      %dma_start3A_1172 = arith.constant 0 : i32
      %dma_start3A_1173 = tpu.memref_slice %arg8[%dma_start3A_1170, %dma_start3A_1171, %dma_start3A_1172] : memref<4x2x80xi32, #tpu.memory_space<vmem>> -> memref<1x1x80xi32, #tpu.memory_space<vmem>>
      %dma_start3A_1174 = tpu.memref_squeeze %dma_start3A_1173 : memref<1x1x80xi32, #tpu.memory_space<vmem>> -> memref<80xi32, #tpu.memory_space<vmem>>
      %dma_start3A_1175 = tpu.memref_slice %arg5[%mul3A_1090] : memref<160000xi32, #tpu.memory_space<hbm>> -> memref<80xi32, #tpu.memory_space<hbm>>
      %dma_start3A_1176 = arith.constant 0 : i32
      %dma_start3A_1177 = tpu.memref_slice %arg8[%dma_start3A_1170, %dma_start3A_1171, %dma_start3A_1176] : memref<4x2x80xi32, #tpu.memory_space<vmem>> -> memref<1x1x80xi32, #tpu.memory_space<vmem>>
      %dma_start3A_1178 = tpu.memref_squeeze %dma_start3A_1177 : memref<1x1x80xi32, #tpu.memory_space<vmem>> -> memref<80xi32, #tpu.memory_space<vmem>>
      %dma_start3A_1179 = tpu.memref_slice %arg5[%mul3A_1090] : memref<160000xi32, #tpu.memory_space<hbm>> -> memref<80xi32, #tpu.memory_space<hbm>>
      tpu.enqueue_dma source(%dma_start3A_1179 : memref<80xi32, #tpu.memory_space<hbm>>) target(%dma_start3A_1178 : memref<80xi32, #tpu.memory_space<vmem>>) target_semaphore(%arg14 : memref<!tpu.dma_semaphore, #tpu.memory_space<semaphore_mem>>)
      %dma_start3A_1180 = arith.constant 3 : i32
      %dma_start3A_1181 = arith.constant 1 : i32
      %dma_start3A_1182 = arith.constant 0 : i32
      %dma_start3A_1183 = tpu.memref_slice %arg8[%dma_start3A_1180, %dma_start3A_1181, %dma_start3A_1182] : memref<4x2x80xi32, #tpu.memory_space<vmem>> -> memref<1x1x80xi32, #tpu.memory_space<vmem>>
      %dma_start3A_1184 = tpu.memref_squeeze %dma_start3A_1183 : memref<1x1x80xi32, #tpu.memory_space<vmem>> -> memref<80xi32, #tpu.memory_space<vmem>>
      %dma_start3A_1185 = tpu.memref_slice %arg6[%mul3A_1090] : memref<160000xi32, #tpu.memory_space<hbm>> -> memref<80xi32, #tpu.memory_space<hbm>>
      %dma_start3A_1186 = arith.constant 0 : i32
      %dma_start3A_1187 = tpu.memref_slice %arg8[%dma_start3A_1180, %dma_start3A_1181, %dma_start3A_1186] : memref<4x2x80xi32, #tpu.memory_space<vmem>> -> memref<1x1x80xi32, #tpu.memory_space<vmem>>
      %dma_start3A_1188 = tpu.memref_squeeze %dma_start3A_1187 : memref<1x1x80xi32, #tpu.memory_space<vmem>> -> memref<80xi32, #tpu.memory_space<vmem>>
      %dma_start3A_1189 = tpu.memref_slice %arg6[%mul3A_1090] : memref<160000xi32, #tpu.memory_space<hbm>> -> memref<80xi32, #tpu.memory_space<hbm>>
      tpu.enqueue_dma source(%dma_start3A_1189 : memref<80xi32, #tpu.memory_space<hbm>>) target(%dma_start3A_1188 : memref<80xi32, #tpu.memory_space<vmem>>) target_semaphore(%arg14 : memref<!tpu.dma_semaphore, #tpu.memory_space<semaphore_mem>>)
      %dma_wait3A_1190 = arith.constant 0 : i32
      %dma_wait3A_1191 = arith.constant 0 : i32
      %dma_wait3A_1192 = arith.constant 0 : i32
      %dma_wait3A_1193 = tpu.memref_slice %arg8[%dma_wait3A_1190, %dma_wait3A_1191, %dma_wait3A_1192] : memref<4x2x80xi32, #tpu.memory_space<vmem>> -> memref<1x1x80xi32, #tpu.memory_space<vmem>>
      %dma_wait3A_1194 = tpu.memref_squeeze %dma_wait3A_1193 : memref<1x1x80xi32, #tpu.memory_space<vmem>> -> memref<80xi32, #tpu.memory_space<vmem>>
      %dma_wait3A_1195 = tpu.memref_slice %arg5[%mul3A_1063] : memref<160000xi32, #tpu.memory_space<hbm>> -> memref<80xi32, #tpu.memory_space<hbm>>
      %dma_wait3A_1196 = arith.constant 0 : i32
      %dma_wait3A_1197 = tpu.memref_slice %arg8[%dma_wait3A_1190, %dma_wait3A_1191, %dma_wait3A_1196] : memref<4x2x80xi32, #tpu.memory_space<vmem>> -> memref<1x1x80xi32, #tpu.memory_space<vmem>>
      %dma_wait3A_1198 = tpu.memref_squeeze %dma_wait3A_1197 : memref<1x1x80xi32, #tpu.memory_space<vmem>> -> memref<80xi32, #tpu.memory_space<vmem>>
      %dma_wait3A_1199 = tpu.memref_slice %arg5[%mul3A_1063] : memref<160000xi32, #tpu.memory_space<hbm>> -> memref<80xi32, #tpu.memory_space<hbm>>
      tpu.wait_dma2 semaphore(%arg11 : memref<!tpu.dma_semaphore, #tpu.memory_space<semaphore_mem>>) src(%dma_wait3A_1199 : memref<80xi32, #tpu.memory_space<hbm>>) dst(%dma_wait3A_1198 : memref<80xi32, #tpu.memory_space<vmem>>)
      %dma_wait3A_1200 = arith.constant 0 : i32
      %dma_wait3A_1201 = arith.constant 1 : i32
      %dma_wait3A_1202 = arith.constant 0 : i32
      %dma_wait3A_1203 = tpu.memref_slice %arg8[%dma_wait3A_1200, %dma_wait3A_1201, %dma_wait3A_1202] : memref<4x2x80xi32, #tpu.memory_space<vmem>> -> memref<1x1x80xi32, #tpu.memory_space<vmem>>
      %dma_wait3A_1204 = tpu.memref_squeeze %dma_wait3A_1203 : memref<1x1x80xi32, #tpu.memory_space<vmem>> -> memref<80xi32, #tpu.memory_space<vmem>>
      %dma_wait3A_1205 = tpu.memref_slice %arg6[%mul3A_1063] : memref<160000xi32, #tpu.memory_space<hbm>> -> memref<80xi32, #tpu.memory_space<hbm>>
      %dma_wait3A_1206 = arith.constant 0 : i32
      %dma_wait3A_1207 = tpu.memref_slice %arg8[%dma_wait3A_1200, %dma_wait3A_1201, %dma_wait3A_1206] : memref<4x2x80xi32, #tpu.memory_space<vmem>> -> memref<1x1x80xi32, #tpu.memory_space<vmem>>
      %dma_wait3A_1208 = tpu.memref_squeeze %dma_wait3A_1207 : memref<1x1x80xi32, #tpu.memory_space<vmem>> -> memref<80xi32, #tpu.memory_space<vmem>>
      %dma_wait3A_1209 = tpu.memref_slice %arg6[%mul3A_1063] : memref<160000xi32, #tpu.memory_space<hbm>> -> memref<80xi32, #tpu.memory_space<hbm>>
      tpu.wait_dma2 semaphore(%arg11 : memref<!tpu.dma_semaphore, #tpu.memory_space<semaphore_mem>>) src(%dma_wait3A_1209 : memref<80xi32, #tpu.memory_space<hbm>>) dst(%dma_wait3A_1208 : memref<80xi32, #tpu.memory_space<vmem>>)
      %eq3A_1210 = arith.constant 0 : i32
      %eq3A_1211 = arith.cmpi eq, %arg0, %eq3A_1210 : i32
      %convert_element_type3A_1212 = arith.extui %eq3A_1211 : i1 to i32
      %cond3A_1213 = arith.constant 0 : i32
      %cond3A_1214 = arith.cmpi ne, %convert_element_type3A_1212, %cond3A_1213 : i32
      scf.if %cond3A_1214 {
        %dma_start3A_1414 = arith.constant 0 : i32
        %dma_start3A_1415 = arith.constant 1 : i32
        %dma_start3A_1416 = arith.constant 0 : i32
        %dma_start3A_1417 = arith.constant 0 : i32
        %dma_start3A_1418 = arith.constant 0 : i32
        %dma_start3A_1419 = tpu.memref_slice %arg9[%dma_start3A_1416, %dma_start3A_1417, %dma_start3A_1418] : memref<4x80x128xf32, #tpu.memory_space<vmem>> -> memref<1x80x128xf32, #tpu.memory_space<vmem>>
        %dma_start3A_1420 = tpu.memref_squeeze %dma_start3A_1419 : memref<1x80x128xf32, #tpu.memory_space<vmem>> -> memref<80x128xf32, #tpu.memory_space<vmem>>
        %dma_start3A_1421 = arith.constant 0 : i32
        %dma_start3A_1422 = tpu.memref_slice %arg8[%dma_start3A_1414, %dma_start3A_1415, %dma_start3A_1421] : memref<4x2x80xi32, #tpu.memory_space<vmem>> -> memref<1x1x80xi32, #tpu.memory_space<vmem>>
        %dma_start3A_1423 = tpu.memref_squeeze %dma_start3A_1422 : memref<1x1x80xi32, #tpu.memory_space<vmem>> -> memref<80xi32, #tpu.memory_space<vmem>>
        %dma_start3A_1424 = arith.constant 0 : i32
        %dma_start3A_1425 = arith.constant 0 : i32
        %dma_start3A_1426 = tpu.memref_slice %arg2[%dma_start3A_1424, %dma_start3A_1425] : memref<10000x128xf32, #tpu.memory_space<hbm>> -> memref<10000x128xf32, #tpu.memory_space<hbm>>
        tpu.enqueue_indirect_dma source(%dma_start3A_1426 : memref<10000x128xf32, #tpu.memory_space<hbm>>) target(%dma_start3A_1420 : memref<80x128xf32, #tpu.memory_space<vmem>>) offsets(%dma_start3A_1423 : memref<80xi32, #tpu.memory_space<vmem>>) semaphore(%arg15 : memref<!tpu.dma_semaphore, #tpu.memory_space<semaphore_mem>>)
      } else {
      }
      %eq3A_1215 = arith.constant 1 : i32
      %eq3A_1216 = arith.cmpi eq, %arg0, %eq3A_1215 : i32
      %convert_element_type3A_1217 = arith.extui %eq3A_1216 : i1 to i32
      %cond3A_1218 = arith.constant 0 : i32
      %cond3A_1219 = arith.cmpi ne, %convert_element_type3A_1217, %cond3A_1218 : i32
      scf.if %cond3A_1219 {
        %dma_start3A_1414 = arith.constant 0 : i32
        %dma_start3A_1415 = arith.constant 1 : i32
        %dma_start3A_1416 = arith.constant 0 : i32
        %dma_start3A_1417 = arith.constant 0 : i32
        %dma_start3A_1418 = arith.constant 0 : i32
        %dma_start3A_1419 = tpu.memref_slice %arg9[%dma_start3A_1416, %dma_start3A_1417, %dma_start3A_1418] : memref<4x80x128xf32, #tpu.memory_space<vmem>> -> memref<1x80x128xf32, #tpu.memory_space<vmem>>
        %dma_start3A_1420 = tpu.memref_squeeze %dma_start3A_1419 : memref<1x80x128xf32, #tpu.memory_space<vmem>> -> memref<80x128xf32, #tpu.memory_space<vmem>>
        %dma_start3A_1421 = arith.constant 0 : i32
        %dma_start3A_1422 = tpu.memref_slice %arg8[%dma_start3A_1414, %dma_start3A_1415, %dma_start3A_1421] : memref<4x2x80xi32, #tpu.memory_space<vmem>> -> memref<1x1x80xi32, #tpu.memory_space<vmem>>
        %dma_start3A_1423 = tpu.memref_squeeze %dma_start3A_1422 : memref<1x1x80xi32, #tpu.memory_space<vmem>> -> memref<80xi32, #tpu.memory_space<vmem>>
        %dma_start3A_1424 = arith.constant 0 : i32
        %dma_start3A_1425 = arith.constant 0 : i32
        %dma_start3A_1426 = tpu.memref_slice %arg3[%dma_start3A_1424, %dma_start3A_1425] : memref<10000x128xf32, #tpu.memory_space<hbm>> -> memref<10000x128xf32, #tpu.memory_space<hbm>>
        tpu.enqueue_indirect_dma source(%dma_start3A_1426 : memref<10000x128xf32, #tpu.memory_space<hbm>>) target(%dma_start3A_1420 : memref<80x128xf32, #tpu.memory_space<vmem>>) offsets(%dma_start3A_1423 : memref<80xi32, #tpu.memory_space<vmem>>) semaphore(%arg15 : memref<!tpu.dma_semaphore, #tpu.memory_space<semaphore_mem>>)
      } else {
      }
      %dma_wait3A_1220 = arith.constant 1 : i32
      %dma_wait3A_1221 = arith.constant 0 : i32
      %dma_wait3A_1222 = arith.constant 0 : i32
      %dma_wait3A_1223 = tpu.memref_slice %arg8[%dma_wait3A_1220, %dma_wait3A_1221, %dma_wait3A_1222] : memref<4x2x80xi32, #tpu.memory_space<vmem>> -> memref<1x1x80xi32, #tpu.memory_space<vmem>>
      %dma_wait3A_1224 = tpu.memref_squeeze %dma_wait3A_1223 : memref<1x1x80xi32, #tpu.memory_space<vmem>> -> memref<80xi32, #tpu.memory_space<vmem>>
      %dma_wait3A_1225 = tpu.memref_slice %arg5[%mul3A_1072] : memref<160000xi32, #tpu.memory_space<hbm>> -> memref<80xi32, #tpu.memory_space<hbm>>
      %dma_wait3A_1226 = arith.constant 0 : i32
      %dma_wait3A_1227 = tpu.memref_slice %arg8[%dma_wait3A_1220, %dma_wait3A_1221, %dma_wait3A_1226] : memref<4x2x80xi32, #tpu.memory_space<vmem>> -> memref<1x1x80xi32, #tpu.memory_space<vmem>>
      %dma_wait3A_1228 = tpu.memref_squeeze %dma_wait3A_1227 : memref<1x1x80xi32, #tpu.memory_space<vmem>> -> memref<80xi32, #tpu.memory_space<vmem>>
      %dma_wait3A_1229 = tpu.memref_slice %arg5[%mul3A_1072] : memref<160000xi32, #tpu.memory_space<hbm>> -> memref<80xi32, #tpu.memory_space<hbm>>
      tpu.wait_dma2 semaphore(%arg12 : memref<!tpu.dma_semaphore, #tpu.memory_space<semaphore_mem>>) src(%dma_wait3A_1229 : memref<80xi32, #tpu.memory_space<hbm>>) dst(%dma_wait3A_1228 : memref<80xi32, #tpu.memory_space<vmem>>)
      %dma_wait3A_1230 = arith.constant 1 : i32
      %dma_wait3A_1231 = arith.constant 1 : i32
      %dma_wait3A_1232 = arith.constant 0 : i32
      %dma_wait3A_1233 = tpu.memref_slice %arg8[%dma_wait3A_1230, %dma_wait3A_1231, %dma_wait3A_1232] : memref<4x2x80xi32, #tpu.memory_space<vmem>> -> memref<1x1x80xi32, #tpu.memory_space<vmem>>
      %dma_wait3A_1234 = tpu.memref_squeeze %dma_wait3A_1233 : memref<1x1x80xi32, #tpu.memory_space<vmem>> -> memref<80xi32, #tpu.memory_space<vmem>>
      %dma_wait3A_1235 = tpu.memref_slice %arg6[%mul3A_1072] : memref<160000xi32, #tpu.memory_space<hbm>> -> memref<80xi32, #tpu.memory_space<hbm>>
      %dma_wait3A_1236 = arith.constant 0 : i32
      %dma_wait3A_1237 = tpu.memref_slice %arg8[%dma_wait3A_1230, %dma_wait3A_1231, %dma_wait3A_1236] : memref<4x2x80xi32, #tpu.memory_space<vmem>> -> memref<1x1x80xi32, #tpu.memory_space<vmem>>
      %dma_wait3A_1238 = tpu.memref_squeeze %dma_wait3A_1237 : memref<1x1x80xi32, #tpu.memory_space<vmem>> -> memref<80xi32, #tpu.memory_space<vmem>>
      %dma_wait3A_1239 = tpu.memref_slice %arg6[%mul3A_1072] : memref<160000xi32, #tpu.memory_space<hbm>> -> memref<80xi32, #tpu.memory_space<hbm>>
      tpu.wait_dma2 semaphore(%arg12 : memref<!tpu.dma_semaphore, #tpu.memory_space<semaphore_mem>>) src(%dma_wait3A_1239 : memref<80xi32, #tpu.memory_space<hbm>>) dst(%dma_wait3A_1238 : memref<80xi32, #tpu.memory_space<vmem>>)
      %eq3A_1240 = arith.constant 0 : i32
      %eq3A_1241 = arith.cmpi eq, %arg0, %eq3A_1240 : i32
      %convert_element_type3A_1242 = arith.extui %eq3A_1241 : i1 to i32
      %cond3A_1243 = arith.constant 0 : i32
      %cond3A_1244 = arith.cmpi ne, %convert_element_type3A_1242, %cond3A_1243 : i32
      scf.if %cond3A_1244 {
        %dma_start3A_1414 = arith.constant 1 : i32
        %dma_start3A_1415 = arith.constant 1 : i32
        %dma_start3A_1416 = arith.constant 1 : i32
        %dma_start3A_1417 = arith.constant 0 : i32
        %dma_start3A_1418 = arith.constant 0 : i32
        %dma_start3A_1419 = tpu.memref_slice %arg9[%dma_start3A_1416, %dma_start3A_1417, %dma_start3A_1418] : memref<4x80x128xf32, #tpu.memory_space<vmem>> -> memref<1x80x128xf32, #tpu.memory_space<vmem>>
        %dma_start3A_1420 = tpu.memref_squeeze %dma_start3A_1419 : memref<1x80x128xf32, #tpu.memory_space<vmem>> -> memref<80x128xf32, #tpu.memory_space<vmem>>
        %dma_start3A_1421 = arith.constant 0 : i32
        %dma_start3A_1422 = tpu.memref_slice %arg8[%dma_start3A_1414, %dma_start3A_1415, %dma_start3A_1421] : memref<4x2x80xi32, #tpu.memory_space<vmem>> -> memref<1x1x80xi32, #tpu.memory_space<vmem>>
        %dma_start3A_1423 = tpu.memref_squeeze %dma_start3A_1422 : memref<1x1x80xi32, #tpu.memory_space<vmem>> -> memref<80xi32, #tpu.memory_space<vmem>>
        %dma_start3A_1424 = arith.constant 0 : i32
        %dma_start3A_1425 = arith.constant 0 : i32
        %dma_start3A_1426 = tpu.memref_slice %arg2[%dma_start3A_1424, %dma_start3A_1425] : memref<10000x128xf32, #tpu.memory_space<hbm>> -> memref<10000x128xf32, #tpu.memory_space<hbm>>
        tpu.enqueue_indirect_dma source(%dma_start3A_1426 : memref<10000x128xf32, #tpu.memory_space<hbm>>) target(%dma_start3A_1420 : memref<80x128xf32, #tpu.memory_space<vmem>>) offsets(%dma_start3A_1423 : memref<80xi32, #tpu.memory_space<vmem>>) semaphore(%arg16 : memref<!tpu.dma_semaphore, #tpu.memory_space<semaphore_mem>>)
      } else {
      }
      %eq3A_1245 = arith.constant 1 : i32
      %eq3A_1246 = arith.cmpi eq, %arg0, %eq3A_1245 : i32
      %convert_element_type3A_1247 = arith.extui %eq3A_1246 : i1 to i32
      %cond3A_1248 = arith.constant 0 : i32
      %cond3A_1249 = arith.cmpi ne, %convert_element_type3A_1247, %cond3A_1248 : i32
      scf.if %cond3A_1249 {
        %dma_start3A_1414 = arith.constant 1 : i32
        %dma_start3A_1415 = arith.constant 1 : i32
        %dma_start3A_1416 = arith.constant 1 : i32
        %dma_start3A_1417 = arith.constant 0 : i32
        %dma_start3A_1418 = arith.constant 0 : i32
        %dma_start3A_1419 = tpu.memref_slice %arg9[%dma_start3A_1416, %dma_start3A_1417, %dma_start3A_1418] : memref<4x80x128xf32, #tpu.memory_space<vmem>> -> memref<1x80x128xf32, #tpu.memory_space<vmem>>
        %dma_start3A_1420 = tpu.memref_squeeze %dma_start3A_1419 : memref<1x80x128xf32, #tpu.memory_space<vmem>> -> memref<80x128xf32, #tpu.memory_space<vmem>>
        %dma_start3A_1421 = arith.constant 0 : i32
        %dma_start3A_1422 = tpu.memref_slice %arg8[%dma_start3A_1414, %dma_start3A_1415, %dma_start3A_1421] : memref<4x2x80xi32, #tpu.memory_space<vmem>> -> memref<1x1x80xi32, #tpu.memory_space<vmem>>
        %dma_start3A_1423 = tpu.memref_squeeze %dma_start3A_1422 : memref<1x1x80xi32, #tpu.memory_space<vmem>> -> memref<80xi32, #tpu.memory_space<vmem>>
        %dma_start3A_1424 = arith.constant 0 : i32
        %dma_start3A_1425 = arith.constant 0 : i32
        %dma_start3A_1426 = tpu.memref_slice %arg3[%dma_start3A_1424, %dma_start3A_1425] : memref<10000x128xf32, #tpu.memory_space<hbm>> -> memref<10000x128xf32, #tpu.memory_space<hbm>>
        tpu.enqueue_indirect_dma source(%dma_start3A_1426 : memref<10000x128xf32, #tpu.memory_space<hbm>>) target(%dma_start3A_1420 : memref<80x128xf32, #tpu.memory_space<vmem>>) offsets(%dma_start3A_1423 : memref<80xi32, #tpu.memory_space<vmem>>) semaphore(%arg16 : memref<!tpu.dma_semaphore, #tpu.memory_space<semaphore_mem>>)
      } else {
      }
      %dma_wait3A_1250 = arith.constant 2 : i32
      %dma_wait3A_1251 = arith.constant 0 : i32
      %dma_wait3A_1252 = arith.constant 0 : i32
      %dma_wait3A_1253 = tpu.memref_slice %arg8[%dma_wait3A_1250, %dma_wait3A_1251, %dma_wait3A_1252] : memref<4x2x80xi32, #tpu.memory_space<vmem>> -> memref<1x1x80xi32, #tpu.memory_space<vmem>>
      %dma_wait3A_1254 = tpu.memref_squeeze %dma_wait3A_1253 : memref<1x1x80xi32, #tpu.memory_space<vmem>> -> memref<80xi32, #tpu.memory_space<vmem>>
      %dma_wait3A_1255 = tpu.memref_slice %arg5[%mul3A_1081] : memref<160000xi32, #tpu.memory_space<hbm>> -> memref<80xi32, #tpu.memory_space<hbm>>
      %dma_wait3A_1256 = arith.constant 0 : i32
      %dma_wait3A_1257 = tpu.memref_slice %arg8[%dma_wait3A_1250, %dma_wait3A_1251, %dma_wait3A_1256] : memref<4x2x80xi32, #tpu.memory_space<vmem>> -> memref<1x1x80xi32, #tpu.memory_space<vmem>>
      %dma_wait3A_1258 = tpu.memref_squeeze %dma_wait3A_1257 : memref<1x1x80xi32, #tpu.memory_space<vmem>> -> memref<80xi32, #tpu.memory_space<vmem>>
      %dma_wait3A_1259 = tpu.memref_slice %arg5[%mul3A_1081] : memref<160000xi32, #tpu.memory_space<hbm>> -> memref<80xi32, #tpu.memory_space<hbm>>
      tpu.wait_dma2 semaphore(%arg13 : memref<!tpu.dma_semaphore, #tpu.memory_space<semaphore_mem>>) src(%dma_wait3A_1259 : memref<80xi32, #tpu.memory_space<hbm>>) dst(%dma_wait3A_1258 : memref<80xi32, #tpu.memory_space<vmem>>)
      %dma_wait3A_1260 = arith.constant 2 : i32
      %dma_wait3A_1261 = arith.constant 1 : i32
      %dma_wait3A_1262 = arith.constant 0 : i32
      %dma_wait3A_1263 = tpu.memref_slice %arg8[%dma_wait3A_1260, %dma_wait3A_1261, %dma_wait3A_1262] : memref<4x2x80xi32, #tpu.memory_space<vmem>> -> memref<1x1x80xi32, #tpu.memory_space<vmem>>
      %dma_wait3A_1264 = tpu.memref_squeeze %dma_wait3A_1263 : memref<1x1x80xi32, #tpu.memory_space<vmem>> -> memref<80xi32, #tpu.memory_space<vmem>>
      %dma_wait3A_1265 = tpu.memref_slice %arg6[%mul3A_1081] : memref<160000xi32, #tpu.memory_space<hbm>> -> memref<80xi32, #tpu.memory_space<hbm>>
      %dma_wait3A_1266 = arith.constant 0 : i32
      %dma_wait3A_1267 = tpu.memref_slice %arg8[%dma_wait3A_1260, %dma_wait3A_1261, %dma_wait3A_1266] : memref<4x2x80xi32, #tpu.memory_space<vmem>> -> memref<1x1x80xi32, #tpu.memory_space<vmem>>
      %dma_wait3A_1268 = tpu.memref_squeeze %dma_wait3A_1267 : memref<1x1x80xi32, #tpu.memory_space<vmem>> -> memref<80xi32, #tpu.memory_space<vmem>>
      %dma_wait3A_1269 = tpu.memref_slice %arg6[%mul3A_1081] : memref<160000xi32, #tpu.memory_space<hbm>> -> memref<80xi32, #tpu.memory_space<hbm>>
      tpu.wait_dma2 semaphore(%arg13 : memref<!tpu.dma_semaphore, #tpu.memory_space<semaphore_mem>>) src(%dma_wait3A_1269 : memref<80xi32, #tpu.memory_space<hbm>>) dst(%dma_wait3A_1268 : memref<80xi32, #tpu.memory_space<vmem>>)
      %eq3A_1270 = arith.constant 0 : i32
      %eq3A_1271 = arith.cmpi eq, %arg0, %eq3A_1270 : i32
      %convert_element_type3A_1272 = arith.extui %eq3A_1271 : i1 to i32
      %cond3A_1273 = arith.constant 0 : i32
      %cond3A_1274 = arith.cmpi ne, %convert_element_type3A_1272, %cond3A_1273 : i32
      scf.if %cond3A_1274 {
        %dma_start3A_1414 = arith.constant 2 : i32
        %dma_start3A_1415 = arith.constant 1 : i32
        %dma_start3A_1416 = arith.constant 2 : i32
        %dma_start3A_1417 = arith.constant 0 : i32
        %dma_start3A_1418 = arith.constant 0 : i32
        %dma_start3A_1419 = tpu.memref_slice %arg9[%dma_start3A_1416, %dma_start3A_1417, %dma_start3A_1418] : memref<4x80x128xf32, #tpu.memory_space<vmem>> -> memref<1x80x128xf32, #tpu.memory_space<vmem>>
        %dma_start3A_1420 = tpu.memref_squeeze %dma_start3A_1419 : memref<1x80x128xf32, #tpu.memory_space<vmem>> -> memref<80x128xf32, #tpu.memory_space<vmem>>
        %dma_start3A_1421 = arith.constant 0 : i32
        %dma_start3A_1422 = tpu.memref_slice %arg8[%dma_start3A_1414, %dma_start3A_1415, %dma_start3A_1421] : memref<4x2x80xi32, #tpu.memory_space<vmem>> -> memref<1x1x80xi32, #tpu.memory_space<vmem>>
        %dma_start3A_1423 = tpu.memref_squeeze %dma_start3A_1422 : memref<1x1x80xi32, #tpu.memory_space<vmem>> -> memref<80xi32, #tpu.memory_space<vmem>>
        %dma_start3A_1424 = arith.constant 0 : i32
        %dma_start3A_1425 = arith.constant 0 : i32
        %dma_start3A_1426 = tpu.memref_slice %arg2[%dma_start3A_1424, %dma_start3A_1425] : memref<10000x128xf32, #tpu.memory_space<hbm>> -> memref<10000x128xf32, #tpu.memory_space<hbm>>
        tpu.enqueue_indirect_dma source(%dma_start3A_1426 : memref<10000x128xf32, #tpu.memory_space<hbm>>) target(%dma_start3A_1420 : memref<80x128xf32, #tpu.memory_space<vmem>>) offsets(%dma_start3A_1423 : memref<80xi32, #tpu.memory_space<vmem>>) semaphore(%arg17 : memref<!tpu.dma_semaphore, #tpu.memory_space<semaphore_mem>>)
      } else {
      }
      %eq3A_1275 = arith.constant 1 : i32
      %eq3A_1276 = arith.cmpi eq, %arg0, %eq3A_1275 : i32
      %convert_element_type3A_1277 = arith.extui %eq3A_1276 : i1 to i32
      %cond3A_1278 = arith.constant 0 : i32
      %cond3A_1279 = arith.cmpi ne, %convert_element_type3A_1277, %cond3A_1278 : i32
      scf.if %cond3A_1279 {
        %dma_start3A_1414 = arith.constant 2 : i32
        %dma_start3A_1415 = arith.constant 1 : i32
        %dma_start3A_1416 = arith.constant 2 : i32
        %dma_start3A_1417 = arith.constant 0 : i32
        %dma_start3A_1418 = arith.constant 0 : i32
        %dma_start3A_1419 = tpu.memref_slice %arg9[%dma_start3A_1416, %dma_start3A_1417, %dma_start3A_1418] : memref<4x80x128xf32, #tpu.memory_space<vmem>> -> memref<1x80x128xf32, #tpu.memory_space<vmem>>
        %dma_start3A_1420 = tpu.memref_squeeze %dma_start3A_1419 : memref<1x80x128xf32, #tpu.memory_space<vmem>> -> memref<80x128xf32, #tpu.memory_space<vmem>>
        %dma_start3A_1421 = arith.constant 0 : i32
        %dma_start3A_1422 = tpu.memref_slice %arg8[%dma_start3A_1414, %dma_start3A_1415, %dma_start3A_1421] : memref<4x2x80xi32, #tpu.memory_space<vmem>> -> memref<1x1x80xi32, #tpu.memory_space<vmem>>
        %dma_start3A_1423 = tpu.memref_squeeze %dma_start3A_1422 : memref<1x1x80xi32, #tpu.memory_space<vmem>> -> memref<80xi32, #tpu.memory_space<vmem>>
        %dma_start3A_1424 = arith.constant 0 : i32
        %dma_start3A_1425 = arith.constant 0 : i32
        %dma_start3A_1426 = tpu.memref_slice %arg3[%dma_start3A_1424, %dma_start3A_1425] : memref<10000x128xf32, #tpu.memory_space<hbm>> -> memref<10000x128xf32, #tpu.memory_space<hbm>>
        tpu.enqueue_indirect_dma source(%dma_start3A_1426 : memref<10000x128xf32, #tpu.memory_space<hbm>>) target(%dma_start3A_1420 : memref<80x128xf32, #tpu.memory_space<vmem>>) offsets(%dma_start3A_1423 : memref<80xi32, #tpu.memory_space<vmem>>) semaphore(%arg17 : memref<!tpu.dma_semaphore, #tpu.memory_space<semaphore_mem>>)
      } else {
      }
      %dma_wait3A_1280 = arith.constant 3 : i32
      %dma_wait3A_1281 = arith.constant 0 : i32
      %dma_wait3A_1282 = arith.constant 0 : i32
      %dma_wait3A_1283 = tpu.memref_slice %arg8[%dma_wait3A_1280, %dma_wait3A_1281, %dma_wait3A_1282] : memref<4x2x80xi32, #tpu.memory_space<vmem>> -> memref<1x1x80xi32, #tpu.memory_space<vmem>>
      %dma_wait3A_1284 = tpu.memref_squeeze %dma_wait3A_1283 : memref<1x1x80xi32, #tpu.memory_space<vmem>> -> memref<80xi32, #tpu.memory_space<vmem>>
      %dma_wait3A_1285 = tpu.memref_slice %arg5[%mul3A_1090] : memref<160000xi32, #tpu.memory_space<hbm>> -> memref<80xi32, #tpu.memory_space<hbm>>
      %dma_wait3A_1286 = arith.constant 0 : i32
      %dma_wait3A_1287 = tpu.memref_slice %arg8[%dma_wait3A_1280, %dma_wait3A_1281, %dma_wait3A_1286] : memref<4x2x80xi32, #tpu.memory_space<vmem>> -> memref<1x1x80xi32, #tpu.memory_space<vmem>>
      %dma_wait3A_1288 = tpu.memref_squeeze %dma_wait3A_1287 : memref<1x1x80xi32, #tpu.memory_space<vmem>> -> memref<80xi32, #tpu.memory_space<vmem>>
      %dma_wait3A_1289 = tpu.memref_slice %arg5[%mul3A_1090] : memref<160000xi32, #tpu.memory_space<hbm>> -> memref<80xi32, #tpu.memory_space<hbm>>
      tpu.wait_dma2 semaphore(%arg14 : memref<!tpu.dma_semaphore, #tpu.memory_space<semaphore_mem>>) src(%dma_wait3A_1289 : memref<80xi32, #tpu.memory_space<hbm>>) dst(%dma_wait3A_1288 : memref<80xi32, #tpu.memory_space<vmem>>)
      %dma_wait3A_1290 = arith.constant 3 : i32
      %dma_wait3A_1291 = arith.constant 1 : i32
      %dma_wait3A_1292 = arith.constant 0 : i32
      %dma_wait3A_1293 = tpu.memref_slice %arg8[%dma_wait3A_1290, %dma_wait3A_1291, %dma_wait3A_1292] : memref<4x2x80xi32, #tpu.memory_space<vmem>> -> memref<1x1x80xi32, #tpu.memory_space<vmem>>
      %dma_wait3A_1294 = tpu.memref_squeeze %dma_wait3A_1293 : memref<1x1x80xi32, #tpu.memory_space<vmem>> -> memref<80xi32, #tpu.memory_space<vmem>>
      %dma_wait3A_1295 = tpu.memref_slice %arg6[%mul3A_1090] : memref<160000xi32, #tpu.memory_space<hbm>> -> memref<80xi32, #tpu.memory_space<hbm>>
      %dma_wait3A_1296 = arith.constant 0 : i32
      %dma_wait3A_1297 = tpu.memref_slice %arg8[%dma_wait3A_1290, %dma_wait3A_1291, %dma_wait3A_1296] : memref<4x2x80xi32, #tpu.memory_space<vmem>> -> memref<1x1x80xi32, #tpu.memory_space<vmem>>
      %dma_wait3A_1298 = tpu.memref_squeeze %dma_wait3A_1297 : memref<1x1x80xi32, #tpu.memory_space<vmem>> -> memref<80xi32, #tpu.memory_space<vmem>>
      %dma_wait3A_1299 = tpu.memref_slice %arg6[%mul3A_1090] : memref<160000xi32, #tpu.memory_space<hbm>> -> memref<80xi32, #tpu.memory_space<hbm>>
      tpu.wait_dma2 semaphore(%arg14 : memref<!tpu.dma_semaphore, #tpu.memory_space<semaphore_mem>>) src(%dma_wait3A_1299 : memref<80xi32, #tpu.memory_space<hbm>>) dst(%dma_wait3A_1298 : memref<80xi32, #tpu.memory_space<vmem>>)
      %eq3A_1300 = arith.constant 0 : i32
      %eq3A_1301 = arith.cmpi eq, %arg0, %eq3A_1300 : i32
      %convert_element_type3A_1302 = arith.extui %eq3A_1301 : i1 to i32
      %cond3A_1303 = arith.constant 0 : i32
      %cond3A_1304 = arith.cmpi ne, %convert_element_type3A_1302, %cond3A_1303 : i32
      scf.if %cond3A_1304 {
        %dma_start3A_1414 = arith.constant 3 : i32
        %dma_start3A_1415 = arith.constant 1 : i32
        %dma_start3A_1416 = arith.constant 3 : i32
        %dma_start3A_1417 = arith.constant 0 : i32
        %dma_start3A_1418 = arith.constant 0 : i32
        %dma_start3A_1419 = tpu.memref_slice %arg9[%dma_start3A_1416, %dma_start3A_1417, %dma_start3A_1418] : memref<4x80x128xf32, #tpu.memory_space<vmem>> -> memref<1x80x128xf32, #tpu.memory_space<vmem>>
        %dma_start3A_1420 = tpu.memref_squeeze %dma_start3A_1419 : memref<1x80x128xf32, #tpu.memory_space<vmem>> -> memref<80x128xf32, #tpu.memory_space<vmem>>
        %dma_start3A_1421 = arith.constant 0 : i32
        %dma_start3A_1422 = tpu.memref_slice %arg8[%dma_start3A_1414, %dma_start3A_1415, %dma_start3A_1421] : memref<4x2x80xi32, #tpu.memory_space<vmem>> -> memref<1x1x80xi32, #tpu.memory_space<vmem>>
        %dma_start3A_1423 = tpu.memref_squeeze %dma_start3A_1422 : memref<1x1x80xi32, #tpu.memory_space<vmem>> -> memref<80xi32, #tpu.memory_space<vmem>>
        %dma_start3A_1424 = arith.constant 0 : i32
        %dma_start3A_1425 = arith.constant 0 : i32
        %dma_start3A_1426 = tpu.memref_slice %arg2[%dma_start3A_1424, %dma_start3A_1425] : memref<10000x128xf32, #tpu.memory_space<hbm>> -> memref<10000x128xf32, #tpu.memory_space<hbm>>
        tpu.enqueue_indirect_dma source(%dma_start3A_1426 : memref<10000x128xf32, #tpu.memory_space<hbm>>) target(%dma_start3A_1420 : memref<80x128xf32, #tpu.memory_space<vmem>>) offsets(%dma_start3A_1423 : memref<80xi32, #tpu.memory_space<vmem>>) semaphore(%arg18 : memref<!tpu.dma_semaphore, #tpu.memory_space<semaphore_mem>>)
      } else {
      }
      %eq3A_1305 = arith.constant 1 : i32
      %eq3A_1306 = arith.cmpi eq, %arg0, %eq3A_1305 : i32
      %convert_element_type3A_1307 = arith.extui %eq3A_1306 : i1 to i32
      %cond3A_1308 = arith.constant 0 : i32
      %cond3A_1309 = arith.cmpi ne, %convert_element_type3A_1307, %cond3A_1308 : i32
      scf.if %cond3A_1309 {
        %dma_start3A_1414 = arith.constant 3 : i32
        %dma_start3A_1415 = arith.constant 1 : i32
        %dma_start3A_1416 = arith.constant 3 : i32
        %dma_start3A_1417 = arith.constant 0 : i32
        %dma_start3A_1418 = arith.constant 0 : i32
        %dma_start3A_1419 = tpu.memref_slice %arg9[%dma_start3A_1416, %dma_start3A_1417, %dma_start3A_1418] : memref<4x80x128xf32, #tpu.memory_space<vmem>> -> memref<1x80x128xf32, #tpu.memory_space<vmem>>
        %dma_start3A_1420 = tpu.memref_squeeze %dma_start3A_1419 : memref<1x80x128xf32, #tpu.memory_space<vmem>> -> memref<80x128xf32, #tpu.memory_space<vmem>>
        %dma_start3A_1421 = arith.constant 0 : i32
        %dma_start3A_1422 = tpu.memref_slice %arg8[%dma_start3A_1414, %dma_start3A_1415, %dma_start3A_1421] : memref<4x2x80xi32, #tpu.memory_space<vmem>> -> memref<1x1x80xi32, #tpu.memory_space<vmem>>
        %dma_start3A_1423 = tpu.memref_squeeze %dma_start3A_1422 : memref<1x1x80xi32, #tpu.memory_space<vmem>> -> memref<80xi32, #tpu.memory_space<vmem>>
        %dma_start3A_1424 = arith.constant 0 : i32
        %dma_start3A_1425 = arith.constant 0 : i32
        %dma_start3A_1426 = tpu.memref_slice %arg3[%dma_start3A_1424, %dma_start3A_1425] : memref<10000x128xf32, #tpu.memory_space<hbm>> -> memref<10000x128xf32, #tpu.memory_space<hbm>>
        tpu.enqueue_indirect_dma source(%dma_start3A_1426 : memref<10000x128xf32, #tpu.memory_space<hbm>>) target(%dma_start3A_1420 : memref<80x128xf32, #tpu.memory_space<vmem>>) offsets(%dma_start3A_1423 : memref<80xi32, #tpu.memory_space<vmem>>) semaphore(%arg18 : memref<!tpu.dma_semaphore, #tpu.memory_space<semaphore_mem>>)
      } else {
      }
      %dma_wait3A_1310 = arith.constant 0 : i32
      %dma_wait3A_1311 = arith.constant 1 : i32
      %dma_wait3A_1312 = arith.constant 0 : i32
      %dma_wait3A_1313 = arith.constant 0 : i32
      %dma_wait3A_1314 = arith.constant 0 : i32
      %dma_wait3A_1315 = tpu.memref_slice %arg9[%dma_wait3A_1312, %dma_wait3A_1313, %dma_wait3A_1314] : memref<4x80x128xf32, #tpu.memory_space<vmem>> -> memref<1x80x128xf32, #tpu.memory_space<vmem>>
      %dma_wait3A_1316 = tpu.memref_squeeze %dma_wait3A_1315 : memref<1x80x128xf32, #tpu.memory_space<vmem>> -> memref<80x128xf32, #tpu.memory_space<vmem>>
      %dma_wait3A_1317 = arith.constant 0 : i32
      %dma_wait3A_1318 = tpu.memref_slice %arg8[%dma_wait3A_1310, %dma_wait3A_1311, %dma_wait3A_1317] : memref<4x2x80xi32, #tpu.memory_space<vmem>> -> memref<1x1x80xi32, #tpu.memory_space<vmem>>
      %dma_wait3A_1319 = tpu.memref_squeeze %dma_wait3A_1318 : memref<1x1x80xi32, #tpu.memory_space<vmem>> -> memref<80xi32, #tpu.memory_space<vmem>>
      %dma_wait3A_1320 = arith.constant 0 : i32
      %dma_wait3A_1321 = arith.constant 0 : i32
      %dma_wait3A_1322 = tpu.memref_slice %arg2[%dma_wait3A_1320, %dma_wait3A_1321] : memref<10000x128xf32, #tpu.memory_space<hbm>> -> memref<10000x128xf32, #tpu.memory_space<hbm>>
      tpu.wait_indirect_dma semaphore(%arg15 : memref<!tpu.dma_semaphore, #tpu.memory_space<semaphore_mem>>) src(%dma_wait3A_1322 : memref<10000x128xf32, #tpu.memory_space<hbm>>) dst(%dma_wait3A_1316 : memref<80x128xf32, #tpu.memory_space<vmem>>)
      %dma_start3A_1323 = arith.constant 0 : i32
      %dma_start3A_1324 = arith.constant 0 : i32
      %dma_start3A_1325 = arith.constant 0 : i32
      %dma_start3A_1326 = arith.constant 0 : i32
      %dma_start3A_1327 = arith.constant 0 : i32
      %dma_start3A_1328 = tpu.memref_slice %arg9[%dma_start3A_1323, %dma_start3A_1326, %dma_start3A_1327] : memref<4x80x128xf32, #tpu.memory_space<vmem>> -> memref<1x80x128xf32, #tpu.memory_space<vmem>>
      %dma_start3A_1329 = tpu.memref_squeeze %dma_start3A_1328 : memref<1x80x128xf32, #tpu.memory_space<vmem>> -> memref<80x128xf32, #tpu.memory_space<vmem>>
      %dma_start3A_1330 = arith.constant 0 : i32
      %dma_start3A_1331 = tpu.memref_slice %arg8[%dma_start3A_1324, %dma_start3A_1325, %dma_start3A_1330] : memref<4x2x80xi32, #tpu.memory_space<vmem>> -> memref<1x1x80xi32, #tpu.memory_space<vmem>>
      %dma_start3A_1332 = tpu.memref_squeeze %dma_start3A_1331 : memref<1x1x80xi32, #tpu.memory_space<vmem>> -> memref<80xi32, #tpu.memory_space<vmem>>
      %dma_start3A_1333 = arith.constant 0 : i32
      %dma_start3A_1334 = arith.constant 0 : i32
      %dma_start3A_1335 = tpu.memref_slice %arg10[%dma_start3A_1333, %dma_start3A_1334] : memref<10000x128xf32, #tpu.memory_space<vmem_shared>> -> memref<10000x128xf32, #tpu.memory_space<vmem_shared>>
      tpu.enqueue_indirect_dma source(%dma_start3A_1329 : memref<80x128xf32, #tpu.memory_space<vmem>>) target(%dma_start3A_1335 : memref<10000x128xf32, #tpu.memory_space<vmem_shared>>) offsets(%dma_start3A_1332 : memref<80xi32, #tpu.memory_space<vmem>>) semaphore(%arg19 : memref<!tpu.dma_semaphore, #tpu.memory_space<semaphore_mem>>) {add = true}
      %dma_wait3A_1336 = arith.constant 1 : i32
      %dma_wait3A_1337 = arith.constant 1 : i32
      %dma_wait3A_1338 = arith.constant 1 : i32
      %dma_wait3A_1339 = arith.constant 0 : i32
      %dma_wait3A_1340 = arith.constant 0 : i32
      %dma_wait3A_1341 = tpu.memref_slice %arg9[%dma_wait3A_1338, %dma_wait3A_1339, %dma_wait3A_1340] : memref<4x80x128xf32, #tpu.memory_space<vmem>> -> memref<1x80x128xf32, #tpu.memory_space<vmem>>
      %dma_wait3A_1342 = tpu.memref_squeeze %dma_wait3A_1341 : memref<1x80x128xf32, #tpu.memory_space<vmem>> -> memref<80x128xf32, #tpu.memory_space<vmem>>
      %dma_wait3A_1343 = arith.constant 0 : i32
      %dma_wait3A_1344 = tpu.memref_slice %arg8[%dma_wait3A_1336, %dma_wait3A_1337, %dma_wait3A_1343] : memref<4x2x80xi32, #tpu.memory_space<vmem>> -> memref<1x1x80xi32, #tpu.memory_space<vmem>>
      %dma_wait3A_1345 = tpu.memref_squeeze %dma_wait3A_1344 : memref<1x1x80xi32, #tpu.memory_space<vmem>> -> memref<80xi32, #tpu.memory_space<vmem>>
      %dma_wait3A_1346 = arith.constant 0 : i32
      %dma_wait3A_1347 = arith.constant 0 : i32
      %dma_wait3A_1348 = tpu.memref_slice %arg2[%dma_wait3A_1346, %dma_wait3A_1347] : memref<10000x128xf32, #tpu.memory_space<hbm>> -> memref<10000x128xf32, #tpu.memory_space<hbm>>
      tpu.wait_indirect_dma semaphore(%arg16 : memref<!tpu.dma_semaphore, #tpu.memory_space<semaphore_mem>>) src(%dma_wait3A_1348 : memref<10000x128xf32, #tpu.memory_space<hbm>>) dst(%dma_wait3A_1342 : memref<80x128xf32, #tpu.memory_space<vmem>>)
      %dma_start3A_1349 = arith.constant 1 : i32
      %dma_start3A_1350 = arith.constant 1 : i32
      %dma_start3A_1351 = arith.constant 0 : i32
      %dma_start3A_1352 = arith.constant 0 : i32
      %dma_start3A_1353 = arith.constant 0 : i32
      %dma_start3A_1354 = tpu.memref_slice %arg9[%dma_start3A_1349, %dma_start3A_1352, %dma_start3A_1353] : memref<4x80x128xf32, #tpu.memory_space<vmem>> -> memref<1x80x128xf32, #tpu.memory_space<vmem>>
      %dma_start3A_1355 = tpu.memref_squeeze %dma_start3A_1354 : memref<1x80x128xf32, #tpu.memory_space<vmem>> -> memref<80x128xf32, #tpu.memory_space<vmem>>
      %dma_start3A_1356 = arith.constant 0 : i32
      %dma_start3A_1357 = tpu.memref_slice %arg8[%dma_start3A_1350, %dma_start3A_1351, %dma_start3A_1356] : memref<4x2x80xi32, #tpu.memory_space<vmem>> -> memref<1x1x80xi32, #tpu.memory_space<vmem>>
      %dma_start3A_1358 = tpu.memref_squeeze %dma_start3A_1357 : memref<1x1x80xi32, #tpu.memory_space<vmem>> -> memref<80xi32, #tpu.memory_space<vmem>>
      %dma_start3A_1359 = arith.constant 0 : i32
      %dma_start3A_1360 = arith.constant 0 : i32
      %dma_start3A_1361 = tpu.memref_slice %arg10[%dma_start3A_1359, %dma_start3A_1360] : memref<10000x128xf32, #tpu.memory_space<vmem_shared>> -> memref<10000x128xf32, #tpu.memory_space<vmem_shared>>
      tpu.enqueue_indirect_dma source(%dma_start3A_1355 : memref<80x128xf32, #tpu.memory_space<vmem>>) target(%dma_start3A_1361 : memref<10000x128xf32, #tpu.memory_space<vmem_shared>>) offsets(%dma_start3A_1358 : memref<80xi32, #tpu.memory_space<vmem>>) semaphore(%arg20 : memref<!tpu.dma_semaphore, #tpu.memory_space<semaphore_mem>>) {add = true}
      %dma_wait3A_1362 = arith.constant 2 : i32
      %dma_wait3A_1363 = arith.constant 1 : i32
      %dma_wait3A_1364 = arith.constant 2 : i32
      %dma_wait3A_1365 = arith.constant 0 : i32
      %dma_wait3A_1366 = arith.constant 0 : i32
      %dma_wait3A_1367 = tpu.memref_slice %arg9[%dma_wait3A_1364, %dma_wait3A_1365, %dma_wait3A_1366] : memref<4x80x128xf32, #tpu.memory_space<vmem>> -> memref<1x80x128xf32, #tpu.memory_space<vmem>>
      %dma_wait3A_1368 = tpu.memref_squeeze %dma_wait3A_1367 : memref<1x80x128xf32, #tpu.memory_space<vmem>> -> memref<80x128xf32, #tpu.memory_space<vmem>>
      %dma_wait3A_1369 = arith.constant 0 : i32
      %dma_wait3A_1370 = tpu.memref_slice %arg8[%dma_wait3A_1362, %dma_wait3A_1363, %dma_wait3A_1369] : memref<4x2x80xi32, #tpu.memory_space<vmem>> -> memref<1x1x80xi32, #tpu.memory_space<vmem>>
      %dma_wait3A_1371 = tpu.memref_squeeze %dma_wait3A_1370 : memref<1x1x80xi32, #tpu.memory_space<vmem>> -> memref<80xi32, #tpu.memory_space<vmem>>
      %dma_wait3A_1372 = arith.constant 0 : i32
      %dma_wait3A_1373 = arith.constant 0 : i32
      %dma_wait3A_1374 = tpu.memref_slice %arg2[%dma_wait3A_1372, %dma_wait3A_1373] : memref<10000x128xf32, #tpu.memory_space<hbm>> -> memref<10000x128xf32, #tpu.memory_space<hbm>>
      tpu.wait_indirect_dma semaphore(%arg17 : memref<!tpu.dma_semaphore, #tpu.memory_space<semaphore_mem>>) src(%dma_wait3A_1374 : memref<10000x128xf32, #tpu.memory_space<hbm>>) dst(%dma_wait3A_1368 : memref<80x128xf32, #tpu.memory_space<vmem>>)
      %dma_start3A_1375 = arith.constant 2 : i32
      %dma_start3A_1376 = arith.constant 2 : i32
      %dma_start3A_1377 = arith.constant 0 : i32
      %dma_start3A_1378 = arith.constant 0 : i32
      %dma_start3A_1379 = arith.constant 0 : i32
      %dma_start3A_1380 = tpu.memref_slice %arg9[%dma_start3A_1375, %dma_start3A_1378, %dma_start3A_1379] : memref<4x80x128xf32, #tpu.memory_space<vmem>> -> memref<1x80x128xf32, #tpu.memory_space<vmem>>
      %dma_start3A_1381 = tpu.memref_squeeze %dma_start3A_1380 : memref<1x80x128xf32, #tpu.memory_space<vmem>> -> memref<80x128xf32, #tpu.memory_space<vmem>>
      %dma_start3A_1382 = arith.constant 0 : i32
      %dma_start3A_1383 = tpu.memref_slice %arg8[%dma_start3A_1376, %dma_start3A_1377, %dma_start3A_1382] : memref<4x2x80xi32, #tpu.memory_space<vmem>> -> memref<1x1x80xi32, #tpu.memory_space<vmem>>
      %dma_start3A_1384 = tpu.memref_squeeze %dma_start3A_1383 : memref<1x1x80xi32, #tpu.memory_space<vmem>> -> memref<80xi32, #tpu.memory_space<vmem>>
      %dma_start3A_1385 = arith.constant 0 : i32
      %dma_start3A_1386 = arith.constant 0 : i32
      %dma_start3A_1387 = tpu.memref_slice %arg10[%dma_start3A_1385, %dma_start3A_1386] : memref<10000x128xf32, #tpu.memory_space<vmem_shared>> -> memref<10000x128xf32, #tpu.memory_space<vmem_shared>>
      tpu.enqueue_indirect_dma source(%dma_start3A_1381 : memref<80x128xf32, #tpu.memory_space<vmem>>) target(%dma_start3A_1387 : memref<10000x128xf32, #tpu.memory_space<vmem_shared>>) offsets(%dma_start3A_1384 : memref<80xi32, #tpu.memory_space<vmem>>) semaphore(%arg21 : memref<!tpu.dma_semaphore, #tpu.memory_space<semaphore_mem>>) {add = true}
      %dma_wait3A_1388 = arith.constant 3 : i32
      %dma_wait3A_1389 = arith.constant 1 : i32
      %dma_wait3A_1390 = arith.constant 3 : i32
      %dma_wait3A_1391 = arith.constant 0 : i32
      %dma_wait3A_1392 = arith.constant 0 : i32
      %dma_wait3A_1393 = tpu.memref_slice %arg9[%dma_wait3A_1390, %dma_wait3A_1391, %dma_wait3A_1392] : memref<4x80x128xf32, #tpu.memory_space<vmem>> -> memref<1x80x128xf32, #tpu.memory_space<vmem>>
      %dma_wait3A_1394 = tpu.memref_squeeze %dma_wait3A_1393 : memref<1x80x128xf32, #tpu.memory_space<vmem>> -> memref<80x128xf32, #tpu.memory_space<vmem>>
      %dma_wait3A_1395 = arith.constant 0 : i32
      %dma_wait3A_1396 = tpu.memref_slice %arg8[%dma_wait3A_1388, %dma_wait3A_1389, %dma_wait3A_1395] : memref<4x2x80xi32, #tpu.memory_space<vmem>> -> memref<1x1x80xi32, #tpu.memory_space<vmem>>
      %dma_wait3A_1397 = tpu.memref_squeeze %dma_wait3A_1396 : memref<1x1x80xi32, #tpu.memory_space<vmem>> -> memref<80xi32, #tpu.memory_space<vmem>>
      %dma_wait3A_1398 = arith.constant 0 : i32
      %dma_wait3A_1399 = arith.constant 0 : i32
      %dma_wait3A_1400 = tpu.memref_slice %arg2[%dma_wait3A_1398, %dma_wait3A_1399] : memref<10000x128xf32, #tpu.memory_space<hbm>> -> memref<10000x128xf32, #tpu.memory_space<hbm>>
      tpu.wait_indirect_dma semaphore(%arg18 : memref<!tpu.dma_semaphore, #tpu.memory_space<semaphore_mem>>) src(%dma_wait3A_1400 : memref<10000x128xf32, #tpu.memory_space<hbm>>) dst(%dma_wait3A_1394 : memref<80x128xf32, #tpu.memory_space<vmem>>)
      %dma_start3A_1401 = arith.constant 3 : i32
      %dma_start3A_1402 = arith.constant 3 : i32
      %dma_start3A_1403 = arith.constant 0 : i32
      %dma_start3A_1404 = arith.constant 0 : i32
      %dma_start3A_1405 = arith.constant 0 : i32
      %dma_start3A_1406 = tpu.memref_slice %arg9[%dma_start3A_1401, %dma_start3A_1404, %dma_start3A_1405] : memref<4x80x128xf32, #tpu.memory_space<vmem>> -> memref<1x80x128xf32, #tpu.memory_space<vmem>>
      %dma_start3A_1407 = tpu.memref_squeeze %dma_start3A_1406 : memref<1x80x128xf32, #tpu.memory_space<vmem>> -> memref<80x128xf32, #tpu.memory_space<vmem>>
      %dma_start3A_1408 = arith.constant 0 : i32
      %dma_start3A_1409 = tpu.memref_slice %arg8[%dma_start3A_1402, %dma_start3A_1403, %dma_start3A_1408] : memref<4x2x80xi32, #tpu.memory_space<vmem>> -> memref<1x1x80xi32, #tpu.memory_space<vmem>>
      %dma_start3A_1410 = tpu.memref_squeeze %dma_start3A_1409 : memref<1x1x80xi32, #tpu.memory_space<vmem>> -> memref<80xi32, #tpu.memory_space<vmem>>
      %dma_start3A_1411 = arith.constant 0 : i32
      %dma_start3A_1412 = arith.constant 0 : i32
      %dma_start3A_1413 = tpu.memref_slice %arg10[%dma_start3A_1411, %dma_start3A_1412] : memref<10000x128xf32, #tpu.memory_space<vmem_shared>> -> memref<10000x128xf32, #tpu.memory_space<vmem_shared>>
      tpu.enqueue_indirect_dma source(%dma_start3A_1407 : memref<80x128xf32, #tpu.memory_space<vmem>>) target(%dma_start3A_1413 : memref<10000x128xf32, #tpu.memory_space<vmem_shared>>) offsets(%dma_start3A_1410 : memref<80xi32, #tpu.memory_space<vmem>>) semaphore(%arg22 : memref<!tpu.dma_semaphore, #tpu.memory_space<semaphore_mem>>) {add = true}
    }
    %scan3A_489 = arith.constant 31 : i32
    %dma_wait3A_490 = arith.constant 0 : i32
    %dma_wait3A_491 = arith.constant 0 : i32
    %dma_wait3A_492 = arith.constant 0 : i32
    %dma_wait3A_493 = arith.constant 0 : i32
    %dma_wait3A_494 = arith.constant 0 : i32
    %dma_wait3A_495 = tpu.memref_slice %arg9[%dma_wait3A_490, %dma_wait3A_493, %dma_wait3A_494] : memref<4x80x128xf32, #tpu.memory_space<vmem>> -> memref<1x80x128xf32, #tpu.memory_space<vmem>>
    %dma_wait3A_496 = tpu.memref_squeeze %dma_wait3A_495 : memref<1x80x128xf32, #tpu.memory_space<vmem>> -> memref<80x128xf32, #tpu.memory_space<vmem>>
    %dma_wait3A_497 = arith.constant 0 : i32
    %dma_wait3A_498 = tpu.memref_slice %arg8[%dma_wait3A_491, %dma_wait3A_492, %dma_wait3A_497] : memref<4x2x80xi32, #tpu.memory_space<vmem>> -> memref<1x1x80xi32, #tpu.memory_space<vmem>>
    %dma_wait3A_499 = tpu.memref_squeeze %dma_wait3A_498 : memref<1x1x80xi32, #tpu.memory_space<vmem>> -> memref<80xi32, #tpu.memory_space<vmem>>
    %dma_wait3A_500 = arith.constant 0 : i32
    %dma_wait3A_501 = arith.constant 0 : i32
    %dma_wait3A_502 = tpu.memref_slice %arg10[%dma_wait3A_500, %dma_wait3A_501] : memref<10000x128xf32, #tpu.memory_space<vmem_shared>> -> memref<10000x128xf32, #tpu.memory_space<vmem_shared>>
    tpu.wait_indirect_dma semaphore(%arg19 : memref<!tpu.dma_semaphore, #tpu.memory_space<semaphore_mem>>) src(%dma_wait3A_496 : memref<80x128xf32, #tpu.memory_space<vmem>>) dst(%dma_wait3A_502 : memref<10000x128xf32, #tpu.memory_space<vmem_shared>>)
    %dma_wait3A_503 = arith.constant 1 : i32
    %dma_wait3A_504 = arith.constant 1 : i32
    %dma_wait3A_505 = arith.constant 0 : i32
    %dma_wait3A_506 = arith.constant 0 : i32
    %dma_wait3A_507 = arith.constant 0 : i32
    %dma_wait3A_508 = tpu.memref_slice %arg9[%dma_wait3A_503, %dma_wait3A_506, %dma_wait3A_507] : memref<4x80x128xf32, #tpu.memory_space<vmem>> -> memref<1x80x128xf32, #tpu.memory_space<vmem>>
    %dma_wait3A_509 = tpu.memref_squeeze %dma_wait3A_508 : memref<1x80x128xf32, #tpu.memory_space<vmem>> -> memref<80x128xf32, #tpu.memory_space<vmem>>
    %dma_wait3A_510 = arith.constant 0 : i32
    %dma_wait3A_511 = tpu.memref_slice %arg8[%dma_wait3A_504, %dma_wait3A_505, %dma_wait3A_510] : memref<4x2x80xi32, #tpu.memory_space<vmem>> -> memref<1x1x80xi32, #tpu.memory_space<vmem>>
    %dma_wait3A_512 = tpu.memref_squeeze %dma_wait3A_511 : memref<1x1x80xi32, #tpu.memory_space<vmem>> -> memref<80xi32, #tpu.memory_space<vmem>>
    %dma_wait3A_513 = arith.constant 0 : i32
    %dma_wait3A_514 = arith.constant 0 : i32
    %dma_wait3A_515 = tpu.memref_slice %arg10[%dma_wait3A_513, %dma_wait3A_514] : memref<10000x128xf32, #tpu.memory_space<vmem_shared>> -> memref<10000x128xf32, #tpu.memory_space<vmem_shared>>
    tpu.wait_indirect_dma semaphore(%arg20 : memref<!tpu.dma_semaphore, #tpu.memory_space<semaphore_mem>>) src(%dma_wait3A_509 : memref<80x128xf32, #tpu.memory_space<vmem>>) dst(%dma_wait3A_515 : memref<10000x128xf32, #tpu.memory_space<vmem_shared>>)
    %dma_wait3A_516 = arith.constant 2 : i32
    %dma_wait3A_517 = arith.constant 2 : i32
    %dma_wait3A_518 = arith.constant 0 : i32
    %dma_wait3A_519 = arith.constant 0 : i32
    %dma_wait3A_520 = arith.constant 0 : i32
    %dma_wait3A_521 = tpu.memref_slice %arg9[%dma_wait3A_516, %dma_wait3A_519, %dma_wait3A_520] : memref<4x80x128xf32, #tpu.memory_space<vmem>> -> memref<1x80x128xf32, #tpu.memory_space<vmem>>
    %dma_wait3A_522 = tpu.memref_squeeze %dma_wait3A_521 : memref<1x80x128xf32, #tpu.memory_space<vmem>> -> memref<80x128xf32, #tpu.memory_space<vmem>>
    %dma_wait3A_523 = arith.constant 0 : i32
    %dma_wait3A_524 = tpu.memref_slice %arg8[%dma_wait3A_517, %dma_wait3A_518, %dma_wait3A_523] : memref<4x2x80xi32, #tpu.memory_space<vmem>> -> memref<1x1x80xi32, #tpu.memory_space<vmem>>
    %dma_wait3A_525 = tpu.memref_squeeze %dma_wait3A_524 : memref<1x1x80xi32, #tpu.memory_space<vmem>> -> memref<80xi32, #tpu.memory_space<vmem>>
    %dma_wait3A_526 = arith.constant 0 : i32
    %dma_wait3A_527 = arith.constant 0 : i32
    %dma_wait3A_528 = tpu.memref_slice %arg10[%dma_wait3A_526, %dma_wait3A_527] : memref<10000x128xf32, #tpu.memory_space<vmem_shared>> -> memref<10000x128xf32, #tpu.memory_space<vmem_shared>>
    tpu.wait_indirect_dma semaphore(%arg21 : memref<!tpu.dma_semaphore, #tpu.memory_space<semaphore_mem>>) src(%dma_wait3A_522 : memref<80x128xf32, #tpu.memory_space<vmem>>) dst(%dma_wait3A_528 : memref<10000x128xf32, #tpu.memory_space<vmem_shared>>)
    %dma_wait3A_529 = arith.constant 3 : i32
    %dma_wait3A_530 = arith.constant 3 : i32
    %dma_wait3A_531 = arith.constant 0 : i32
    %dma_wait3A_532 = arith.constant 0 : i32
    %dma_wait3A_533 = arith.constant 0 : i32
    %dma_wait3A_534 = tpu.memref_slice %arg9[%dma_wait3A_529, %dma_wait3A_532, %dma_wait3A_533] : memref<4x80x128xf32, #tpu.memory_space<vmem>> -> memref<1x80x128xf32, #tpu.memory_space<vmem>>
    %dma_wait3A_535 = tpu.memref_squeeze %dma_wait3A_534 : memref<1x80x128xf32, #tpu.memory_space<vmem>> -> memref<80x128xf32, #tpu.memory_space<vmem>>
    %dma_wait3A_536 = arith.constant 0 : i32
    %dma_wait3A_537 = tpu.memref_slice %arg8[%dma_wait3A_530, %dma_wait3A_531, %dma_wait3A_536] : memref<4x2x80xi32, #tpu.memory_space<vmem>> -> memref<1x1x80xi32, #tpu.memory_space<vmem>>
    %dma_wait3A_538 = tpu.memref_squeeze %dma_wait3A_537 : memref<1x1x80xi32, #tpu.memory_space<vmem>> -> memref<80xi32, #tpu.memory_space<vmem>>
    %dma_wait3A_539 = arith.constant 0 : i32
    %dma_wait3A_540 = arith.constant 0 : i32
    %dma_wait3A_541 = tpu.memref_slice %arg10[%dma_wait3A_539, %dma_wait3A_540] : memref<10000x128xf32, #tpu.memory_space<vmem_shared>> -> memref<10000x128xf32, #tpu.memory_space<vmem_shared>>
    tpu.wait_indirect_dma semaphore(%arg22 : memref<!tpu.dma_semaphore, #tpu.memory_space<semaphore_mem>>) src(%dma_wait3A_535 : memref<80x128xf32, #tpu.memory_space<vmem>>) dst(%dma_wait3A_541 : memref<10000x128xf32, #tpu.memory_space<vmem_shared>>)
    %add3A_542 = arith.constant 1984 : i32
    %add3A_543 = arith.addi %add3A_542, %arg1 : i32
    %mul3A_544 = arith.constant 80 : i32
    %mul3A_545 = arith.muli %add3A_543, %mul3A_544 : i32
    %run_scoped3A = arith.constant 0 : i32
    %run_scoped3A_546 = arith.constant 0 : i32
    "tpu.region"() ({
      %run_scoped3A_1054 = tpu.sem_alloc : memref<!tpu.dma_semaphore, #tpu.memory_space<semaphore_mem>>
      %dma_start3A_1055 = arith.constant 0 : i32
      %dma_start3A_1056 = tpu.memref_slice %arg8[%run_scoped3A, %run_scoped3A_546, %dma_start3A_1055] : memref<4x2x80xi32, #tpu.memory_space<vmem>> -> memref<1x1x80xi32, #tpu.memory_space<vmem>>
      %dma_start3A_1057 = tpu.memref_squeeze %dma_start3A_1056 : memref<1x1x80xi32, #tpu.memory_space<vmem>> -> memref<80xi32, #tpu.memory_space<vmem>>
      %dma_start3A_1058 = tpu.memref_slice %arg5[%mul3A_545] : memref<160000xi32, #tpu.memory_space<hbm>> -> memref<80xi32, #tpu.memory_space<hbm>>
      %dma_start3A_1059 = arith.constant 0 : i32
      %dma_start3A_1060 = tpu.memref_slice %arg8[%run_scoped3A, %run_scoped3A_546, %dma_start3A_1059] : memref<4x2x80xi32, #tpu.memory_space<vmem>> -> memref<1x1x80xi32, #tpu.memory_space<vmem>>
      %dma_start3A_1061 = tpu.memref_squeeze %dma_start3A_1060 : memref<1x1x80xi32, #tpu.memory_space<vmem>> -> memref<80xi32, #tpu.memory_space<vmem>>
      %dma_start3A_1062 = tpu.memref_slice %arg5[%mul3A_545] : memref<160000xi32, #tpu.memory_space<hbm>> -> memref<80xi32, #tpu.memory_space<hbm>>
      tpu.enqueue_dma source(%dma_start3A_1062 : memref<80xi32, #tpu.memory_space<hbm>>) target(%dma_start3A_1061 : memref<80xi32, #tpu.memory_space<vmem>>) target_semaphore(%run_scoped3A_1054 : memref<!tpu.dma_semaphore, #tpu.memory_space<semaphore_mem>>)
      %dma_wait3A_1063 = arith.constant 0 : i32
      %dma_wait3A_1064 = tpu.memref_slice %arg8[%run_scoped3A, %run_scoped3A_546, %dma_wait3A_1063] : memref<4x2x80xi32, #tpu.memory_space<vmem>> -> memref<1x1x80xi32, #tpu.memory_space<vmem>>
      %dma_wait3A_1065 = tpu.memref_squeeze %dma_wait3A_1064 : memref<1x1x80xi32, #tpu.memory_space<vmem>> -> memref<80xi32, #tpu.memory_space<vmem>>
      %dma_wait3A_1066 = tpu.memref_slice %arg5[%mul3A_545] : memref<160000xi32, #tpu.memory_space<hbm>> -> memref<80xi32, #tpu.memory_space<hbm>>
      %dma_wait3A_1067 = arith.constant 0 : i32
      %dma_wait3A_1068 = tpu.memref_slice %arg8[%run_scoped3A, %run_scoped3A_546, %dma_wait3A_1067] : memref<4x2x80xi32, #tpu.memory_space<vmem>> -> memref<1x1x80xi32, #tpu.memory_space<vmem>>
      %dma_wait3A_1069 = tpu.memref_squeeze %dma_wait3A_1068 : memref<1x1x80xi32, #tpu.memory_space<vmem>> -> memref<80xi32, #tpu.memory_space<vmem>>
      %dma_wait3A_1070 = tpu.memref_slice %arg5[%mul3A_545] : memref<160000xi32, #tpu.memory_space<hbm>> -> memref<80xi32, #tpu.memory_space<hbm>>
      tpu.wait_dma2 semaphore(%run_scoped3A_1054 : memref<!tpu.dma_semaphore, #tpu.memory_space<semaphore_mem>>) src(%dma_wait3A_1070 : memref<80xi32, #tpu.memory_space<hbm>>) dst(%dma_wait3A_1069 : memref<80xi32, #tpu.memory_space<vmem>>)
      tpu.yield
    }) : () -> ()
    %run_scoped3A_547 = arith.constant 0 : i32
    %run_scoped3A_548 = arith.constant 1 : i32
    "tpu.region"() ({
      %run_scoped3A_1054 = tpu.sem_alloc : memref<!tpu.dma_semaphore, #tpu.memory_space<semaphore_mem>>
      %dma_start3A_1055 = arith.constant 0 : i32
      %dma_start3A_1056 = tpu.memref_slice %arg8[%run_scoped3A_547, %run_scoped3A_548, %dma_start3A_1055] : memref<4x2x80xi32, #tpu.memory_space<vmem>> -> memref<1x1x80xi32, #tpu.memory_space<vmem>>
      %dma_start3A_1057 = tpu.memref_squeeze %dma_start3A_1056 : memref<1x1x80xi32, #tpu.memory_space<vmem>> -> memref<80xi32, #tpu.memory_space<vmem>>
      %dma_start3A_1058 = tpu.memref_slice %arg6[%mul3A_545] : memref<160000xi32, #tpu.memory_space<hbm>> -> memref<80xi32, #tpu.memory_space<hbm>>
      %dma_start3A_1059 = arith.constant 0 : i32
      %dma_start3A_1060 = tpu.memref_slice %arg8[%run_scoped3A_547, %run_scoped3A_548, %dma_start3A_1059] : memref<4x2x80xi32, #tpu.memory_space<vmem>> -> memref<1x1x80xi32, #tpu.memory_space<vmem>>
      %dma_start3A_1061 = tpu.memref_squeeze %dma_start3A_1060 : memref<1x1x80xi32, #tpu.memory_space<vmem>> -> memref<80xi32, #tpu.memory_space<vmem>>
      %dma_start3A_1062 = tpu.memref_slice %arg6[%mul3A_545] : memref<160000xi32, #tpu.memory_space<hbm>> -> memref<80xi32, #tpu.memory_space<hbm>>
      tpu.enqueue_dma source(%dma_start3A_1062 : memref<80xi32, #tpu.memory_space<hbm>>) target(%dma_start3A_1061 : memref<80xi32, #tpu.memory_space<vmem>>) target_semaphore(%run_scoped3A_1054 : memref<!tpu.dma_semaphore, #tpu.memory_space<semaphore_mem>>)
      %dma_wait3A_1063 = arith.constant 0 : i32
      %dma_wait3A_1064 = tpu.memref_slice %arg8[%run_scoped3A_547, %run_scoped3A_548, %dma_wait3A_1063] : memref<4x2x80xi32, #tpu.memory_space<vmem>> -> memref<1x1x80xi32, #tpu.memory_space<vmem>>
      %dma_wait3A_1065 = tpu.memref_squeeze %dma_wait3A_1064 : memref<1x1x80xi32, #tpu.memory_space<vmem>> -> memref<80xi32, #tpu.memory_space<vmem>>
      %dma_wait3A_1066 = tpu.memref_slice %arg6[%mul3A_545] : memref<160000xi32, #tpu.memory_space<hbm>> -> memref<80xi32, #tpu.memory_space<hbm>>
      %dma_wait3A_1067 = arith.constant 0 : i32
      %dma_wait3A_1068 = tpu.memref_slice %arg8[%run_scoped3A_547, %run_scoped3A_548, %dma_wait3A_1067] : memref<4x2x80xi32, #tpu.memory_space<vmem>> -> memref<1x1x80xi32, #tpu.memory_space<vmem>>
      %dma_wait3A_1069 = tpu.memref_squeeze %dma_wait3A_1068 : memref<1x1x80xi32, #tpu.memory_space<vmem>> -> memref<80xi32, #tpu.memory_space<vmem>>
      %dma_wait3A_1070 = tpu.memref_slice %arg6[%mul3A_545] : memref<160000xi32, #tpu.memory_space<hbm>> -> memref<80xi32, #tpu.memory_space<hbm>>
      tpu.wait_dma2 semaphore(%run_scoped3A_1054 : memref<!tpu.dma_semaphore, #tpu.memory_space<semaphore_mem>>) src(%dma_wait3A_1070 : memref<80xi32, #tpu.memory_space<hbm>>) dst(%dma_wait3A_1069 : memref<80xi32, #tpu.memory_space<vmem>>)
      tpu.yield
    }) : () -> ()
    %eq3A = arith.constant 0 : i32
    %eq3A_549 = arith.cmpi eq, %arg0, %eq3A : i32
    %convert_element_type3A_550 = arith.extui %eq3A_549 : i1 to i32
    %cond3A_551 = arith.constant 0 : i32
    %cond3A_552 = arith.cmpi ne, %convert_element_type3A_550, %cond3A_551 : i32
    scf.if %cond3A_552 {
      %dma_start3A_1054 = arith.constant 0 : i32
      %dma_start3A_1055 = arith.constant 1 : i32
      %dma_start3A_1056 = arith.constant 0 : i32
      %dma_start3A_1057 = arith.constant 0 : i32
      %dma_start3A_1058 = arith.constant 0 : i32
      %dma_start3A_1059 = tpu.memref_slice %arg9[%dma_start3A_1056, %dma_start3A_1057, %dma_start3A_1058] : memref<4x80x128xf32, #tpu.memory_space<vmem>> -> memref<1x80x128xf32, #tpu.memory_space<vmem>>
      %dma_start3A_1060 = tpu.memref_squeeze %dma_start3A_1059 : memref<1x80x128xf32, #tpu.memory_space<vmem>> -> memref<80x128xf32, #tpu.memory_space<vmem>>
      %dma_start3A_1061 = arith.constant 0 : i32
      %dma_start3A_1062 = tpu.memref_slice %arg8[%dma_start3A_1054, %dma_start3A_1055, %dma_start3A_1061] : memref<4x2x80xi32, #tpu.memory_space<vmem>> -> memref<1x1x80xi32, #tpu.memory_space<vmem>>
      %dma_start3A_1063 = tpu.memref_squeeze %dma_start3A_1062 : memref<1x1x80xi32, #tpu.memory_space<vmem>> -> memref<80xi32, #tpu.memory_space<vmem>>
      %dma_start3A_1064 = arith.constant 0 : i32
      %dma_start3A_1065 = arith.constant 0 : i32
      %dma_start3A_1066 = tpu.memref_slice %arg2[%dma_start3A_1064, %dma_start3A_1065] : memref<10000x128xf32, #tpu.memory_space<hbm>> -> memref<10000x128xf32, #tpu.memory_space<hbm>>
      tpu.enqueue_indirect_dma source(%dma_start3A_1066 : memref<10000x128xf32, #tpu.memory_space<hbm>>) target(%dma_start3A_1060 : memref<80x128xf32, #tpu.memory_space<vmem>>) offsets(%dma_start3A_1063 : memref<80xi32, #tpu.memory_space<vmem>>) semaphore(%arg11 : memref<!tpu.dma_semaphore, #tpu.memory_space<semaphore_mem>>)
      %dma_wait3A_1067 = arith.constant 0 : i32
      %dma_wait3A_1068 = arith.constant 1 : i32
      %dma_wait3A_1069 = arith.constant 0 : i32
      %dma_wait3A_1070 = arith.constant 0 : i32
      %dma_wait3A_1071 = arith.constant 0 : i32
      %dma_wait3A_1072 = tpu.memref_slice %arg9[%dma_wait3A_1069, %dma_wait3A_1070, %dma_wait3A_1071] : memref<4x80x128xf32, #tpu.memory_space<vmem>> -> memref<1x80x128xf32, #tpu.memory_space<vmem>>
      %dma_wait3A_1073 = tpu.memref_squeeze %dma_wait3A_1072 : memref<1x80x128xf32, #tpu.memory_space<vmem>> -> memref<80x128xf32, #tpu.memory_space<vmem>>
      %dma_wait3A_1074 = arith.constant 0 : i32
      %dma_wait3A_1075 = tpu.memref_slice %arg8[%dma_wait3A_1067, %dma_wait3A_1068, %dma_wait3A_1074] : memref<4x2x80xi32, #tpu.memory_space<vmem>> -> memref<1x1x80xi32, #tpu.memory_space<vmem>>
      %dma_wait3A_1076 = tpu.memref_squeeze %dma_wait3A_1075 : memref<1x1x80xi32, #tpu.memory_space<vmem>> -> memref<80xi32, #tpu.memory_space<vmem>>
      %dma_wait3A_1077 = arith.constant 0 : i32
      %dma_wait3A_1078 = arith.constant 0 : i32
      %dma_wait3A_1079 = tpu.memref_slice %arg2[%dma_wait3A_1077, %dma_wait3A_1078] : memref<10000x128xf32, #tpu.memory_space<hbm>> -> memref<10000x128xf32, #tpu.memory_space<hbm>>
      tpu.wait_indirect_dma semaphore(%arg11 : memref<!tpu.dma_semaphore, #tpu.memory_space<semaphore_mem>>) src(%dma_wait3A_1079 : memref<10000x128xf32, #tpu.memory_space<hbm>>) dst(%dma_wait3A_1073 : memref<80x128xf32, #tpu.memory_space<vmem>>)
    } else {
    }
    %eq3A_553 = arith.constant 1 : i32
    %eq3A_554 = arith.cmpi eq, %arg0, %eq3A_553 : i32
    %convert_element_type3A_555 = arith.extui %eq3A_554 : i1 to i32
    %cond3A_556 = arith.constant 0 : i32
    %cond3A_557 = arith.cmpi ne, %convert_element_type3A_555, %cond3A_556 : i32
    scf.if %cond3A_557 {
      %dma_start3A_1054 = arith.constant 0 : i32
      %dma_start3A_1055 = arith.constant 1 : i32
      %dma_start3A_1056 = arith.constant 0 : i32
      %dma_start3A_1057 = arith.constant 0 : i32
      %dma_start3A_1058 = arith.constant 0 : i32
      %dma_start3A_1059 = tpu.memref_slice %arg9[%dma_start3A_1056, %dma_start3A_1057, %dma_start3A_1058] : memref<4x80x128xf32, #tpu.memory_space<vmem>> -> memref<1x80x128xf32, #tpu.memory_space<vmem>>
      %dma_start3A_1060 = tpu.memref_squeeze %dma_start3A_1059 : memref<1x80x128xf32, #tpu.memory_space<vmem>> -> memref<80x128xf32, #tpu.memory_space<vmem>>
      %dma_start3A_1061 = arith.constant 0 : i32
      %dma_start3A_1062 = tpu.memref_slice %arg8[%dma_start3A_1054, %dma_start3A_1055, %dma_start3A_1061] : memref<4x2x80xi32, #tpu.memory_space<vmem>> -> memref<1x1x80xi32, #tpu.memory_space<vmem>>
      %dma_start3A_1063 = tpu.memref_squeeze %dma_start3A_1062 : memref<1x1x80xi32, #tpu.memory_space<vmem>> -> memref<80xi32, #tpu.memory_space<vmem>>
      %dma_start3A_1064 = arith.constant 0 : i32
      %dma_start3A_1065 = arith.constant 0 : i32
      %dma_start3A_1066 = tpu.memref_slice %arg3[%dma_start3A_1064, %dma_start3A_1065] : memref<10000x128xf32, #tpu.memory_space<hbm>> -> memref<10000x128xf32, #tpu.memory_space<hbm>>
      tpu.enqueue_indirect_dma source(%dma_start3A_1066 : memref<10000x128xf32, #tpu.memory_space<hbm>>) target(%dma_start3A_1060 : memref<80x128xf32, #tpu.memory_space<vmem>>) offsets(%dma_start3A_1063 : memref<80xi32, #tpu.memory_space<vmem>>) semaphore(%arg11 : memref<!tpu.dma_semaphore, #tpu.memory_space<semaphore_mem>>)
      %dma_wait3A_1067 = arith.constant 0 : i32
      %dma_wait3A_1068 = arith.constant 1 : i32
      %dma_wait3A_1069 = arith.constant 0 : i32
      %dma_wait3A_1070 = arith.constant 0 : i32
      %dma_wait3A_1071 = arith.constant 0 : i32
      %dma_wait3A_1072 = tpu.memref_slice %arg9[%dma_wait3A_1069, %dma_wait3A_1070, %dma_wait3A_1071] : memref<4x80x128xf32, #tpu.memory_space<vmem>> -> memref<1x80x128xf32, #tpu.memory_space<vmem>>
      %dma_wait3A_1073 = tpu.memref_squeeze %dma_wait3A_1072 : memref<1x80x128xf32, #tpu.memory_space<vmem>> -> memref<80x128xf32, #tpu.memory_space<vmem>>
      %dma_wait3A_1074 = arith.constant 0 : i32
      %dma_wait3A_1075 = tpu.memref_slice %arg8[%dma_wait3A_1067, %dma_wait3A_1068, %dma_wait3A_1074] : memref<4x2x80xi32, #tpu.memory_space<vmem>> -> memref<1x1x80xi32, #tpu.memory_space<vmem>>
      %dma_wait3A_1076 = tpu.memref_squeeze %dma_wait3A_1075 : memref<1x1x80xi32, #tpu.memory_space<vmem>> -> memref<80xi32, #tpu.memory_space<vmem>>
      %dma_wait3A_1077 = arith.constant 0 : i32
      %dma_wait3A_1078 = arith.constant 0 : i32
      %dma_wait3A_1079 = tpu.memref_slice %arg3[%dma_wait3A_1077, %dma_wait3A_1078] : memref<10000x128xf32, #tpu.memory_space<hbm>> -> memref<10000x128xf32, #tpu.memory_space<hbm>>
      tpu.wait_indirect_dma semaphore(%arg11 : memref<!tpu.dma_semaphore, #tpu.memory_space<semaphore_mem>>) src(%dma_wait3A_1079 : memref<10000x128xf32, #tpu.memory_space<hbm>>) dst(%dma_wait3A_1073 : memref<80x128xf32, #tpu.memory_space<vmem>>)
    } else {
    }
    %run_scoped3A_558 = arith.constant 0 : i32
    %run_scoped3A_559 = arith.constant 0 : i32
    %run_scoped3A_560 = arith.constant 0 : i32
    "tpu.region"() ({
      %run_scoped3A_1054 = tpu.sem_alloc : memref<!tpu.dma_semaphore, #tpu.memory_space<semaphore_mem>>
      %dma_start3A_1055 = arith.constant 0 : i32
      %dma_start3A_1056 = arith.constant 0 : i32
      %dma_start3A_1057 = tpu.memref_slice %arg9[%run_scoped3A_558, %dma_start3A_1055, %dma_start3A_1056] : memref<4x80x128xf32, #tpu.memory_space<vmem>> -> memref<1x80x128xf32, #tpu.memory_space<vmem>>
      %dma_start3A_1058 = tpu.memref_squeeze %dma_start3A_1057 : memref<1x80x128xf32, #tpu.memory_space<vmem>> -> memref<80x128xf32, #tpu.memory_space<vmem>>
      %dma_start3A_1059 = arith.constant 0 : i32
      %dma_start3A_1060 = tpu.memref_slice %arg8[%run_scoped3A_559, %run_scoped3A_560, %dma_start3A_1059] : memref<4x2x80xi32, #tpu.memory_space<vmem>> -> memref<1x1x80xi32, #tpu.memory_space<vmem>>
      %dma_start3A_1061 = tpu.memref_squeeze %dma_start3A_1060 : memref<1x1x80xi32, #tpu.memory_space<vmem>> -> memref<80xi32, #tpu.memory_space<vmem>>
      %dma_start3A_1062 = arith.constant 0 : i32
      %dma_start3A_1063 = arith.constant 0 : i32
      %dma_start3A_1064 = tpu.memref_slice %arg10[%dma_start3A_1062, %dma_start3A_1063] : memref<10000x128xf32, #tpu.memory_space<vmem_shared>> -> memref<10000x128xf32, #tpu.memory_space<vmem_shared>>
      tpu.enqueue_indirect_dma source(%dma_start3A_1058 : memref<80x128xf32, #tpu.memory_space<vmem>>) target(%dma_start3A_1064 : memref<10000x128xf32, #tpu.memory_space<vmem_shared>>) offsets(%dma_start3A_1061 : memref<80xi32, #tpu.memory_space<vmem>>) semaphore(%run_scoped3A_1054 : memref<!tpu.dma_semaphore, #tpu.memory_space<semaphore_mem>>) {add = true}
      %dma_wait3A_1065 = arith.constant 0 : i32
      %dma_wait3A_1066 = arith.constant 0 : i32
      %dma_wait3A_1067 = tpu.memref_slice %arg9[%run_scoped3A_558, %dma_wait3A_1065, %dma_wait3A_1066] : memref<4x80x128xf32, #tpu.memory_space<vmem>> -> memref<1x80x128xf32, #tpu.memory_space<vmem>>
      %dma_wait3A_1068 = tpu.memref_squeeze %dma_wait3A_1067 : memref<1x80x128xf32, #tpu.memory_space<vmem>> -> memref<80x128xf32, #tpu.memory_space<vmem>>
      %dma_wait3A_1069 = arith.constant 0 : i32
      %dma_wait3A_1070 = tpu.memref_slice %arg8[%run_scoped3A_559, %run_scoped3A_560, %dma_wait3A_1069] : memref<4x2x80xi32, #tpu.memory_space<vmem>> -> memref<1x1x80xi32, #tpu.memory_space<vmem>>
      %dma_wait3A_1071 = tpu.memref_squeeze %dma_wait3A_1070 : memref<1x1x80xi32, #tpu.memory_space<vmem>> -> memref<80xi32, #tpu.memory_space<vmem>>
      %dma_wait3A_1072 = arith.constant 0 : i32
      %dma_wait3A_1073 = arith.constant 0 : i32
      %dma_wait3A_1074 = tpu.memref_slice %arg10[%dma_wait3A_1072, %dma_wait3A_1073] : memref<10000x128xf32, #tpu.memory_space<vmem_shared>> -> memref<10000x128xf32, #tpu.memory_space<vmem_shared>>
      tpu.wait_indirect_dma semaphore(%run_scoped3A_1054 : memref<!tpu.dma_semaphore, #tpu.memory_space<semaphore_mem>>) src(%dma_wait3A_1068 : memref<80x128xf32, #tpu.memory_space<vmem>>) dst(%dma_wait3A_1074 : memref<10000x128xf32, #tpu.memory_space<vmem_shared>>)
      tpu.yield
    }) : () -> ()
    %barrier3A_561 = arith.constant 0 : index
    tpu.barrier barrier_id(%barrier3A_561)
    %add3A_562 = arith.constant 0 : i32
    %add3A_563 = arith.addi %add3A_562, %arg1 : i32
    %mul3A_564 = arith.constant 80 : i32
    %mul3A_565 = arith.muli %add3A_563, %mul3A_564 : i32
    %dma_start3A_566 = arith.constant 0 : i32
    %dma_start3A_567 = arith.constant 0 : i32
    %dma_start3A_568 = arith.constant 0 : i32
    %dma_start3A_569 = tpu.memref_slice %arg9[%dma_start3A_566, %dma_start3A_567, %dma_start3A_568] : memref<4x80x128xf32, #tpu.memory_space<vmem>> -> memref<1x80x128xf32, #tpu.memory_space<vmem>>
    %dma_start3A_570 = tpu.memref_squeeze %dma_start3A_569 : memref<1x80x128xf32, #tpu.memory_space<vmem>> -> memref<80x128xf32, #tpu.memory_space<vmem>>
    %dma_start3A_571 = arith.constant 0 : i32
    %dma_start3A_572 = tpu.memref_slice %arg10[%mul3A_565, %dma_start3A_571] : memref<10000x128xf32, #tpu.memory_space<vmem_shared>> -> memref<80x128xf32, #tpu.memory_space<vmem_shared>>
    %dma_start3A_573 = arith.constant 0 : i32
    %dma_start3A_574 = arith.constant 0 : i32
    %dma_start3A_575 = tpu.memref_slice %arg9[%dma_start3A_566, %dma_start3A_573, %dma_start3A_574] : memref<4x80x128xf32, #tpu.memory_space<vmem>> -> memref<1x80x128xf32, #tpu.memory_space<vmem>>
    %dma_start3A_576 = tpu.memref_squeeze %dma_start3A_575 : memref<1x80x128xf32, #tpu.memory_space<vmem>> -> memref<80x128xf32, #tpu.memory_space<vmem>>
    %dma_start3A_577 = arith.constant 0 : i32
    %dma_start3A_578 = tpu.memref_slice %arg10[%mul3A_565, %dma_start3A_577] : memref<10000x128xf32, #tpu.memory_space<vmem_shared>> -> memref<80x128xf32, #tpu.memory_space<vmem_shared>>
    tpu.enqueue_dma source(%dma_start3A_578 : memref<80x128xf32, #tpu.memory_space<vmem_shared>>) target(%dma_start3A_576 : memref<80x128xf32, #tpu.memory_space<vmem>>) target_semaphore(%arg11 : memref<!tpu.dma_semaphore, #tpu.memory_space<semaphore_mem>>)
    %add3A_579 = arith.constant 16 : i32
    %add3A_580 = arith.addi %add3A_579, %arg1 : i32
    %mul3A_581 = arith.constant 80 : i32
    %mul3A_582 = arith.muli %add3A_580, %mul3A_581 : i32
    %dma_start3A_583 = arith.constant 1 : i32
    %dma_start3A_584 = arith.constant 0 : i32
    %dma_start3A_585 = arith.constant 0 : i32
    %dma_start3A_586 = tpu.memref_slice %arg9[%dma_start3A_583, %dma_start3A_584, %dma_start3A_585] : memref<4x80x128xf32, #tpu.memory_space<vmem>> -> memref<1x80x128xf32, #tpu.memory_space<vmem>>
    %dma_start3A_587 = tpu.memref_squeeze %dma_start3A_586 : memref<1x80x128xf32, #tpu.memory_space<vmem>> -> memref<80x128xf32, #tpu.memory_space<vmem>>
    %dma_start3A_588 = arith.constant 0 : i32
    %dma_start3A_589 = tpu.memref_slice %arg10[%mul3A_582, %dma_start3A_588] : memref<10000x128xf32, #tpu.memory_space<vmem_shared>> -> memref<80x128xf32, #tpu.memory_space<vmem_shared>>
    %dma_start3A_590 = arith.constant 0 : i32
    %dma_start3A_591 = arith.constant 0 : i32
    %dma_start3A_592 = tpu.memref_slice %arg9[%dma_start3A_583, %dma_start3A_590, %dma_start3A_591] : memref<4x80x128xf32, #tpu.memory_space<vmem>> -> memref<1x80x128xf32, #tpu.memory_space<vmem>>
    %dma_start3A_593 = tpu.memref_squeeze %dma_start3A_592 : memref<1x80x128xf32, #tpu.memory_space<vmem>> -> memref<80x128xf32, #tpu.memory_space<vmem>>
    %dma_start3A_594 = arith.constant 0 : i32
    %dma_start3A_595 = tpu.memref_slice %arg10[%mul3A_582, %dma_start3A_594] : memref<10000x128xf32, #tpu.memory_space<vmem_shared>> -> memref<80x128xf32, #tpu.memory_space<vmem_shared>>
    tpu.enqueue_dma source(%dma_start3A_595 : memref<80x128xf32, #tpu.memory_space<vmem_shared>>) target(%dma_start3A_593 : memref<80x128xf32, #tpu.memory_space<vmem>>) target_semaphore(%arg12 : memref<!tpu.dma_semaphore, #tpu.memory_space<semaphore_mem>>)
    %add3A_596 = arith.constant 0 : i32
    %add3A_597 = arith.addi %add3A_596, %arg1 : i32
    %mul3A_598 = arith.constant 80 : i32
    %mul3A_599 = arith.muli %add3A_597, %mul3A_598 : i32
    %dma_wait3A_600 = arith.constant 0 : i32
    %dma_wait3A_601 = arith.constant 0 : i32
    %dma_wait3A_602 = arith.constant 0 : i32
    %dma_wait3A_603 = tpu.memref_slice %arg9[%dma_wait3A_600, %dma_wait3A_601, %dma_wait3A_602] : memref<4x80x128xf32, #tpu.memory_space<vmem>> -> memref<1x80x128xf32, #tpu.memory_space<vmem>>
    %dma_wait3A_604 = tpu.memref_squeeze %dma_wait3A_603 : memref<1x80x128xf32, #tpu.memory_space<vmem>> -> memref<80x128xf32, #tpu.memory_space<vmem>>
    %dma_wait3A_605 = arith.constant 0 : i32
    %dma_wait3A_606 = tpu.memref_slice %arg10[%mul3A_599, %dma_wait3A_605] : memref<10000x128xf32, #tpu.memory_space<vmem_shared>> -> memref<80x128xf32, #tpu.memory_space<vmem_shared>>
    %dma_wait3A_607 = arith.constant 0 : i32
    %dma_wait3A_608 = arith.constant 0 : i32
    %dma_wait3A_609 = tpu.memref_slice %arg9[%dma_wait3A_600, %dma_wait3A_607, %dma_wait3A_608] : memref<4x80x128xf32, #tpu.memory_space<vmem>> -> memref<1x80x128xf32, #tpu.memory_space<vmem>>
    %dma_wait3A_610 = tpu.memref_squeeze %dma_wait3A_609 : memref<1x80x128xf32, #tpu.memory_space<vmem>> -> memref<80x128xf32, #tpu.memory_space<vmem>>
    %dma_wait3A_611 = arith.constant 0 : i32
    %dma_wait3A_612 = tpu.memref_slice %arg10[%mul3A_599, %dma_wait3A_611] : memref<10000x128xf32, #tpu.memory_space<vmem_shared>> -> memref<80x128xf32, #tpu.memory_space<vmem_shared>>
    tpu.wait_dma2 semaphore(%arg11 : memref<!tpu.dma_semaphore, #tpu.memory_space<semaphore_mem>>) src(%dma_wait3A_612 : memref<80x128xf32, #tpu.memory_space<vmem_shared>>) dst(%dma_wait3A_610 : memref<80x128xf32, #tpu.memory_space<vmem>>)
    %add3A_613 = arith.constant 0 : i32
    %add3A_614 = arith.addi %add3A_613, %arg1 : i32
    %mul3A_615 = arith.constant 80 : i32
    %mul3A_616 = arith.muli %add3A_614, %mul3A_615 : i32
    %mul3A_617 = arith.constant 128 : i32
    %mul3A_618 = arith.muli %arg0, %mul3A_617 : i32
    %dma_start3A_619 = arith.constant 0 : i32
    %dma_start3A_620 = arith.constant 0 : i32
    %dma_start3A_621 = arith.constant 0 : i32
    %dma_start3A_622 = tpu.memref_slice %arg9[%dma_start3A_619, %dma_start3A_620, %dma_start3A_621] : memref<4x80x128xf32, #tpu.memory_space<vmem>> -> memref<1x80x128xf32, #tpu.memory_space<vmem>>
    %dma_start3A_623 = tpu.memref_squeeze %dma_start3A_622 : memref<1x80x128xf32, #tpu.memory_space<vmem>> -> memref<80x128xf32, #tpu.memory_space<vmem>>
    %dma_start3A_624 = tpu.memref_slice %arg7[%mul3A_616, %mul3A_618] : memref<10000x256xf32, #tpu.memory_space<hbm>> -> memref<80x128xf32, #tpu.memory_space<hbm>>
    %dma_start3A_625 = tpu.memref_slice %arg7[%mul3A_616, %mul3A_618] : memref<10000x256xf32, #tpu.memory_space<hbm>> -> memref<80x128xf32, #tpu.memory_space<hbm>>
    %dma_start3A_626 = arith.constant 0 : i32
    %dma_start3A_627 = arith.constant 0 : i32
    %dma_start3A_628 = tpu.memref_slice %arg9[%dma_start3A_619, %dma_start3A_626, %dma_start3A_627] : memref<4x80x128xf32, #tpu.memory_space<vmem>> -> memref<1x80x128xf32, #tpu.memory_space<vmem>>
    %dma_start3A_629 = tpu.memref_squeeze %dma_start3A_628 : memref<1x80x128xf32, #tpu.memory_space<vmem>> -> memref<80x128xf32, #tpu.memory_space<vmem>>
    tpu.enqueue_dma source(%dma_start3A_629 : memref<80x128xf32, #tpu.memory_space<vmem>>) target(%dma_start3A_625 : memref<80x128xf32, #tpu.memory_space<hbm>>) target_semaphore(%arg19 : memref<!tpu.dma_semaphore, #tpu.memory_space<semaphore_mem>>)
    %add3A_630 = arith.constant 0 : i32
    %add3A_631 = arith.addi %add3A_630, %arg1 : i32
    %mul3A_632 = arith.constant 80 : i32
    %mul3A_633 = arith.muli %add3A_631, %mul3A_632 : i32
    %mul3A_634 = arith.constant 128 : i32
    %mul3A_635 = arith.muli %arg0, %mul3A_634 : i32
    %dma_wait3A_636 = arith.constant 0 : i32
    %dma_wait3A_637 = arith.constant 0 : i32
    %dma_wait3A_638 = arith.constant 0 : i32
    %dma_wait3A_639 = tpu.memref_slice %arg9[%dma_wait3A_636, %dma_wait3A_637, %dma_wait3A_638] : memref<4x80x128xf32, #tpu.memory_space<vmem>> -> memref<1x80x128xf32, #tpu.memory_space<vmem>>
    %dma_wait3A_640 = tpu.memref_squeeze %dma_wait3A_639 : memref<1x80x128xf32, #tpu.memory_space<vmem>> -> memref<80x128xf32, #tpu.memory_space<vmem>>
    %dma_wait3A_641 = tpu.memref_slice %arg7[%mul3A_633, %mul3A_635] : memref<10000x256xf32, #tpu.memory_space<hbm>> -> memref<80x128xf32, #tpu.memory_space<hbm>>
    %dma_wait3A_642 = tpu.memref_slice %arg7[%mul3A_633, %mul3A_635] : memref<10000x256xf32, #tpu.memory_space<hbm>> -> memref<80x128xf32, #tpu.memory_space<hbm>>
    %dma_wait3A_643 = arith.constant 0 : i32
    %dma_wait3A_644 = arith.constant 0 : i32
    %dma_wait3A_645 = tpu.memref_slice %arg9[%dma_wait3A_636, %dma_wait3A_643, %dma_wait3A_644] : memref<4x80x128xf32, #tpu.memory_space<vmem>> -> memref<1x80x128xf32, #tpu.memory_space<vmem>>
    %dma_wait3A_646 = tpu.memref_squeeze %dma_wait3A_645 : memref<1x80x128xf32, #tpu.memory_space<vmem>> -> memref<80x128xf32, #tpu.memory_space<vmem>>
    tpu.wait_dma2 semaphore(%arg19 : memref<!tpu.dma_semaphore, #tpu.memory_space<semaphore_mem>>) src(%dma_wait3A_646 : memref<80x128xf32, #tpu.memory_space<vmem>>) dst(%dma_wait3A_642 : memref<80x128xf32, #tpu.memory_space<hbm>>)
    %add3A_647 = arith.constant 32 : i32
    %add3A_648 = arith.addi %add3A_647, %arg1 : i32
    %mul3A_649 = arith.constant 80 : i32
    %mul3A_650 = arith.muli %add3A_648, %mul3A_649 : i32
    %dma_start3A_651 = arith.constant 0 : i32
    %dma_start3A_652 = arith.constant 0 : i32
    %dma_start3A_653 = arith.constant 0 : i32
    %dma_start3A_654 = tpu.memref_slice %arg9[%dma_start3A_651, %dma_start3A_652, %dma_start3A_653] : memref<4x80x128xf32, #tpu.memory_space<vmem>> -> memref<1x80x128xf32, #tpu.memory_space<vmem>>
    %dma_start3A_655 = tpu.memref_squeeze %dma_start3A_654 : memref<1x80x128xf32, #tpu.memory_space<vmem>> -> memref<80x128xf32, #tpu.memory_space<vmem>>
    %dma_start3A_656 = arith.constant 0 : i32
    %dma_start3A_657 = tpu.memref_slice %arg10[%mul3A_650, %dma_start3A_656] : memref<10000x128xf32, #tpu.memory_space<vmem_shared>> -> memref<80x128xf32, #tpu.memory_space<vmem_shared>>
    %dma_start3A_658 = arith.constant 0 : i32
    %dma_start3A_659 = arith.constant 0 : i32
    %dma_start3A_660 = tpu.memref_slice %arg9[%dma_start3A_651, %dma_start3A_658, %dma_start3A_659] : memref<4x80x128xf32, #tpu.memory_space<vmem>> -> memref<1x80x128xf32, #tpu.memory_space<vmem>>
    %dma_start3A_661 = tpu.memref_squeeze %dma_start3A_660 : memref<1x80x128xf32, #tpu.memory_space<vmem>> -> memref<80x128xf32, #tpu.memory_space<vmem>>
    %dma_start3A_662 = arith.constant 0 : i32
    %dma_start3A_663 = tpu.memref_slice %arg10[%mul3A_650, %dma_start3A_662] : memref<10000x128xf32, #tpu.memory_space<vmem_shared>> -> memref<80x128xf32, #tpu.memory_space<vmem_shared>>
    tpu.enqueue_dma source(%dma_start3A_663 : memref<80x128xf32, #tpu.memory_space<vmem_shared>>) target(%dma_start3A_661 : memref<80x128xf32, #tpu.memory_space<vmem>>) target_semaphore(%arg11 : memref<!tpu.dma_semaphore, #tpu.memory_space<semaphore_mem>>)
    %add3A_664 = arith.constant 16 : i32
    %add3A_665 = arith.addi %add3A_664, %arg1 : i32
    %mul3A_666 = arith.constant 80 : i32
    %mul3A_667 = arith.muli %add3A_665, %mul3A_666 : i32
    %dma_wait3A_668 = arith.constant 1 : i32
    %dma_wait3A_669 = arith.constant 0 : i32
    %dma_wait3A_670 = arith.constant 0 : i32
    %dma_wait3A_671 = tpu.memref_slice %arg9[%dma_wait3A_668, %dma_wait3A_669, %dma_wait3A_670] : memref<4x80x128xf32, #tpu.memory_space<vmem>> -> memref<1x80x128xf32, #tpu.memory_space<vmem>>
    %dma_wait3A_672 = tpu.memref_squeeze %dma_wait3A_671 : memref<1x80x128xf32, #tpu.memory_space<vmem>> -> memref<80x128xf32, #tpu.memory_space<vmem>>
    %dma_wait3A_673 = arith.constant 0 : i32
    %dma_wait3A_674 = tpu.memref_slice %arg10[%mul3A_667, %dma_wait3A_673] : memref<10000x128xf32, #tpu.memory_space<vmem_shared>> -> memref<80x128xf32, #tpu.memory_space<vmem_shared>>
    %dma_wait3A_675 = arith.constant 0 : i32
    %dma_wait3A_676 = arith.constant 0 : i32
    %dma_wait3A_677 = tpu.memref_slice %arg9[%dma_wait3A_668, %dma_wait3A_675, %dma_wait3A_676] : memref<4x80x128xf32, #tpu.memory_space<vmem>> -> memref<1x80x128xf32, #tpu.memory_space<vmem>>
    %dma_wait3A_678 = tpu.memref_squeeze %dma_wait3A_677 : memref<1x80x128xf32, #tpu.memory_space<vmem>> -> memref<80x128xf32, #tpu.memory_space<vmem>>
    %dma_wait3A_679 = arith.constant 0 : i32
    %dma_wait3A_680 = tpu.memref_slice %arg10[%mul3A_667, %dma_wait3A_679] : memref<10000x128xf32, #tpu.memory_space<vmem_shared>> -> memref<80x128xf32, #tpu.memory_space<vmem_shared>>
    tpu.wait_dma2 semaphore(%arg12 : memref<!tpu.dma_semaphore, #tpu.memory_space<semaphore_mem>>) src(%dma_wait3A_680 : memref<80x128xf32, #tpu.memory_space<vmem_shared>>) dst(%dma_wait3A_678 : memref<80x128xf32, #tpu.memory_space<vmem>>)
    %add3A_681 = arith.constant 16 : i32
    %add3A_682 = arith.addi %add3A_681, %arg1 : i32
    %mul3A_683 = arith.constant 80 : i32
    %mul3A_684 = arith.muli %add3A_682, %mul3A_683 : i32
    %mul3A_685 = arith.constant 128 : i32
    %mul3A_686 = arith.muli %arg0, %mul3A_685 : i32
    %dma_start3A_687 = arith.constant 1 : i32
    %dma_start3A_688 = arith.constant 0 : i32
    %dma_start3A_689 = arith.constant 0 : i32
    %dma_start3A_690 = tpu.memref_slice %arg9[%dma_start3A_687, %dma_start3A_688, %dma_start3A_689] : memref<4x80x128xf32, #tpu.memory_space<vmem>> -> memref<1x80x128xf32, #tpu.memory_space<vmem>>
    %dma_start3A_691 = tpu.memref_squeeze %dma_start3A_690 : memref<1x80x128xf32, #tpu.memory_space<vmem>> -> memref<80x128xf32, #tpu.memory_space<vmem>>
    %dma_start3A_692 = tpu.memref_slice %arg7[%mul3A_684, %mul3A_686] : memref<10000x256xf32, #tpu.memory_space<hbm>> -> memref<80x128xf32, #tpu.memory_space<hbm>>
    %dma_start3A_693 = tpu.memref_slice %arg7[%mul3A_684, %mul3A_686] : memref<10000x256xf32, #tpu.memory_space<hbm>> -> memref<80x128xf32, #tpu.memory_space<hbm>>
    %dma_start3A_694 = arith.constant 0 : i32
    %dma_start3A_695 = arith.constant 0 : i32
    %dma_start3A_696 = tpu.memref_slice %arg9[%dma_start3A_687, %dma_start3A_694, %dma_start3A_695] : memref<4x80x128xf32, #tpu.memory_space<vmem>> -> memref<1x80x128xf32, #tpu.memory_space<vmem>>
    %dma_start3A_697 = tpu.memref_squeeze %dma_start3A_696 : memref<1x80x128xf32, #tpu.memory_space<vmem>> -> memref<80x128xf32, #tpu.memory_space<vmem>>
    tpu.enqueue_dma source(%dma_start3A_697 : memref<80x128xf32, #tpu.memory_space<vmem>>) target(%dma_start3A_693 : memref<80x128xf32, #tpu.memory_space<hbm>>) target_semaphore(%arg20 : memref<!tpu.dma_semaphore, #tpu.memory_space<semaphore_mem>>)
    %add3A_698 = arith.constant 16 : i32
    %add3A_699 = arith.addi %add3A_698, %arg1 : i32
    %mul3A_700 = arith.constant 80 : i32
    %mul3A_701 = arith.muli %add3A_699, %mul3A_700 : i32
    %mul3A_702 = arith.constant 128 : i32
    %mul3A_703 = arith.muli %arg0, %mul3A_702 : i32
    %dma_wait3A_704 = arith.constant 1 : i32
    %dma_wait3A_705 = arith.constant 0 : i32
    %dma_wait3A_706 = arith.constant 0 : i32
    %dma_wait3A_707 = tpu.memref_slice %arg9[%dma_wait3A_704, %dma_wait3A_705, %dma_wait3A_706] : memref<4x80x128xf32, #tpu.memory_space<vmem>> -> memref<1x80x128xf32, #tpu.memory_space<vmem>>
    %dma_wait3A_708 = tpu.memref_squeeze %dma_wait3A_707 : memref<1x80x128xf32, #tpu.memory_space<vmem>> -> memref<80x128xf32, #tpu.memory_space<vmem>>
    %dma_wait3A_709 = tpu.memref_slice %arg7[%mul3A_701, %mul3A_703] : memref<10000x256xf32, #tpu.memory_space<hbm>> -> memref<80x128xf32, #tpu.memory_space<hbm>>
    %dma_wait3A_710 = tpu.memref_slice %arg7[%mul3A_701, %mul3A_703] : memref<10000x256xf32, #tpu.memory_space<hbm>> -> memref<80x128xf32, #tpu.memory_space<hbm>>
    %dma_wait3A_711 = arith.constant 0 : i32
    %dma_wait3A_712 = arith.constant 0 : i32
    %dma_wait3A_713 = tpu.memref_slice %arg9[%dma_wait3A_704, %dma_wait3A_711, %dma_wait3A_712] : memref<4x80x128xf32, #tpu.memory_space<vmem>> -> memref<1x80x128xf32, #tpu.memory_space<vmem>>
    %dma_wait3A_714 = tpu.memref_squeeze %dma_wait3A_713 : memref<1x80x128xf32, #tpu.memory_space<vmem>> -> memref<80x128xf32, #tpu.memory_space<vmem>>
    tpu.wait_dma2 semaphore(%arg20 : memref<!tpu.dma_semaphore, #tpu.memory_space<semaphore_mem>>) src(%dma_wait3A_714 : memref<80x128xf32, #tpu.memory_space<vmem>>) dst(%dma_wait3A_710 : memref<80x128xf32, #tpu.memory_space<hbm>>)
    %add3A_715 = arith.constant 48 : i32
    %add3A_716 = arith.addi %add3A_715, %arg1 : i32
    %mul3A_717 = arith.constant 80 : i32
    %mul3A_718 = arith.muli %add3A_716, %mul3A_717 : i32
    %dma_start3A_719 = arith.constant 1 : i32
    %dma_start3A_720 = arith.constant 0 : i32
    %dma_start3A_721 = arith.constant 0 : i32
    %dma_start3A_722 = tpu.memref_slice %arg9[%dma_start3A_719, %dma_start3A_720, %dma_start3A_721] : memref<4x80x128xf32, #tpu.memory_space<vmem>> -> memref<1x80x128xf32, #tpu.memory_space<vmem>>
    %dma_start3A_723 = tpu.memref_squeeze %dma_start3A_722 : memref<1x80x128xf32, #tpu.memory_space<vmem>> -> memref<80x128xf32, #tpu.memory_space<vmem>>
    %dma_start3A_724 = arith.constant 0 : i32
    %dma_start3A_725 = tpu.memref_slice %arg10[%mul3A_718, %dma_start3A_724] : memref<10000x128xf32, #tpu.memory_space<vmem_shared>> -> memref<80x128xf32, #tpu.memory_space<vmem_shared>>
    %dma_start3A_726 = arith.constant 0 : i32
    %dma_start3A_727 = arith.constant 0 : i32
    %dma_start3A_728 = tpu.memref_slice %arg9[%dma_start3A_719, %dma_start3A_726, %dma_start3A_727] : memref<4x80x128xf32, #tpu.memory_space<vmem>> -> memref<1x80x128xf32, #tpu.memory_space<vmem>>
    %dma_start3A_729 = tpu.memref_squeeze %dma_start3A_728 : memref<1x80x128xf32, #tpu.memory_space<vmem>> -> memref<80x128xf32, #tpu.memory_space<vmem>>
    %dma_start3A_730 = arith.constant 0 : i32
    %dma_start3A_731 = tpu.memref_slice %arg10[%mul3A_718, %dma_start3A_730] : memref<10000x128xf32, #tpu.memory_space<vmem_shared>> -> memref<80x128xf32, #tpu.memory_space<vmem_shared>>
    tpu.enqueue_dma source(%dma_start3A_731 : memref<80x128xf32, #tpu.memory_space<vmem_shared>>) target(%dma_start3A_729 : memref<80x128xf32, #tpu.memory_space<vmem>>) target_semaphore(%arg12 : memref<!tpu.dma_semaphore, #tpu.memory_space<semaphore_mem>>)
    %add3A_732 = arith.constant 32 : i32
    %add3A_733 = arith.addi %add3A_732, %arg1 : i32
    %mul3A_734 = arith.constant 80 : i32
    %mul3A_735 = arith.muli %add3A_733, %mul3A_734 : i32
    %dma_wait3A_736 = arith.constant 0 : i32
    %dma_wait3A_737 = arith.constant 0 : i32
    %dma_wait3A_738 = arith.constant 0 : i32
    %dma_wait3A_739 = tpu.memref_slice %arg9[%dma_wait3A_736, %dma_wait3A_737, %dma_wait3A_738] : memref<4x80x128xf32, #tpu.memory_space<vmem>> -> memref<1x80x128xf32, #tpu.memory_space<vmem>>
    %dma_wait3A_740 = tpu.memref_squeeze %dma_wait3A_739 : memref<1x80x128xf32, #tpu.memory_space<vmem>> -> memref<80x128xf32, #tpu.memory_space<vmem>>
    %dma_wait3A_741 = arith.constant 0 : i32
    %dma_wait3A_742 = tpu.memref_slice %arg10[%mul3A_735, %dma_wait3A_741] : memref<10000x128xf32, #tpu.memory_space<vmem_shared>> -> memref<80x128xf32, #tpu.memory_space<vmem_shared>>
    %dma_wait3A_743 = arith.constant 0 : i32
    %dma_wait3A_744 = arith.constant 0 : i32
    %dma_wait3A_745 = tpu.memref_slice %arg9[%dma_wait3A_736, %dma_wait3A_743, %dma_wait3A_744] : memref<4x80x128xf32, #tpu.memory_space<vmem>> -> memref<1x80x128xf32, #tpu.memory_space<vmem>>
    %dma_wait3A_746 = tpu.memref_squeeze %dma_wait3A_745 : memref<1x80x128xf32, #tpu.memory_space<vmem>> -> memref<80x128xf32, #tpu.memory_space<vmem>>
    %dma_wait3A_747 = arith.constant 0 : i32
    %dma_wait3A_748 = tpu.memref_slice %arg10[%mul3A_735, %dma_wait3A_747] : memref<10000x128xf32, #tpu.memory_space<vmem_shared>> -> memref<80x128xf32, #tpu.memory_space<vmem_shared>>
    tpu.wait_dma2 semaphore(%arg11 : memref<!tpu.dma_semaphore, #tpu.memory_space<semaphore_mem>>) src(%dma_wait3A_748 : memref<80x128xf32, #tpu.memory_space<vmem_shared>>) dst(%dma_wait3A_746 : memref<80x128xf32, #tpu.memory_space<vmem>>)
    %add3A_749 = arith.constant 32 : i32
    %add3A_750 = arith.addi %add3A_749, %arg1 : i32
    %mul3A_751 = arith.constant 80 : i32
    %mul3A_752 = arith.muli %add3A_750, %mul3A_751 : i32
    %mul3A_753 = arith.constant 128 : i32
    %mul3A_754 = arith.muli %arg0, %mul3A_753 : i32
    %dma_start3A_755 = arith.constant 0 : i32
    %dma_start3A_756 = arith.constant 0 : i32
    %dma_start3A_757 = arith.constant 0 : i32
    %dma_start3A_758 = tpu.memref_slice %arg9[%dma_start3A_755, %dma_start3A_756, %dma_start3A_757] : memref<4x80x128xf32, #tpu.memory_space<vmem>> -> memref<1x80x128xf32, #tpu.memory_space<vmem>>
    %dma_start3A_759 = tpu.memref_squeeze %dma_start3A_758 : memref<1x80x128xf32, #tpu.memory_space<vmem>> -> memref<80x128xf32, #tpu.memory_space<vmem>>
    %dma_start3A_760 = tpu.memref_slice %arg7[%mul3A_752, %mul3A_754] : memref<10000x256xf32, #tpu.memory_space<hbm>> -> memref<80x128xf32, #tpu.memory_space<hbm>>
    %dma_start3A_761 = tpu.memref_slice %arg7[%mul3A_752, %mul3A_754] : memref<10000x256xf32, #tpu.memory_space<hbm>> -> memref<80x128xf32, #tpu.memory_space<hbm>>
    %dma_start3A_762 = arith.constant 0 : i32
    %dma_start3A_763 = arith.constant 0 : i32
    %dma_start3A_764 = tpu.memref_slice %arg9[%dma_start3A_755, %dma_start3A_762, %dma_start3A_763] : memref<4x80x128xf32, #tpu.memory_space<vmem>> -> memref<1x80x128xf32, #tpu.memory_space<vmem>>
    %dma_start3A_765 = tpu.memref_squeeze %dma_start3A_764 : memref<1x80x128xf32, #tpu.memory_space<vmem>> -> memref<80x128xf32, #tpu.memory_space<vmem>>
    tpu.enqueue_dma source(%dma_start3A_765 : memref<80x128xf32, #tpu.memory_space<vmem>>) target(%dma_start3A_761 : memref<80x128xf32, #tpu.memory_space<hbm>>) target_semaphore(%arg19 : memref<!tpu.dma_semaphore, #tpu.memory_space<semaphore_mem>>)
    %add3A_766 = arith.constant 32 : i32
    %add3A_767 = arith.addi %add3A_766, %arg1 : i32
    %mul3A_768 = arith.constant 80 : i32
    %mul3A_769 = arith.muli %add3A_767, %mul3A_768 : i32
    %mul3A_770 = arith.constant 128 : i32
    %mul3A_771 = arith.muli %arg0, %mul3A_770 : i32
    %dma_wait3A_772 = arith.constant 0 : i32
    %dma_wait3A_773 = arith.constant 0 : i32
    %dma_wait3A_774 = arith.constant 0 : i32
    %dma_wait3A_775 = tpu.memref_slice %arg9[%dma_wait3A_772, %dma_wait3A_773, %dma_wait3A_774] : memref<4x80x128xf32, #tpu.memory_space<vmem>> -> memref<1x80x128xf32, #tpu.memory_space<vmem>>
    %dma_wait3A_776 = tpu.memref_squeeze %dma_wait3A_775 : memref<1x80x128xf32, #tpu.memory_space<vmem>> -> memref<80x128xf32, #tpu.memory_space<vmem>>
    %dma_wait3A_777 = tpu.memref_slice %arg7[%mul3A_769, %mul3A_771] : memref<10000x256xf32, #tpu.memory_space<hbm>> -> memref<80x128xf32, #tpu.memory_space<hbm>>
    %dma_wait3A_778 = tpu.memref_slice %arg7[%mul3A_769, %mul3A_771] : memref<10000x256xf32, #tpu.memory_space<hbm>> -> memref<80x128xf32, #tpu.memory_space<hbm>>
    %dma_wait3A_779 = arith.constant 0 : i32
    %dma_wait3A_780 = arith.constant 0 : i32
    %dma_wait3A_781 = tpu.memref_slice %arg9[%dma_wait3A_772, %dma_wait3A_779, %dma_wait3A_780] : memref<4x80x128xf32, #tpu.memory_space<vmem>> -> memref<1x80x128xf32, #tpu.memory_space<vmem>>
    %dma_wait3A_782 = tpu.memref_squeeze %dma_wait3A_781 : memref<1x80x128xf32, #tpu.memory_space<vmem>> -> memref<80x128xf32, #tpu.memory_space<vmem>>
    tpu.wait_dma2 semaphore(%arg19 : memref<!tpu.dma_semaphore, #tpu.memory_space<semaphore_mem>>) src(%dma_wait3A_782 : memref<80x128xf32, #tpu.memory_space<vmem>>) dst(%dma_wait3A_778 : memref<80x128xf32, #tpu.memory_space<hbm>>)
    %add3A_783 = arith.constant 64 : i32
    %add3A_784 = arith.addi %add3A_783, %arg1 : i32
    %mul3A_785 = arith.constant 80 : i32
    %mul3A_786 = arith.muli %add3A_784, %mul3A_785 : i32
    %dma_start3A_787 = arith.constant 0 : i32
    %dma_start3A_788 = arith.constant 0 : i32
    %dma_start3A_789 = arith.constant 0 : i32
    %dma_start3A_790 = tpu.memref_slice %arg9[%dma_start3A_787, %dma_start3A_788, %dma_start3A_789] : memref<4x80x128xf32, #tpu.memory_space<vmem>> -> memref<1x80x128xf32, #tpu.memory_space<vmem>>
    %dma_start3A_791 = tpu.memref_squeeze %dma_start3A_790 : memref<1x80x128xf32, #tpu.memory_space<vmem>> -> memref<80x128xf32, #tpu.memory_space<vmem>>
    %dma_start3A_792 = arith.constant 0 : i32
    %dma_start3A_793 = tpu.memref_slice %arg10[%mul3A_786, %dma_start3A_792] : memref<10000x128xf32, #tpu.memory_space<vmem_shared>> -> memref<80x128xf32, #tpu.memory_space<vmem_shared>>
    %dma_start3A_794 = arith.constant 0 : i32
    %dma_start3A_795 = arith.constant 0 : i32
    %dma_start3A_796 = tpu.memref_slice %arg9[%dma_start3A_787, %dma_start3A_794, %dma_start3A_795] : memref<4x80x128xf32, #tpu.memory_space<vmem>> -> memref<1x80x128xf32, #tpu.memory_space<vmem>>
    %dma_start3A_797 = tpu.memref_squeeze %dma_start3A_796 : memref<1x80x128xf32, #tpu.memory_space<vmem>> -> memref<80x128xf32, #tpu.memory_space<vmem>>
    %dma_start3A_798 = arith.constant 0 : i32
    %dma_start3A_799 = tpu.memref_slice %arg10[%mul3A_786, %dma_start3A_798] : memref<10000x128xf32, #tpu.memory_space<vmem_shared>> -> memref<80x128xf32, #tpu.memory_space<vmem_shared>>
    tpu.enqueue_dma source(%dma_start3A_799 : memref<80x128xf32, #tpu.memory_space<vmem_shared>>) target(%dma_start3A_797 : memref<80x128xf32, #tpu.memory_space<vmem>>) target_semaphore(%arg11 : memref<!tpu.dma_semaphore, #tpu.memory_space<semaphore_mem>>)
    %add3A_800 = arith.constant 48 : i32
    %add3A_801 = arith.addi %add3A_800, %arg1 : i32
    %mul3A_802 = arith.constant 80 : i32
    %mul3A_803 = arith.muli %add3A_801, %mul3A_802 : i32
    %dma_wait3A_804 = arith.constant 1 : i32
    %dma_wait3A_805 = arith.constant 0 : i32
    %dma_wait3A_806 = arith.constant 0 : i32
    %dma_wait3A_807 = tpu.memref_slice %arg9[%dma_wait3A_804, %dma_wait3A_805, %dma_wait3A_806] : memref<4x80x128xf32, #tpu.memory_space<vmem>> -> memref<1x80x128xf32, #tpu.memory_space<vmem>>
    %dma_wait3A_808 = tpu.memref_squeeze %dma_wait3A_807 : memref<1x80x128xf32, #tpu.memory_space<vmem>> -> memref<80x128xf32, #tpu.memory_space<vmem>>
    %dma_wait3A_809 = arith.constant 0 : i32
    %dma_wait3A_810 = tpu.memref_slice %arg10[%mul3A_803, %dma_wait3A_809] : memref<10000x128xf32, #tpu.memory_space<vmem_shared>> -> memref<80x128xf32, #tpu.memory_space<vmem_shared>>
    %dma_wait3A_811 = arith.constant 0 : i32
    %dma_wait3A_812 = arith.constant 0 : i32
    %dma_wait3A_813 = tpu.memref_slice %arg9[%dma_wait3A_804, %dma_wait3A_811, %dma_wait3A_812] : memref<4x80x128xf32, #tpu.memory_space<vmem>> -> memref<1x80x128xf32, #tpu.memory_space<vmem>>
    %dma_wait3A_814 = tpu.memref_squeeze %dma_wait3A_813 : memref<1x80x128xf32, #tpu.memory_space<vmem>> -> memref<80x128xf32, #tpu.memory_space<vmem>>
    %dma_wait3A_815 = arith.constant 0 : i32
    %dma_wait3A_816 = tpu.memref_slice %arg10[%mul3A_803, %dma_wait3A_815] : memref<10000x128xf32, #tpu.memory_space<vmem_shared>> -> memref<80x128xf32, #tpu.memory_space<vmem_shared>>
    tpu.wait_dma2 semaphore(%arg12 : memref<!tpu.dma_semaphore, #tpu.memory_space<semaphore_mem>>) src(%dma_wait3A_816 : memref<80x128xf32, #tpu.memory_space<vmem_shared>>) dst(%dma_wait3A_814 : memref<80x128xf32, #tpu.memory_space<vmem>>)
    %add3A_817 = arith.constant 48 : i32
    %add3A_818 = arith.addi %add3A_817, %arg1 : i32
    %mul3A_819 = arith.constant 80 : i32
    %mul3A_820 = arith.muli %add3A_818, %mul3A_819 : i32
    %mul3A_821 = arith.constant 128 : i32
    %mul3A_822 = arith.muli %arg0, %mul3A_821 : i32
    %dma_start3A_823 = arith.constant 1 : i32
    %dma_start3A_824 = arith.constant 0 : i32
    %dma_start3A_825 = arith.constant 0 : i32
    %dma_start3A_826 = tpu.memref_slice %arg9[%dma_start3A_823, %dma_start3A_824, %dma_start3A_825] : memref<4x80x128xf32, #tpu.memory_space<vmem>> -> memref<1x80x128xf32, #tpu.memory_space<vmem>>
    %dma_start3A_827 = tpu.memref_squeeze %dma_start3A_826 : memref<1x80x128xf32, #tpu.memory_space<vmem>> -> memref<80x128xf32, #tpu.memory_space<vmem>>
    %dma_start3A_828 = tpu.memref_slice %arg7[%mul3A_820, %mul3A_822] : memref<10000x256xf32, #tpu.memory_space<hbm>> -> memref<80x128xf32, #tpu.memory_space<hbm>>
    %dma_start3A_829 = tpu.memref_slice %arg7[%mul3A_820, %mul3A_822] : memref<10000x256xf32, #tpu.memory_space<hbm>> -> memref<80x128xf32, #tpu.memory_space<hbm>>
    %dma_start3A_830 = arith.constant 0 : i32
    %dma_start3A_831 = arith.constant 0 : i32
    %dma_start3A_832 = tpu.memref_slice %arg9[%dma_start3A_823, %dma_start3A_830, %dma_start3A_831] : memref<4x80x128xf32, #tpu.memory_space<vmem>> -> memref<1x80x128xf32, #tpu.memory_space<vmem>>
    %dma_start3A_833 = tpu.memref_squeeze %dma_start3A_832 : memref<1x80x128xf32, #tpu.memory_space<vmem>> -> memref<80x128xf32, #tpu.memory_space<vmem>>
    tpu.enqueue_dma source(%dma_start3A_833 : memref<80x128xf32, #tpu.memory_space<vmem>>) target(%dma_start3A_829 : memref<80x128xf32, #tpu.memory_space<hbm>>) target_semaphore(%arg20 : memref<!tpu.dma_semaphore, #tpu.memory_space<semaphore_mem>>)
    %add3A_834 = arith.constant 48 : i32
    %add3A_835 = arith.addi %add3A_834, %arg1 : i32
    %mul3A_836 = arith.constant 80 : i32
    %mul3A_837 = arith.muli %add3A_835, %mul3A_836 : i32
    %mul3A_838 = arith.constant 128 : i32
    %mul3A_839 = arith.muli %arg0, %mul3A_838 : i32
    %dma_wait3A_840 = arith.constant 1 : i32
    %dma_wait3A_841 = arith.constant 0 : i32
    %dma_wait3A_842 = arith.constant 0 : i32
    %dma_wait3A_843 = tpu.memref_slice %arg9[%dma_wait3A_840, %dma_wait3A_841, %dma_wait3A_842] : memref<4x80x128xf32, #tpu.memory_space<vmem>> -> memref<1x80x128xf32, #tpu.memory_space<vmem>>
    %dma_wait3A_844 = tpu.memref_squeeze %dma_wait3A_843 : memref<1x80x128xf32, #tpu.memory_space<vmem>> -> memref<80x128xf32, #tpu.memory_space<vmem>>
    %dma_wait3A_845 = tpu.memref_slice %arg7[%mul3A_837, %mul3A_839] : memref<10000x256xf32, #tpu.memory_space<hbm>> -> memref<80x128xf32, #tpu.memory_space<hbm>>
    %dma_wait3A_846 = tpu.memref_slice %arg7[%mul3A_837, %mul3A_839] : memref<10000x256xf32, #tpu.memory_space<hbm>> -> memref<80x128xf32, #tpu.memory_space<hbm>>
    %dma_wait3A_847 = arith.constant 0 : i32
    %dma_wait3A_848 = arith.constant 0 : i32
    %dma_wait3A_849 = tpu.memref_slice %arg9[%dma_wait3A_840, %dma_wait3A_847, %dma_wait3A_848] : memref<4x80x128xf32, #tpu.memory_space<vmem>> -> memref<1x80x128xf32, #tpu.memory_space<vmem>>
    %dma_wait3A_850 = tpu.memref_squeeze %dma_wait3A_849 : memref<1x80x128xf32, #tpu.memory_space<vmem>> -> memref<80x128xf32, #tpu.memory_space<vmem>>
    tpu.wait_dma2 semaphore(%arg20 : memref<!tpu.dma_semaphore, #tpu.memory_space<semaphore_mem>>) src(%dma_wait3A_850 : memref<80x128xf32, #tpu.memory_space<vmem>>) dst(%dma_wait3A_846 : memref<80x128xf32, #tpu.memory_space<hbm>>)
    %add3A_851 = arith.constant 80 : i32
    %add3A_852 = arith.addi %add3A_851, %arg1 : i32
    %mul3A_853 = arith.constant 80 : i32
    %mul3A_854 = arith.muli %add3A_852, %mul3A_853 : i32
    %dma_start3A_855 = arith.constant 1 : i32
    %dma_start3A_856 = arith.constant 0 : i32
    %dma_start3A_857 = arith.constant 0 : i32
    %dma_start3A_858 = tpu.memref_slice %arg9[%dma_start3A_855, %dma_start3A_856, %dma_start3A_857] : memref<4x80x128xf32, #tpu.memory_space<vmem>> -> memref<1x80x128xf32, #tpu.memory_space<vmem>>
    %dma_start3A_859 = tpu.memref_squeeze %dma_start3A_858 : memref<1x80x128xf32, #tpu.memory_space<vmem>> -> memref<80x128xf32, #tpu.memory_space<vmem>>
    %dma_start3A_860 = arith.constant 0 : i32
    %dma_start3A_861 = tpu.memref_slice %arg10[%mul3A_854, %dma_start3A_860] : memref<10000x128xf32, #tpu.memory_space<vmem_shared>> -> memref<80x128xf32, #tpu.memory_space<vmem_shared>>
    %dma_start3A_862 = arith.constant 0 : i32
    %dma_start3A_863 = arith.constant 0 : i32
    %dma_start3A_864 = tpu.memref_slice %arg9[%dma_start3A_855, %dma_start3A_862, %dma_start3A_863] : memref<4x80x128xf32, #tpu.memory_space<vmem>> -> memref<1x80x128xf32, #tpu.memory_space<vmem>>
    %dma_start3A_865 = tpu.memref_squeeze %dma_start3A_864 : memref<1x80x128xf32, #tpu.memory_space<vmem>> -> memref<80x128xf32, #tpu.memory_space<vmem>>
    %dma_start3A_866 = arith.constant 0 : i32
    %dma_start3A_867 = tpu.memref_slice %arg10[%mul3A_854, %dma_start3A_866] : memref<10000x128xf32, #tpu.memory_space<vmem_shared>> -> memref<80x128xf32, #tpu.memory_space<vmem_shared>>
    tpu.enqueue_dma source(%dma_start3A_867 : memref<80x128xf32, #tpu.memory_space<vmem_shared>>) target(%dma_start3A_865 : memref<80x128xf32, #tpu.memory_space<vmem>>) target_semaphore(%arg12 : memref<!tpu.dma_semaphore, #tpu.memory_space<semaphore_mem>>)
    %add3A_868 = arith.constant 64 : i32
    %add3A_869 = arith.addi %add3A_868, %arg1 : i32
    %mul3A_870 = arith.constant 80 : i32
    %mul3A_871 = arith.muli %add3A_869, %mul3A_870 : i32
    %dma_wait3A_872 = arith.constant 0 : i32
    %dma_wait3A_873 = arith.constant 0 : i32
    %dma_wait3A_874 = arith.constant 0 : i32
    %dma_wait3A_875 = tpu.memref_slice %arg9[%dma_wait3A_872, %dma_wait3A_873, %dma_wait3A_874] : memref<4x80x128xf32, #tpu.memory_space<vmem>> -> memref<1x80x128xf32, #tpu.memory_space<vmem>>
    %dma_wait3A_876 = tpu.memref_squeeze %dma_wait3A_875 : memref<1x80x128xf32, #tpu.memory_space<vmem>> -> memref<80x128xf32, #tpu.memory_space<vmem>>
    %dma_wait3A_877 = arith.constant 0 : i32
    %dma_wait3A_878 = tpu.memref_slice %arg10[%mul3A_871, %dma_wait3A_877] : memref<10000x128xf32, #tpu.memory_space<vmem_shared>> -> memref<80x128xf32, #tpu.memory_space<vmem_shared>>
    %dma_wait3A_879 = arith.constant 0 : i32
    %dma_wait3A_880 = arith.constant 0 : i32
    %dma_wait3A_881 = tpu.memref_slice %arg9[%dma_wait3A_872, %dma_wait3A_879, %dma_wait3A_880] : memref<4x80x128xf32, #tpu.memory_space<vmem>> -> memref<1x80x128xf32, #tpu.memory_space<vmem>>
    %dma_wait3A_882 = tpu.memref_squeeze %dma_wait3A_881 : memref<1x80x128xf32, #tpu.memory_space<vmem>> -> memref<80x128xf32, #tpu.memory_space<vmem>>
    %dma_wait3A_883 = arith.constant 0 : i32
    %dma_wait3A_884 = tpu.memref_slice %arg10[%mul3A_871, %dma_wait3A_883] : memref<10000x128xf32, #tpu.memory_space<vmem_shared>> -> memref<80x128xf32, #tpu.memory_space<vmem_shared>>
    tpu.wait_dma2 semaphore(%arg11 : memref<!tpu.dma_semaphore, #tpu.memory_space<semaphore_mem>>) src(%dma_wait3A_884 : memref<80x128xf32, #tpu.memory_space<vmem_shared>>) dst(%dma_wait3A_882 : memref<80x128xf32, #tpu.memory_space<vmem>>)
    %add3A_885 = arith.constant 64 : i32
    %add3A_886 = arith.addi %add3A_885, %arg1 : i32
    %mul3A_887 = arith.constant 80 : i32
    %mul3A_888 = arith.muli %add3A_886, %mul3A_887 : i32
    %mul3A_889 = arith.constant 128 : i32
    %mul3A_890 = arith.muli %arg0, %mul3A_889 : i32
    %dma_start3A_891 = arith.constant 0 : i32
    %dma_start3A_892 = arith.constant 0 : i32
    %dma_start3A_893 = arith.constant 0 : i32
    %dma_start3A_894 = tpu.memref_slice %arg9[%dma_start3A_891, %dma_start3A_892, %dma_start3A_893] : memref<4x80x128xf32, #tpu.memory_space<vmem>> -> memref<1x80x128xf32, #tpu.memory_space<vmem>>
    %dma_start3A_895 = tpu.memref_squeeze %dma_start3A_894 : memref<1x80x128xf32, #tpu.memory_space<vmem>> -> memref<80x128xf32, #tpu.memory_space<vmem>>
    %dma_start3A_896 = tpu.memref_slice %arg7[%mul3A_888, %mul3A_890] : memref<10000x256xf32, #tpu.memory_space<hbm>> -> memref<80x128xf32, #tpu.memory_space<hbm>>
    %dma_start3A_897 = tpu.memref_slice %arg7[%mul3A_888, %mul3A_890] : memref<10000x256xf32, #tpu.memory_space<hbm>> -> memref<80x128xf32, #tpu.memory_space<hbm>>
    %dma_start3A_898 = arith.constant 0 : i32
    %dma_start3A_899 = arith.constant 0 : i32
    %dma_start3A_900 = tpu.memref_slice %arg9[%dma_start3A_891, %dma_start3A_898, %dma_start3A_899] : memref<4x80x128xf32, #tpu.memory_space<vmem>> -> memref<1x80x128xf32, #tpu.memory_space<vmem>>
    %dma_start3A_901 = tpu.memref_squeeze %dma_start3A_900 : memref<1x80x128xf32, #tpu.memory_space<vmem>> -> memref<80x128xf32, #tpu.memory_space<vmem>>
    tpu.enqueue_dma source(%dma_start3A_901 : memref<80x128xf32, #tpu.memory_space<vmem>>) target(%dma_start3A_897 : memref<80x128xf32, #tpu.memory_space<hbm>>) target_semaphore(%arg19 : memref<!tpu.dma_semaphore, #tpu.memory_space<semaphore_mem>>)
    %add3A_902 = arith.constant 64 : i32
    %add3A_903 = arith.addi %add3A_902, %arg1 : i32
    %mul3A_904 = arith.constant 80 : i32
    %mul3A_905 = arith.muli %add3A_903, %mul3A_904 : i32
    %mul3A_906 = arith.constant 128 : i32
    %mul3A_907 = arith.muli %arg0, %mul3A_906 : i32
    %dma_wait3A_908 = arith.constant 0 : i32
    %dma_wait3A_909 = arith.constant 0 : i32
    %dma_wait3A_910 = arith.constant 0 : i32
    %dma_wait3A_911 = tpu.memref_slice %arg9[%dma_wait3A_908, %dma_wait3A_909, %dma_wait3A_910] : memref<4x80x128xf32, #tpu.memory_space<vmem>> -> memref<1x80x128xf32, #tpu.memory_space<vmem>>
    %dma_wait3A_912 = tpu.memref_squeeze %dma_wait3A_911 : memref<1x80x128xf32, #tpu.memory_space<vmem>> -> memref<80x128xf32, #tpu.memory_space<vmem>>
    %dma_wait3A_913 = tpu.memref_slice %arg7[%mul3A_905, %mul3A_907] : memref<10000x256xf32, #tpu.memory_space<hbm>> -> memref<80x128xf32, #tpu.memory_space<hbm>>
    %dma_wait3A_914 = tpu.memref_slice %arg7[%mul3A_905, %mul3A_907] : memref<10000x256xf32, #tpu.memory_space<hbm>> -> memref<80x128xf32, #tpu.memory_space<hbm>>
    %dma_wait3A_915 = arith.constant 0 : i32
    %dma_wait3A_916 = arith.constant 0 : i32
    %dma_wait3A_917 = tpu.memref_slice %arg9[%dma_wait3A_908, %dma_wait3A_915, %dma_wait3A_916] : memref<4x80x128xf32, #tpu.memory_space<vmem>> -> memref<1x80x128xf32, #tpu.memory_space<vmem>>
    %dma_wait3A_918 = tpu.memref_squeeze %dma_wait3A_917 : memref<1x80x128xf32, #tpu.memory_space<vmem>> -> memref<80x128xf32, #tpu.memory_space<vmem>>
    tpu.wait_dma2 semaphore(%arg19 : memref<!tpu.dma_semaphore, #tpu.memory_space<semaphore_mem>>) src(%dma_wait3A_918 : memref<80x128xf32, #tpu.memory_space<vmem>>) dst(%dma_wait3A_914 : memref<80x128xf32, #tpu.memory_space<hbm>>)
    %add3A_919 = arith.constant 96 : i32
    %add3A_920 = arith.addi %add3A_919, %arg1 : i32
    %mul3A_921 = arith.constant 80 : i32
    %mul3A_922 = arith.muli %add3A_920, %mul3A_921 : i32
    %dma_start3A_923 = arith.constant 0 : i32
    %dma_start3A_924 = arith.constant 0 : i32
    %dma_start3A_925 = arith.constant 0 : i32
    %dma_start3A_926 = tpu.memref_slice %arg9[%dma_start3A_923, %dma_start3A_924, %dma_start3A_925] : memref<4x80x128xf32, #tpu.memory_space<vmem>> -> memref<1x80x128xf32, #tpu.memory_space<vmem>>
    %dma_start3A_927 = tpu.memref_squeeze %dma_start3A_926 : memref<1x80x128xf32, #tpu.memory_space<vmem>> -> memref<80x128xf32, #tpu.memory_space<vmem>>
    %dma_start3A_928 = arith.constant 0 : i32
    %dma_start3A_929 = tpu.memref_slice %arg10[%mul3A_922, %dma_start3A_928] : memref<10000x128xf32, #tpu.memory_space<vmem_shared>> -> memref<80x128xf32, #tpu.memory_space<vmem_shared>>
    %dma_start3A_930 = arith.constant 0 : i32
    %dma_start3A_931 = arith.constant 0 : i32
    %dma_start3A_932 = tpu.memref_slice %arg9[%dma_start3A_923, %dma_start3A_930, %dma_start3A_931] : memref<4x80x128xf32, #tpu.memory_space<vmem>> -> memref<1x80x128xf32, #tpu.memory_space<vmem>>
    %dma_start3A_933 = tpu.memref_squeeze %dma_start3A_932 : memref<1x80x128xf32, #tpu.memory_space<vmem>> -> memref<80x128xf32, #tpu.memory_space<vmem>>
    %dma_start3A_934 = arith.constant 0 : i32
    %dma_start3A_935 = tpu.memref_slice %arg10[%mul3A_922, %dma_start3A_934] : memref<10000x128xf32, #tpu.memory_space<vmem_shared>> -> memref<80x128xf32, #tpu.memory_space<vmem_shared>>
    tpu.enqueue_dma source(%dma_start3A_935 : memref<80x128xf32, #tpu.memory_space<vmem_shared>>) target(%dma_start3A_933 : memref<80x128xf32, #tpu.memory_space<vmem>>) target_semaphore(%arg11 : memref<!tpu.dma_semaphore, #tpu.memory_space<semaphore_mem>>)
    %add3A_936 = arith.constant 80 : i32
    %add3A_937 = arith.addi %add3A_936, %arg1 : i32
    %mul3A_938 = arith.constant 80 : i32
    %mul3A_939 = arith.muli %add3A_937, %mul3A_938 : i32
    %dma_wait3A_940 = arith.constant 1 : i32
    %dma_wait3A_941 = arith.constant 0 : i32
    %dma_wait3A_942 = arith.constant 0 : i32
    %dma_wait3A_943 = tpu.memref_slice %arg9[%dma_wait3A_940, %dma_wait3A_941, %dma_wait3A_942] : memref<4x80x128xf32, #tpu.memory_space<vmem>> -> memref<1x80x128xf32, #tpu.memory_space<vmem>>
    %dma_wait3A_944 = tpu.memref_squeeze %dma_wait3A_943 : memref<1x80x128xf32, #tpu.memory_space<vmem>> -> memref<80x128xf32, #tpu.memory_space<vmem>>
    %dma_wait3A_945 = arith.constant 0 : i32
    %dma_wait3A_946 = tpu.memref_slice %arg10[%mul3A_939, %dma_wait3A_945] : memref<10000x128xf32, #tpu.memory_space<vmem_shared>> -> memref<80x128xf32, #tpu.memory_space<vmem_shared>>
    %dma_wait3A_947 = arith.constant 0 : i32
    %dma_wait3A_948 = arith.constant 0 : i32
    %dma_wait3A_949 = tpu.memref_slice %arg9[%dma_wait3A_940, %dma_wait3A_947, %dma_wait3A_948] : memref<4x80x128xf32, #tpu.memory_space<vmem>> -> memref<1x80x128xf32, #tpu.memory_space<vmem>>
    %dma_wait3A_950 = tpu.memref_squeeze %dma_wait3A_949 : memref<1x80x128xf32, #tpu.memory_space<vmem>> -> memref<80x128xf32, #tpu.memory_space<vmem>>
    %dma_wait3A_951 = arith.constant 0 : i32
    %dma_wait3A_952 = tpu.memref_slice %arg10[%mul3A_939, %dma_wait3A_951] : memref<10000x128xf32, #tpu.memory_space<vmem_shared>> -> memref<80x128xf32, #tpu.memory_space<vmem_shared>>
    tpu.wait_dma2 semaphore(%arg12 : memref<!tpu.dma_semaphore, #tpu.memory_space<semaphore_mem>>) src(%dma_wait3A_952 : memref<80x128xf32, #tpu.memory_space<vmem_shared>>) dst(%dma_wait3A_950 : memref<80x128xf32, #tpu.memory_space<vmem>>)
    %add3A_953 = arith.constant 80 : i32
    %add3A_954 = arith.addi %add3A_953, %arg1 : i32
    %mul3A_955 = arith.constant 80 : i32
    %mul3A_956 = arith.muli %add3A_954, %mul3A_955 : i32
    %mul3A_957 = arith.constant 128 : i32
    %mul3A_958 = arith.muli %arg0, %mul3A_957 : i32
    %dma_start3A_959 = arith.constant 1 : i32
    %dma_start3A_960 = arith.constant 0 : i32
    %dma_start3A_961 = arith.constant 0 : i32
    %dma_start3A_962 = tpu.memref_slice %arg9[%dma_start3A_959, %dma_start3A_960, %dma_start3A_961] : memref<4x80x128xf32, #tpu.memory_space<vmem>> -> memref<1x80x128xf32, #tpu.memory_space<vmem>>
    %dma_start3A_963 = tpu.memref_squeeze %dma_start3A_962 : memref<1x80x128xf32, #tpu.memory_space<vmem>> -> memref<80x128xf32, #tpu.memory_space<vmem>>
    %dma_start3A_964 = tpu.memref_slice %arg7[%mul3A_956, %mul3A_958] : memref<10000x256xf32, #tpu.memory_space<hbm>> -> memref<80x128xf32, #tpu.memory_space<hbm>>
    %dma_start3A_965 = tpu.memref_slice %arg7[%mul3A_956, %mul3A_958] : memref<10000x256xf32, #tpu.memory_space<hbm>> -> memref<80x128xf32, #tpu.memory_space<hbm>>
    %dma_start3A_966 = arith.constant 0 : i32
    %dma_start3A_967 = arith.constant 0 : i32
    %dma_start3A_968 = tpu.memref_slice %arg9[%dma_start3A_959, %dma_start3A_966, %dma_start3A_967] : memref<4x80x128xf32, #tpu.memory_space<vmem>> -> memref<1x80x128xf32, #tpu.memory_space<vmem>>
    %dma_start3A_969 = tpu.memref_squeeze %dma_start3A_968 : memref<1x80x128xf32, #tpu.memory_space<vmem>> -> memref<80x128xf32, #tpu.memory_space<vmem>>
    tpu.enqueue_dma source(%dma_start3A_969 : memref<80x128xf32, #tpu.memory_space<vmem>>) target(%dma_start3A_965 : memref<80x128xf32, #tpu.memory_space<hbm>>) target_semaphore(%arg20 : memref<!tpu.dma_semaphore, #tpu.memory_space<semaphore_mem>>)
    %add3A_970 = arith.constant 80 : i32
    %add3A_971 = arith.addi %add3A_970, %arg1 : i32
    %mul3A_972 = arith.constant 80 : i32
    %mul3A_973 = arith.muli %add3A_971, %mul3A_972 : i32
    %mul3A_974 = arith.constant 128 : i32
    %mul3A_975 = arith.muli %arg0, %mul3A_974 : i32
    %dma_wait3A_976 = arith.constant 1 : i32
    %dma_wait3A_977 = arith.constant 0 : i32
    %dma_wait3A_978 = arith.constant 0 : i32
    %dma_wait3A_979 = tpu.memref_slice %arg9[%dma_wait3A_976, %dma_wait3A_977, %dma_wait3A_978] : memref<4x80x128xf32, #tpu.memory_space<vmem>> -> memref<1x80x128xf32, #tpu.memory_space<vmem>>
    %dma_wait3A_980 = tpu.memref_squeeze %dma_wait3A_979 : memref<1x80x128xf32, #tpu.memory_space<vmem>> -> memref<80x128xf32, #tpu.memory_space<vmem>>
    %dma_wait3A_981 = tpu.memref_slice %arg7[%mul3A_973, %mul3A_975] : memref<10000x256xf32, #tpu.memory_space<hbm>> -> memref<80x128xf32, #tpu.memory_space<hbm>>
    %dma_wait3A_982 = tpu.memref_slice %arg7[%mul3A_973, %mul3A_975] : memref<10000x256xf32, #tpu.memory_space<hbm>> -> memref<80x128xf32, #tpu.memory_space<hbm>>
    %dma_wait3A_983 = arith.constant 0 : i32
    %dma_wait3A_984 = arith.constant 0 : i32
    %dma_wait3A_985 = tpu.memref_slice %arg9[%dma_wait3A_976, %dma_wait3A_983, %dma_wait3A_984] : memref<4x80x128xf32, #tpu.memory_space<vmem>> -> memref<1x80x128xf32, #tpu.memory_space<vmem>>
    %dma_wait3A_986 = tpu.memref_squeeze %dma_wait3A_985 : memref<1x80x128xf32, #tpu.memory_space<vmem>> -> memref<80x128xf32, #tpu.memory_space<vmem>>
    tpu.wait_dma2 semaphore(%arg20 : memref<!tpu.dma_semaphore, #tpu.memory_space<semaphore_mem>>) src(%dma_wait3A_986 : memref<80x128xf32, #tpu.memory_space<vmem>>) dst(%dma_wait3A_982 : memref<80x128xf32, #tpu.memory_space<hbm>>)
    %add3A_987 = arith.constant 112 : i32
    %add3A_988 = arith.addi %add3A_987, %arg1 : i32
    %lt3A_989 = arith.constant 125 : i32
    %lt3A_990 = arith.cmpi slt, %add3A_988, %lt3A_989 : i32
    %convert_element_type3A_991 = arith.extui %lt3A_990 : i1 to i32
    %cond3A_992 = arith.constant 1 : i32
    %cond3A_993 = arith.constant 0 : i32
    %cond3A_994 = arith.cmpi ne, %convert_element_type3A_991, %cond3A_993 : i32
    scf.if %cond3A_994 {
      %add3A_1054 = arith.constant 112 : i32
      %add3A_1055 = arith.addi %add3A_1054, %arg1 : i32
      %mul3A_1056 = arith.constant 80 : i32
      %mul3A_1057 = arith.muli %add3A_1055, %mul3A_1056 : i32
      %dma_start3A_1058 = arith.constant 0 : i32
      %dma_start3A_1059 = arith.constant 0 : i32
      %dma_start3A_1060 = tpu.memref_slice %arg9[%cond3A_992, %dma_start3A_1058, %dma_start3A_1059] : memref<4x80x128xf32, #tpu.memory_space<vmem>> -> memref<1x80x128xf32, #tpu.memory_space<vmem>>
      %dma_start3A_1061 = tpu.memref_squeeze %dma_start3A_1060 : memref<1x80x128xf32, #tpu.memory_space<vmem>> -> memref<80x128xf32, #tpu.memory_space<vmem>>
      %dma_start3A_1062 = arith.constant 0 : i32
      %dma_start3A_1063 = tpu.memref_slice %arg10[%mul3A_1057, %dma_start3A_1062] : memref<10000x128xf32, #tpu.memory_space<vmem_shared>> -> memref<80x128xf32, #tpu.memory_space<vmem_shared>>
      %dma_start3A_1064 = arith.constant 0 : i32
      %dma_start3A_1065 = arith.constant 0 : i32
      %dma_start3A_1066 = tpu.memref_slice %arg9[%cond3A_992, %dma_start3A_1064, %dma_start3A_1065] : memref<4x80x128xf32, #tpu.memory_space<vmem>> -> memref<1x80x128xf32, #tpu.memory_space<vmem>>
      %dma_start3A_1067 = tpu.memref_squeeze %dma_start3A_1066 : memref<1x80x128xf32, #tpu.memory_space<vmem>> -> memref<80x128xf32, #tpu.memory_space<vmem>>
      %dma_start3A_1068 = arith.constant 0 : i32
      %dma_start3A_1069 = tpu.memref_slice %arg10[%mul3A_1057, %dma_start3A_1068] : memref<10000x128xf32, #tpu.memory_space<vmem_shared>> -> memref<80x128xf32, #tpu.memory_space<vmem_shared>>
      tpu.enqueue_dma source(%dma_start3A_1069 : memref<80x128xf32, #tpu.memory_space<vmem_shared>>) target(%dma_start3A_1067 : memref<80x128xf32, #tpu.memory_space<vmem>>) target_semaphore(%arg12 : memref<!tpu.dma_semaphore, #tpu.memory_space<semaphore_mem>>)
    } else {
    }
    %add3A_995 = arith.constant 96 : i32
    %add3A_996 = arith.addi %add3A_995, %arg1 : i32
    %mul3A_997 = arith.constant 80 : i32
    %mul3A_998 = arith.muli %add3A_996, %mul3A_997 : i32
    %dma_wait3A_999 = arith.constant 0 : i32
    %dma_wait3A_1000 = arith.constant 0 : i32
    %dma_wait3A_1001 = arith.constant 0 : i32
    %dma_wait3A_1002 = tpu.memref_slice %arg9[%dma_wait3A_999, %dma_wait3A_1000, %dma_wait3A_1001] : memref<4x80x128xf32, #tpu.memory_space<vmem>> -> memref<1x80x128xf32, #tpu.memory_space<vmem>>
    %dma_wait3A_1003 = tpu.memref_squeeze %dma_wait3A_1002 : memref<1x80x128xf32, #tpu.memory_space<vmem>> -> memref<80x128xf32, #tpu.memory_space<vmem>>
    %dma_wait3A_1004 = arith.constant 0 : i32
    %dma_wait3A_1005 = tpu.memref_slice %arg10[%mul3A_998, %dma_wait3A_1004] : memref<10000x128xf32, #tpu.memory_space<vmem_shared>> -> memref<80x128xf32, #tpu.memory_space<vmem_shared>>
    %dma_wait3A_1006 = arith.constant 0 : i32
    %dma_wait3A_1007 = arith.constant 0 : i32
    %dma_wait3A_1008 = tpu.memref_slice %arg9[%dma_wait3A_999, %dma_wait3A_1006, %dma_wait3A_1007] : memref<4x80x128xf32, #tpu.memory_space<vmem>> -> memref<1x80x128xf32, #tpu.memory_space<vmem>>
    %dma_wait3A_1009 = tpu.memref_squeeze %dma_wait3A_1008 : memref<1x80x128xf32, #tpu.memory_space<vmem>> -> memref<80x128xf32, #tpu.memory_space<vmem>>
    %dma_wait3A_1010 = arith.constant 0 : i32
    %dma_wait3A_1011 = tpu.memref_slice %arg10[%mul3A_998, %dma_wait3A_1010] : memref<10000x128xf32, #tpu.memory_space<vmem_shared>> -> memref<80x128xf32, #tpu.memory_space<vmem_shared>>
    tpu.wait_dma2 semaphore(%arg11 : memref<!tpu.dma_semaphore, #tpu.memory_space<semaphore_mem>>) src(%dma_wait3A_1011 : memref<80x128xf32, #tpu.memory_space<vmem_shared>>) dst(%dma_wait3A_1009 : memref<80x128xf32, #tpu.memory_space<vmem>>)
    %add3A_1012 = arith.constant 96 : i32
    %add3A_1013 = arith.addi %add3A_1012, %arg1 : i32
    %mul3A_1014 = arith.constant 80 : i32
    %mul3A_1015 = arith.muli %add3A_1013, %mul3A_1014 : i32
    %mul3A_1016 = arith.constant 128 : i32
    %mul3A_1017 = arith.muli %arg0, %mul3A_1016 : i32
    %dma_start3A_1018 = arith.constant 0 : i32
    %dma_start3A_1019 = arith.constant 0 : i32
    %dma_start3A_1020 = arith.constant 0 : i32
    %dma_start3A_1021 = tpu.memref_slice %arg9[%dma_start3A_1018, %dma_start3A_1019, %dma_start3A_1020] : memref<4x80x128xf32, #tpu.memory_space<vmem>> -> memref<1x80x128xf32, #tpu.memory_space<vmem>>
    %dma_start3A_1022 = tpu.memref_squeeze %dma_start3A_1021 : memref<1x80x128xf32, #tpu.memory_space<vmem>> -> memref<80x128xf32, #tpu.memory_space<vmem>>
    %dma_start3A_1023 = tpu.memref_slice %arg7[%mul3A_1015, %mul3A_1017] : memref<10000x256xf32, #tpu.memory_space<hbm>> -> memref<80x128xf32, #tpu.memory_space<hbm>>
    %dma_start3A_1024 = tpu.memref_slice %arg7[%mul3A_1015, %mul3A_1017] : memref<10000x256xf32, #tpu.memory_space<hbm>> -> memref<80x128xf32, #tpu.memory_space<hbm>>
    %dma_start3A_1025 = arith.constant 0 : i32
    %dma_start3A_1026 = arith.constant 0 : i32
    %dma_start3A_1027 = tpu.memref_slice %arg9[%dma_start3A_1018, %dma_start3A_1025, %dma_start3A_1026] : memref<4x80x128xf32, #tpu.memory_space<vmem>> -> memref<1x80x128xf32, #tpu.memory_space<vmem>>
    %dma_start3A_1028 = tpu.memref_squeeze %dma_start3A_1027 : memref<1x80x128xf32, #tpu.memory_space<vmem>> -> memref<80x128xf32, #tpu.memory_space<vmem>>
    tpu.enqueue_dma source(%dma_start3A_1028 : memref<80x128xf32, #tpu.memory_space<vmem>>) target(%dma_start3A_1024 : memref<80x128xf32, #tpu.memory_space<hbm>>) target_semaphore(%arg19 : memref<!tpu.dma_semaphore, #tpu.memory_space<semaphore_mem>>)
    %add3A_1029 = arith.constant 112 : i32
    %add3A_1030 = arith.addi %add3A_1029, %arg1 : i32
    %lt3A_1031 = arith.constant 125 : i32
    %lt3A_1032 = arith.cmpi slt, %add3A_1030, %lt3A_1031 : i32
    %convert_element_type3A_1033 = arith.extui %lt3A_1032 : i1 to i32
    %cond3A_1034 = arith.constant 1 : i32
    %cond3A_1035 = arith.constant 0 : i32
    %cond3A_1036 = arith.cmpi ne, %convert_element_type3A_1033, %cond3A_1035 : i32
    scf.if %cond3A_1036 {
      %add3A_1054 = arith.constant 112 : i32
      %add3A_1055 = arith.addi %add3A_1054, %arg1 : i32
      %mul3A_1056 = arith.constant 80 : i32
      %mul3A_1057 = arith.muli %add3A_1055, %mul3A_1056 : i32
      %dma_wait3A_1058 = arith.constant 0 : i32
      %dma_wait3A_1059 = arith.constant 0 : i32
      %dma_wait3A_1060 = tpu.memref_slice %arg9[%cond3A_1034, %dma_wait3A_1058, %dma_wait3A_1059] : memref<4x80x128xf32, #tpu.memory_space<vmem>> -> memref<1x80x128xf32, #tpu.memory_space<vmem>>
      %dma_wait3A_1061 = tpu.memref_squeeze %dma_wait3A_1060 : memref<1x80x128xf32, #tpu.memory_space<vmem>> -> memref<80x128xf32, #tpu.memory_space<vmem>>
      %dma_wait3A_1062 = arith.constant 0 : i32
      %dma_wait3A_1063 = tpu.memref_slice %arg10[%mul3A_1057, %dma_wait3A_1062] : memref<10000x128xf32, #tpu.memory_space<vmem_shared>> -> memref<80x128xf32, #tpu.memory_space<vmem_shared>>
      %dma_wait3A_1064 = arith.constant 0 : i32
      %dma_wait3A_1065 = arith.constant 0 : i32
      %dma_wait3A_1066 = tpu.memref_slice %arg9[%cond3A_1034, %dma_wait3A_1064, %dma_wait3A_1065] : memref<4x80x128xf32, #tpu.memory_space<vmem>> -> memref<1x80x128xf32, #tpu.memory_space<vmem>>
      %dma_wait3A_1067 = tpu.memref_squeeze %dma_wait3A_1066 : memref<1x80x128xf32, #tpu.memory_space<vmem>> -> memref<80x128xf32, #tpu.memory_space<vmem>>
      %dma_wait3A_1068 = arith.constant 0 : i32
      %dma_wait3A_1069 = tpu.memref_slice %arg10[%mul3A_1057, %dma_wait3A_1068] : memref<10000x128xf32, #tpu.memory_space<vmem_shared>> -> memref<80x128xf32, #tpu.memory_space<vmem_shared>>
      tpu.wait_dma2 semaphore(%arg12 : memref<!tpu.dma_semaphore, #tpu.memory_space<semaphore_mem>>) src(%dma_wait3A_1069 : memref<80x128xf32, #tpu.memory_space<vmem_shared>>) dst(%dma_wait3A_1067 : memref<80x128xf32, #tpu.memory_space<vmem>>)
      %add3A_1070 = arith.constant 112 : i32
      %add3A_1071 = arith.addi %add3A_1070, %arg1 : i32
      %mul3A_1072 = arith.constant 80 : i32
      %mul3A_1073 = arith.muli %add3A_1071, %mul3A_1072 : i32
      %mul3A_1074 = arith.constant 128 : i32
      %mul3A_1075 = arith.muli %arg0, %mul3A_1074 : i32
      %dma_start3A_1076 = arith.constant 0 : i32
      %dma_start3A_1077 = arith.constant 0 : i32
      %dma_start3A_1078 = tpu.memref_slice %arg9[%cond3A_1034, %dma_start3A_1076, %dma_start3A_1077] : memref<4x80x128xf32, #tpu.memory_space<vmem>> -> memref<1x80x128xf32, #tpu.memory_space<vmem>>
      %dma_start3A_1079 = tpu.memref_squeeze %dma_start3A_1078 : memref<1x80x128xf32, #tpu.memory_space<vmem>> -> memref<80x128xf32, #tpu.memory_space<vmem>>
      %dma_start3A_1080 = tpu.memref_slice %arg7[%mul3A_1073, %mul3A_1075] : memref<10000x256xf32, #tpu.memory_space<hbm>> -> memref<80x128xf32, #tpu.memory_space<hbm>>
      %dma_start3A_1081 = tpu.memref_slice %arg7[%mul3A_1073, %mul3A_1075] : memref<10000x256xf32, #tpu.memory_space<hbm>> -> memref<80x128xf32, #tpu.memory_space<hbm>>
      %dma_start3A_1082 = arith.constant 0 : i32
      %dma_start3A_1083 = arith.constant 0 : i32
      %dma_start3A_1084 = tpu.memref_slice %arg9[%cond3A_1034, %dma_start3A_1082, %dma_start3A_1083] : memref<4x80x128xf32, #tpu.memory_space<vmem>> -> memref<1x80x128xf32, #tpu.memory_space<vmem>>
      %dma_start3A_1085 = tpu.memref_squeeze %dma_start3A_1084 : memref<1x80x128xf32, #tpu.memory_space<vmem>> -> memref<80x128xf32, #tpu.memory_space<vmem>>
      tpu.enqueue_dma source(%dma_start3A_1085 : memref<80x128xf32, #tpu.memory_space<vmem>>) target(%dma_start3A_1081 : memref<80x128xf32, #tpu.memory_space<hbm>>) target_semaphore(%arg20 : memref<!tpu.dma_semaphore, #tpu.memory_space<semaphore_mem>>)
      %add3A_1086 = arith.constant 112 : i32
      %add3A_1087 = arith.addi %add3A_1086, %arg1 : i32
      %mul3A_1088 = arith.constant 80 : i32
      %mul3A_1089 = arith.muli %add3A_1087, %mul3A_1088 : i32
      %mul3A_1090 = arith.constant 128 : i32
      %mul3A_1091 = arith.muli %arg0, %mul3A_1090 : i32
      %dma_wait3A_1092 = arith.constant 0 : i32
      %dma_wait3A_1093 = arith.constant 0 : i32
      %dma_wait3A_1094 = tpu.memref_slice %arg9[%cond3A_1034, %dma_wait3A_1092, %dma_wait3A_1093] : memref<4x80x128xf32, #tpu.memory_space<vmem>> -> memref<1x80x128xf32, #tpu.memory_space<vmem>>
      %dma_wait3A_1095 = tpu.memref_squeeze %dma_wait3A_1094 : memref<1x80x128xf32, #tpu.memory_space<vmem>> -> memref<80x128xf32, #tpu.memory_space<vmem>>
      %dma_wait3A_1096 = tpu.memref_slice %arg7[%mul3A_1089, %mul3A_1091] : memref<10000x256xf32, #tpu.memory_space<hbm>> -> memref<80x128xf32, #tpu.memory_space<hbm>>
      %dma_wait3A_1097 = tpu.memref_slice %arg7[%mul3A_1089, %mul3A_1091] : memref<10000x256xf32, #tpu.memory_space<hbm>> -> memref<80x128xf32, #tpu.memory_space<hbm>>
      %dma_wait3A_1098 = arith.constant 0 : i32
      %dma_wait3A_1099 = arith.constant 0 : i32
      %dma_wait3A_1100 = tpu.memref_slice %arg9[%cond3A_1034, %dma_wait3A_1098, %dma_wait3A_1099] : memref<4x80x128xf32, #tpu.memory_space<vmem>> -> memref<1x80x128xf32, #tpu.memory_space<vmem>>
      %dma_wait3A_1101 = tpu.memref_squeeze %dma_wait3A_1100 : memref<1x80x128xf32, #tpu.memory_space<vmem>> -> memref<80x128xf32, #tpu.memory_space<vmem>>
      tpu.wait_dma2 semaphore(%arg20 : memref<!tpu.dma_semaphore, #tpu.memory_space<semaphore_mem>>) src(%dma_wait3A_1101 : memref<80x128xf32, #tpu.memory_space<vmem>>) dst(%dma_wait3A_1097 : memref<80x128xf32, #tpu.memory_space<hbm>>)
    } else {
    }
    %add3A_1037 = arith.constant 96 : i32
    %add3A_1038 = arith.addi %add3A_1037, %arg1 : i32
    %mul3A_1039 = arith.constant 80 : i32
    %mul3A_1040 = arith.muli %add3A_1038, %mul3A_1039 : i32
    %mul3A_1041 = arith.constant 128 : i32
    %mul3A_1042 = arith.muli %arg0, %mul3A_1041 : i32
    %dma_wait3A_1043 = arith.constant 0 : i32
    %dma_wait3A_1044 = arith.constant 0 : i32
    %dma_wait3A_1045 = arith.constant 0 : i32
    %dma_wait3A_1046 = tpu.memref_slice %arg9[%dma_wait3A_1043, %dma_wait3A_1044, %dma_wait3A_1045] : memref<4x80x128xf32, #tpu.memory_space<vmem>> -> memref<1x80x128xf32, #tpu.memory_space<vmem>>
    %dma_wait3A_1047 = tpu.memref_squeeze %dma_wait3A_1046 : memref<1x80x128xf32, #tpu.memory_space<vmem>> -> memref<80x128xf32, #tpu.memory_space<vmem>>
    %dma_wait3A_1048 = tpu.memref_slice %arg7[%mul3A_1040, %mul3A_1042] : memref<10000x256xf32, #tpu.memory_space<hbm>> -> memref<80x128xf32, #tpu.memory_space<hbm>>
    %dma_wait3A_1049 = tpu.memref_slice %arg7[%mul3A_1040, %mul3A_1042] : memref<10000x256xf32, #tpu.memory_space<hbm>> -> memref<80x128xf32, #tpu.memory_space<hbm>>
    %dma_wait3A_1050 = arith.constant 0 : i32
    %dma_wait3A_1051 = arith.constant 0 : i32
    %dma_wait3A_1052 = tpu.memref_slice %arg9[%dma_wait3A_1043, %dma_wait3A_1050, %dma_wait3A_1051] : memref<4x80x128xf32, #tpu.memory_space<vmem>> -> memref<1x80x128xf32, #tpu.memory_space<vmem>>
    %dma_wait3A_1053 = tpu.memref_squeeze %dma_wait3A_1052 : memref<1x80x128xf32, #tpu.memory_space<vmem>> -> memref<80x128xf32, #tpu.memory_space<vmem>>
    tpu.wait_dma2 semaphore(%arg19 : memref<!tpu.dma_semaphore, #tpu.memory_space<semaphore_mem>>) src(%dma_wait3A_1053 : memref<80x128xf32, #tpu.memory_space<vmem>>) dst(%dma_wait3A_1049 : memref<80x128xf32, #tpu.memory_space<hbm>>)
    return
  }
}

module attributes {stable_mosaic.version = 14 : i64} {
  func.func @_edge_body(%arg0: i32, %arg1: memref<16x3200xf32, #tpu.memory_space<vmem>>, %arg2: memref<16x256xf32, #tpu.memory_space<vmem>>, %arg3: memref<3200x256xf32, #tpu.memory_space<vmem>>) attributes {dimension_semantics = [#tpu.dimension_semantics<arbitrary>], iteration_bounds = array<i64: 50>, scalar_prefetch = 0 : i64, scratch_operands = 0 : i64, tpu.core_type = #tpu.core_type<tc>, window_params = [{transform_indices = @transform_0, window_bounds = array<i64: 16, 3200>}, {pipeline_mode = #tpu.pipeline_mode<synchronous>, transform_indices = @transform_1, window_bounds = array<i64: 16, 256>}, {transform_indices = @transform_2, window_bounds = array<i64: 3200, 256>}]} {
    %get3A = arith.constant 0 : index
    %get3A_0 = arith.constant 0 : index
    %get3A_1 = vector.load %arg1[%get3A, %get3A_0] : memref<16x3200xf32, #tpu.memory_space<vmem>>, vector<16x3200xf32>
    %get3A_2 = arith.constant 0 : index
    %get3A_3 = arith.constant 0 : index
    %get3A_4 = vector.load %arg2[%get3A_2, %get3A_3] : memref<16x256xf32, #tpu.memory_space<vmem>>, vector<16x256xf32>
    %dot_general3A = arith.constant dense<0.000000e+00> : vector<3200x256xf32>
    %dot_general3A_5 = tpu.matmul %get3A_1, %get3A_4, %dot_general3A {dimension_numbers = #tpu.dot_dimension_numbers<[0], [0], [1], [1], [0, 1, 1, 1], [], []>, transpose_lhs_hint = false} : vector<16x3200xf32>, vector<16x256xf32>, vector<3200x256xf32> -> vector<3200x256xf32>
    %max3A = arith.constant 0.000000e+00 : f32
    %max3A_6 = vector.broadcast %max3A : f32 to vector<3200x256xf32>
    %max3A_7 = arith.maximumf %dot_general3A_5, %max3A_6 : vector<3200x256xf32>
    %swap3A = arith.constant 0 : index
    %swap3A_8 = arith.constant 0 : index
    %swap3A_9 = vector.load %arg3[%swap3A, %swap3A_8] : memref<3200x256xf32, #tpu.memory_space<vmem>>, vector<3200x256xf32>
    tpu.vector_store %arg3[%swap3A, %swap3A_8], %max3A_7 {strides = array<i32>} : memref<3200x256xf32, #tpu.memory_space<vmem>>, vector<3200x256xf32>,
    return
  }
  func.func @transform_0(%arg0: i32) -> (i32, i32) {
    %c0_i32 = arith.constant 0 : i32
    %c0_i32_0 = arith.constant 0 : i32
    return %c0_i32, %arg0 : i32, i32
  }
  func.func @transform_1(%arg0: i32) -> (i32, i32) {
    %c0_i32 = arith.constant 0 : i32
    %c0_i32_0 = arith.constant 0 : i32
    %c0_i32_1 = arith.constant 0 : i32
    return %c0_i32, %c0_i32_0 : i32, i32
  }
  func.func @transform_2(%arg0: i32) -> (i32, i32) {
    %c0_i32 = arith.constant 0 : i32
    %c0_i32_0 = arith.constant 0 : i32
    return %arg0, %c0_i32 : i32, i32
  }
}

module attributes {stable_mosaic.version = 14 : i64} {
  func.func @_node_body(%arg0: i32, %arg1: memref<2000x256xf32, #tpu.memory_space<vmem>>, %arg2: memref<256x256xf32, #tpu.memory_space<vmem>>, %arg3: memref<256x256xf32, #tpu.memory_space<vmem>>, %arg4: memref<1x256xf32, #tpu.memory_space<vmem>>, %arg5: memref<2000x128xf32, #tpu.memory_space<vmem>>, %arg6: memref<2000x128xf32, #tpu.memory_space<vmem>>, %arg7: memref<2000x256xf32, #tpu.memory_space<vmem>>) attributes {dimension_semantics = [#tpu.dimension_semantics<arbitrary>], iteration_bounds = array<i64: 5>, scalar_prefetch = 0 : i64, scratch_operands = 0 : i64, tpu.core_type = #tpu.core_type<tc>, window_params = [{transform_indices = @transform_0, window_bounds = array<i64: 2000, 256>}, {pipeline_mode = #tpu.pipeline_mode<synchronous>, transform_indices = @transform_1, window_bounds = array<i64: 256, 256>}, {pipeline_mode = #tpu.pipeline_mode<synchronous>, transform_indices = @transform_2, window_bounds = array<i64: 256, 256>}, {pipeline_mode = #tpu.pipeline_mode<synchronous>, transform_indices = @transform_3, window_bounds = array<i64: 1, 256>}, {transform_indices = @transform_4, window_bounds = array<i64: 2000, 128>}, {transform_indices = @transform_5, window_bounds = array<i64: 2000, 128>}, {transform_indices = @transform_6, window_bounds = array<i64: 2000, 256>}]} {
    %get3A = arith.constant 0 : index
    %get3A_0 = arith.constant 0 : index
    %get3A_1 = vector.load %arg1[%get3A, %get3A_0] : memref<2000x256xf32, #tpu.memory_space<vmem>>, vector<2000x256xf32>
    %get3A_2 = arith.constant 0 : index
    %get3A_3 = arith.constant 0 : index
    %get3A_4 = vector.load %arg2[%get3A_2, %get3A_3] : memref<256x256xf32, #tpu.memory_space<vmem>>, vector<256x256xf32>
    %dot_general3A = arith.constant dense<0.000000e+00> : vector<2000x256xf32>
    %dot_general3A_5 = tpu.matmul %get3A_1, %get3A_4, %dot_general3A {dimension_numbers = #tpu.dot_dimension_numbers<[1], [0], [0], [1], [0, 0, 1, 1], [], []>, transpose_lhs_hint = false} : vector<2000x256xf32>, vector<256x256xf32>, vector<2000x256xf32> -> vector<2000x256xf32>
    %slice3A = vector.extract_strided_slice %dot_general3A_5 {offsets = [0, 0], sizes = [2000, 128], strides = [1, 1]} : vector<2000x256xf32> to vector<2000x128xf32>
    %swap3A = arith.constant 0 : index
    %swap3A_6 = arith.constant 0 : index
    %swap3A_7 = vector.load %arg5[%swap3A, %swap3A_6] : memref<2000x128xf32, #tpu.memory_space<vmem>>, vector<2000x128xf32>
    tpu.vector_store %arg5[%swap3A, %swap3A_6], %slice3A {strides = array<i32>} : memref<2000x128xf32, #tpu.memory_space<vmem>>, vector<2000x128xf32>,
    %slice3A_8 = vector.extract_strided_slice %dot_general3A_5 {offsets = [0, 128], sizes = [2000, 128], strides = [1, 1]} : vector<2000x256xf32> to vector<2000x128xf32>
    %swap3A_9 = arith.constant 0 : index
    %swap3A_10 = arith.constant 0 : index
    %swap3A_11 = vector.load %arg6[%swap3A_9, %swap3A_10] : memref<2000x128xf32, #tpu.memory_space<vmem>>, vector<2000x128xf32>
    tpu.vector_store %arg6[%swap3A_9, %swap3A_10], %slice3A_8 {strides = array<i32>} : memref<2000x128xf32, #tpu.memory_space<vmem>>, vector<2000x128xf32>,
    %get3A_12 = arith.constant 0 : index
    %get3A_13 = arith.constant 0 : index
    %get3A_14 = vector.load %arg3[%get3A_12, %get3A_13] : memref<256x256xf32, #tpu.memory_space<vmem>>, vector<256x256xf32>
    %dot_general3A_15 = arith.constant dense<0.000000e+00> : vector<2000x256xf32>
    %dot_general3A_16 = tpu.matmul %get3A_1, %get3A_14, %dot_general3A_15 {dimension_numbers = #tpu.dot_dimension_numbers<[1], [0], [0], [1], [0, 0, 1, 1], [], []>, transpose_lhs_hint = false} : vector<2000x256xf32>, vector<256x256xf32>, vector<2000x256xf32> -> vector<2000x256xf32>
    %get3A_17 = arith.constant 0 : index
    %get3A_18 = arith.constant 0 : index
    %get3A_19 = vector.load %arg4[%get3A_17, %get3A_18] : memref<1x256xf32, #tpu.memory_space<vmem>>, vector<1x256xf32>
    %add3A = vector.broadcast %get3A_19 : vector<1x256xf32> to vector<2000x256xf32>
    %add3A_20 = arith.addf %dot_general3A_16, %add3A : vector<2000x256xf32>
    %swap3A_21 = arith.constant 0 : index
    %swap3A_22 = arith.constant 0 : index
    %swap3A_23 = vector.load %arg7[%swap3A_21, %swap3A_22] : memref<2000x256xf32, #tpu.memory_space<vmem>>, vector<2000x256xf32>
    tpu.vector_store %arg7[%swap3A_21, %swap3A_22], %add3A_20 {strides = array<i32>} : memref<2000x256xf32, #tpu.memory_space<vmem>>, vector<2000x256xf32>,
    return
  }
  func.func @transform_0(%arg0: i32) -> (i32, i32) {
    %c0_i32 = arith.constant 0 : i32
    %c0_i32_0 = arith.constant 0 : i32
    return %arg0, %c0_i32 : i32, i32
  }
  func.func @transform_1(%arg0: i32) -> (i32, i32) {
    %c0_i32 = arith.constant 0 : i32
    %c0_i32_0 = arith.constant 0 : i32
    %c0_i32_1 = arith.constant 0 : i32
    return %c0_i32, %c0_i32_0 : i32, i32
  }
  func.func @transform_2(%arg0: i32) -> (i32, i32) {
    %c0_i32 = arith.constant 0 : i32
    %c0_i32_0 = arith.constant 0 : i32
    %c0_i32_1 = arith.constant 0 : i32
    return %c0_i32, %c0_i32_0 : i32, i32
  }
  func.func @transform_3(%arg0: i32) -> (i32, i32) {
    %c0_i32 = arith.constant 0 : i32
    %c0_i32_0 = arith.constant 0 : i32
    %c0_i32_1 = arith.constant 0 : i32
    return %c0_i32, %c0_i32_0 : i32, i32
  }
  func.func @transform_4(%arg0: i32) -> (i32, i32) {
    %c0_i32 = arith.constant 0 : i32
    %c0_i32_0 = arith.constant 0 : i32
    return %arg0, %c0_i32 : i32, i32
  }
  func.func @transform_5(%arg0: i32) -> (i32, i32) {
    %c0_i32 = arith.constant 0 : i32
    %c0_i32_0 = arith.constant 0 : i32
    return %arg0, %c0_i32 : i32, i32
  }
  func.func @transform_6(%arg0: i32) -> (i32, i32) {
    %c0_i32 = arith.constant 0 : i32
    %c0_i32_0 = arith.constant 0 : i32
    return %arg0, %c0_i32 : i32, i32
  }
}

</mosaic_0001>

<sc_bundles>
// kernel: kernel.6.cloned.1.call-start
scs
__scs_entry_jumppad:
0x0: {  	(pc) =	sbr.rel $0x88, $3  }
0x1: {  	(tag) =	ssettag $0x0;
	lr =	simm.s32 $0x1  }
0x2: {  	[smem:$0x3F9A] =	sst lr;
	_ =	strace $0xD0000000  }
0x3: {  	_ = 	snop  }
0x4: {  	_ = 	snop  }
0x5: {  	_ = 	snop  }
0x6: {  	_ = 	snop  }
0x7: {  	_ = 	snop  }
__scs_overlays_trampoline_lowered:
0x8: {  	[smem:$0x3FA9] =	sst s0  }
0x9: {  	[smem:$0x3FAA] =	sst s1  }
0xa: {  	[smem:$0x3FAB] =	sst s2  }
0xb: {  	[smem:$0x3FAC] =	sst s3  }
0xc: {  	[smem:$0x3FAD] =	sst s4  }
0xd: {  	[smem:$0x3FAE] =	sst s5  }
0xe: {  	[smem:$0x3FAF] =	sst s6  }
0xf: {  	[smem:$0x3FB0] =	sst s7  }
0x10: {  	[smem:$0x3FB1] =	sst s8  }
0x11: {  	[smem:$0x3FB2] =	sst s9;
	s0 =	simm.s32 @!p0 $0x0  }
0x12: {  	s1 =	sld [smem:$0x3F98];
	s0 =	simm.s32 @p0 $0x1  }
0x13: {  	[smem:$0x3FB3] =	sst s0;
	s0 =	simm.s32 @!p1 $0x0  }
0x14: {  	s2 =	sld [smem:$0x3F97];
	s0 =	simm.s32 @p1 $0x1  }
0x15: {  	[smem:$0x3FB4] =	sst s0;
	s0 =	simm.s32 @!p2 $0x0  }
0x16: {  	s3 =	sld [smem:$0x3FDB];
	s0 =	simm.s32 @p2 $0x1  }
0x17: {  	s4 =	simm.s32 $0x1BF5;
	[smem:$0x3FB6] =	sst s0  }
0x18: {  	s0 =	sld [smem:$0x3F99];
	_ =	swait.ge [sflag:s4], $0x0  }
0x19: {  	s7 =	sld [smem:$0x3F9A]  }
0x1a: {  	s8 =	sadd.s32 $0xFFFFE003, lr  }
0x1b: {  	s9 =	sadd.s32 $0xFFFFFEF7, lr;
	s5 =	simm.s32 $0xFFFFFFFF;
	p2 =	slt.u32 s8, $0xFFFFF086  }
0x1c: {  	p1 =	slt.u32 s9, $0xF7A;
	s5 =	simm.s32 @!p2 $0x0  }
0x1d: {  	s5 =	simm.s32 @p1 $0x1;
	p0 =	seq.s32 s7, s2  }
0x1e: {  	s7 =	smul.u32 @!p0 $0xF7A, s2;
	p2 =	seq.s32 @!p0 s5, $0x0  }
0x1f: {  	s9 =	smul.u32 $0xF7A, s1;
	s8 =	simm.s32 @!p0 $0x1BF5;
	p2 =	por !p2, p0  }
0x20: {  	[sflag:s8] =	ssyncset.s32 @!p0 $0xFFFFF086;
	s6 =	sadd.s32 @!p0 s3, s7;
	s7 =	simm.s32 @!p0 $0x108  }
0x21: {  	s3 =	sadd.s32 s3, s9;
	s6 =	sadd.s32 @!p0 $0x88, s6;
	s7 =	simm.s32 @p2 $0x1082  }
0x22: {  	[simem:s7], [sflag:s8] =	dma.local @!p0 [hbm:s6], $0xF7A  }
0x23: {  	s9 =	sor.u32 $0xD0000000, s2;
	s6 =	simm.s32 $0x108;
	_ =	swait.ge @!p0 [sflag:s8], $0x0  }
0x24: {  	s3 =	sadd.s32 $0x88, s3;
	s6 =	simm.s32 @!p1 $0x1082;
	[sflag:s4] =	ssyncset.s32 $0xFFFFF086  }
0x25: {  	[simem:s6], [sflag:s4] =	dma.local [hbm:s3], $0xF7A  }
0x26: {  	[smem:$0x3F9A] =	sst s1;
	(tag) =	ssettag s2;
	_ =	strace s9  }
0x27: {  	s1 =	sld [smem:$0x3FAA]  }
0x28: {  	s2 =	sld [smem:$0x3FAB]  }
0x29: {  	s4 =	sld [smem:$0x3FAD]  }
0x2a: {  	p0 =	seq.s32 s5, $0x0;
	s5 =	sld [smem:$0x3FAE]  }
0x2b: {  	s6 =	sld [smem:$0x3FAF]  }
0x2c: {  	s7 =	sld [smem:$0x3FB0]  }
0x2d: {  	s3 =	simm.s32 $0x108;
	s8 =	sld [smem:$0x3FB1]  }
0x2e: {  	s3 =	simm.s32 @!p0 $0x1082;
	s9 =	sld [smem:$0x3FB2]  }
0x2f: {  	lr =	sadd.s32 s0, s3;
	s0 =	sld [smem:$0x3FA9]  }
0x30: {  	s3 =	sld [smem:$0x3FAC]  }
0x31: {  	[smem:$0x3FB5] =	sst s10  }
0x32: {  	s10 =	sld [smem:$0x3FB3];
	_ =	sdelay $0x3  }
0x33: {  	p0 =	seq.s32 s10, $0x1;
	s10 =	sld [smem:$0x3FB5];
	_ =	sdelay $0x3  }
0x34: {  	[smem:$0x3FB5] =	sst s10  }
0x35: {  	s10 =	sld [smem:$0x3FB4];
	_ =	sdelay $0x3  }
0x36: {  	p1 =	seq.s32 s10, $0x1;
	s10 =	sld [smem:$0x3FB5];
	_ =	sdelay $0x3  }
0x37: {  	[smem:$0x3FB5] =	sst s10  }
0x38: {  	s10 =	sld [smem:$0x3FB6]  }
0x39: {  	_ = 	snop;
	(pc) =	sbr.ind lr, $3  }
0x3a: {  	_ = 	snop  }
0x3b: {  	_ = 	snop  }
0x3c: {  	p2 =	seq.s32 s10, $0x1;
	s10 =	sld [smem:$0x3FB5]  }
0x3d: {  	_ =	shalt  }
0x3e: {  	_ =	shalt  }
0x3f: {  	_ =	shalt  }
0x40: {  	_ =	shalt  }
0x41: {  	_ =	shalt  }
0x42: {  	_ =	shalt  }
0x43: {  	_ =	shalt  }
0x44: {  	_ =	shalt  }
0x45: {  	_ =	shalt  }
0x46: {  	_ =	shalt  }
0x47: {  	_ =	shalt  }
0x48: {  	_ =	shalt  }
0x49: {  	_ =	shalt  }
0x4a: {  	_ =	shalt  }
0x4b: {  	_ =	shalt  }
0x4c: {  	_ =	shalt  }
0x4d: {  	_ =	shalt  }
0x4e: {  	_ =	shalt  }
0x4f: {  	_ =	shalt  }
0x50: {  	_ =	shalt  }
0x51: {  	_ =	shalt  }
0x52: {  	_ =	shalt  }
0x53: {  	_ =	shalt  }
0x54: {  	_ =	shalt  }
0x55: {  	_ =	shalt  }
0x56: {  	_ =	shalt  }
0x57: {  	_ =	shalt  }
0x58: {  	_ =	shalt  }
0x59: {  	_ =	shalt  }
0x5a: {  	_ =	shalt  }
0x5b: {  	_ =	shalt  }
0x5c: {  	_ =	shalt  }
0x5d: {  	_ =	shalt  }
0x5e: {  	_ =	shalt  }
0x5f: {  	_ =	shalt  }
0x60: {  	_ =	shalt  }
0x61: {  	_ =	shalt  }
0x62: {  	_ =	shalt  }
0x63: {  	_ =	shalt  }
0x64: {  	_ =	shalt  }
0x65: {  	_ =	shalt  }
0x66: {  	_ =	shalt  }
0x67: {  	_ =	shalt  }
0x68: {  	_ =	shalt  }
0x69: {  	_ =	shalt  }
0x6a: {  	_ =	shalt  }
0x6b: {  	_ =	shalt  }
0x6c: {  	_ =	shalt  }
0x6d: {  	_ =	shalt  }
0x6e: {  	_ =	shalt  }
0x6f: {  	_ =	shalt  }
0x70: {  	_ =	shalt  }
0x71: {  	_ =	shalt  }
0x72: {  	_ =	shalt  }
0x73: {  	_ =	shalt  }
0x74: {  	_ =	shalt  }
0x75: {  	_ =	shalt  }
0x76: {  	_ =	shalt  }
0x77: {  	_ =	shalt  }
0x78: {  	_ =	shalt  }
0x79: {  	_ =	shalt  }
0x7a: {  	_ =	shalt  }
0x7b: {  	_ =	shalt  }
0x7c: {  	_ =	shalt  }
0x7d: {  	_ =	shalt  }
0x7e: {  	_ =	shalt  }
0x7f: {  	_ =	shalt  }
0x80: {  	_ =	shalt  }
0x81: {  	_ =	shalt  }
0x82: {  	_ =	shalt  }
0x83: {  	_ =	shalt  }
0x84: {  	_ =	shalt  }
0x85: {  	_ =	shalt  }
0x86: {  	_ =	shalt  }
0x87: {  	_ =	shalt  }
.Lfunc_end0:
.L_simem_size_0:
called_computation_lowered:
.L_overlay_start_0:
0x88: {  	s2 =	sld [smem:$0x3FD9]  }
0x89: {  	s3 =	sld [smem:$0x3FFE];
	_ =	sdelay $0x1  }
0x8a: {  	s1 =	srdreg.scid  }
0x8b: {  	s0 =	sand.u32 $0x1, s1  }
0x8c: {  	s17 =	sshll.u32 s0, $0xA;
	s2 =	sadd.s32 s3, s2  }
0x8d: {  	s2 =	sadd.s32 s2, s17  }
0x8e: {  	[smem:$0x3FC1] =	sst s2  }
0x8f: {  	_ = 	snop  }
0x90: {  	s2 =	sld [smem:$0x3FD0];
	(tm) =	ssettm $0x1  }
0x91: {  	s18 =	sld [smem:$0x3FFB];
	_ =	sdelay $0x3  }
0x92: {  	_ =	strace s18  }
0x93: {  	s3 =	sld [smem:$0x3FFC];
	_ =	sdelay $0x3  }
0x94: {  	_ =	strace s3  }
0x95: {  	s3 =	sld [smem:$0x3FFD];
	_ =	sdelay $0x3  }
0x96: {  	_ =	strace s3  }
0x97: {  	_ =	strace $0x8FFFFFFF  }
0x98: {  	s19 =	sld [smem:$0x3FDB];
	_ =	sdelay $0x1  }
0x99: {  	s4 =	simm.s32 $_scs_section_size  }
0x9a: {  	s5 =	simm.s32 $_size__tile_overlayer_lowered;
	s6 =	simm.s32 $_tile_overlayer_lowered  }
0x9b: {  	s22 =	simm.s32 $0x1BFF;
	s21 =	sshll.u32 s6, $0x1;
	s3 =	sadd.s32 s4, s19  }
0x9c: {  	s7 =	simm.s32 $0x0;
	s20 =	sshll.u32 s5, $0x1;
	s5 =	sadd.s32 s21, s3  }
0x9d: {  	[timem:s7], [sflag:s22] =	dma.local [hbm:s5], s20  }
0x9e: {  	_ =	swait.ge [sflag:s22], s20  }
0x9f: {  	s4 =	ssub.s32 $0x0, s20;
	[sflag:s22] =	ssyncset.done $0x0  }
0xa0: {  	[sflag:s22] =	ssyncadd.s32 s4;
	_ =	sdelay $0x1  }
0xa1: {  	s23 =	simm.s32 $0x1B8B  }
0xa2: {  	_ =	swait.ge [sflag:s23], $0x1  }
0xa3: {  	[sflag:s23] =	ssyncset.done $0x0  }
0xa4: {  	s25 =	simm.s32 $0x1B8E;
	s24 =	sld [smem:$0x3FFE];
	[sflag:s23] =	ssyncadd.s32 $0xFFFFFFFF  }
0xa5: {  	s26 =	simm.s32 $execute0_lowered;
	[smem:$0x3FD2] =	sst s25  }
0xa6: {  	s5 =	sshll.u32 s26, $0x1;
	_ =	strace $0x80000046;
	[dreg:$0x1] =	wrdreg $0xFFFFFFFF  }
0xa7: {  	s28 =	simm.s32 $_size_execute0_lowered;
	s3 =	sadd.s32 s3, s5;
	[dreg:$0x0] =	wrdreg $0x0  }
0xa8: {  	s5 =	sshll.u32 s28, $0x1;
	[dreg:$0x2] =	wrdreg s3  }
0xa9: {  	[dreg:$0x3] =	wrdreg s5  }
0xaa: {  	[dreg:$0x4] =	wrdreg $0xC0  }
0xab: {  	_ =	task [dreg:s7], $0x5FFFF  }
0xac: {  	[dreg:$0x1] =	wrdreg $0xFFFFFFFF  }
0xad: {  	[dreg:$0x0] =	wrdreg $0x60  }
0xae: {  	[dreg:$0x2] =	wrdreg s24  }
0xaf: {  	[dreg:$0x3] =	wrdreg s2  }
0xb0: {  	[dreg:$0x4] =	wrdreg $0xA4000  }
0xb1: {  	[dreg:$0x5] =	wrdreg $0x9  }
0xb2: {  	_ =	task.clear_ibuf [dreg:s7], $0x6FFFF;
	_ =	strace $0x90000046  }
0xb3: {  	s29 =	simm.s32 $0x9;
	_ =	strace $0x80000048  }
0xb4: {  	_ =	swait.ge [sflag:s29], $0x1  }
0xb5: {  	[sflag:s29] =	ssyncadd.s32 $0xFFFFFFFF  }
0xb6: {  	_ =	strace $0x90000048  }
0xb7: {  	_ =	sfence  }
0xb8: {  	s30 =	sld [smem:$0x0];
	_ =	sdelay $0x2  }
0xb9: {  	s31 =	sshll.u32 s1, $0xD;
	s1 =	sshrl.u32 s1, $0x2  }
0xba: {  	s3 =	sand.u32 $0x4000, s31;
	s1 =	sadd.s32 s1, s30  }
0xbb: {  	s0 =	sor.u32 s3, s0;
	s1 =	sshll.u32 s1, $0x11  }
0xbc: {  	s0 =	sor.u32 s1, s0  }
0xbd: {  	s0 =	sadd.s32 $0x8F2B, s0  }
0xbe: {  	[sflag:s0] =	ssyncadd.remote.s32 $0x1  }
0xbf: {  	_ =	sfence.sel $0xFFFF  }
0xc0: {  	[dreg:$0x0] =	wrdreg $0xFFFFFFFF;
	(pc) =	sbr.abs _section_cstart, $3  }
0xc1: {  	[dreg:$0x1] =	wrdreg $0xFFFFFFFF  }
0xc2: {  	_ =	task.clear_ibuf [dreg:s7], $0x2FFFF;
	_ =	strace $0x9FFFFFFF  }
0xc3: {  	(tm) =	ssettm $0x7FFFFFFF  }
tec
execute0_lowered:
.L_overlay_start_1:
0x0: {  	(tag) =	ssettag $0x1  }
0x1: {  	s1 =	rddreg [dreg:$0x0]  }
0x2: {  	s8 =	rddreg [dreg:$0x1]  }
0x3: {  	s2 =	rddreg [dreg:$0x2]  }
0x4: {  	s3 =	simm.s32 $0x0;
	s0 =	srdreg.scid;
	s24 =	stileid.u32  }
0x5: {  	s30 =	simm.s32 $0x9;
	[smem:$0x7FF] =	sst s3;
	s4 =	smul.u32 $0x5000, s24  }
0x6: {  	s9 =	sand.u32 $0x1, s0;
	s10 =	smul.u32 $0x50, s24;
	s18 =	sor.u32 $0x70, s24  }
0x7: {  	_ =	strace $0x80000047;
	s0 =	ssub.s32 $0x2, s9;
	s12 =	sshll.u32 s9, $0xA  }
0x8: {  	s21 =	smul.u32 $0x5000, s18;
	p0 =	seq.s32 s9, $0x0;
	p1 =	seq.s32 s9, $0x1  }
0x9: {  	s5 =	sshrl.u32 s0, $0x1;
	s25 =	sor.u32 s12, s4;
	s4 =	sadd.s32 $0x500, s10  }
0xa: {  	s19 =	sadd.s32 $0x1900, s10;
	s20 =	sadd.s32 $0x1E00, s10;
	s0 =	ssub.s32 s0, s5  }
0xb: {  	s13 =	sshrl.u32 s25, $0x3;
	s6 =	sshll.u32 s4, $0x8;
	s5 =	sadd.s32 $0xA00, s10  }
0xc: {  	s22 =	sshll.u32 s19, $0x8;
	s23 =	sshll.u32 s20, $0x8;
	s14 =	sor.u32 s12, s6  }
0xd: {  	s7 =	sshll.u32 s5, $0x8;
	s6 =	sadd.s32 $0xF00, s10;
	s22 =	sor.u32 s12, s22  }
0xe: {  	s23 =	sor.u32 s12, s23;
	s26 =	sadd.s32 s8, s13;
	s0 =	smax.u32 s0, $0x1  }
0xf: {  	s15 =	sor.u32 s12, s7;
	s16 =	sshll.u32 s6, $0x8;
	[dreg:$0x6] =	wrdreg s26  }
0x10: {  	s7 =	sadd.s32 $0x1400, s10;
	s14 =	sshrl.u32 s14, $0x3;
	[smem:$0x7FC] =	sst s0  }
0x11: {  	s0 =	simm.s32 $0x0;
	s16 =	sor.u32 s12, s16;
	s17 =	sshll.u32 s7, $0x8  }
0x12: {  	s25 =	sadd.s32 s8, s14;
	s9 =	sshrl.u32 s15, $0x3;
	[smem:$0x7FD] =	sst s0  }
0x13: {  	s17 =	sor.u32 s12, s17;
	s12 =	sor.u32 s12, s21;
	[dreg:$0x7] =	wrdreg s25  }
0x14: {  	s15 =	sshrl.u32 s16, $0x3;
	s21 =	sshrl.u32 s23, $0x3;
	s26 =	sadd.s32 s8, s9  }
0x15: {  	s16 =	sshrl.u32 s17, $0x3;
	[dreg:$0x8] =	wrdreg s26;
	s23 =	sadd.s32 s8, s15  }
0x16: {  	s17 =	sshrl.u32 s22, $0x3;
	[dreg:$0x9] =	wrdreg s23;
	s25 =	sadd.s32 s8, s16  }
0x17: {  	s28 =	simm.s32 $0xA;
	s26 =	sadd.s32 s8, s17;
	[dreg:$0xa] =	wrdreg s25  }
0x18: {  	s12 =	sshrl.u32 s12, $0x3;
	s23 =	sadd.s32 s8, s21;
	[dreg:$0xb] =	wrdreg s26  }
0x19: {  	s11 =	sadd.s32 $0x5A000, s1;
	s8 =	sadd.s32 s8, s12;
	[dreg:$0xc] =	wrdreg s23  }
0x1a: {  	s18 =	smul.u32 $0xA000, s18;
	s22 =	sadd.s32 s11, s17;
	[dreg:$0xd] =	wrdreg s8  }
0x1b: {  	s10 =	sshrl.u32 s10, $0x3;
	s25 =	sadd.s32 s11, s13;
	[dreg:$0x13] =	wrdreg s22  }
0x1c: {  	s10 =	sadd.s32 $0x4D80, s10;
	s26 =	sadd.s32 s11, s14;
	[dreg:$0xe] =	wrdreg s25  }
0x1d: {  	s17 =	sshll.u32 s7, $0x7;
	s13 =	sadd.s32 s11, s9;
	[dreg:$0xf] =	wrdreg s26  }
0x1e: {  	s7 =	simm.s32 $0x1;
	s14 =	sadd.s32 s11, s15;
	[dreg:$0x10] =	wrdreg s13  }
0x1f: {  	s8 =	smul.u32 $0xA, s24;
	s15 =	sadd.s32 s11, s16;
	[dreg:$0x11] =	wrdreg s14  }
0x20: {  	s16 =	sadd.s32 $0x6C00, s1;
	s23 =	sadd.s32 s11, s21;
	[dreg:$0x12] =	wrdreg s15  }
0x21: {  	s11 =	sadd.s32 s11, s12;
	s12 =	sadd.s32 $0xBC00, s1;
	[dreg:$0x14] =	wrdreg s23  }
0x22: {  	s21 =	sshll.u32 s19, $0x7;
	s19 =	simm.s32 $0x50;
	[dreg:$0x15] =	wrdreg s11  }
0x23: {  	s11 =	sadd.s32 $0x32E00, s1;
	s1 =	sadd.s32 $0x1C00, s1;
	s9 =	sadd.s32 s16, s10  }
0x24: {  	s26 =	smul.u32 $0xA000, s24;
	s14 =	sshll.u32 s4, $0x7;
	s15 =	sshll.u32 s5, $0x7  }
0x25: {  	s23 =	sshll.u32 s20, $0x7;
	s4 =	simm.s32 $0x800;
	s5 =	simm.s32 $0x400  }
0x26: {  	s20 =	simm.s32 $0x7C00;
	s25 =	sadd.s32 s8, s16;
	[dreg:$0x17] =	wrdreg s9  }
0x27: {  	s22 =	smov.u32 s11;
	s10 =	sadd.s32 s1, s10;
	s1 =	sadd.s32 s8, s1  }
0x28: {  	s29 =	sadd.s32 s15, s2;
	s16 =	sshll.u32 s6, $0x7;
	s8 =	sadd.s32 s17, s2  }
0x29: {  	s6 =	simm.s32 $0x2C00;
	s9 =	simm.s32 $0x2;
	[dreg:$0x4] =	wrdreg s25  }
0x2a: {  	s15 =	simm.s32 $0x280;
	s17 =	simm.s32 $0x380;
	[dreg:$0x18] =	wrdreg s10  }
0x2b: {  	s22 =	smov.u32 @p0 s12;
	s12 =	smov.u32 @p1 s11;
	[dreg:$0x5] =	wrdreg s1  }
0x2c: {  	s13 =	sshrl.u32 s26, $0x2;
	s10 =	sadd.s32 s14, s2;
	s31 =	sadd.s32 s16, s2  }
0x2d: {  	s25 =	sadd.s32 s23, s2;
	s26 =	sshrl.u32 s18, $0x2;
	[dreg:$0x1b] =	wrdreg s29  }
0x2e: {  	p0 =	sgt.u32 s24, $0xC;
	s11 =	simm.s32 $0x80;
	[dreg:$0x1d] =	wrdreg s8  }
0x2f: {  	s14 =	simm.s32 $0x200;
	s16 =	simm.s32 $0x300;
	[dreg:$0x16] =	wrdreg s12  }
0x30: {  	s23 =	simm.s32 $0x5400;
	s18 =	simm.s32 $0x5;
	[dreg:$0x1f] =	wrdreg s25  }
0x31: {  	s24 =	simm.s32 $0x6;
	s1 =	sadd.s32 s13, s2;
	[dreg:$0x1a] =	wrdreg s10  }
0x32: {  	s12 =	simm.s32 $0x100;
	s13 =	simm.s32 $0x180;
	[dreg:$0x1c] =	wrdreg s31  }
0x33: {  	s25 =	simm.s32 $0x7;
	[dreg:$0x19] =	wrdreg s1;
	s1 =	sadd.s32 s21, s2  }
0x34: {  	s21 =	simm.s32 $0x3;
	[dreg:$0x1e] =	wrdreg s1;
	s1 =	sadd.s32 s26, s2  }
0x35: {  	s26 =	simm.s32 $0x8;
	[smem:$0x7FB] =	sst s1;
	s1 =	simm.s32 $0x4  }
.LBB2_1:
0x36: {  	s0 =	rddreg [dreg:$0x6]  }
0x37: {  	[tilespmem:s5], [sflag:$0x1] =	stream.strided.gather [hbm4b:s0+s5], $0x2800, s4, s5, $0x38;
	[tilespmem:$0x1DC80] =	vst v63  }
0x38: {  	s0 =	rddreg [dreg:$0x7]  }
0x39: {  	[tilespmem:s6], [sflag:$0x2] =	stream.strided.gather [hbm4b:s0+s5], $0x2800, s4, s5, $0x38;
	[tilespmem:$0x1DC80] =	vst v63  }
0x3a: {  	_ =	swait.ge [sflag:s7], $0x2800  }
0x3b: {  	[sflag:s7] =	ssyncset.done $0x0  }
0x3c: {  	s0 =	rddreg [dreg:$0x19];
	[sflag:s7] =	ssyncadd.s32 $0xFFFFD800  }
0x3d: {  	[spmem:s0] =	stream.linear.scatter [tilespmem:s5], [sflag:$0x9], $0x2800, $0x38;
	[tilespmem:$0x1DC80] =	vst v63  }
0x3e: {  	_ =	swait.ge [sflag:s30], $0x2800  }
0x3f: {  	[sflag:s30] =	ssyncset.done $0x0  }
0x40: {  	s0 =	rddreg [dreg:$0x8];
	[sflag:s30] =	ssyncadd.s32 $0xFFFFD800  }
0x41: {  	[tilespmem:s5], [sflag:$0x1] =	stream.strided.gather [hbm4b:s0+s5], $0x2800, s4, s5, $0x38;
	[tilespmem:$0x1DC80] =	vst v63  }
0x42: {  	_ =	swait.ge [sflag:s9], $0x2800  }
0x43: {  	[sflag:s9] =	ssyncset.done $0x0  }
0x44: {  	[sflag:s9] =	ssyncadd.s32 $0xFFFFD800  }
0x45: {  	[spmem:s10] =	stream.linear.scatter [tilespmem:s6], [sflag:$0xA], $0x2800, $0x38;
	[tilespmem:$0x1DC80] =	vst v63  }
0x46: {  	_ =	swait.ge [sflag:s28], $0x2800  }
0x47: {  	[sflag:s28] =	ssyncset.done $0x0  }
0x48: {  	s10 =	rddreg [dreg:$0x9];
	[sflag:s28] =	ssyncadd.s32 $0xFFFFD800  }
0x49: {  	[tilespmem:s6], [sflag:$0x2] =	stream.strided.gather [hbm4b:s10+s5], $0x2800, s4, s5, $0x38;
	[tilespmem:$0x1DC80] =	vst v63  }
0x4a: {  	_ =	swait.ge [sflag:s7], $0x2800  }
0x4b: {  	[sflag:s7] =	ssyncset.done $0x0  }
0x4c: {  	[sflag:s7] =	ssyncadd.s32 $0xFFFFD800  }
0x4d: {  	[spmem:s29] =	stream.linear.scatter [tilespmem:s5], [sflag:$0x9], $0x2800, $0x38;
	[tilespmem:$0x1DC80] =	vst v63  }
0x4e: {  	_ =	swait.ge [sflag:s30], $0x2800  }
0x4f: {  	[sflag:s30] =	ssyncset.done $0x0  }
0x50: {  	s29 =	rddreg [dreg:$0xa];
	[sflag:s30] =	ssyncadd.s32 $0xFFFFD800  }
0x51: {  	[tilespmem:s5], [sflag:$0x1] =	stream.strided.gather [hbm4b:s29+s5], $0x2800, s4, s5, $0x38;
	[tilespmem:$0x1DC80] =	vst v63  }
0x52: {  	_ =	swait.ge [sflag:s9], $0x2800  }
0x53: {  	[sflag:s9] =	ssyncset.done $0x0  }
0x54: {  	[sflag:s9] =	ssyncadd.s32 $0xFFFFD800  }
0x55: {  	[spmem:s31] =	stream.linear.scatter [tilespmem:s6], [sflag:$0xA], $0x2800, $0x38;
	[tilespmem:$0x1DC80] =	vst v63  }
0x56: {  	_ =	swait.ge [sflag:s28], $0x2800  }
0x57: {  	[sflag:s28] =	ssyncset.done $0x0  }
0x58: {  	s31 =	rddreg [dreg:$0xb];
	[sflag:s28] =	ssyncadd.s32 $0xFFFFD800  }
0x59: {  	[tilespmem:s6], [sflag:$0x2] =	stream.strided.gather [hbm4b:s31+s5], $0x2800, s4, s5, $0x38;
	[tilespmem:$0x1DC80] =	vst v63  }
0x5a: {  	_ =	swait.ge [sflag:s7], $0x2800  }
0x5b: {  	[sflag:s7] =	ssyncset.done $0x0  }
0x5c: {  	[sflag:s7] =	ssyncadd.s32 $0xFFFFD800  }
0x5d: {  	[spmem:s8] =	stream.linear.scatter [tilespmem:s5], [sflag:$0x9], $0x2800, $0x38;
	[tilespmem:$0x1DC80] =	vst v63  }
0x5e: {  	_ =	swait.ge [sflag:s30], $0x2800  }
0x5f: {  	[sflag:s30] =	ssyncset.done $0x0  }
0x60: {  	s8 =	rddreg [dreg:$0xc];
	[sflag:s30] =	ssyncadd.s32 $0xFFFFD800  }
0x61: {  	[tilespmem:s5], [sflag:$0x1] =	stream.strided.gather [hbm4b:s8+s5], $0x2800, s4, s5, $0x38;
	[tilespmem:$0x1DC80] =	vst v63  }
0x62: {  	_ =	swait.ge [sflag:s9], $0x2800  }
0x63: {  	[sflag:s9] =	ssyncset.done $0x0  }
0x64: {  	s10 =	rddreg [dreg:$0x1e];
	[sflag:s9] =	ssyncadd.s32 $0xFFFFD800  }
0x65: {  	[spmem:s10] =	stream.linear.scatter [tilespmem:s6], [sflag:$0xA], $0x2800, $0x38;
	[tilespmem:$0x1DC80] =	vst v63  }
0x66: {  	_ =	swait.ge [sflag:s28], $0x2800  }
0x67: {  	[sflag:s28] =	ssyncset.done $0x0  }
0x68: {  	s0 =	simm.s32 @p0 $0x1;
	[sflag:s28] =	ssyncadd.s32 $0xFFFFD800  }
0x69: {  	_ =	swait.ge @p0 [sflag:s0], $0x2800  }
0x6a: {  	s31 =	simm.s32 @!p0 $0x2C00;
	[sflag:s0] =	ssyncset.done @p0 $0x0  }
0x6b: {  	s8 =	rddreg [dreg:$0x1f];
	[sflag:s0] =	ssyncadd.s32 @p0 $0xFFFFD800;
	s0 =	simm.s32 @p0 $0x400  }
0x6c: {  	[spmem:s8] =	stream.linear.scatter @p0 [tilespmem:s0], [sflag:$0x9], $0x2800, $0x38;
	[tilespmem:$0x1DC80] =	vst v63  }
0x6d: {  	s30 =	simm.s32 @!p0 $0x800;
	s4 =	rddreg [dreg:$0xd];
	s0 =	simm.s32 @!p0 $0x400  }
0x6e: {  	[tilespmem:s31], [sflag:$0x2] =	stream.strided.gather @!p0 [hbm4b:s4+s0], $0x2800, s30, s0, $0x38;
	[tilespmem:$0x1DC80] =	vst v63  }
0x6f: {  	s30 =	simm.s32 @!p0 $0x1  }
0x70: {  	_ =	swait.ge @!p0 [sflag:s30], $0x2800  }
0x71: {  	[sflag:s30] =	ssyncset.done @!p0 $0x0  }
0x72: {  	[sflag:s30] =	ssyncadd.s32 @!p0 $0xFFFFD800  }
0x73: {  	[spmem:s8] =	stream.linear.scatter @!p0 [tilespmem:s0], [sflag:$0x9], $0x2800, $0x38;
	[tilespmem:$0x1DC80] =	vst v63  }
0x74: {  	s0 =	simm.s32 @!p0 $0x2  }
0x75: {  	_ =	swait.ge @!p0 [sflag:s0], $0x2800  }
0x76: {  	[sflag:s0] =	ssyncset.done @!p0 $0x0  }
0x77: {  	[sflag:s0] =	ssyncadd.s32 @!p0 $0xFFFFD800;
	s0 =	sld [smem:$0x7FB];
	_ =	sdelay $0x2  }
0x78: {  	[spmem:s0] =	stream.linear.scatter @!p0 [tilespmem:s31], [sflag:$0xA], $0x2800, $0x38;
	[tilespmem:$0x1DC80] =	vst v63  }
0x79: {  	s0 =	simm.s32 @!p0 $0xA  }
0x7a: {  	_ =	swait.ge @!p0 [sflag:s0], $0x2800  }
0x7b: {  	[sflag:s0] =	ssyncset.done @!p0 $0x0  }
0x7c: {  	s28 =	simm.s32 $0x9;
	[sflag:s0] =	ssyncadd.s32 @!p0 $0xFFFFD800  }
0x7d: {  	_ =	swait.ge [sflag:s28], $0x2800  }
0x7e: {  	[sflag:s28] =	ssyncset.done $0x0  }
0x7f: {  	p1 =	por $0x1, $0x1;
	[sflag:s28] =	ssyncadd.s32 $0xFFFFD800  }
0x80: {  	s0 =	simm.s32 @!p1 $0x9;
	[bflag:$0x0] =	sbarrier.arrive $0xFFFF  }
0x81: {  	_ =	swait.ge @!p1 [sflag:s0], $0x2800  }
0x82: {  	s30 =	rddreg [dreg:$0x5];
	[sflag:s0] =	ssyncset.done @!p1 $0x0  }
0x83: {  	s29 =	rddreg [dreg:$0x4];
	[sflag:s0] =	ssyncadd.s32 @!p1 $0xFFFFD800;
	s4 =	sadd.s32 $0x0, s30  }
0x84: {  	[tilespmem:s3], [sflag:$0x1] =	stream.linear.gather [hbm4b:s4+s3], $0x50, $0x38;
	[tilespmem:$0x1DC80] =	vst v63  }
0x85: {  	s31 =	simm.s32 @!p1 $0xA;
	s30 =	sadd.s32 $0x0, s29  }
0x86: {  	[tilespmem:s11], [sflag:$0x1] =	stream.linear.gather [hbm4b:s30+s3], $0x50, $0x38;
	[tilespmem:$0x1DC80] =	vst v63  }
0x87: {  	_ =	swait.ge @!p1 [sflag:s31], $0x2800  }
0x88: {  	[sflag:s31] =	ssyncset.done @!p1 $0x0  }
0x89: {  	s8 =	sadd.s32 $0xA0, s4;
	[sflag:s31] =	ssyncadd.s32 @!p1 $0xFFFFD800  }
0x8a: {  	[tilespmem:s12], [sflag:$0x2] =	stream.linear.gather [hbm4b:s8+s3], $0x50, $0x38;
	[tilespmem:$0x1DC80] =	vst v63  }
0x8b: {  	s10 =	sadd.s32 $0xA0, s30;
	s31 =	simm.s32 @!p1 $0xB  }
0x8c: {  	[tilespmem:s13], [sflag:$0x2] =	stream.linear.gather [hbm4b:s10+s3], $0x50, $0x38;
	[tilespmem:$0x1DC80] =	vst v63  }
0x8d: {  	_ =	swait.ge @!p1 [sflag:s31], $0x2800  }
0x8e: {  	[sflag:s31] =	ssyncset.done @!p1 $0x0  }
0x8f: {  	s28 =	sadd.s32 $0x140, s4;
	[sflag:s31] =	ssyncadd.s32 @!p1 $0xFFFFD800  }
0x90: {  	[tilespmem:s14], [sflag:$0x3] =	stream.linear.gather [hbm4b:s28+s3], $0x50, $0x38;
	[tilespmem:$0x1DC80] =	vst v63  }
0x91: {  	s29 =	sadd.s32 $0x140, s30;
	s31 =	simm.s32 @!p1 $0xC  }
0x92: {  	[tilespmem:s15], [sflag:$0x3] =	stream.linear.gather [hbm4b:s29+s3], $0x50, $0x38;
	[tilespmem:$0x1DC80] =	vst v63  }
0x93: {  	_ =	swait.ge @!p1 [sflag:s31], $0x2800  }
0x94: {  	[sflag:s31] =	ssyncset.done @!p1 $0x0  }
0x95: {  	s0 =	sadd.s32 $0x1E0, s4;
	[sflag:s31] =	ssyncadd.s32 @!p1 $0xFFFFD800  }
0x96: {  	[tilespmem:s16], [sflag:$0x4] =	stream.linear.gather [hbm4b:s0+s3], $0x50, $0x38;
	[tilespmem:$0x1DC80] =	vst v63  }
0x97: {  	s31 =	sadd.s32 $0x1E0, s30  }
0x98: {  	[tilespmem:s17], [sflag:$0x4] =	stream.linear.gather [hbm4b:s31+s3], $0x50, $0x38;
	[tilespmem:$0x1DC80] =	vst v63  }
0x99: {  	_ =	swait.ge [sflag:s7], $0x50  }
0x9a: {  	[sflag:s7] =	ssyncset.done $0x0  }
0x9b: {  	[sflag:s7] =	ssyncadd.s32 $0xFFFFFFB0  }
0x9c: {  	_ =	swait.ge [sflag:s7], $0x50  }
0x9d: {  	[sflag:s7] =	ssyncset.done $0x0  }
0x9e: {  	[sflag:s7] =	ssyncadd.s32 $0xFFFFFFB0  }
0x9f: {  	[tilespmem:s5], [sflag:$0x5] =	stream.indirect.gather [hbm4b:s22+s19], $0x80, s11, s19, $0xb8;
	[tilespmem:$0x1DC80] =	vst v63  }
0xa0: {  	_ =	swait.ge [sflag:s9], $0x50  }
0xa1: {  	[sflag:s9] =	ssyncset.done $0x0  }
0xa2: {  	[sflag:s9] =	ssyncadd.s32 $0xFFFFFFB0  }
0xa3: {  	_ =	swait.ge [sflag:s9], $0x50  }
0xa4: {  	[sflag:s9] =	ssyncset.done $0x0  }
0xa5: {  	[sflag:s9] =	ssyncadd.s32 $0xFFFFFFB0  }
0xa6: {  	[tilespmem:s6], [sflag:$0x6] =	stream.indirect.gather [hbm4b:s22+s19], $0x80, s13, s19, $0xb8;
	[tilespmem:$0x1DC80] =	vst v63  }
0xa7: {  	_ =	swait.ge [sflag:s21], $0x50  }
0xa8: {  	[sflag:s21] =	ssyncset.done $0x0  }
0xa9: {  	[sflag:s21] =	ssyncadd.s32 $0xFFFFFFB0  }
0xaa: {  	_ =	swait.ge [sflag:s21], $0x50  }
0xab: {  	[sflag:s21] =	ssyncset.done $0x0  }
0xac: {  	[sflag:s21] =	ssyncadd.s32 $0xFFFFFFB0  }
0xad: {  	[tilespmem:s23], [sflag:$0x7] =	stream.indirect.gather [hbm4b:s22+s19], $0x80, s15, s19, $0xb8;
	[tilespmem:$0x1DC80] =	vst v63  }
0xae: {  	_ =	swait.ge [sflag:s1], $0x50  }
0xaf: {  	[sflag:s1] =	ssyncset.done $0x0  }
0xb0: {  	[sflag:s1] =	ssyncadd.s32 $0xFFFFFFB0  }
0xb1: {  	_ =	swait.ge [sflag:s1], $0x50  }
0xb2: {  	[sflag:s1] =	ssyncset.done $0x0  }
0xb3: {  	[sflag:s1] =	ssyncadd.s32 $0xFFFFFFB0  }
0xb4: {  	[tilespmem:s20], [sflag:$0x8] =	stream.indirect.gather [hbm4b:s22+s19], $0x80, s17, s19, $0xb8;
	[tilespmem:$0x1DC80] =	vst v63  }
0xb5: {  	_ =	swait.ge [sflag:s18], $0x2800  }
0xb6: {  	[sflag:s18] =	ssyncset.done $0x0  }
0xb7: {  	[sflag:s18] =	ssyncadd.s32 $0xFFFFD800  }
0xb8: {  	[spmem:s2] =	stream.indirect.scatter.add.f32 [tilespmem:s5], [sflag:$0x9], $0x80, s3, s19, $0xb8;
	[tilespmem:$0x1DC80] =	vst v63  }
0xb9: {  	_ =	swait.ge [sflag:s24], $0x2800  }
0xba: {  	[sflag:s24] =	ssyncset.done $0x0  }
0xbb: {  	[sflag:s24] =	ssyncadd.s32 $0xFFFFD800  }
0xbc: {  	[spmem:s2] =	stream.indirect.scatter.add.f32 [tilespmem:s6], [sflag:$0xA], $0x80, s12, s19, $0xb8;
	[tilespmem:$0x1DC80] =	vst v63  }
0xbd: {  	_ =	swait.ge [sflag:s25], $0x2800  }
0xbe: {  	[sflag:s25] =	ssyncset.done $0x0  }
0xbf: {  	[sflag:s25] =	ssyncadd.s32 $0xFFFFD800  }
0xc0: {  	[spmem:s2] =	stream.indirect.scatter.add.f32 [tilespmem:s23], [sflag:$0xB], $0x80, s14, s19, $0xb8;
	[tilespmem:$0x1DC80] =	vst v63  }
0xc1: {  	p2 =	por $0x0, $0x0;
	_ =	swait.ge [sflag:s26], $0x2800  }
0xc2: {  	s30 =	simm.s32 $0x280;
	s0 =	simm.s32 $0x500;
	[sflag:s26] =	ssyncset.done $0x0  }
.LBB2_2:
0xc3: {  	s31 =	simm.s32 @!p2 $0x9;
	[sflag:s26] =	ssyncadd.s32 $0xFFFFD800  }
0xc4: {  	[spmem:s2] =	stream.indirect.scatter.add.f32 [tilespmem:s20], [sflag:$0xC], $0x80, s16, s19, $0xb8;
	[tilespmem:$0x1DC80] =	vst v63  }
0xc5: {  	_ =	swait.ge @!p2 [sflag:s31], $0x2800  }
0xc6: {  	[sflag:s31] =	ssyncset.done @!p2 $0x0;
	s4 =	rddreg [dreg:$0x5]  }
0xc7: {  	s29 =	rddreg [dreg:$0x4];
	[sflag:s31] =	ssyncadd.s32 @!p2 $0xFFFFD800;
	s4 =	sadd.s32 s30, s4  }
0xc8: {  	[tilespmem:s3], [sflag:$0x1] =	stream.linear.gather [hbm4b:s4+s3], $0x50, $0x38;
	[tilespmem:$0x1DC80] =	vst v63  }
0xc9: {  	s31 =	sadd.s32 s30, s29;
	s29 =	simm.s32 @!p2 $0xA  }
0xca: {  	[tilespmem:s11], [sflag:$0x1] =	stream.linear.gather [hbm4b:s31+s3], $0x50, $0x38;
	[tilespmem:$0x1DC80] =	vst v63  }
0xcb: {  	_ =	swait.ge @!p2 [sflag:s29], $0x2800  }
0xcc: {  	[sflag:s29] =	ssyncset.done @!p2 $0x0  }
0xcd: {  	s8 =	sadd.s32 $0xA0, s4;
	[sflag:s29] =	ssyncadd.s32 @!p2 $0xFFFFD800  }
0xce: {  	[tilespmem:s12], [sflag:$0x2] =	stream.linear.gather [hbm4b:s8+s3], $0x50, $0x38;
	[tilespmem:$0x1DC80] =	vst v63  }
0xcf: {  	s10 =	sadd.s32 $0xA0, s31;
	s29 =	simm.s32 @!p2 $0xB  }
0xd0: {  	[tilespmem:s13], [sflag:$0x2] =	stream.linear.gather [hbm4b:s10+s3], $0x50, $0x38;
	[tilespmem:$0x1DC80] =	vst v63  }
0xd1: {  	_ =	swait.ge @!p2 [sflag:s29], $0x2800  }
0xd2: {  	[sflag:s29] =	ssyncset.done @!p2 $0x0  }
0xd3: {  	s8 =	sadd.s32 $0x140, s4;
	[sflag:s29] =	ssyncadd.s32 @!p2 $0xFFFFD800  }
0xd4: {  	[tilespmem:s14], [sflag:$0x3] =	stream.linear.gather [hbm4b:s8+s3], $0x50, $0x38;
	[tilespmem:$0x1DC80] =	vst v63  }
0xd5: {  	s10 =	sadd.s32 $0x140, s31;
	s29 =	simm.s32 @!p2 $0xC  }
0xd6: {  	[tilespmem:s15], [sflag:$0x3] =	stream.linear.gather [hbm4b:s10+s3], $0x50, $0x38;
	[tilespmem:$0x1DC80] =	vst v63  }
0xd7: {  	_ =	swait.ge @!p2 [sflag:s29], $0x2800  }
0xd8: {  	[sflag:s29] =	ssyncset.done @!p2 $0x0  }
0xd9: {  	s4 =	sadd.s32 $0x1E0, s4;
	[sflag:s29] =	ssyncadd.s32 @!p2 $0xFFFFD800  }
0xda: {  	[tilespmem:s16], [sflag:$0x4] =	stream.linear.gather [hbm4b:s4+s3], $0x50, $0x38;
	[tilespmem:$0x1DC80] =	vst v63  }
0xdb: {  	s31 =	sadd.s32 $0x1E0, s31  }
0xdc: {  	[tilespmem:s17], [sflag:$0x4] =	stream.linear.gather [hbm4b:s31+s3], $0x50, $0x38;
	[tilespmem:$0x1DC80] =	vst v63  }
0xdd: {  	_ =	swait.ge [sflag:s7], $0x50  }
0xde: {  	[sflag:s7] =	ssyncset.done $0x0  }
0xdf: {  	[sflag:s7] =	ssyncadd.s32 $0xFFFFFFB0  }
0xe0: {  	_ =	swait.ge [sflag:s7], $0x50  }
0xe1: {  	[sflag:s7] =	ssyncset.done $0x0  }
0xe2: {  	[sflag:s7] =	ssyncadd.s32 $0xFFFFFFB0  }
0xe3: {  	[tilespmem:s5], [sflag:$0x5] =	stream.indirect.gather [hbm4b:s22+s19], $0x80, s11, s19, $0xb8;
	[tilespmem:$0x1DC80] =	vst v63  }
0xe4: {  	_ =	swait.ge [sflag:s9], $0x50  }
0xe5: {  	[sflag:s9] =	ssyncset.done $0x0  }
0xe6: {  	[sflag:s9] =	ssyncadd.s32 $0xFFFFFFB0  }
0xe7: {  	_ =	swait.ge [sflag:s9], $0x50  }
0xe8: {  	[sflag:s9] =	ssyncset.done $0x0  }
0xe9: {  	[sflag:s9] =	ssyncadd.s32 $0xFFFFFFB0  }
0xea: {  	[tilespmem:s6], [sflag:$0x6] =	stream.indirect.gather [hbm4b:s22+s19], $0x80, s13, s19, $0xb8;
	[tilespmem:$0x1DC80] =	vst v63  }
0xeb: {  	_ =	swait.ge [sflag:s21], $0x50  }
0xec: {  	[sflag:s21] =	ssyncset.done $0x0  }
0xed: {  	[sflag:s21] =	ssyncadd.s32 $0xFFFFFFB0  }
0xee: {  	_ =	swait.ge [sflag:s21], $0x50  }
0xef: {  	[sflag:s21] =	ssyncset.done $0x0  }
0xf0: {  	[sflag:s21] =	ssyncadd.s32 $0xFFFFFFB0  }
0xf1: {  	[tilespmem:s23], [sflag:$0x7] =	stream.indirect.gather [hbm4b:s22+s19], $0x80, s15, s19, $0xb8;
	[tilespmem:$0x1DC80] =	vst v63  }
0xf2: {  	_ =	swait.ge [sflag:s1], $0x50  }
0xf3: {  	[sflag:s1] =	ssyncset.done $0x0  }
0xf4: {  	[sflag:s1] =	ssyncadd.s32 $0xFFFFFFB0  }
0xf5: {  	_ =	swait.ge [sflag:s1], $0x50  }
0xf6: {  	[sflag:s1] =	ssyncset.done $0x0  }
0xf7: {  	[sflag:s1] =	ssyncadd.s32 $0xFFFFFFB0  }
0xf8: {  	[tilespmem:s20], [sflag:$0x8] =	stream.indirect.gather [hbm4b:s22+s19], $0x80, s17, s19, $0xb8;
	[tilespmem:$0x1DC80] =	vst v63  }
0xf9: {  	_ =	swait.ge [sflag:s18], $0x2800  }
0xfa: {  	[sflag:s18] =	ssyncset.done $0x0  }
0xfb: {  	[sflag:s18] =	ssyncadd.s32 $0xFFFFD800  }
0xfc: {  	[spmem:s2] =	stream.indirect.scatter.add.f32 [tilespmem:s5], [sflag:$0x9], $0x80, s3, s19, $0xb8;
	[tilespmem:$0x1DC80] =	vst v63  }
0xfd: {  	_ =	swait.ge [sflag:s24], $0x2800  }
0xfe: {  	[sflag:s24] =	ssyncset.done $0x0  }
0xff: {  	s28 =	smov.u32 s0;
	s0 =	sadd.s32 $0x280, s0;
	[sflag:s24] =	ssyncadd.s32 $0xFFFFD800  }
0x100: {  	[spmem:s2] =	stream.indirect.scatter.add.f32 [tilespmem:s6], [sflag:$0xA], $0x80, s12, s19, $0xb8;
	[tilespmem:$0x1DC80] =	vst v63  }
0x101: {  	p1 =	sne.s32 s0, $0x4D80;
	_ =	swait.ge [sflag:s25], $0x2800  }
.Ltmp0:
0x102: {  	[sflag:s25] =	ssyncset.done $0x0;
	(pc) =	sbr.rel @p1 .LBB2_2-.Ltmp0, $4  }
0x103: {  	[sflag:s25] =	ssyncadd.s32 $0xFFFFD800  }
0x104: {  	[spmem:s2] =	stream.indirect.scatter.add.f32 [tilespmem:s23], [sflag:$0xB], $0x80, s14, s19, $0xb8;
	[tilespmem:$0x1DC80] =	vst v63  }
0x105: {  	s30 =	smov.u32 s28;
	_ =	swait.ge [sflag:s26], $0x2800  }
0x106: {  	p2 =	seq.s32 s30, $0x0;
	[sflag:s26] =	ssyncset.done $0x0  }
0x107: {  	s0 =	simm.s32 @!p2 $0x9;
	[sflag:s26] =	ssyncadd.s32 $0xFFFFD800  }
0x108: {  	[spmem:s2] =	stream.indirect.scatter.add.f32 [tilespmem:s20], [sflag:$0xC], $0x80, s16, s19, $0xb8;
	[tilespmem:$0x1DC80] =	vst v63  }
0x109: {  	_ =	swait.ge @!p2 [sflag:s0], $0x2800  }
0x10a: {  	s4 =	rddreg [dreg:$0x5];
	[sflag:s0] =	ssyncset.done @!p2 $0x0  }
0x10b: {  	s28 =	rddreg [dreg:$0x4];
	[sflag:s0] =	ssyncadd.s32 @!p2 $0xFFFFD800;
	s8 =	sadd.s32 s30, s4  }
0x10c: {  	[tilespmem:s3], [sflag:$0x1] =	stream.linear.gather [hbm4b:s8+s3], $0x50, $0x38;
	[tilespmem:$0x1DC80] =	vst v63  }
0x10d: {  	s10 =	sadd.s32 s30, s28;
	s28 =	simm.s32 @!p2 $0xA  }
0x10e: {  	[tilespmem:s11], [sflag:$0x1] =	stream.linear.gather [hbm4b:s10+s3], $0x50, $0x38;
	[tilespmem:$0x1DC80] =	vst v63  }
0x10f: {  	_ =	swait.ge @!p2 [sflag:s28], $0x2800  }
0x110: {  	[sflag:s28] =	ssyncset.done @!p2 $0x0  }
0x111: {  	[sflag:s28] =	ssyncadd.s32 @!p2 $0xFFFFD800;
	s28 =	sadd.s32 $0xA0, s8  }
0x112: {  	[tilespmem:s12], [sflag:$0x2] =	stream.linear.gather [hbm4b:s28+s3], $0x50, $0x38;
	[tilespmem:$0x1DC80] =	vst v63  }
0x113: {  	s29 =	simm.s32 @!p2 $0xB;
	s28 =	sadd.s32 $0xA0, s10  }
0x114: {  	[tilespmem:s13], [sflag:$0x2] =	stream.linear.gather [hbm4b:s28+s3], $0x50, $0x38;
	[tilespmem:$0x1DC80] =	vst v63  }
0x115: {  	_ =	swait.ge @!p2 [sflag:s29], $0x2800  }
0x116: {  	[sflag:s29] =	ssyncset.done @!p2 $0x0  }
0x117: {  	s28 =	sadd.s32 $0x140, s8;
	[sflag:s29] =	ssyncadd.s32 @!p2 $0xFFFFD800  }
0x118: {  	[tilespmem:s14], [sflag:$0x3] =	stream.linear.gather [hbm4b:s28+s3], $0x50, $0x38;
	[tilespmem:$0x1DC80] =	vst v63  }
0x119: {  	s29 =	simm.s32 @!p2 $0xC;
	s28 =	sadd.s32 $0x140, s10  }
0x11a: {  	[tilespmem:s15], [sflag:$0x3] =	stream.linear.gather [hbm4b:s28+s3], $0x50, $0x38;
	[tilespmem:$0x1DC80] =	vst v63  }
0x11b: {  	_ =	swait.ge @!p2 [sflag:s29], $0x2800  }
0x11c: {  	[sflag:s29] =	ssyncset.done @!p2 $0x0  }
0x11d: {  	s0 =	sadd.s32 $0x1E0, s8;
	[sflag:s29] =	ssyncadd.s32 @!p2 $0xFFFFD800  }
0x11e: {  	[tilespmem:s16], [sflag:$0x4] =	stream.linear.gather [hbm4b:s0+s3], $0x50, $0x38;
	[tilespmem:$0x1DC80] =	vst v63  }
0x11f: {  	s4 =	sadd.s32 $0x1E0, s10  }
0x120: {  	[tilespmem:s17], [sflag:$0x4] =	stream.linear.gather [hbm4b:s4+s3], $0x50, $0x38;
	[tilespmem:$0x1DC80] =	vst v63  }
0x121: {  	_ =	swait.ge [sflag:s7], $0x50  }
0x122: {  	[sflag:s7] =	ssyncset.done $0x0  }
0x123: {  	[sflag:s7] =	ssyncadd.s32 $0xFFFFFFB0  }
0x124: {  	_ =	swait.ge [sflag:s7], $0x50  }
0x125: {  	[sflag:s7] =	ssyncset.done $0x0  }
0x126: {  	[sflag:s7] =	ssyncadd.s32 $0xFFFFFFB0  }
0x127: {  	[tilespmem:s5], [sflag:$0x5] =	stream.indirect.gather [hbm4b:s22+s19], $0x80, s11, s19, $0xb8;
	[tilespmem:$0x1DC80] =	vst v63  }
0x128: {  	_ =	swait.ge [sflag:s9], $0x50  }
0x129: {  	[sflag:s9] =	ssyncset.done $0x0  }
0x12a: {  	[sflag:s9] =	ssyncadd.s32 $0xFFFFFFB0  }
0x12b: {  	_ =	swait.ge [sflag:s9], $0x50  }
0x12c: {  	[sflag:s9] =	ssyncset.done $0x0  }
0x12d: {  	[sflag:s9] =	ssyncadd.s32 $0xFFFFFFB0  }
0x12e: {  	[tilespmem:s6], [sflag:$0x6] =	stream.indirect.gather [hbm4b:s22+s19], $0x80, s13, s19, $0xb8;
	[tilespmem:$0x1DC80] =	vst v63  }
0x12f: {  	_ =	swait.ge [sflag:s21], $0x50  }
0x130: {  	[sflag:s21] =	ssyncset.done $0x0  }
0x131: {  	[sflag:s21] =	ssyncadd.s32 $0xFFFFFFB0  }
0x132: {  	_ =	swait.ge [sflag:s21], $0x50  }
0x133: {  	[sflag:s21] =	ssyncset.done $0x0  }
0x134: {  	[sflag:s21] =	ssyncadd.s32 $0xFFFFFFB0  }
0x135: {  	[tilespmem:s23], [sflag:$0x7] =	stream.indirect.gather [hbm4b:s22+s19], $0x80, s15, s19, $0xb8;
	[tilespmem:$0x1DC80] =	vst v63  }
0x136: {  	_ =	swait.ge [sflag:s1], $0x50  }
0x137: {  	[sflag:s1] =	ssyncset.done $0x0  }
0x138: {  	[sflag:s1] =	ssyncadd.s32 $0xFFFFFFB0  }
0x139: {  	_ =	swait.ge [sflag:s1], $0x50  }
0x13a: {  	[sflag:s1] =	ssyncset.done $0x0  }
0x13b: {  	[sflag:s1] =	ssyncadd.s32 $0xFFFFFFB0  }
0x13c: {  	[tilespmem:s20], [sflag:$0x8] =	stream.indirect.gather [hbm4b:s22+s19], $0x80, s17, s19, $0xb8;
	[tilespmem:$0x1DC80] =	vst v63  }
0x13d: {  	_ =	swait.ge [sflag:s18], $0x2800  }
0x13e: {  	[sflag:s18] =	ssyncset.done $0x0  }
0x13f: {  	[sflag:s18] =	ssyncadd.s32 $0xFFFFD800  }
0x140: {  	[spmem:s2] =	stream.indirect.scatter.add.f32 [tilespmem:s5], [sflag:$0x9], $0x80, s3, s19, $0xb8;
	[tilespmem:$0x1DC80] =	vst v63  }
0x141: {  	_ =	swait.ge [sflag:s24], $0x2800  }
0x142: {  	[sflag:s24] =	ssyncset.done $0x0  }
0x143: {  	[sflag:s24] =	ssyncadd.s32 $0xFFFFD800  }
0x144: {  	[spmem:s2] =	stream.indirect.scatter.add.f32 [tilespmem:s6], [sflag:$0xA], $0x80, s12, s19, $0xb8;
	[tilespmem:$0x1DC80] =	vst v63  }
0x145: {  	_ =	swait.ge [sflag:s25], $0x2800  }
0x146: {  	[sflag:s25] =	ssyncset.done $0x0  }
0x147: {  	[sflag:s25] =	ssyncadd.s32 $0xFFFFD800  }
0x148: {  	[spmem:s2] =	stream.indirect.scatter.add.f32 [tilespmem:s23], [sflag:$0xB], $0x80, s14, s19, $0xb8;
	[tilespmem:$0x1DC80] =	vst v63  }
0x149: {  	_ =	swait.ge [sflag:s26], $0x2800  }
0x14a: {  	[sflag:s26] =	ssyncset.done $0x0  }
0x14b: {  	s29 =	simm.s32 $0x9;
	[sflag:s26] =	ssyncadd.s32 $0xFFFFD800  }
0x14c: {  	[spmem:s2] =	stream.indirect.scatter.add.f32 [tilespmem:s20], [sflag:$0xC], $0x80, s16, s19, $0xb8;
	[tilespmem:$0x1DC80] =	vst v63  }
0x14d: {  	_ =	swait.ge [sflag:s29], $0x2800  }
0x14e: {  	[sflag:s29] =	ssyncset.done $0x0  }
0x14f: {  	s28 =	simm.s32 $0xA;
	[sflag:s29] =	ssyncadd.s32 $0xFFFFD800  }
0x150: {  	_ =	swait.ge [sflag:s28], $0x2800  }
0x151: {  	[sflag:s28] =	ssyncset.done $0x0  }
0x152: {  	s8 =	simm.s32 $0xB;
	[sflag:s28] =	ssyncadd.s32 $0xFFFFD800  }
0x153: {  	_ =	swait.ge [sflag:s8], $0x2800  }
0x154: {  	[sflag:s8] =	ssyncset.done $0x0  }
0x155: {  	s10 =	simm.s32 $0xC;
	[sflag:s8] =	ssyncadd.s32 $0xFFFFD800  }
0x156: {  	_ =	swait.ge [sflag:s10], $0x2800  }
0x157: {  	[sflag:s10] =	ssyncset.done $0x0  }
0x158: {  	s4 =	rddreg [dreg:$0x18];
	[sflag:s10] =	ssyncadd.s32 $0xFFFFD800  }
0x159: {  	[tilespmem:s3], [sflag:$0xD] =	stream.linear.gather [hbm4b:s4+s3], $0x50, $0x38;
	[tilespmem:$0x1DC80] =	vst v63  }
0x15a: {  	s4 =	simm.s32 $0xD  }
0x15b: {  	_ =	swait.ge [sflag:s4], $0x50  }
0x15c: {  	[sflag:s4] =	ssyncset.done $0x0  }
0x15d: {  	s8 =	rddreg [dreg:$0x17];
	[sflag:s4] =	ssyncadd.s32 $0xFFFFFFB0  }
0x15e: {  	[tilespmem:s11], [sflag:$0xD] =	stream.linear.gather [hbm4b:s8+s3], $0x50, $0x38;
	[tilespmem:$0x1DC80] =	vst v63  }
0x15f: {  	_ =	swait.ge [sflag:s4], $0x50  }
0x160: {  	[sflag:s4] =	ssyncset.done $0x0  }
0x161: {  	s10 =	rddreg [dreg:$0x16];
	[sflag:s4] =	ssyncadd.s32 $0xFFFFFFB0  }
0x162: {  	[tilespmem:s5], [sflag:$0x1] =	stream.indirect.gather [hbm4b:s10+s19], $0x80, s11, s19, $0xb8;
	[tilespmem:$0x1DC80] =	vst v63  }
0x163: {  	_ =	swait.ge [sflag:s7], $0x2800  }
0x164: {  	[sflag:s7] =	ssyncset.done $0x0  }
0x165: {  	[sflag:s7] =	ssyncadd.s32 $0xFFFFD800  }
0x166: {  	[spmem:s2] =	stream.indirect.scatter.add.f32 [tilespmem:s5], [sflag:$0xD], $0x80, s3, s19, $0xb8;
	[tilespmem:$0x1DC80] =	vst v63  }
0x167: {  	_ =	swait.ge [sflag:s4], $0x2800  }
0x168: {  	[sflag:s4] =	ssyncset.done $0x0  }
0x169: {  	[sflag:s4] =	ssyncadd.s32 $0xFFFFD800  }
0x16a: {  	[bflag:$0x0] =	sbarrier.arrive $0xFFFF  }
0x16b: {  	s4 =	rddreg [dreg:$0x19]  }
0x16c: {  	[tilespmem:s5], [sflag:$0x1] =	stream.linear.gather [spmem:s4], $0x2800, $0x38;
	[tilespmem:$0x1DC80] =	vst v63  }
0x16d: {  	s8 =	rddreg [dreg:$0x1a]  }
0x16e: {  	[tilespmem:s6], [sflag:$0x2] =	stream.linear.gather [spmem:s8], $0x2800, $0x38;
	[tilespmem:$0x1DC80] =	vst v63  }
0x16f: {  	_ =	swait.ge [sflag:s7], $0x2800  }
0x170: {  	[sflag:s7] =	ssyncset.done $0x0  }
0x171: {  	s4 =	simm.s32 $0x800;
	s10 =	rddreg [dreg:$0xe];
	[sflag:s7] =	ssyncadd.s32 $0xFFFFD800  }
0x172: {  	[hbm4b:s10+s5] =	stream.strided.scatter [tilespmem:s5], [sflag:$0x9], $0x2800, s4, s5, $0x38;
	[tilespmem:$0x1DC80] =	vst v63  }
0x173: {  	_ =	swait.ge [sflag:s29], $0x2800  }
0x174: {  	[sflag:s29] =	ssyncset.done $0x0  }
0x175: {  	s31 =	rddreg [dreg:$0x1b];
	[sflag:s29] =	ssyncadd.s32 $0xFFFFD800  }
0x176: {  	[tilespmem:s5], [sflag:$0x1] =	stream.linear.gather [spmem:s31], $0x2800, $0x38;
	[tilespmem:$0x1DC80] =	vst v63  }
0x177: {  	_ =	swait.ge [sflag:s9], $0x2800  }
0x178: {  	[sflag:s9] =	ssyncset.done $0x0  }
0x179: {  	s8 =	rddreg [dreg:$0xf];
	[sflag:s9] =	ssyncadd.s32 $0xFFFFD800  }
0x17a: {  	[hbm4b:s8+s5] =	stream.strided.scatter [tilespmem:s6], [sflag:$0xA], $0x2800, s4, s5, $0x38;
	[tilespmem:$0x1DC80] =	vst v63  }
0x17b: {  	_ =	swait.ge [sflag:s28], $0x2800  }
0x17c: {  	[sflag:s28] =	ssyncset.done $0x0  }
0x17d: {  	s10 =	rddreg [dreg:$0x1c];
	[sflag:s28] =	ssyncadd.s32 $0xFFFFD800  }
0x17e: {  	[tilespmem:s6], [sflag:$0x2] =	stream.linear.gather [spmem:s10], $0x2800, $0x38;
	[tilespmem:$0x1DC80] =	vst v63  }
0x17f: {  	_ =	swait.ge [sflag:s7], $0x2800  }
0x180: {  	[sflag:s7] =	ssyncset.done $0x0  }
0x181: {  	s8 =	rddreg [dreg:$0x10];
	[sflag:s7] =	ssyncadd.s32 $0xFFFFD800  }
0x182: {  	[hbm4b:s8+s5] =	stream.strided.scatter [tilespmem:s5], [sflag:$0x9], $0x2800, s4, s5, $0x38;
	[tilespmem:$0x1DC80] =	vst v63  }
0x183: {  	_ =	swait.ge [sflag:s29], $0x2800  }
0x184: {  	[sflag:s29] =	ssyncset.done $0x0  }
0x185: {  	s8 =	rddreg [dreg:$0x1d];
	[sflag:s29] =	ssyncadd.s32 $0xFFFFD800  }
0x186: {  	[tilespmem:s5], [sflag:$0x1] =	stream.linear.gather [spmem:s8], $0x2800, $0x38;
	[tilespmem:$0x1DC80] =	vst v63  }
0x187: {  	_ =	swait.ge [sflag:s9], $0x2800  }
0x188: {  	[sflag:s9] =	ssyncset.done $0x0  }
0x189: {  	s10 =	rddreg [dreg:$0x11];
	[sflag:s9] =	ssyncadd.s32 $0xFFFFD800  }
0x18a: {  	[hbm4b:s10+s5] =	stream.strided.scatter [tilespmem:s6], [sflag:$0xA], $0x2800, s4, s5, $0x38;
	[tilespmem:$0x1DC80] =	vst v63  }
0x18b: {  	_ =	swait.ge [sflag:s28], $0x2800  }
0x18c: {  	[sflag:s28] =	ssyncset.done $0x0  }
0x18d: {  	s10 =	rddreg [dreg:$0x1e];
	[sflag:s28] =	ssyncadd.s32 $0xFFFFD800  }
0x18e: {  	[tilespmem:s6], [sflag:$0x2] =	stream.linear.gather [spmem:s10], $0x2800, $0x38;
	[tilespmem:$0x1DC80] =	vst v63  }
0x18f: {  	_ =	swait.ge [sflag:s7], $0x2800  }
0x190: {  	[sflag:s7] =	ssyncset.done $0x0  }
0x191: {  	s10 =	rddreg [dreg:$0x12];
	[sflag:s7] =	ssyncadd.s32 $0xFFFFD800  }
0x192: {  	[hbm4b:s10+s5] =	stream.strided.scatter [tilespmem:s5], [sflag:$0x9], $0x2800, s4, s5, $0x38;
	[tilespmem:$0x1DC80] =	vst v63  }
0x193: {  	_ =	swait.ge [sflag:s29], $0x2800  }
0x194: {  	[sflag:s29] =	ssyncset.done $0x0  }
0x195: {  	s10 =	rddreg [dreg:$0x1f];
	[sflag:s29] =	ssyncadd.s32 $0xFFFFD800  }
0x196: {  	[tilespmem:s5], [sflag:$0x1] =	stream.linear.gather [spmem:s10], $0x2800, $0x38;
	[tilespmem:$0x1DC80] =	vst v63  }
0x197: {  	_ =	swait.ge [sflag:s9], $0x2800  }
0x198: {  	[sflag:s9] =	ssyncset.done $0x0  }
0x199: {  	s10 =	rddreg [dreg:$0x13];
	[sflag:s9] =	ssyncadd.s32 $0xFFFFD800  }
0x19a: {  	[hbm4b:s10+s5] =	stream.strided.scatter [tilespmem:s6], [sflag:$0xA], $0x2800, s4, s5, $0x38;
	[tilespmem:$0x1DC80] =	vst v63  }
0x19b: {  	_ =	swait.ge [sflag:s28], $0x2800  }
0x19c: {  	[sflag:s28] =	ssyncset.done $0x0  }
0x19d: {  	s0 =	simm.s32 @p0 $0x1;
	[sflag:s28] =	ssyncadd.s32 $0xFFFFD800  }
0x19e: {  	_ =	swait.ge @p0 [sflag:s0], $0x2800  }
0x19f: {  	s4 =	simm.s32 @p0 $0x400;
	[sflag:s0] =	ssyncset.done @p0 $0x0  }
0x1a0: {  	s29 =	rddreg [dreg:$0x14];
	[sflag:s0] =	ssyncadd.s32 @p0 $0xFFFFD800;
	s0 =	simm.s32 @p0 $0x800  }
0x1a1: {  	[hbm4b:s29+s4] =	stream.strided.scatter @p0 [tilespmem:s4], [sflag:$0x9], $0x2800, s0, s4, $0x38;
	[tilespmem:$0x1DC80] =	vst v63  }
0x1a2: {  	s0 =	sld [smem:$0x7FB];
	_ =	sdelay $0x1  }
0x1a3: {  	s10 =	simm.s32 @!p0 $0x2C00;
	s4 =	simm.s32 @!p0 $0x1  }
0x1a4: {  	[tilespmem:s10], [sflag:$0x2] =	stream.linear.gather @!p0 [spmem:s0], $0x2800, $0x38;
	[tilespmem:$0x1DC80] =	vst v63  }
0x1a5: {  	_ =	swait.ge @!p0 [sflag:s4], $0x2800  }
0x1a6: {  	[sflag:s4] =	ssyncset.done @!p0 $0x0  }
0x1a7: {  	s0 =	simm.s32 @!p0 $0x400;
	[sflag:s4] =	ssyncadd.s32 @!p0 $0xFFFFD800;
	s4 =	simm.s32 @!p0 $0x800  }
0x1a8: {  	[hbm4b:s29+s0] =	stream.strided.scatter @!p0 [tilespmem:s0], [sflag:$0x9], $0x2800, s4, s0, $0x38;
	[tilespmem:$0x1DC80] =	vst v63  }
0x1a9: {  	s29 =	simm.s32 @!p0 $0x2  }
0x1aa: {  	_ =	swait.ge @!p0 [sflag:s29], $0x2800  }
0x1ab: {  	[sflag:s29] =	ssyncset.done @!p0 $0x0  }
0x1ac: {  	[sflag:s29] =	ssyncadd.s32 @!p0 $0xFFFFD800;
	s29 =	rddreg [dreg:$0x15]  }
0x1ad: {  	[hbm4b:s29+s0] =	stream.strided.scatter @!p0 [tilespmem:s10], [sflag:$0xA], $0x2800, s4, s0, $0x38;
	[tilespmem:$0x1DC80] =	vst v63  }
0x1ae: {  	s0 =	simm.s32 @!p0 $0xA  }
0x1af: {  	s29 =	smov.u32 s31;
	s31 =	rddreg [dreg:$0x1c];
	_ =	swait.ge @!p0 [sflag:s0], $0x2800  }
0x1b0: {  	[sflag:s0] =	ssyncset.done @!p0 $0x0  }
0x1b1: {  	s30 =	simm.s32 $0x9;
	[sflag:s0] =	ssyncadd.s32 @!p0 $0xFFFFD800  }
0x1b2: {  	_ =	swait.ge [sflag:s30], $0x2800  }
0x1b3: {  	s0 =	sld [smem:$0x7FD];
	_ =	sdelay $0x2  }
0x1b4: {  	s10 =	sadd.s32 $0x1, s0;
	s0 =	sld [smem:$0x7FC];
	_ =	sdelay $0x2  }
0x1b5: {  	p1 =	sne.s32 s10, s0  }
.Ltmp1:
0x1b6: {  	_ = 	snop;
	(pc) =	sbr.rel @p1 .LBB2_1-.Ltmp1, $3  }
0x1b7: {  	_ =	sdelay $0x1  }
0x1b8: {  	[sflag:s30] =	ssyncset.done $0x0;
	[smem:$0x7FD] =	sst s10  }
0x1b9: {  	s4 =	simm.s32 $0x800;
	[sflag:s30] =	ssyncadd.s32 $0xFFFFD800;
	s10 =	rddreg [dreg:$0x1a]  }
0x1ba: {  	_ =	sfence.sel $0x180000  }
0x1bb: {  	[bflag:$0x0] =	sbarrier.arrive $0xFFFF  }
0x1bc: {  	_ =	strace $0x90000047  }
0x1bd: {  	s0 =	stileid.u32;
	[bflag:$0x2] =	sbarrier.arrive $0xFFFF  }
0x1be: {  	p0 =	sne.s32 s0, $0x0;
	s0 =	rddreg [dreg:$0x3]  }
0x1bf: {  	s0 =	sadd.s32 @!p0 $0x100000, s0  }
0x1c0: {  	[sflag:s0] =	ssyncadd.tile.s32 @!p0 $0x1;
	_ =	shalt  }
.Lfunc_end2:
_tile_overlayer_lowered:
.L_overlay_start_2:
0x1c1: {  	(tag) =	ssettag $0x2  }
0x1c2: {  	s0 =	rddreg [dreg:$0x0];
	s2 =	stileid.u32  }
0x1c3: {  	s1 =	rddreg [dreg:$0x1];
	p0 =	sne.s32 s2, $0x0  }
0x1c4: {  	s3 =	rddreg [dreg:$0x2];
	[bflag:$0x3] =	sbarrier.arrive $0xFFFF;
	s2 =	simm.s32 @!p0 $0x1C0D  }
0x1c5: {  	[timem:s3], [sflag:s2] =	dma.local @!p0 [hbm:s0], s1  }
0x1c6: {  	s0 =	simm.s32 @!p0 $0xD  }
0x1c7: {  	_ =	swait.ge @!p0 [sflag:s0], s1  }
0x1c8: {  	s1 =	ssub.s32 @!p0 $0x0, s1;
	[sflag:s0] =	ssyncset.done @!p0 $0x0  }
0x1c9: {  	[sflag:s0] =	ssyncadd.s32 @!p0 s1  }
0x1ca: {  	[bflag:$0x3] =	sbarrier.arrive $0xFFFF  }
0x1cb: {  	_ =	shalt  }

// kernel: kernel.9.cloned.1.call-start
scs
__scs_entry_jumppad:
0x0: {  	(pc) =	sbr.rel $0x88, $3  }
0x1: {  	(tag) =	ssettag $0x0;
	lr =	simm.s32 $0x1  }
0x2: {  	[smem:$0x3F9A] =	sst lr;
	_ =	strace $0xD0000000  }
0x3: {  	_ = 	snop  }
0x4: {  	_ = 	snop  }
0x5: {  	_ = 	snop  }
0x6: {  	_ = 	snop  }
0x7: {  	_ = 	snop  }
__scs_overlays_trampoline_lowered:
0x8: {  	[smem:$0x3FA9] =	sst s0  }
0x9: {  	[smem:$0x3FAA] =	sst s1  }
0xa: {  	[smem:$0x3FAB] =	sst s2  }
0xb: {  	[smem:$0x3FAC] =	sst s3  }
0xc: {  	[smem:$0x3FAD] =	sst s4  }
0xd: {  	[smem:$0x3FAE] =	sst s5  }
0xe: {  	[smem:$0x3FAF] =	sst s6  }
0xf: {  	[smem:$0x3FB0] =	sst s7  }
0x10: {  	[smem:$0x3FB1] =	sst s8  }
0x11: {  	[smem:$0x3FB2] =	sst s9;
	s0 =	simm.s32 @!p0 $0x0  }
0x12: {  	s1 =	sld [smem:$0x3F98];
	s0 =	simm.s32 @p0 $0x1  }
0x13: {  	[smem:$0x3FB3] =	sst s0;
	s0 =	simm.s32 @!p1 $0x0  }
0x14: {  	s2 =	sld [smem:$0x3F97];
	s0 =	simm.s32 @p1 $0x1  }
0x15: {  	[smem:$0x3FB4] =	sst s0;
	s0 =	simm.s32 @!p2 $0x0  }
0x16: {  	s3 =	sld [smem:$0x3FDB];
	s0 =	simm.s32 @p2 $0x1  }
0x17: {  	s4 =	simm.s32 $0x1BF5;
	[smem:$0x3FB6] =	sst s0  }
0x18: {  	s0 =	sld [smem:$0x3F99];
	_ =	swait.ge [sflag:s4], $0x0  }
0x19: {  	s7 =	sld [smem:$0x3F9A]  }
0x1a: {  	s8 =	sadd.s32 $0xFFFFE003, lr  }
0x1b: {  	s9 =	sadd.s32 $0xFFFFFEF7, lr;
	s5 =	simm.s32 $0xFFFFFFFF;
	p2 =	slt.u32 s8, $0xFFFFF086  }
0x1c: {  	p1 =	slt.u32 s9, $0xF7A;
	s5 =	simm.s32 @!p2 $0x0  }
0x1d: {  	s5 =	simm.s32 @p1 $0x1;
	p0 =	seq.s32 s7, s2  }
0x1e: {  	s7 =	smul.u32 @!p0 $0xF7A, s2;
	p2 =	seq.s32 @!p0 s5, $0x0  }
0x1f: {  	s9 =	smul.u32 $0xF7A, s1;
	s8 =	simm.s32 @!p0 $0x1BF5;
	p2 =	por !p2, p0  }
0x20: {  	[sflag:s8] =	ssyncset.s32 @!p0 $0xFFFFF086;
	s6 =	sadd.s32 @!p0 s3, s7;
	s7 =	simm.s32 @!p0 $0x108  }
0x21: {  	s3 =	sadd.s32 s3, s9;
	s6 =	sadd.s32 @!p0 $0x88, s6;
	s7 =	simm.s32 @p2 $0x1082  }
0x22: {  	[simem:s7], [sflag:s8] =	dma.local @!p0 [hbm:s6], $0xF7A  }
0x23: {  	s9 =	sor.u32 $0xD0000000, s2;
	s6 =	simm.s32 $0x108;
	_ =	swait.ge @!p0 [sflag:s8], $0x0  }
0x24: {  	s3 =	sadd.s32 $0x88, s3;
	s6 =	simm.s32 @!p1 $0x1082;
	[sflag:s4] =	ssyncset.s32 $0xFFFFF086  }
0x25: {  	[simem:s6], [sflag:s4] =	dma.local [hbm:s3], $0xF7A  }
0x26: {  	[smem:$0x3F9A] =	sst s1;
	(tag) =	ssettag s2;
	_ =	strace s9  }
0x27: {  	s1 =	sld [smem:$0x3FAA]  }
0x28: {  	s2 =	sld [smem:$0x3FAB]  }
0x29: {  	s4 =	sld [smem:$0x3FAD]  }
0x2a: {  	p0 =	seq.s32 s5, $0x0;
	s5 =	sld [smem:$0x3FAE]  }
0x2b: {  	s6 =	sld [smem:$0x3FAF]  }
0x2c: {  	s7 =	sld [smem:$0x3FB0]  }
0x2d: {  	s3 =	simm.s32 $0x108;
	s8 =	sld [smem:$0x3FB1]  }
0x2e: {  	s3 =	simm.s32 @!p0 $0x1082;
	s9 =	sld [smem:$0x3FB2]  }
0x2f: {  	lr =	sadd.s32 s0, s3;
	s0 =	sld [smem:$0x3FA9]  }
0x30: {  	s3 =	sld [smem:$0x3FAC]  }
0x31: {  	[smem:$0x3FB5] =	sst s10  }
0x32: {  	s10 =	sld [smem:$0x3FB3];
	_ =	sdelay $0x3  }
0x33: {  	p0 =	seq.s32 s10, $0x1;
	s10 =	sld [smem:$0x3FB5];
	_ =	sdelay $0x3  }
0x34: {  	[smem:$0x3FB5] =	sst s10  }
0x35: {  	s10 =	sld [smem:$0x3FB4];
	_ =	sdelay $0x3  }
0x36: {  	p1 =	seq.s32 s10, $0x1;
	s10 =	sld [smem:$0x3FB5];
	_ =	sdelay $0x3  }
0x37: {  	[smem:$0x3FB5] =	sst s10  }
0x38: {  	s10 =	sld [smem:$0x3FB6]  }
0x39: {  	_ = 	snop;
	(pc) =	sbr.ind lr, $3  }
0x3a: {  	_ = 	snop  }
0x3b: {  	_ = 	snop  }
0x3c: {  	p2 =	seq.s32 s10, $0x1;
	s10 =	sld [smem:$0x3FB5]  }
0x3d: {  	_ =	shalt  }
0x3e: {  	_ =	shalt  }
0x3f: {  	_ =	shalt  }
0x40: {  	_ =	shalt  }
0x41: {  	_ =	shalt  }
0x42: {  	_ =	shalt  }
0x43: {  	_ =	shalt  }
0x44: {  	_ =	shalt  }
0x45: {  	_ =	shalt  }
0x46: {  	_ =	shalt  }
0x47: {  	_ =	shalt  }
0x48: {  	_ =	shalt  }
0x49: {  	_ =	shalt  }
0x4a: {  	_ =	shalt  }
0x4b: {  	_ =	shalt  }
0x4c: {  	_ =	shalt  }
0x4d: {  	_ =	shalt  }
0x4e: {  	_ =	shalt  }
0x4f: {  	_ =	shalt  }
0x50: {  	_ =	shalt  }
0x51: {  	_ =	shalt  }
0x52: {  	_ =	shalt  }
0x53: {  	_ =	shalt  }
0x54: {  	_ =	shalt  }
0x55: {  	_ =	shalt  }
0x56: {  	_ =	shalt  }
0x57: {  	_ =	shalt  }
0x58: {  	_ =	shalt  }
0x59: {  	_ =	shalt  }
0x5a: {  	_ =	shalt  }
0x5b: {  	_ =	shalt  }
0x5c: {  	_ =	shalt  }
0x5d: {  	_ =	shalt  }
0x5e: {  	_ =	shalt  }
0x5f: {  	_ =	shalt  }
0x60: {  	_ =	shalt  }
0x61: {  	_ =	shalt  }
0x62: {  	_ =	shalt  }
0x63: {  	_ =	shalt  }
0x64: {  	_ =	shalt  }
0x65: {  	_ =	shalt  }
0x66: {  	_ =	shalt  }
0x67: {  	_ =	shalt  }
0x68: {  	_ =	shalt  }
0x69: {  	_ =	shalt  }
0x6a: {  	_ =	shalt  }
0x6b: {  	_ =	shalt  }
0x6c: {  	_ =	shalt  }
0x6d: {  	_ =	shalt  }
0x6e: {  	_ =	shalt  }
0x6f: {  	_ =	shalt  }
0x70: {  	_ =	shalt  }
0x71: {  	_ =	shalt  }
0x72: {  	_ =	shalt  }
0x73: {  	_ =	shalt  }
0x74: {  	_ =	shalt  }
0x75: {  	_ =	shalt  }
0x76: {  	_ =	shalt  }
0x77: {  	_ =	shalt  }
0x78: {  	_ =	shalt  }
0x79: {  	_ =	shalt  }
0x7a: {  	_ =	shalt  }
0x7b: {  	_ =	shalt  }
0x7c: {  	_ =	shalt  }
0x7d: {  	_ =	shalt  }
0x7e: {  	_ =	shalt  }
0x7f: {  	_ =	shalt  }
0x80: {  	_ =	shalt  }
0x81: {  	_ =	shalt  }
0x82: {  	_ =	shalt  }
0x83: {  	_ =	shalt  }
0x84: {  	_ =	shalt  }
0x85: {  	_ =	shalt  }
0x86: {  	_ =	shalt  }
0x87: {  	_ =	shalt  }
.Lfunc_end0:
.L_simem_size_0:
called_computation.1_lowered:
.L_overlay_start_0:
0x88: {  	s2 =	sld [smem:$0x3FD9]  }
0x89: {  	s3 =	sld [smem:$0x3FFE];
	_ =	sdelay $0x1  }
0x8a: {  	s1 =	srdreg.scid  }
0x8b: {  	s0 =	sand.u32 $0x1, s1  }
0x8c: {  	s17 =	sshll.u32 s0, $0xA;
	s2 =	sadd.s32 s3, s2  }
0x8d: {  	s2 =	sadd.s32 s2, s17  }
0x8e: {  	[smem:$0x3FC1] =	sst s2  }
0x8f: {  	_ = 	snop  }
0x90: {  	s2 =	sld [smem:$0x3FD0];
	(tm) =	ssettm $0x1  }
0x91: {  	s18 =	sld [smem:$0x3FFB];
	_ =	sdelay $0x3  }
0x92: {  	_ =	strace s18  }
0x93: {  	s3 =	sld [smem:$0x3FFC];
	_ =	sdelay $0x3  }
0x94: {  	_ =	strace s3  }
0x95: {  	s3 =	sld [smem:$0x3FFD];
	_ =	sdelay $0x3  }
0x96: {  	_ =	strace s3  }
0x97: {  	_ =	strace $0x8FFFFFFF  }
0x98: {  	s19 =	sld [smem:$0x3FDB];
	_ =	sdelay $0x1  }
0x99: {  	s4 =	simm.s32 $_scs_section_size  }
0x9a: {  	s5 =	simm.s32 $_size__tile_overlayer_lowered;
	s6 =	simm.s32 $_tile_overlayer_lowered  }
0x9b: {  	s22 =	simm.s32 $0x1BFF;
	s21 =	sshll.u32 s6, $0x1;
	s3 =	sadd.s32 s4, s19  }
0x9c: {  	s7 =	simm.s32 $0x0;
	s20 =	sshll.u32 s5, $0x1;
	s5 =	sadd.s32 s21, s3  }
0x9d: {  	[timem:s7], [sflag:s22] =	dma.local [hbm:s5], s20  }
0x9e: {  	_ =	swait.ge [sflag:s22], s20  }
0x9f: {  	s4 =	ssub.s32 $0x0, s20;
	[sflag:s22] =	ssyncset.done $0x0  }
0xa0: {  	[sflag:s22] =	ssyncadd.s32 s4;
	_ =	sdelay $0x1  }
0xa1: {  	s23 =	simm.s32 $0x1B8B  }
0xa2: {  	_ =	swait.ge [sflag:s23], $0x1  }
0xa3: {  	[sflag:s23] =	ssyncset.done $0x0  }
0xa4: {  	s25 =	simm.s32 $0x1B8E;
	s24 =	sld [smem:$0x3FFE];
	[sflag:s23] =	ssyncadd.s32 $0xFFFFFFFF  }
0xa5: {  	s26 =	simm.s32 $execute0_lowered;
	[smem:$0x3FD2] =	sst s25  }
0xa6: {  	s5 =	sshll.u32 s26, $0x1;
	_ =	strace $0x80000049;
	[dreg:$0x1] =	wrdreg $0xFFFFFFFF  }
0xa7: {  	s28 =	simm.s32 $_size_execute0_lowered;
	s3 =	sadd.s32 s3, s5;
	[dreg:$0x0] =	wrdreg $0x0  }
0xa8: {  	s5 =	sshll.u32 s28, $0x1;
	[dreg:$0x2] =	wrdreg s3  }
0xa9: {  	[dreg:$0x3] =	wrdreg s5  }
0xaa: {  	[dreg:$0x4] =	wrdreg $0xC0  }
0xab: {  	_ =	task [dreg:s7], $0x5FFFF  }
0xac: {  	[dreg:$0x1] =	wrdreg $0xFFFFFFFF  }
0xad: {  	[dreg:$0x0] =	wrdreg $0x60  }
0xae: {  	[dreg:$0x2] =	wrdreg s24  }
0xaf: {  	[dreg:$0x3] =	wrdreg s2  }
0xb0: {  	[dreg:$0x4] =	wrdreg $0xA2000  }
0xb1: {  	[dreg:$0x5] =	wrdreg $0x9  }
0xb2: {  	_ =	task.clear_ibuf [dreg:s7], $0x6FFFF;
	_ =	strace $0x90000049  }
0xb3: {  	s29 =	simm.s32 $0x9;
	_ =	strace $0x8000004B  }
0xb4: {  	_ =	swait.ge [sflag:s29], $0x1  }
0xb5: {  	[sflag:s29] =	ssyncadd.s32 $0xFFFFFFFF  }
0xb6: {  	_ =	strace $0x9000004B  }
0xb7: {  	_ =	sfence  }
0xb8: {  	s30 =	sld [smem:$0x0];
	_ =	sdelay $0x2  }
0xb9: {  	s31 =	sshll.u32 s1, $0xD;
	s1 =	sshrl.u32 s1, $0x2  }
0xba: {  	s3 =	sand.u32 $0x4000, s31;
	s1 =	sadd.s32 s1, s30  }
0xbb: {  	s0 =	sor.u32 s3, s0;
	s1 =	sshll.u32 s1, $0x11  }
0xbc: {  	s0 =	sor.u32 s1, s0  }
0xbd: {  	s0 =	sadd.s32 $0x8F2B, s0  }
0xbe: {  	[sflag:s0] =	ssyncadd.remote.s32 $0x1  }
0xbf: {  	_ =	sfence.sel $0xFFFF  }
0xc0: {  	[dreg:$0x0] =	wrdreg $0xFFFFFFFF;
	(pc) =	sbr.abs _section_cstart, $3  }
0xc1: {  	[dreg:$0x1] =	wrdreg $0xFFFFFFFF  }
0xc2: {  	_ =	task.clear_ibuf [dreg:s7], $0x2FFFF;
	_ =	strace $0x9FFFFFFF  }
0xc3: {  	(tm) =	ssettm $0x7FFFFFFF  }
tec
execute0_lowered:
.L_overlay_start_1:
0x0: {  	(tag) =	ssettag $0x1  }
0x1: {  	s12 =	rddreg [dreg:$0x0]  }
0x2: {  	s1 =	rddreg [dreg:$0x1]  }
0x3: {  	s2 =	rddreg [dreg:$0x2]  }
0x4: {  	s0 =	srdreg.scid;
	s25 =	stileid.u32;
	s3 =	simm.s32 $0x0  }
0x5: {  	s29 =	simm.s32 $0x0;
	s0 =	sand.u32 $0x1, s0;
	s4 =	smul.u32 $0x5000, s25  }
0x6: {  	[smem:$0x7FF] =	sst s3;
	s13 =	smul.u32 $0x50, s25;
	s14 =	sadd.s32 $0x6C00, s12  }
0x7: {  	s10 =	sor.u32 $0x70, s25;
	s24 =	smul.u32 $0xA, s25;
	p0 =	sgt.u32 s25, $0xC  }
0x8: {  	s5 =	ssub.s32 $0x2, s0;
	s15 =	sshll.u32 s0, $0xA;
	s21 =	smul.u32 $0x5000, s10  }
0x9: {  	_ =	strace $0x8000004A;
	s6 =	sshrl.u32 s5, $0x1;
	s11 =	sor.u32 s15, s4  }
0xa: {  	s4 =	sadd.s32 $0xF00, s13;
	s9 =	sadd.s32 $0x1E00, s13;
	s0 =	ssub.s32 s5, s6  }
0xb: {  	s5 =	sadd.s32 $0x500, s13;
	s6 =	sadd.s32 $0xA00, s13;
	s8 =	sshll.u32 s4, $0x8  }
0xc: {  	s21 =	sor.u32 s15, s21;
	s7 =	sshll.u32 s5, $0x8;
	s22 =	sshll.u32 s6, $0x8  }
0xd: {  	s18 =	sor.u32 s15, s8;
	s8 =	sadd.s32 $0x1400, s13;
	s21 =	sshrl.u32 s21, $0x3  }
0xe: {  	s0 =	smax.u32 s0, $0x1;
	s16 =	sor.u32 s15, s7;
	s17 =	sor.u32 s15, s22  }
0xf: {  	s19 =	sshll.u32 s8, $0x8;
	s7 =	sadd.s32 $0x1900, s13;
	s22 =	sshll.u32 s9, $0x8  }
0x10: {  	s13 =	sadd.s32 $0x26C00, s13;
	s18 =	sshrl.u32 s18, $0x3;
	[smem:$0x7FA] =	sst s0  }
0x11: {  	s20 =	sshll.u32 s7, $0x8;
	s19 =	sor.u32 s15, s19;
	s22 =	sor.u32 s15, s22  }
0x12: {  	s23 =	sshrl.u32 s13, $0x3;
	s13 =	sshll.u32 s13, $0x8;
	s16 =	sshrl.u32 s16, $0x3  }
0x13: {  	s20 =	sor.u32 s15, s20;
	s13 =	sor.u32 s15, s13;
	s23 =	sadd.s32 s14, s23  }
0x14: {  	s14 =	sadd.s32 s24, s14;
	s15 =	sadd.s32 $0x5A000, s12;
	[dreg:$0x5] =	wrdreg s23  }
0x15: {  	[dreg:$0x4] =	wrdreg s14;
	s14 =	sshrl.u32 s11, $0x3;
	s26 =	sadd.s32 s15, s16  }
0x16: {  	s12 =	sadd.s32 $0xA8200, s12;
	s24 =	sadd.s32 s15, s14;
	[dreg:$0x7] =	wrdreg s26  }
0x17: {  	s13 =	sshrl.u32 s13, $0x3;
	s26 =	sadd.s32 s15, s18;
	[dreg:$0x6] =	wrdreg s24  }
0x18: {  	s17 =	sshrl.u32 s17, $0x3;
	s13 =	sadd.s32 s12, s13;
	[dreg:$0x9] =	wrdreg s26  }
0x19: {  	s20 =	sshrl.u32 s20, $0x3;
	s24 =	sadd.s32 s15, s17;
	[dreg:$0xe] =	wrdreg s13  }
0x1a: {  	s19 =	sshrl.u32 s19, $0x3;
	s26 =	sadd.s32 s15, s20;
	[dreg:$0x8] =	wrdreg s24  }
0x1b: {  	s22 =	sshrl.u32 s22, $0x3;
	s24 =	sadd.s32 s15, s19;
	[dreg:$0xb] =	wrdreg s26  }
0x1c: {  	s23 =	sadd.s32 $0xA0000, s11;
	s26 =	sadd.s32 s1, s16;
	[dreg:$0xa] =	wrdreg s24  }
0x1d: {  	s13 =	sshrl.u32 s23, $0x3;
	s16 =	sadd.s32 s1, s18;
	[dreg:$0xf] =	wrdreg s26  }
0x1e: {  	s23 =	sshll.u32 s7, $0x7;
	s18 =	sadd.s32 s1, s20;
	[dreg:$0x11] =	wrdreg s16  }
0x1f: {  	s7 =	simm.s32 $0x800;
	s20 =	sadd.s32 s1, s21;
	[dreg:$0x13] =	wrdreg s18  }
0x20: {  	s24 =	sadd.s32 s15, s22;
	s15 =	sadd.s32 s15, s21;
	[dreg:$0x15] =	wrdreg s20  }
0x21: {  	s21 =	sadd.s32 $0xF0000, s11;
	s11 =	sadd.s32 $0x50000, s11;
	s26 =	sadd.s32 s13, s12  }
0x22: {  	s18 =	sshll.u32 s6, $0x7;
	s20 =	sshll.u32 s4, $0x7;
	[dreg:$0xc] =	wrdreg s24  }
0x23: {  	s6 =	simm.s32 $0x400;
	[dreg:$0xd] =	wrdreg s15;
	s15 =	sadd.s32 s1, s17  }
0x24: {  	s17 =	sadd.s32 s1, s19;
	s19 =	sadd.s32 s1, s22;
	s1 =	sadd.s32 s1, s14  }
0x25: {  	s22 =	sshrl.u32 s21, $0x3;
	s24 =	smul.u32 $0xA000, s25;
	[dreg:$0x18] =	wrdreg s26  }
0x26: {  	s13 =	sshrl.u32 s11, $0x3;
	s14 =	sadd.s32 s14, s12;
	[dreg:$0x10] =	wrdreg s15  }
0x27: {  	s31 =	sadd.s32 s20, s2;
	s21 =	sshll.u32 s8, $0x7;
	[dreg:$0x12] =	wrdreg s17  }
0x28: {  	s8 =	simm.s32 $0x200;
	s25 =	simm.s32 $0x9;
	[dreg:$0x14] =	wrdreg s19  }
0x29: {  	s20 =	simm.s32 $0x5;
	[dreg:$0x16] =	wrdreg s1;
	s1 =	sadd.s32 s22, s12  }
0x2a: {  	[dreg:$0x1a] =	wrdreg s14;
	s17 =	sshll.u32 s5, $0x7;
	s19 =	sadd.s32 s18, s2  }
0x2b: {  	s22 =	smul.u32 $0xA000, s10;
	s26 =	sadd.s32 s21, s2;
	s10 =	simm.s32 $0x1  }
0x2c: {  	s14 =	simm.s32 $0x80;
	s15 =	simm.s32 $0x100;
	s18 =	simm.s32 $0x7A00  }
0x2d: {  	s21 =	simm.s32 $0x50;
	s5 =	simm.s32 $0x6;
	[dreg:$0x1e] =	wrdreg s31  }
0x2e: {  	[dreg:$0x17] =	wrdreg s1;
	s1 =	sadd.s32 s13, s12;
	s16 =	sshrl.u32 s24, $0x2  }
0x2f: {  	s30 =	sadd.s32 s17, s2;
	[dreg:$0x1d] =	wrdreg s19;
	s24 =	sshll.u32 s9, $0x7  }
0x30: {  	s9 =	simm.s32 $0x2A00;
	s12 =	simm.s32 $0x2;
	[dreg:$0x1f] =	wrdreg s26  }
0x31: {  	s17 =	simm.s32 $0x180;
	s19 =	simm.s32 $0x3;
	[dreg:$0x19] =	wrdreg s1  }
0x32: {  	s28 =	sadd.s32 s16, s2;
	s1 =	sadd.s32 s23, s2;
	[dreg:$0x1c] =	wrdreg s30  }
0x33: {  	s11 =	sadd.s32 s24, s2;
	s4 =	sshrl.u32 s22, $0x2;
	[dreg:$0x1b] =	wrdreg s28  }
0x34: {  	s16 =	simm.s32 $0x5200;
	s22 =	simm.s32 $0x7;
	[smem:$0x7FB] =	sst s1  }
0x35: {  	s23 =	simm.s32 $0x4;
	s13 =	sadd.s32 s4, s2;
	[smem:$0x7FC] =	sst s11  }
0x36: {  	s24 =	simm.s32 $0x8;
	s4 =	simm.s32 $0xA;
	[smem:$0x7FD] =	sst s13  }
.LBB2_1:
0x37: {  	[smem:$0x7F9] =	sst s29  }
0x38: {  	s0 =	rddreg [dreg:$0x6]  }
0x39: {  	[tilespmem:s8], [sflag:$0x1] =	stream.strided.gather [hbm4b:s0+s6], $0x2800, s7, s6, $0x38;
	[tilespmem:$0x1DA80] =	vst v63  }
0x3a: {  	s0 =	rddreg [dreg:$0x7]  }
0x3b: {  	[tilespmem:s9], [sflag:$0x2] =	stream.strided.gather [hbm4b:s0+s6], $0x2800, s7, s6, $0x38;
	[tilespmem:$0x1DA80] =	vst v63  }
0x3c: {  	_ =	swait.ge [sflag:s10], $0x2800  }
0x3d: {  	[sflag:s10] =	ssyncset.done $0x0  }
0x3e: {  	[sflag:s10] =	ssyncadd.s32 $0xFFFFD800  }
0x3f: {  	[spmem:s28] =	stream.linear.scatter [tilespmem:s8], [sflag:$0x9], $0x2800, $0x38;
	[tilespmem:$0x1DA80] =	vst v63  }
0x40: {  	_ =	swait.ge [sflag:s25], $0x2800  }
0x41: {  	[sflag:s25] =	ssyncset.done $0x0  }
0x42: {  	s0 =	rddreg [dreg:$0x8];
	[sflag:s25] =	ssyncadd.s32 $0xFFFFD800  }
0x43: {  	[tilespmem:s8], [sflag:$0x1] =	stream.strided.gather [hbm4b:s0+s6], $0x2800, s7, s6, $0x38;
	[tilespmem:$0x1DA80] =	vst v63  }
0x44: {  	_ =	swait.ge [sflag:s12], $0x2800  }
0x45: {  	[sflag:s12] =	ssyncset.done $0x0  }
0x46: {  	[sflag:s12] =	ssyncadd.s32 $0xFFFFD800  }
0x47: {  	[spmem:s30] =	stream.linear.scatter [tilespmem:s9], [sflag:$0xA], $0x2800, $0x38;
	[tilespmem:$0x1DA80] =	vst v63  }
0x48: {  	_ =	swait.ge [sflag:s4], $0x2800  }
0x49: {  	[sflag:s4] =	ssyncset.done $0x0  }
0x4a: {  	s0 =	rddreg [dreg:$0x9];
	[sflag:s4] =	ssyncadd.s32 $0xFFFFD800  }
0x4b: {  	[tilespmem:s9], [sflag:$0x2] =	stream.strided.gather [hbm4b:s0+s6], $0x2800, s7, s6, $0x38;
	[tilespmem:$0x1DA80] =	vst v63  }
0x4c: {  	_ =	swait.ge [sflag:s10], $0x2800  }
0x4d: {  	[sflag:s10] =	ssyncset.done $0x0  }
0x4e: {  	s0 =	rddreg [dreg:$0x1d];
	[sflag:s10] =	ssyncadd.s32 $0xFFFFD800  }
0x4f: {  	[spmem:s0] =	stream.linear.scatter [tilespmem:s8], [sflag:$0x9], $0x2800, $0x38;
	[tilespmem:$0x1DA80] =	vst v63  }
0x50: {  	_ =	swait.ge [sflag:s25], $0x2800  }
0x51: {  	[sflag:s25] =	ssyncset.done $0x0  }
0x52: {  	s0 =	rddreg [dreg:$0xa];
	[sflag:s25] =	ssyncadd.s32 $0xFFFFD800  }
0x53: {  	[tilespmem:s8], [sflag:$0x1] =	stream.strided.gather [hbm4b:s0+s6], $0x2800, s7, s6, $0x38;
	[tilespmem:$0x1DA80] =	vst v63  }
0x54: {  	_ =	swait.ge [sflag:s12], $0x2800  }
0x55: {  	[sflag:s12] =	ssyncset.done $0x0  }
0x56: {  	[sflag:s12] =	ssyncadd.s32 $0xFFFFD800  }
0x57: {  	[spmem:s31] =	stream.linear.scatter [tilespmem:s9], [sflag:$0xA], $0x2800, $0x38;
	[tilespmem:$0x1DA80] =	vst v63  }
0x58: {  	_ =	swait.ge [sflag:s4], $0x2800  }
0x59: {  	[sflag:s4] =	ssyncset.done $0x0  }
0x5a: {  	s0 =	rddreg [dreg:$0xb];
	[sflag:s4] =	ssyncadd.s32 $0xFFFFD800  }
0x5b: {  	[tilespmem:s9], [sflag:$0x2] =	stream.strided.gather [hbm4b:s0+s6], $0x2800, s7, s6, $0x38;
	[tilespmem:$0x1DA80] =	vst v63  }
0x5c: {  	_ =	swait.ge [sflag:s10], $0x2800  }
0x5d: {  	[sflag:s10] =	ssyncset.done $0x0  }
0x5e: {  	[sflag:s10] =	ssyncadd.s32 $0xFFFFD800  }
0x5f: {  	[spmem:s26] =	stream.linear.scatter [tilespmem:s8], [sflag:$0x9], $0x2800, $0x38;
	[tilespmem:$0x1DA80] =	vst v63  }
0x60: {  	_ =	swait.ge [sflag:s25], $0x2800  }
0x61: {  	[sflag:s25] =	ssyncset.done $0x0  }
0x62: {  	s26 =	rddreg [dreg:$0xc];
	[sflag:s25] =	ssyncadd.s32 $0xFFFFD800  }
0x63: {  	[tilespmem:s8], [sflag:$0x1] =	stream.strided.gather [hbm4b:s26+s6], $0x2800, s7, s6, $0x38;
	[tilespmem:$0x1DA80] =	vst v63  }
0x64: {  	_ =	swait.ge [sflag:s12], $0x2800  }
0x65: {  	[sflag:s12] =	ssyncset.done $0x0  }
0x66: {  	[sflag:s12] =	ssyncadd.s32 $0xFFFFD800  }
0x67: {  	[spmem:s1] =	stream.linear.scatter [tilespmem:s9], [sflag:$0xA], $0x2800, $0x38;
	[tilespmem:$0x1DA80] =	vst v63  }
0x68: {  	_ =	swait.ge [sflag:s4], $0x2800  }
0x69: {  	[sflag:s4] =	ssyncset.done $0x0  }
0x6a: {  	s0 =	simm.s32 @p0 $0x1;
	[sflag:s4] =	ssyncadd.s32 $0xFFFFD800  }
0x6b: {  	_ =	swait.ge @p0 [sflag:s0], $0x2800  }
0x6c: {  	[sflag:s0] =	ssyncset.done @p0 $0x0  }
0x6d: {  	s28 =	simm.s32 @!p0 $0x2A00;
	[sflag:s0] =	ssyncadd.s32 @p0 $0xFFFFD800;
	s0 =	simm.s32 @p0 $0x200  }
0x6e: {  	[spmem:s11] =	stream.linear.scatter @p0 [tilespmem:s0], [sflag:$0x9], $0x2800, $0x38;
	[tilespmem:$0x1DA80] =	vst v63  }
0x6f: {  	s4 =	simm.s32 @!p0 $0x800;
	s1 =	rddreg [dreg:$0xd];
	s0 =	simm.s32 @!p0 $0x400  }
0x70: {  	[tilespmem:s28], [sflag:$0x2] =	stream.strided.gather @!p0 [hbm4b:s1+s0], $0x2800, s4, s0, $0x38;
	[tilespmem:$0x1DA80] =	vst v63  }
0x71: {  	s0 =	simm.s32 @!p0 $0x1  }
0x72: {  	_ =	swait.ge @!p0 [sflag:s0], $0x2800  }
0x73: {  	[sflag:s0] =	ssyncset.done @!p0 $0x0  }
0x74: {  	[sflag:s0] =	ssyncadd.s32 @!p0 $0xFFFFD800;
	s0 =	simm.s32 @!p0 $0x200  }
0x75: {  	[spmem:s11] =	stream.linear.scatter @!p0 [tilespmem:s0], [sflag:$0x9], $0x2800, $0x38;
	[tilespmem:$0x1DA80] =	vst v63  }
0x76: {  	s0 =	simm.s32 @!p0 $0x2  }
0x77: {  	_ =	swait.ge @!p0 [sflag:s0], $0x2800  }
0x78: {  	[sflag:s0] =	ssyncset.done @!p0 $0x0  }
0x79: {  	[sflag:s0] =	ssyncadd.s32 @!p0 $0xFFFFD800;
	s0 =	simm.s32 @!p0 $0xA  }
0x7a: {  	[spmem:s13] =	stream.linear.scatter @!p0 [tilespmem:s28], [sflag:$0xA], $0x2800, $0x38;
	[tilespmem:$0x1DA80] =	vst v63  }
0x7b: {  	_ =	swait.ge @!p0 [sflag:s0], $0x2800  }
0x7c: {  	[sflag:s0] =	ssyncset.done @!p0 $0x0  }
0x7d: {  	[sflag:s0] =	ssyncadd.s32 @!p0 $0xFFFFD800  }
0x7e: {  	_ =	swait.ge [sflag:s25], $0x2800  }
0x7f: {  	[sflag:s25] =	ssyncset.done $0x0  }
0x80: {  	p1 =	por $0x1, $0x1;
	[sflag:s25] =	ssyncadd.s32 $0xFFFFD800  }
0x81: {  	s0 =	simm.s32 @!p1 $0x9;
	[bflag:$0x0] =	sbarrier.arrive $0xFFFF  }
0x82: {  	_ =	swait.ge @!p1 [sflag:s0], $0x2800  }
0x83: {  	s13 =	rddreg [dreg:$0x4];
	[sflag:s0] =	ssyncset.done @!p1 $0x0  }
0x84: {  	[sflag:s0] =	ssyncadd.s32 @!p1 $0xFFFFD800;
	s25 =	sadd.s32 $0x0, s13  }
0x85: {  	[tilespmem:s3], [sflag:$0x1] =	stream.linear.gather [hbm4b:s25+s3], $0x50, $0x38;
	[tilespmem:$0x1DA80] =	vst v63  }
0x86: {  	s4 =	simm.s32 @!p1 $0xA;
	s28 =	rddreg [dreg:$0x1a]  }
0x87: {  	[tilespmem:s8], [sflag:$0x5] =	stream.strided.gather [hbm4b:s28+s6], $0x2800, s7, s6, $0x38;
	[tilespmem:$0x1DA80] =	vst v63  }
0x88: {  	_ =	swait.ge @!p1 [sflag:s4], $0x2800  }
0x89: {  	[sflag:s4] =	ssyncset.done @!p1 $0x0  }
0x8a: {  	s26 =	sadd.s32 $0xA0, s25;
	[sflag:s4] =	ssyncadd.s32 @!p1 $0xFFFFD800  }
0x8b: {  	[tilespmem:s14], [sflag:$0x2] =	stream.linear.gather [hbm4b:s26+s3], $0x50, $0x38;
	[tilespmem:$0x1DA80] =	vst v63  }
0x8c: {  	s4 =	simm.s32 @!p1 $0xB;
	s26 =	rddreg [dreg:$0x19]  }
0x8d: {  	[tilespmem:s9], [sflag:$0x6] =	stream.strided.gather [hbm4b:s26+s6], $0x2800, s7, s6, $0x38;
	[tilespmem:$0x1DA80] =	vst v63  }
0x8e: {  	_ =	swait.ge @!p1 [sflag:s4], $0x2800  }
0x8f: {  	[sflag:s4] =	ssyncset.done @!p1 $0x0  }
0x90: {  	s1 =	sadd.s32 $0x140, s25;
	[sflag:s4] =	ssyncadd.s32 @!p1 $0xFFFFD800  }
0x91: {  	[tilespmem:s15], [sflag:$0x3] =	stream.linear.gather [hbm4b:s1+s3], $0x50, $0x38;
	[tilespmem:$0x1DA80] =	vst v63  }
0x92: {  	s11 =	rddreg [dreg:$0x18];
	s4 =	simm.s32 @!p1 $0xC  }
0x93: {  	[tilespmem:s16], [sflag:$0x7] =	stream.strided.gather [hbm4b:s11+s6], $0x2800, s7, s6, $0x38;
	[tilespmem:$0x1DA80] =	vst v63  }
0x94: {  	_ =	swait.ge @!p1 [sflag:s4], $0x2800  }
0x95: {  	[sflag:s4] =	ssyncset.done @!p1 $0x0  }
0x96: {  	s0 =	sadd.s32 $0x1E0, s25;
	[sflag:s4] =	ssyncadd.s32 @!p1 $0xFFFFD800  }
0x97: {  	[tilespmem:s17], [sflag:$0x4] =	stream.linear.gather [hbm4b:s0+s3], $0x50, $0x38;
	[tilespmem:$0x1DA80] =	vst v63  }
0x98: {  	s13 =	rddreg [dreg:$0x17]  }
0x99: {  	[tilespmem:s18], [sflag:$0x8] =	stream.strided.gather [hbm4b:s13+s6], $0x2800, s7, s6, $0x38;
	[tilespmem:$0x1DA80] =	vst v63  }
0x9a: {  	_ =	swait.ge [sflag:s10], $0x50  }
0x9b: {  	[sflag:s10] =	ssyncset.done $0x0  }
0x9c: {  	[sflag:s10] =	ssyncadd.s32 $0xFFFFFFB0  }
0x9d: {  	_ =	swait.ge [sflag:s20], $0x2800  }
0x9e: {  	[sflag:s20] =	ssyncset.done $0x0  }
0x9f: {  	[sflag:s20] =	ssyncadd.s32 $0xFFFFD800  }
0xa0: {  	[spmem:s2] =	stream.indirect.scatter.add.f32 [tilespmem:s8], [sflag:$0x9], $0x80, s3, s21, $0xb8;
	[tilespmem:$0x1DA80] =	vst v63  }
0xa1: {  	_ =	swait.ge [sflag:s12], $0x50  }
0xa2: {  	[sflag:s12] =	ssyncset.done $0x0  }
0xa3: {  	[sflag:s12] =	ssyncadd.s32 $0xFFFFFFB0  }
0xa4: {  	_ =	swait.ge [sflag:s5], $0x2800  }
0xa5: {  	[sflag:s5] =	ssyncset.done $0x0  }
0xa6: {  	[sflag:s5] =	ssyncadd.s32 $0xFFFFD800  }
0xa7: {  	[spmem:s2] =	stream.indirect.scatter.add.f32 [tilespmem:s9], [sflag:$0xA], $0x80, s14, s21, $0xb8;
	[tilespmem:$0x1DA80] =	vst v63  }
0xa8: {  	_ =	swait.ge [sflag:s19], $0x50  }
0xa9: {  	[sflag:s19] =	ssyncset.done $0x0  }
0xaa: {  	[sflag:s19] =	ssyncadd.s32 $0xFFFFFFB0  }
0xab: {  	_ =	swait.ge [sflag:s22], $0x2800  }
0xac: {  	[sflag:s22] =	ssyncset.done $0x0  }
0xad: {  	[sflag:s22] =	ssyncadd.s32 $0xFFFFD800  }
0xae: {  	[spmem:s2] =	stream.indirect.scatter.add.f32 [tilespmem:s16], [sflag:$0xB], $0x80, s15, s21, $0xb8;
	[tilespmem:$0x1DA80] =	vst v63  }
0xaf: {  	_ =	swait.ge [sflag:s23], $0x50  }
0xb0: {  	p2 =	por $0x0, $0x0;
	[sflag:s23] =	ssyncset.done $0x0  }
0xb1: {  	s31 =	simm.s32 $0x280;
	s30 =	sadd.s32 $0x28000, s26;
	[sflag:s23] =	ssyncadd.s32 $0xFFFFFFB0  }
0xb2: {  	s29 =	sadd.s32 $0x28000, s11;
	s4 =	simm.s32 $0x500;
	_ =	swait.ge [sflag:s24], $0x2800  }
0xb3: {  	s0 =	sadd.s32 $0x28000, s28;
	s28 =	sadd.s32 $0x28000, s13;
	[sflag:s24] =	ssyncset.done $0x0  }
.LBB2_2:
0xb4: {  	s1 =	simm.s32 @!p2 $0x9;
	[sflag:s24] =	ssyncadd.s32 $0xFFFFD800  }
0xb5: {  	[spmem:s2] =	stream.indirect.scatter.add.f32 [tilespmem:s18], [sflag:$0xC], $0x80, s17, s21, $0xb8;
	[tilespmem:$0x1DA80] =	vst v63  }
0xb6: {  	_ =	swait.ge @!p2 [sflag:s1], $0x2800  }
0xb7: {  	[sflag:s1] =	ssyncset.done @!p2 $0x0;
	s26 =	rddreg [dreg:$0x4]  }
0xb8: {  	s25 =	smov.u32 s4;
	[sflag:s1] =	ssyncadd.s32 @!p2 $0xFFFFD800;
	s11 =	sadd.s32 s31, s26  }
0xb9: {  	[tilespmem:s3], [sflag:$0x1] =	stream.linear.gather [hbm4b:s11+s3], $0x50, $0x38;
	[tilespmem:$0x1DA80] =	vst v63  }
0xba: {  	s31 =	smov.u32 s25;
	s25 =	simm.s32 @!p2 $0xA  }
0xbb: {  	[tilespmem:s8], [sflag:$0x5] =	stream.strided.gather [hbm4b:s0+s6], $0x2800, s7, s6, $0x38;
	[tilespmem:$0x1DA80] =	vst v63  }
0xbc: {  	_ =	swait.ge @!p2 [sflag:s25], $0x2800  }
0xbd: {  	[sflag:s25] =	ssyncset.done @!p2 $0x0  }
0xbe: {  	s13 =	sadd.s32 $0xA0, s11;
	[sflag:s25] =	ssyncadd.s32 @!p2 $0xFFFFD800  }
0xbf: {  	[tilespmem:s14], [sflag:$0x2] =	stream.linear.gather [hbm4b:s13+s3], $0x50, $0x38;
	[tilespmem:$0x1DA80] =	vst v63  }
0xc0: {  	s25 =	simm.s32 @!p2 $0xB  }
0xc1: {  	[tilespmem:s9], [sflag:$0x6] =	stream.strided.gather [hbm4b:s30+s6], $0x2800, s7, s6, $0x38;
	[tilespmem:$0x1DA80] =	vst v63  }
0xc2: {  	_ =	swait.ge @!p2 [sflag:s25], $0x2800  }
0xc3: {  	[sflag:s25] =	ssyncset.done @!p2 $0x0  }
0xc4: {  	s26 =	sadd.s32 $0x140, s11;
	[sflag:s25] =	ssyncadd.s32 @!p2 $0xFFFFD800  }
0xc5: {  	[tilespmem:s15], [sflag:$0x3] =	stream.linear.gather [hbm4b:s26+s3], $0x50, $0x38;
	[tilespmem:$0x1DA80] =	vst v63  }
0xc6: {  	s25 =	simm.s32 @!p2 $0xC  }
0xc7: {  	[tilespmem:s16], [sflag:$0x7] =	stream.strided.gather [hbm4b:s29+s6], $0x2800, s7, s6, $0x38;
	[tilespmem:$0x1DA80] =	vst v63  }
0xc8: {  	_ =	swait.ge @!p2 [sflag:s25], $0x2800  }
0xc9: {  	[sflag:s25] =	ssyncset.done @!p2 $0x0  }
0xca: {  	s1 =	sadd.s32 $0x1E0, s11;
	[sflag:s25] =	ssyncadd.s32 @!p2 $0xFFFFD800  }
0xcb: {  	[tilespmem:s17], [sflag:$0x4] =	stream.linear.gather [hbm4b:s1+s3], $0x50, $0x38;
	[tilespmem:$0x1DA80] =	vst v63  }
0xcc: {  	_ = 	snop  }
0xcd: {  	[tilespmem:s18], [sflag:$0x8] =	stream.strided.gather [hbm4b:s28+s6], $0x2800, s7, s6, $0x38;
	[tilespmem:$0x1DA80] =	vst v63  }
0xce: {  	_ =	swait.ge [sflag:s10], $0x50  }
0xcf: {  	[sflag:s10] =	ssyncset.done $0x0  }
0xd0: {  	[sflag:s10] =	ssyncadd.s32 $0xFFFFFFB0  }
0xd1: {  	_ =	swait.ge [sflag:s20], $0x2800  }
0xd2: {  	[sflag:s20] =	ssyncset.done $0x0  }
0xd3: {  	[sflag:s20] =	ssyncadd.s32 $0xFFFFD800  }
0xd4: {  	[spmem:s2] =	stream.indirect.scatter.add.f32 [tilespmem:s8], [sflag:$0x9], $0x80, s3, s21, $0xb8;
	[tilespmem:$0x1DA80] =	vst v63  }
0xd5: {  	_ =	swait.ge [sflag:s12], $0x50  }
0xd6: {  	[sflag:s12] =	ssyncset.done $0x0  }
0xd7: {  	[sflag:s12] =	ssyncadd.s32 $0xFFFFFFB0  }
0xd8: {  	_ =	swait.ge [sflag:s5], $0x2800  }
0xd9: {  	[sflag:s5] =	ssyncset.done $0x0  }
0xda: {  	[sflag:s5] =	ssyncadd.s32 $0xFFFFD800  }
0xdb: {  	[spmem:s2] =	stream.indirect.scatter.add.f32 [tilespmem:s9], [sflag:$0xA], $0x80, s14, s21, $0xb8;
	[tilespmem:$0x1DA80] =	vst v63  }
0xdc: {  	_ =	swait.ge [sflag:s19], $0x50  }
0xdd: {  	[sflag:s19] =	ssyncset.done $0x0  }
0xde: {  	[sflag:s19] =	ssyncadd.s32 $0xFFFFFFB0  }
0xdf: {  	_ =	swait.ge [sflag:s22], $0x2800  }
0xe0: {  	s4 =	sadd.s32 $0x280, s4;
	[sflag:s22] =	ssyncset.done $0x0  }
0xe1: {  	p1 =	sne.s32 s4, $0x4D80;
	[sflag:s22] =	ssyncadd.s32 $0xFFFFD800  }
0xe2: {  	[spmem:s2] =	stream.indirect.scatter.add.f32 [tilespmem:s16], [sflag:$0xB], $0x80, s15, s21, $0xb8;
	[tilespmem:$0x1DA80] =	vst v63  }
.Ltmp0:
0xe3: {  	_ =	swait.ge [sflag:s23], $0x50;
	(pc) =	sbr.rel @p1 .LBB2_2-.Ltmp0, $4  }
0xe4: {  	[sflag:s23] =	ssyncset.done $0x0  }
0xe5: {  	s0 =	sadd.s32 $0x28000, s0;
	[sflag:s23] =	ssyncadd.s32 $0xFFFFFFB0  }
0xe6: {  	s30 =	sadd.s32 $0x28000, s30;
	s29 =	sadd.s32 $0x28000, s29;
	_ =	swait.ge [sflag:s24], $0x2800  }
0xe7: {  	p2 =	seq.s32 s31, $0x0;
	s28 =	sadd.s32 $0x28000, s28;
	[sflag:s24] =	ssyncset.done $0x0  }
0xe8: {  	s1 =	simm.s32 @!p2 $0x9;
	[sflag:s24] =	ssyncadd.s32 $0xFFFFD800  }
0xe9: {  	[spmem:s2] =	stream.indirect.scatter.add.f32 [tilespmem:s18], [sflag:$0xC], $0x80, s17, s21, $0xb8;
	[tilespmem:$0x1DA80] =	vst v63  }
0xea: {  	_ =	swait.ge @!p2 [sflag:s1], $0x2800  }
0xeb: {  	s4 =	rddreg [dreg:$0x4];
	[sflag:s1] =	ssyncset.done @!p2 $0x0  }
0xec: {  	[sflag:s1] =	ssyncadd.s32 @!p2 $0xFFFFD800;
	s13 =	sadd.s32 s31, s4  }
0xed: {  	[tilespmem:s3], [sflag:$0x1] =	stream.linear.gather [hbm4b:s13+s3], $0x50, $0x38;
	[tilespmem:$0x1DA80] =	vst v63  }
0xee: {  	_ = 	snop  }
0xef: {  	[tilespmem:s8], [sflag:$0x5] =	stream.strided.gather [hbm4b:s0+s6], $0x2800, s7, s6, $0x38;
	[tilespmem:$0x1DA80] =	vst v63  }
0xf0: {  	s0 =	simm.s32 @!p2 $0xA  }
0xf1: {  	_ =	swait.ge @!p2 [sflag:s0], $0x2800  }
0xf2: {  	[sflag:s0] =	ssyncset.done @!p2 $0x0  }
0xf3: {  	s25 =	sadd.s32 $0xA0, s13;
	[sflag:s0] =	ssyncadd.s32 @!p2 $0xFFFFD800  }
0xf4: {  	[tilespmem:s14], [sflag:$0x2] =	stream.linear.gather [hbm4b:s25+s3], $0x50, $0x38;
	[tilespmem:$0x1DA80] =	vst v63  }
0xf5: {  	s0 =	simm.s32 @!p2 $0xB  }
0xf6: {  	[tilespmem:s9], [sflag:$0x6] =	stream.strided.gather [hbm4b:s30+s6], $0x2800, s7, s6, $0x38;
	[tilespmem:$0x1DA80] =	vst v63  }
0xf7: {  	_ =	swait.ge @!p2 [sflag:s0], $0x2800  }
0xf8: {  	[sflag:s0] =	ssyncset.done @!p2 $0x0  }
0xf9: {  	s26 =	sadd.s32 $0x140, s13;
	[sflag:s0] =	ssyncadd.s32 @!p2 $0xFFFFD800  }
0xfa: {  	[tilespmem:s15], [sflag:$0x3] =	stream.linear.gather [hbm4b:s26+s3], $0x50, $0x38;
	[tilespmem:$0x1DA80] =	vst v63  }
0xfb: {  	s0 =	simm.s32 @!p2 $0xC  }
0xfc: {  	[tilespmem:s16], [sflag:$0x7] =	stream.strided.gather [hbm4b:s29+s6], $0x2800, s7, s6, $0x38;
	[tilespmem:$0x1DA80] =	vst v63  }
0xfd: {  	_ =	swait.ge @!p2 [sflag:s0], $0x2800  }
0xfe: {  	[sflag:s0] =	ssyncset.done @!p2 $0x0  }
0xff: {  	s4 =	sadd.s32 $0x1E0, s13;
	[sflag:s0] =	ssyncadd.s32 @!p2 $0xFFFFD800  }
0x100: {  	[tilespmem:s17], [sflag:$0x4] =	stream.linear.gather [hbm4b:s4+s3], $0x50, $0x38;
	[tilespmem:$0x1DA80] =	vst v63  }
0x101: {  	_ = 	snop  }
0x102: {  	[tilespmem:s18], [sflag:$0x8] =	stream.strided.gather [hbm4b:s28+s6], $0x2800, s7, s6, $0x38;
	[tilespmem:$0x1DA80] =	vst v63  }
0x103: {  	_ =	swait.ge [sflag:s10], $0x50  }
0x104: {  	[sflag:s10] =	ssyncset.done $0x0  }
0x105: {  	[sflag:s10] =	ssyncadd.s32 $0xFFFFFFB0  }
0x106: {  	_ =	swait.ge [sflag:s20], $0x2800  }
0x107: {  	[sflag:s20] =	ssyncset.done $0x0  }
0x108: {  	[sflag:s20] =	ssyncadd.s32 $0xFFFFD800  }
0x109: {  	[spmem:s2] =	stream.indirect.scatter.add.f32 [tilespmem:s8], [sflag:$0x9], $0x80, s3, s21, $0xb8;
	[tilespmem:$0x1DA80] =	vst v63  }
0x10a: {  	_ =	swait.ge [sflag:s12], $0x50  }
0x10b: {  	[sflag:s12] =	ssyncset.done $0x0  }
0x10c: {  	[sflag:s12] =	ssyncadd.s32 $0xFFFFFFB0  }
0x10d: {  	_ =	swait.ge [sflag:s5], $0x2800  }
0x10e: {  	[sflag:s5] =	ssyncset.done $0x0  }
0x10f: {  	[sflag:s5] =	ssyncadd.s32 $0xFFFFD800  }
0x110: {  	[spmem:s2] =	stream.indirect.scatter.add.f32 [tilespmem:s9], [sflag:$0xA], $0x80, s14, s21, $0xb8;
	[tilespmem:$0x1DA80] =	vst v63  }
0x111: {  	_ =	swait.ge [sflag:s19], $0x50  }
0x112: {  	[sflag:s19] =	ssyncset.done $0x0  }
0x113: {  	[sflag:s19] =	ssyncadd.s32 $0xFFFFFFB0  }
0x114: {  	_ =	swait.ge [sflag:s22], $0x2800  }
0x115: {  	[sflag:s22] =	ssyncset.done $0x0  }
0x116: {  	[sflag:s22] =	ssyncadd.s32 $0xFFFFD800  }
0x117: {  	[spmem:s2] =	stream.indirect.scatter.add.f32 [tilespmem:s16], [sflag:$0xB], $0x80, s15, s21, $0xb8;
	[tilespmem:$0x1DA80] =	vst v63  }
0x118: {  	_ =	swait.ge [sflag:s23], $0x50  }
0x119: {  	[sflag:s23] =	ssyncset.done $0x0  }
0x11a: {  	[sflag:s23] =	ssyncadd.s32 $0xFFFFFFB0  }
0x11b: {  	_ =	swait.ge [sflag:s24], $0x2800  }
0x11c: {  	[sflag:s24] =	ssyncset.done $0x0  }
0x11d: {  	s1 =	simm.s32 $0x9;
	[sflag:s24] =	ssyncadd.s32 $0xFFFFD800  }
0x11e: {  	[spmem:s2] =	stream.indirect.scatter.add.f32 [tilespmem:s18], [sflag:$0xC], $0x80, s17, s21, $0xb8;
	[tilespmem:$0x1DA80] =	vst v63  }
0x11f: {  	_ =	swait.ge [sflag:s1], $0x2800  }
0x120: {  	[sflag:s1] =	ssyncset.done $0x0  }
0x121: {  	s4 =	simm.s32 $0xA;
	[sflag:s1] =	ssyncadd.s32 $0xFFFFD800  }
0x122: {  	_ =	swait.ge [sflag:s4], $0x2800  }
0x123: {  	[sflag:s4] =	ssyncset.done $0x0  }
0x124: {  	s11 =	simm.s32 $0xB;
	[sflag:s4] =	ssyncadd.s32 $0xFFFFD800  }
0x125: {  	_ =	swait.ge [sflag:s11], $0x2800  }
0x126: {  	[sflag:s11] =	ssyncset.done $0x0  }
0x127: {  	s13 =	simm.s32 $0xC;
	[sflag:s11] =	ssyncadd.s32 $0xFFFFD800  }
0x128: {  	_ =	swait.ge [sflag:s13], $0x2800  }
0x129: {  	[sflag:s13] =	ssyncset.done $0x0  }
0x12a: {  	s11 =	simm.s32 $0xD;
	s25 =	rddreg [dreg:$0x5];
	[sflag:s13] =	ssyncadd.s32 $0xFFFFD800  }
0x12b: {  	[tilespmem:s3], [sflag:$0xD] =	stream.linear.gather [hbm4b:s25+s3], $0x50, $0x38;
	[tilespmem:$0x1DA80] =	vst v63  }
0x12c: {  	_ =	swait.ge [sflag:s11], $0x50  }
0x12d: {  	[sflag:s11] =	ssyncset.done $0x0  }
0x12e: {  	s26 =	rddreg [dreg:$0xe];
	[sflag:s11] =	ssyncadd.s32 $0xFFFFFFB0  }
0x12f: {  	[tilespmem:s8], [sflag:$0xD] =	stream.strided.gather [hbm4b:s26+s6], $0x2800, s7, s6, $0x38;
	[tilespmem:$0x1DA80] =	vst v63  }
0x130: {  	_ =	swait.ge [sflag:s11], $0x2800  }
0x131: {  	[sflag:s11] =	ssyncset.done $0x0  }
0x132: {  	[sflag:s11] =	ssyncadd.s32 $0xFFFFD800  }
0x133: {  	[spmem:s2] =	stream.indirect.scatter.add.f32 [tilespmem:s8], [sflag:$0xD], $0x80, s3, s21, $0xb8;
	[tilespmem:$0x1DA80] =	vst v63  }
0x134: {  	_ =	swait.ge [sflag:s11], $0x2800  }
0x135: {  	[sflag:s11] =	ssyncset.done $0x0  }
0x136: {  	[sflag:s11] =	ssyncadd.s32 $0xFFFFD800  }
0x137: {  	[bflag:$0x0] =	sbarrier.arrive $0xFFFF  }
0x138: {  	s28 =	rddreg [dreg:$0x1b]  }
0x139: {  	[tilespmem:s8], [sflag:$0x1] =	stream.linear.gather [spmem:s28], $0x2800, $0x38;
	[tilespmem:$0x1DA80] =	vst v63  }
0x13a: {  	s11 =	rddreg [dreg:$0x1c]  }
0x13b: {  	[tilespmem:s9], [sflag:$0x2] =	stream.linear.gather [spmem:s11], $0x2800, $0x38;
	[tilespmem:$0x1DA80] =	vst v63  }
0x13c: {  	_ =	swait.ge [sflag:s10], $0x2800  }
0x13d: {  	[sflag:s10] =	ssyncset.done $0x0  }
0x13e: {  	s13 =	rddreg [dreg:$0x16];
	[sflag:s10] =	ssyncadd.s32 $0xFFFFD800  }
0x13f: {  	[hbm4b:s13+s6] =	stream.strided.scatter [tilespmem:s8], [sflag:$0x9], $0x2800, s7, s6, $0x38;
	[tilespmem:$0x1DA80] =	vst v63  }
0x140: {  	_ =	swait.ge [sflag:s1], $0x2800  }
0x141: {  	[sflag:s1] =	ssyncset.done $0x0  }
0x142: {  	s25 =	rddreg [dreg:$0x1d];
	[sflag:s1] =	ssyncadd.s32 $0xFFFFD800  }
0x143: {  	[tilespmem:s8], [sflag:$0x1] =	stream.linear.gather [spmem:s25], $0x2800, $0x38;
	[tilespmem:$0x1DA80] =	vst v63  }
0x144: {  	_ =	swait.ge [sflag:s12], $0x2800  }
0x145: {  	[sflag:s12] =	ssyncset.done $0x0  }
0x146: {  	s26 =	rddreg [dreg:$0xf];
	[sflag:s12] =	ssyncadd.s32 $0xFFFFD800  }
0x147: {  	[hbm4b:s26+s6] =	stream.strided.scatter [tilespmem:s9], [sflag:$0xA], $0x2800, s7, s6, $0x38;
	[tilespmem:$0x1DA80] =	vst v63  }
0x148: {  	_ =	swait.ge [sflag:s4], $0x2800  }
0x149: {  	[sflag:s4] =	ssyncset.done $0x0  }
0x14a: {  	s31 =	rddreg [dreg:$0x1e];
	[sflag:s4] =	ssyncadd.s32 $0xFFFFD800  }
0x14b: {  	[tilespmem:s9], [sflag:$0x2] =	stream.linear.gather [spmem:s31], $0x2800, $0x38;
	[tilespmem:$0x1DA80] =	vst v63  }
0x14c: {  	_ =	swait.ge [sflag:s10], $0x2800  }
0x14d: {  	[sflag:s10] =	ssyncset.done $0x0  }
0x14e: {  	s11 =	rddreg [dreg:$0x10];
	[sflag:s10] =	ssyncadd.s32 $0xFFFFD800  }
0x14f: {  	[hbm4b:s11+s6] =	stream.strided.scatter [tilespmem:s8], [sflag:$0x9], $0x2800, s7, s6, $0x38;
	[tilespmem:$0x1DA80] =	vst v63  }
0x150: {  	_ =	swait.ge [sflag:s1], $0x2800  }
0x151: {  	[sflag:s1] =	ssyncset.done $0x0  }
0x152: {  	s30 =	rddreg [dreg:$0x1f];
	[sflag:s1] =	ssyncadd.s32 $0xFFFFD800  }
0x153: {  	[tilespmem:s8], [sflag:$0x1] =	stream.linear.gather [spmem:s30], $0x2800, $0x38;
	[tilespmem:$0x1DA80] =	vst v63  }
0x154: {  	_ =	swait.ge [sflag:s12], $0x2800  }
0x155: {  	[sflag:s12] =	ssyncset.done $0x0  }
0x156: {  	s13 =	rddreg [dreg:$0x11];
	[sflag:s12] =	ssyncadd.s32 $0xFFFFD800  }
0x157: {  	[hbm4b:s13+s6] =	stream.strided.scatter [tilespmem:s9], [sflag:$0xA], $0x2800, s7, s6, $0x38;
	[tilespmem:$0x1DA80] =	vst v63  }
0x158: {  	_ =	swait.ge [sflag:s4], $0x2800  }
0x159: {  	s29 =	sld [smem:$0x7FB]  }
0x15a: {  	[sflag:s4] =	ssyncset.done $0x0  }
0x15b: {  	[sflag:s4] =	ssyncadd.s32 $0xFFFFD800  }
0x15c: {  	[tilespmem:s9], [sflag:$0x2] =	stream.linear.gather [spmem:s29], $0x2800, $0x38;
	[tilespmem:$0x1DA80] =	vst v63  }
0x15d: {  	_ =	swait.ge [sflag:s10], $0x2800  }
0x15e: {  	[sflag:s10] =	ssyncset.done $0x0  }
0x15f: {  	s25 =	rddreg [dreg:$0x12];
	[sflag:s10] =	ssyncadd.s32 $0xFFFFD800  }
0x160: {  	[hbm4b:s25+s6] =	stream.strided.scatter [tilespmem:s8], [sflag:$0x9], $0x2800, s7, s6, $0x38;
	[tilespmem:$0x1DA80] =	vst v63  }
0x161: {  	_ =	swait.ge [sflag:s1], $0x2800  }
0x162: {  	s11 =	sld [smem:$0x7FC]  }
0x163: {  	[sflag:s1] =	ssyncset.done $0x0  }
0x164: {  	[sflag:s1] =	ssyncadd.s32 $0xFFFFD800  }
0x165: {  	[tilespmem:s8], [sflag:$0x1] =	stream.linear.gather [spmem:s11], $0x2800, $0x38;
	[tilespmem:$0x1DA80] =	vst v63  }
0x166: {  	_ =	swait.ge [sflag:s12], $0x2800  }
0x167: {  	[sflag:s12] =	ssyncset.done $0x0  }
0x168: {  	s26 =	rddreg [dreg:$0x13];
	[sflag:s12] =	ssyncadd.s32 $0xFFFFD800  }
0x169: {  	[hbm4b:s26+s6] =	stream.strided.scatter [tilespmem:s9], [sflag:$0xA], $0x2800, s7, s6, $0x38;
	[tilespmem:$0x1DA80] =	vst v63  }
0x16a: {  	_ =	swait.ge [sflag:s4], $0x2800  }
0x16b: {  	[sflag:s4] =	ssyncset.done $0x0  }
0x16c: {  	s0 =	simm.s32 @p0 $0x1;
	[sflag:s4] =	ssyncadd.s32 $0xFFFFD800  }
0x16d: {  	s1 =	simm.s32 @p0 $0x800;
	_ =	swait.ge @p0 [sflag:s0], $0x2800  }
0x16e: {  	s4 =	simm.s32 @p0 $0x200;
	[sflag:s0] =	ssyncset.done @p0 $0x0;
	s26 =	rddreg [dreg:$0x14]  }
0x16f: {  	s13 =	sld [smem:$0x7FD];
	[sflag:s0] =	ssyncadd.s32 @p0 $0xFFFFD800;
	s0 =	simm.s32 @p0 $0x400  }
0x170: {  	[hbm4b:s26+s0] =	stream.strided.scatter @p0 [tilespmem:s4], [sflag:$0x9], $0x2800, s1, s0, $0x38;
	[tilespmem:$0x1DA80] =	vst v63  }
0x171: {  	s0 =	simm.s32 @!p0 $0x2A00;
	s1 =	simm.s32 @!p0 $0x1  }
0x172: {  	[tilespmem:s0], [sflag:$0x2] =	stream.linear.gather @!p0 [spmem:s13], $0x2800, $0x38;
	[tilespmem:$0x1DA80] =	vst v63  }
0x173: {  	_ =	swait.ge @!p0 [sflag:s1], $0x2800  }
0x174: {  	s25 =	simm.s32 @!p0 $0x200;
	[sflag:s1] =	ssyncset.done @!p0 $0x0  }
0x175: {  	s4 =	simm.s32 @!p0 $0x800;
	[sflag:s1] =	ssyncadd.s32 @!p0 $0xFFFFD800;
	s1 =	simm.s32 @!p0 $0x400  }
0x176: {  	[hbm4b:s26+s1] =	stream.strided.scatter @!p0 [tilespmem:s25], [sflag:$0x9], $0x2800, s4, s1, $0x38;
	[tilespmem:$0x1DA80] =	vst v63  }
0x177: {  	s25 =	simm.s32 @!p0 $0x2  }
0x178: {  	s26 =	smov.u32 s30;
	s30 =	rddreg [dreg:$0x1c];
	_ =	swait.ge @!p0 [sflag:s25], $0x2800  }
0x179: {  	[sflag:s25] =	ssyncset.done @!p0 $0x0  }
0x17a: {  	[sflag:s25] =	ssyncadd.s32 @!p0 $0xFFFFD800;
	s25 =	rddreg [dreg:$0x15]  }
0x17b: {  	[hbm4b:s25+s1] =	stream.strided.scatter @!p0 [tilespmem:s0], [sflag:$0xA], $0x2800, s4, s1, $0x38;
	[tilespmem:$0x1DA80] =	vst v63  }
0x17c: {  	s0 =	simm.s32 @!p0 $0xA  }
0x17d: {  	_ =	swait.ge @!p0 [sflag:s0], $0x2800  }
0x17e: {  	[sflag:s0] =	ssyncset.done @!p0 $0x0  }
0x17f: {  	s25 =	simm.s32 $0x9;
	[sflag:s0] =	ssyncadd.s32 @!p0 $0xFFFFD800  }
0x180: {  	_ =	swait.ge [sflag:s25], $0x2800  }
0x181: {  	s1 =	smov.u32 s29;
	s29 =	sld [smem:$0x7F9]  }
0x182: {  	s0 =	sld [smem:$0x7FA];
	_ =	sdelay $0x1  }
0x183: {  	s29 =	sadd.s32 $0x1, s29  }
0x184: {  	p1 =	sne.s32 s29, s0  }
.Ltmp1:
0x185: {  	_ = 	snop;
	(pc) =	sbr.rel @p1 .LBB2_1-.Ltmp1, $3  }
0x186: {  	_ =	sdelay $0x1  }
0x187: {  	[sflag:s25] =	ssyncset.done $0x0  }
0x188: {  	s4 =	simm.s32 $0xA;
	[sflag:s25] =	ssyncadd.s32 $0xFFFFD800  }
0x189: {  	_ =	sfence.sel $0x180000  }
0x18a: {  	[bflag:$0x0] =	sbarrier.arrive $0xFFFF  }
0x18b: {  	_ =	strace $0x9000004A  }
0x18c: {  	s0 =	stileid.u32;
	[bflag:$0x2] =	sbarrier.arrive $0xFFFF  }
0x18d: {  	p0 =	sne.s32 s0, $0x0;
	s0 =	rddreg [dreg:$0x3]  }
0x18e: {  	s0 =	sadd.s32 @!p0 $0x100000, s0  }
0x18f: {  	[sflag:s0] =	ssyncadd.tile.s32 @!p0 $0x1;
	_ =	shalt  }
.Lfunc_end2:
_tile_overlayer_lowered:
.L_overlay_start_2:
0x190: {  	(tag) =	ssettag $0x2  }
0x191: {  	s0 =	rddreg [dreg:$0x0];
	s2 =	stileid.u32  }
0x192: {  	s1 =	rddreg [dreg:$0x1];
	p0 =	sne.s32 s2, $0x0  }
0x193: {  	s3 =	rddreg [dreg:$0x2];
	[bflag:$0x3] =	sbarrier.arrive $0xFFFF;
	s2 =	simm.s32 @!p0 $0x1C0D  }
0x194: {  	[timem:s3], [sflag:s2] =	dma.local @!p0 [hbm:s0], s1  }
0x195: {  	s0 =	simm.s32 @!p0 $0xD  }
0x196: {  	_ =	swait.ge @!p0 [sflag:s0], s1  }
0x197: {  	s1 =	ssub.s32 @!p0 $0x0, s1;
	[sflag:s0] =	ssyncset.done @!p0 $0x0  }
0x198: {  	[sflag:s0] =	ssyncadd.s32 @!p0 s1  }
0x199: {  	[bflag:$0x3] =	sbarrier.arrive $0xFFFF  }
0x19a: {  	_ =	shalt  }

</sc_bundles>
